<compile_context>
chip_gen: v7x
topology: tpu7x:2x2x1
jax: 0.10.2.dev20260603
libtpu: 0.0.44.dev20260713+nightly
codegen_flags: <defaults>
</compile_context>

<pallas_src>
import functools

import jax
import jax.numpy as jnp
from jax import lax
from jax.experimental import pallas as pl
from jax.experimental.pallas import tpu as pltpu
from jax.experimental.pallas import tpu_sc as plsc

F32 = jnp.float32
I32 = jnp.int32

EPB = 256
SCCH = 128
NROW_CH = 128
NW = 32
NSUB = 16

_SC_PARAMS = pltpu.CompilerParams(needs_layout_passes=False,
                                  use_tc_tiling_on_sc=False)


def _mesh():
    return plsc.VectorSubcoreMesh(core_axis_name="c", subcore_axis_name="s",
                                  num_cores=2, num_subcores=NSUB)


def _c16(v):
    return jnp.full((16,), v, dtype=I32)


def _zero_spmem_stripe(ch_v, sh_ref, row0, nch):
    def _zb(i, _):
        ch_v[i, :] = jnp.zeros((16,), F32)
        return 0
    lax.fori_loop(0, NROW_CH, _zb, 0)

    def _zs(kk, _):
        pltpu.sync_copy(ch_v, sh_ref.at[pl.ds(row0 + kk * NROW_CH, NROW_CH)])
        return 0
    lax.fori_loop(0, nch, _zs, 0)


def _flush_spmem_stripe(ch_v, sh_ref, out_hbm, cid, row0, nch):
    def _fl(kk, _):
        r0 = row0 + kk * NROW_CH
        pltpu.sync_copy(sh_ref.at[pl.ds(r0, NROW_CH)], ch_v)
        pltpu.sync_copy(ch_v, out_hbm.at[cid].at[pl.ds(r0, NROW_CH)])
        return 0
    lax.fori_loop(0, nch, _fl, 0)


def _sc_layer1(n_nodes, n_edges):
    nblk = n_edges // EPB
    rows_per_tile = n_nodes // NSUB
    nch = rows_per_tile // NROW_CH
    tmax = -(-nblk // NW)

    @functools.partial(
        pl.kernel,
        out_type=jax.ShapeDtypeStruct((2, n_nodes, 16), F32),
        mesh=_mesh(),
        compiler_params=_SC_PARAMS,
        scratch_types=[
            pltpu.VMEM((2, 2, EPB), I32),
            pltpu.VMEM((2, 2, SCCH), I32),
            pltpu.VMEM((EPB, 8), F32),
            pltpu.VMEM((EPB, 8), F32),
            pltpu.VMEM((EPB, 8), F32),
            pltpu.VMEM((EPB, 8), F32),
            pltpu.VMEM((EPB, 16), F32),
            pltpu.VMEM((EPB, 16), F32),
            pltpu.VMEM((NROW_CH, 16), F32),
            pltpu.SemaphoreType.DMA,
            pltpu.SemaphoreType.DMA,
            pltpu.SemaphoreType.DMA,
            pltpu.SemaphoreType.DMA,
            pltpu.SemaphoreType.DMA,
            pltpu.SemaphoreType.DMA,
            pltpu.VMEM_SHARED((n_nodes, 16), F32),
        ],
    )
    def k(ei_hbm, xa_hbm, ad_hbm, gp_hbm,
          sd_v, li_v, rs0, rs1, rd0, rd1, or0, or1, ch_v,
          ss0, ss1, sdm0, sdm1, sc0, sc1, g_sh):
        cid = lax.axis_index("c")
        sid = lax.axis_index("s")
        wid = cid * NSUB + sid
        lane = lax.iota(I32, 16)
        row0 = sid * rows_per_tile
        rs = (rs0, rs1)
        rd = (rd0, rd1)
        orow = (or0, or1)
        sems_s = (ss0, ss1)
        sems_d = (sdm0, sdm1)
        sems_c = (sc0, sc1)

        _zero_spmem_stripe(ch_v, g_sh, row0, nch)

        def _zp(j, _):
            r = j * 16 + lane
            zz = jnp.zeros((16,), F32)
            for col in (12, 13, 14, 15):
                plsc.store_scatter(or0, [r, _c16(col)], zz)
                plsc.store_scatter(or1, [r, _c16(col)], zz)
            return 0
        lax.fori_loop(0, EPB // 16, _zp, 0)

        plsc.subcore_barrier()

        def _prefetch(t, b):
            @pl.when(t * NW + wid < nblk)
            def _():
                base = (t * NW + wid) * EPB
                pltpu.sync_copy(ei_hbm.at[:, pl.ds(base, EPB)], sd_v.at[b])
                pltpu.async_copy(xa_hbm.at[sd_v.at[b, 0]], rs[b], sems_s[b])
                pltpu.async_copy(ad_hbm.at[sd_v.at[b, 1]], rd[b], sems_d[b])

        def _process(t, b):
            @pl.when(t * NW + wid < nblk)
            def _():
                @pl.when(t >= 2)
                def _w():
                    for hh in range(EPB // SCCH):
                        pltpu.make_async_copy(
                            orow[b].at[pl.ds(hh * SCCH, SCCH)],
                            g_sh.at[li_v.at[b, hh]], sems_c[b]).wait()
                pltpu.make_async_copy(xa_hbm.at[sd_v.at[b, 0]], rs[b],
                                      sems_s[b]).wait()
                pltpu.make_async_copy(ad_hbm.at[sd_v.at[b, 1]], rd[b],
                                      sems_d[b]).wait()

                def _cmp(j, hh, _):
                    r = j * 16 + lane
                    as0 = plsc.load_gather(rs[b], [r, _c16(5)])
                    as1 = plsc.load_gather(rs[b], [r, _c16(6)])
                    ad0 = plsc.load_gather(rd[b], [r, _c16(0)])
                    ad1 = plsc.load_gather(rd[b], [r, _c16(1)])
                    e0 = as0 + ad0
                    e0 = jnp.where(e0 >= 0.0, e0, e0 * 0.2)
                    x0 = jnp.exp(e0)
                    e1 = as1 + ad1
                    e1 = jnp.where(e1 >= 0.0, e1, e1 * 0.2)
                    x1 = jnp.exp(e1)
                    for d in range(5):
                        xd = plsc.load_gather(rs[b], [r, _c16(d)])
                        plsc.store_scatter(orow[b], [r, _c16(d)], xd * x0)
                        plsc.store_scatter(orow[b], [r, _c16(5 + d)], xd * x1)
                    plsc.store_scatter(orow[b], [r, _c16(10)], x0)
                    plsc.store_scatter(orow[b], [r, _c16(11)], x1)
                    dsts = plsc.load_gather(sd_v.at[b, 1], [r])
                    li_v[b, hh, pl.ds((j - hh * (SCCH // 16)) * 16, 16)] = dsts
                    return 0
                for hh in range(EPB // SCCH):
                    lax.fori_loop(hh * (SCCH // 16), (hh + 1) * (SCCH // 16),
                                  lambda j, c, hh=hh: _cmp(j, hh, c), 0)
                    pltpu.async_copy(orow[b].at[pl.ds(hh * SCCH, SCCH)],
                                     g_sh.at[li_v.at[b, hh]],
                                     sems_c[b], add=True)

        _prefetch(0, 0)
        tlim = 2 * ((tmax + 1) // 2)

        def _pair(p, _):
            for b in range(2):
                t = 2 * p + b
                _prefetch(t + 1, 1 - b)
                _process(t, b)
            return 0
        lax.fori_loop(0, tlim // 2, _pair, 0)

        for tt in (tlim - 2, tlim - 1):
            bb = tt & 1

            @pl.when(tt * NW + wid < nblk)
            def _dr(bb=bb):
                for hh in range(EPB // SCCH):
                    pltpu.make_async_copy(
                        orow[bb].at[pl.ds(hh * SCCH, SCCH)],
                        g_sh.at[li_v.at[bb, hh]], sems_c[bb]).wait()

        plsc.subcore_barrier()
        _flush_spmem_stripe(ch_v, g_sh, gp_hbm, cid, row0, nch)

    return k


def _sc_layer2(n_nodes, n_edges):
    nblk = n_edges // EPB
    half = n_nodes // 2
    hp = ((half // (NSUB * NROW_CH)) + 1) * (NSUB * NROW_CH)
    rows_per_tile = hp // NSUB
    nch = rows_per_tile // NROW_CH

    @functools.partial(
        pl.kernel,
        out_type=jax.ShapeDtypeStruct((2, hp, 24), F32),
        mesh=_mesh(),
        compiler_params=_SC_PARAMS,
        scratch_types=[
            pltpu.VMEM((2, 2, EPB), I32),
            pltpu.VMEM((2, 2, SCCH), I32),
            pltpu.VMEM((EPB, 24), F32),
            pltpu.VMEM((EPB, 24), F32),
            pltpu.VMEM((EPB, 8), F32),
            pltpu.VMEM((EPB, 8), F32),
            pltpu.VMEM((EPB, 24), F32),
            pltpu.VMEM((EPB, 24), F32),
            pltpu.VMEM((NROW_CH, 24), F32),
            pltpu.SemaphoreType.DMA,
            pltpu.SemaphoreType.DMA,
            pltpu.SemaphoreType.DMA,
            pltpu.SemaphoreType.DMA,
            pltpu.SemaphoreType.DMA,
            pltpu.SemaphoreType.DMA,
            pltpu.VMEM_SHARED((hp, 24), F32),
        ],
    )
    def k(ei_hbm, h2a_hbm, ad_hbm, ap_hbm,
          sd_v, li_v, rh0, rh1, rd0, rd1, oa0, oa1,
          ch_v, sh0, sh1, sdm0, sdm1, sc0, sc1, acc_sh):
        cid = lax.axis_index("c")
        sid = lax.axis_index("s")
        lane = lax.iota(I32, 16)
        row0 = sid * rows_per_tile
        base = cid * half
        rh = (rh0, rh1)
        rd = (rd0, rd1)
        oa = (oa0, oa1)
        sems_h = (sh0, sh1)
        sems_d = (sdm0, sdm1)
        sems_c = (sc0, sc1)

        def _zb(i, _):
            def _zc(j, _):
                plsc.store_scatter(ch_v, [jnp.full((16,), i, I32),
                                          (j * 16 + lane) % 24],
                                   jnp.zeros((16,), F32))
                return 0
            lax.fori_loop(0, 2, _zc, 0)
            return 0
        lax.fori_loop(0, NROW_CH, _zb, 0)

        def _zs(kk, _):
            pltpu.sync_copy(ch_v, acc_sh.at[pl.ds(row0 + kk * NROW_CH,
                                                  NROW_CH)])
            return 0
        lax.fori_loop(0, nch, _zs, 0)

        def _zp(j, _):
            r = j * 16 + lane
            zz = jnp.zeros((16,), F32)
            for col in range(17, 24):
                plsc.store_scatter(oa0, [r, _c16(col)], zz)
                plsc.store_scatter(oa1, [r, _c16(col)], zz)
            return 0
        lax.fori_loop(0, EPB // 16, _zp, 0)

        plsc.subcore_barrier()

        def _prefetch(t, b):
            @pl.when(t * NSUB + sid < nblk)
            def _():
                bs = (t * NSUB + sid) * EPB
                pltpu.sync_copy(ei_hbm.at[:, pl.ds(bs, EPB)], sd_v.at[b])
                pltpu.async_copy(h2a_hbm.at[sd_v.at[b, 0]], rh[b], sems_h[b])
                pltpu.async_copy(ad_hbm.at[sd_v.at[b, 1]], rd[b], sems_d[b])

        def _process(t, b):
            @pl.when(t * NSUB + sid < nblk)
            def _():
                @pl.when(t >= 2)
                def _w():
                    for hh in range(EPB // SCCH):
                        pltpu.make_async_copy(
                            oa[b].at[pl.ds(hh * SCCH, SCCH)],
                            acc_sh.at[li_v.at[b, hh]], sems_c[b]).wait()
                pltpu.make_async_copy(h2a_hbm.at[sd_v.at[b, 0]], rh[b],
                                      sems_h[b]).wait()
                pltpu.make_async_copy(ad_hbm.at[sd_v.at[b, 1]], rd[b],
                                      sems_d[b]).wait()

                def _cmp(j, hh, _):
                    r = j * 16 + lane
                    a_s = plsc.load_gather(rh[b], [r, _c16(16)])
                    a_d = plsc.load_gather(rd[b], [r, _c16(1)])
                    e = a_s + a_d
                    e = jnp.where(e >= 0.0, e, e * 0.2)
                    xv = jnp.exp(e)
                    for d in range(16):
                        v = plsc.load_gather(rh[b], [r, _c16(d)])
                        plsc.store_scatter(oa[b], [r, _c16(d)], v * xv)
                    plsc.store_scatter(oa[b], [r, _c16(16)], xv)
                    dsts = plsc.load_gather(sd_v.at[b, 1], [r])
                    du = dsts - base
                    inr = (du >= 0) & (du < half)
                    li = jnp.where(inr, du, half)
                    li_v[b, hh, pl.ds((j - hh * (SCCH // 16)) * 16, 16)] = li
                    return 0
                for hh in range(EPB // SCCH):
                    lax.fori_loop(hh * (SCCH // 16), (hh + 1) * (SCCH // 16),
                                  lambda j, c, hh=hh: _cmp(j, hh, c), 0)
                    pltpu.async_copy(oa[b].at[pl.ds(hh * SCCH, SCCH)],
                                     acc_sh.at[li_v.at[b, hh]],
                                     sems_c[b], add=True)

        _prefetch(0, 0)
        tmax = -(-nblk // NSUB)
        tlim = 2 * ((tmax + 1) // 2)

        def _pair(p, _):
            for b in range(2):
                t = 2 * p + b
                _prefetch(t + 1, 1 - b)
                _process(t, b)
            return 0
        lax.fori_loop(0, tlim // 2, _pair, 0)

        for tt in (tlim - 2, tlim - 1):
            bb = tt & 1

            @pl.when(tt * NSUB + sid < nblk)
            def _dr(bb=bb):
                for hh in range(EPB // SCCH):
                    pltpu.make_async_copy(
                        oa[bb].at[pl.ds(hh * SCCH, SCCH)],
                        acc_sh.at[li_v.at[bb, hh]], sems_c[bb]).wait()

        plsc.subcore_barrier()
        _flush_spmem_stripe(ch_v, acc_sh, ap_hbm, cid, row0, nch)

    return k, hp


_TC_BLK = 2048


def _tc_prep1(n_nodes):
    def body(x_ref, was_ref, wad_ref, xa_ref, ar_ref):
        xb = x_ref[...]
        a_s = jnp.dot(xb, was_ref[...], preferred_element_type=F32)
        a_d = jnp.dot(xb, wad_ref[...], preferred_element_type=F32)
        z1 = jnp.zeros((xb.shape[0], 1), F32)
        z6 = jnp.zeros((xb.shape[0], 6), F32)
        xa_ref[...] = jnp.concatenate([xb, a_s, z1], axis=1)
        ar_ref[...] = jnp.concatenate([a_d, z6], axis=1)

    return pl.pallas_call(
        body,
        grid=(n_nodes // _TC_BLK,),
        in_specs=[
            pl.BlockSpec((_TC_BLK, 5), lambda i: (i, 0)),
            pl.BlockSpec((5, 2), lambda i: (0, 0)),
            pl.BlockSpec((5, 2), lambda i: (0, 0)),
        ],
        out_specs=[
            pl.BlockSpec((_TC_BLK, 8), lambda i: (i, 0)),
            pl.BlockSpec((_TC_BLK, 8), lambda i: (i, 0)),
        ],
        out_shape=[
            jax.ShapeDtypeStruct((n_nodes, 8), F32),
            jax.ShapeDtypeStruct((n_nodes, 8), F32),
        ],
    )


def _tc_mid(n_nodes):
    def body(gp_ref, w1_ref, b1_ref, w2_ref, att2_ref, h2_ref, ar_ref):
        g = gp_ref[0] + gp_ref[1]
        d0 = g[:, 10:11] + 1e-16
        d1 = g[:, 11:12] + 1e-16
        w1 = w1_ref[...]
        h0 = jnp.dot(g[:, 0:5], w1[:, :32], preferred_element_type=F32) / d0
        h1 = jnp.dot(g[:, 5:10], w1[:, 32:], preferred_element_type=F32) / d1
        h2in = jnp.maximum(jnp.concatenate([h0, h1], axis=1) + b1_ref[...], 0.0)
        h2 = jnp.dot(h2in, w2_ref[...], preferred_element_type=F32)
        att2 = att2_ref[...]
        a_s = jnp.sum(h2 * att2[0:1, :], axis=1, keepdims=True)
        a_d = jnp.sum(h2 * att2[1:2, :], axis=1, keepdims=True)
        z6 = jnp.zeros((h2.shape[0], 6), F32)
        h2_ref[...] = jnp.concatenate([h2, a_s, a_d, z6], axis=1)
        ar_ref[...] = jnp.concatenate([a_s, a_d, z6], axis=1)

    return pl.pallas_call(
        body,
        grid=(n_nodes // _TC_BLK,),
        in_specs=[
            pl.BlockSpec((2, _TC_BLK, 16), lambda i: (0, i, 0)),
            pl.BlockSpec((5, 64), lambda i: (0, 0)),
            pl.BlockSpec((1, 64), lambda i: (0, 0)),
            pl.BlockSpec((64, 16), lambda i: (0, 0)),
            pl.BlockSpec((2, 16), lambda i: (0, 0)),
        ],
        out_specs=[
            pl.BlockSpec((_TC_BLK, 24), lambda i: (i, 0)),
            pl.BlockSpec((_TC_BLK, 8), lambda i: (i, 0)),
        ],
        out_shape=[
            jax.ShapeDtypeStruct((n_nodes, 24), F32),
            jax.ShapeDtypeStruct((n_nodes, 8), F32),
        ],
    )


def _tc_final(n_nodes, hp):
    blk = 1024
    half = n_nodes // 2
    nb_half = half // blk

    def body(acc_ref, b2_ref, out_ref):
        acc = acc_ref[0]
        den = acc[:, 16:17] + 1e-16
        out_ref[...] = acc[:, 0:16] / den + b2_ref[...]

    return pl.pallas_call(
        body,
        grid=(n_nodes // blk,),
        in_specs=[
            pl.BlockSpec((1, blk, 24),
                         lambda i: (i // nb_half, i % nb_half, 0)),
            pl.BlockSpec((1, 16), lambda i: (0, 0)),
        ],
        out_specs=pl.BlockSpec((blk, 16), lambda i: (i, 0)),
        out_shape=jax.ShapeDtypeStruct((n_nodes, 16), F32),
    )


@jax.jit
def kernel(x, edge_index, W1, att_src1, att_dst1, b1, W2, att_src2, att_dst2, b2):
    n_nodes = x.shape[0]
    n_edges = edge_index.shape[1]
    n_pad = -(-n_nodes // (NSUB * NROW_CH)) * (NSUB * NROW_CH)
    ei = edge_index.astype(I32)
    xp = jnp.pad(x, ((0, n_pad - n_nodes), (0, 0)))

    w3 = W1.reshape(x.shape[1], att_src1.shape[0], att_src1.shape[1])
    w_as1 = (w3 * att_src1[None]).sum(-1)
    w_ad1 = (w3 * att_dst1[None]).sum(-1)

    xa, arow1 = _tc_prep1(n_pad)(xp, w_as1, w_ad1)
    gp = _sc_layer1(n_pad, n_edges)(ei, xa, arow1)
    att2 = jnp.concatenate([att_src2, att_dst2], axis=0)
    h2row, arow2 = _tc_mid(n_pad)(gp, W1, b1.reshape(1, -1), W2, att2)
    l2, hp = _sc_layer2(n_pad, n_edges)
    accp = l2(ei, h2row, arow2)
    out = _tc_final(n_pad, hp)(accp, b2.reshape(1, -1))
    return out[:n_nodes]

# --- scband reference (transcript-rebuilt; emitter-appended) ---
"""Pipeline reference for scband-depth-aware-gat-86002425135783 (READ-ONLY COPY).

The authoritative reference and input builder live on the scoring server;
editing this copy changes nothing except your own understanding.
"""

import jax, jax.numpy as jnp
import numpy as np

N = 100000
E = 1600000
IN_DIM = 5
HID = 32
OUT_DIM = 16
HEADS = 2


def gat_conv(x, src, dst, W, att_src, att_dst, bias, heads, C, concat, n_nodes):
    h = (x @ W).reshape(n_nodes, heads, C)
    a_src = (h * att_src[None, :, :]).sum(-1)  # [N, H]
    a_dst = (h * att_dst[None, :, :]).sum(-1)  # [N, H]
    e = a_src[src] + a_dst[dst]                # [E, H]
    e = jax.nn.leaky_relu(e, 0.2)
    e_max = jax.ops.segment_max(e, dst, num_segments=n_nodes)
    e_max = jnp.where(jnp.isfinite(e_max), e_max, 0.0)
    e_max = jax.lax.stop_gradient(e_max)
    ex = jnp.exp(e - e_max[dst])
    denom = jax.ops.segment_sum(ex, dst, num_segments=n_nodes)
    alpha = ex / (denom[dst] + 1e-16)          # [E, H]
    msg = h[src] * alpha[:, :, None]           # [E, H, C]
    out = jax.ops.segment_sum(msg, dst, num_segments=n_nodes)  # [N, H, C]
    if concat:
        out = out.reshape(n_nodes, heads * C)
    else:
        out = out.mean(axis=1)
    return out + bias


def setup_inputs(seed: int = 0) -> dict:
    key = jax.random.key(seed)
    ks = jax.random.split(key, 12)
    x = jax.random.normal(ks[0], (N, IN_DIM), dtype=jnp.float32)
    edge_index = jax.random.randint(ks[1], (2, E), 0, N, dtype=jnp.int64)
    s1 = 1.0 / np.sqrt(IN_DIM)
    W1 = jax.random.normal(ks[2], (IN_DIM, HEADS * HID), dtype=jnp.float32) * s1
    att_src1 = jax.random.normal(ks[3], (HEADS, HID), dtype=jnp.float32) * 0.1
    att_dst1 = jax.random.normal(ks[4], (HEADS, HID), dtype=jnp.float32) * 0.1
    b1 = jnp.zeros((HEADS * HID,), dtype=jnp.float32)
    s2 = 1.0 / np.sqrt(HEADS * HID)
    W2 = jax.random.normal(ks[5], (HEADS * HID, 1 * OUT_DIM), dtype=jnp.float32) * s2
    att_src2 = jax.random.normal(ks[6], (1, OUT_DIM), dtype=jnp.float32) * 0.1
    att_dst2 = jax.random.normal(ks[7], (1, OUT_DIM), dtype=jnp.float32) * 0.1
    b2 = jnp.zeros((OUT_DIM,), dtype=jnp.float32)
    return {"x": x, "edge_index": edge_index, "W1": W1, "att_src1": att_src1,
            "att_dst1": att_dst1, "b1": b1, "W2": W2, "att_src2": att_src2,
            "att_dst2": att_dst2, "b2": b2}


def reference(x, edge_index, W1, att_src1, att_dst1, b1, W2, att_src2, att_dst2, b2):
    src = edge_index[0]
    dst = edge_index[1]
    h = gat_conv(x, src, dst, W1, att_src1, att_dst1, b1, HEADS, HID, True, N)
    h = jax.nn.relu(h)
    # dropout is identity in eval mode
    out = gat_conv(h, src, dst, W2, att_src2, att_dst2, b2, 1, OUT_DIM, False, N)
    return out

if __name__ == "__main__":
    import jax
    _d = setup_inputs()
    print(jax.jit(kernel)(*tuple(_d.values())))

</pallas_src>

<mosaic_0001>
#map = affine_map<(d0, d1) -> (0, 0)>
#map1 = affine_map<(d0, d1) -> (0, 0, 0)>
module attributes {stable_mosaic.version = 14 : i64} {
  func.func @k(%arg0: i32, %arg1: i32, %arg2: memref<2x1600000xi32, #tpu.memory_space<hbm>>, %arg3: memref<100352x8xf32, #tpu.memory_space<hbm>>, %arg4: memref<100352x8xf32, #tpu.memory_space<hbm>>, %arg5: memref<2x100352x16xf32, #tpu.memory_space<hbm>>, %arg6: memref<2x2x256xi32, #tpu.memory_space<vmem>>, %arg7: memref<2x2x128xi32, #tpu.memory_space<vmem>>, %arg8: memref<256x8xf32, #tpu.memory_space<vmem>>, %arg9: memref<256x8xf32, #tpu.memory_space<vmem>>, %arg10: memref<256x8xf32, #tpu.memory_space<vmem>>, %arg11: memref<256x8xf32, #tpu.memory_space<vmem>>, %arg12: memref<256x16xf32, #tpu.memory_space<vmem>>, %arg13: memref<256x16xf32, #tpu.memory_space<vmem>>, %arg14: memref<128x16xf32, #tpu.memory_space<vmem>>, %arg15: memref<!tpu.dma_semaphore, #tpu.memory_space<semaphore_mem>>, %arg16: memref<!tpu.dma_semaphore, #tpu.memory_space<semaphore_mem>>, %arg17: memref<!tpu.dma_semaphore, #tpu.memory_space<semaphore_mem>>, %arg18: memref<!tpu.dma_semaphore, #tpu.memory_space<semaphore_mem>>, %arg19: memref<!tpu.dma_semaphore, #tpu.memory_space<semaphore_mem>>, %arg20: memref<!tpu.dma_semaphore, #tpu.memory_space<semaphore_mem>>, %arg21: memref<100352x16xf32, #tpu.memory_space<vmem_shared>>) attributes {dimension_semantics = [#tpu.dimension_semantics<core_parallel>, #tpu.dimension_semantics<subcore_parallel>], iteration_bounds = array<i64: 2, 16>, scalar_prefetch = 0 : i64, scratch_operands = 16 : i64, tpu.core_type = #tpu.core_type<sc_vector_subcore>, window_params = [{transform_indices = #map}, {transform_indices = #map}, {transform_indices = #map}, {transform_indices = #map1}]} {
    %mul3A = arith.constant 16 : i32
    %mul3A_0 = arith.muli %arg0, %mul3A : i32
    %add3A = arith.addi %mul3A_0, %arg1 : i32
    %iota3A = tpu.iota {dimensions = array<i32: 0>} : vector<16xi32>
    %mul3A_1 = arith.constant 6272 : i32
    %mul3A_2 = arith.muli %arg1, %mul3A_1 : i32
    %scan3A = arith.constant 0 : i32
    %scan3A_3 = arith.constant 0 : i32
    %scan3A_4 = arith.constant 128 : i32
    %scan3A_5 = arith.addi %scan3A_3, %scan3A_4 : i32
    %scan3A_6 = arith.constant 1 : i32
    %scan3A_7 = scf.for %scan3A_56 = %scan3A_3 to %scan3A_5 step %scan3A_6 iter_args(%scan3A_57 = %scan3A) -> (i32)  : i32 {
      %broadcast_in_dim3A = arith.constant 0.000000e+00 : f32
      %broadcast_in_dim3A_58 = vector.broadcast %broadcast_in_dim3A : f32 to vector<16xf32>
      %swap3A = arith.index_cast %scan3A_56 : i32 to index
      %swap3A_59 = arith.constant 0 : index
      %swap3A_60 = tpu.vector_load %arg14[%swap3A, %swap3A_59] {strides = array<i32>} : memref<128x16xf32, #tpu.memory_space<vmem>>, vector<16xf32>,
      tpu.vector_store %arg14[%swap3A, %swap3A_59], %broadcast_in_dim3A_58 {strides = array<i32>} : memref<128x16xf32, #tpu.memory_space<vmem>>, vector<16xf32>,
      %scan3A_61 = arith.constant 0 : i32
      scf.yield %scan3A_61 : i32
    }
    %scan3A_8 = arith.constant 128 : i32
    %scan3A_9 = arith.constant 0 : i32
    %scan3A_10 = arith.constant 0 : i32
    %scan3A_11 = arith.constant 49 : i32
    %scan3A_12 = arith.addi %scan3A_10, %scan3A_11 : i32
    %scan3A_13 = arith.constant 1 : i32
    %scan3A_14 = scf.for %scan3A_56 = %scan3A_10 to %scan3A_12 step %scan3A_13 iter_args(%scan3A_57 = %scan3A_9) -> (i32)  : i32 {
      %mul3A_58 = arith.constant 128 : i32
      %mul3A_59 = arith.muli %scan3A_56, %mul3A_58 : i32
      %add3A_60 = arith.addi %mul3A_2, %mul3A_59 : i32
      "tpu.region"() ({
        %run_scoped3A = tpu.sem_alloc : memref<!tpu.dma_semaphore, #tpu.memory_space<semaphore_mem>>
        %dma_start3A = arith.constant 0 : i32
        %dma_start3A_62 = tpu.memref_slice %arg21[%add3A_60, %dma_start3A] : memref<100352x16xf32, #tpu.memory_space<vmem_shared>> -> memref<128x16xf32, #tpu.memory_space<vmem_shared>>
        %dma_start3A_63 = arith.constant 0 : i32
        %dma_start3A_64 = tpu.memref_slice %arg21[%add3A_60, %dma_start3A_63] : memref<100352x16xf32, #tpu.memory_space<vmem_shared>> -> memref<128x16xf32, #tpu.memory_space<vmem_shared>>
        tpu.enqueue_dma source(%arg14 : memref<128x16xf32, #tpu.memory_space<vmem>>) target(%dma_start3A_64 : memref<128x16xf32, #tpu.memory_space<vmem_shared>>) target_semaphore(%run_scoped3A : memref<!tpu.dma_semaphore, #tpu.memory_space<semaphore_mem>>)
        %dma_wait3A = arith.constant 0 : i32
        %dma_wait3A_65 = tpu.memref_slice %arg21[%add3A_60, %dma_wait3A] : memref<100352x16xf32, #tpu.memory_space<vmem_shared>> -> memref<128x16xf32, #tpu.memory_space<vmem_shared>>
        %dma_wait3A_66 = arith.constant 0 : i32
        %dma_wait3A_67 = tpu.memref_slice %arg21[%add3A_60, %dma_wait3A_66] : memref<100352x16xf32, #tpu.memory_space<vmem_shared>> -> memref<128x16xf32, #tpu.memory_space<vmem_shared>>
        tpu.wait_dma2 semaphore(%run_scoped3A : memref<!tpu.dma_semaphore, #tpu.memory_space<semaphore_mem>>) src(%arg14 : memref<128x16xf32, #tpu.memory_space<vmem>>) dst(%dma_wait3A_67 : memref<128x16xf32, #tpu.memory_space<vmem_shared>>)
        tpu.yield
      }) : () -> ()
      %scan3A_61 = arith.constant 0 : i32
      scf.yield %scan3A_61 : i32
    }
    %scan3A_15 = arith.constant 49 : i32
    %scan3A_16 = arith.constant 0 : i32
    %scan3A_17 = arith.constant 0 : i32
    %scan3A_18 = arith.constant 16 : i32
    %scan3A_19 = arith.addi %scan3A_17, %scan3A_18 : i32
    %scan3A_20 = arith.constant 1 : i32
    %scan3A_21 = scf.for %scan3A_56 = %scan3A_17 to %scan3A_19 step %scan3A_20 iter_args(%scan3A_57 = %scan3A_16) -> (i32)  : i32 {
      %mul3A_58 = arith.constant 16 : i32
      %mul3A_59 = arith.muli %scan3A_56, %mul3A_58 : i32
      %add3A_60 = vector.broadcast %mul3A_59 : i32 to vector<16xi32>
      %add3A_61 = arith.addi %add3A_60, %iota3A : vector<16xi32>
      %broadcast_in_dim3A = arith.constant 0.000000e+00 : f32
      %broadcast_in_dim3A_62 = vector.broadcast %broadcast_in_dim3A : f32 to vector<16xf32>
      %broadcast_in_dim3A_63 = arith.constant 12 : i32
      %broadcast_in_dim3A_64 = vector.broadcast %broadcast_in_dim3A_63 : i32 to vector<16xi32>
      tpu.vector_store_idx %arg12[%add3A_61, %broadcast_in_dim3A_64], %broadcast_in_dim3A_62 : memref<256x16xf32, #tpu.memory_space<vmem>>[vector<16xi32>, vector<16xi32>], vector<16xf32>,
      %broadcast_in_dim3A_65 = arith.constant 12 : i32
      %broadcast_in_dim3A_66 = vector.broadcast %broadcast_in_dim3A_65 : i32 to vector<16xi32>
      tpu.vector_store_idx %arg13[%add3A_61, %broadcast_in_dim3A_66], %broadcast_in_dim3A_62 : memref<256x16xf32, #tpu.memory_space<vmem>>[vector<16xi32>, vector<16xi32>], vector<16xf32>,
      %broadcast_in_dim3A_67 = arith.constant 13 : i32
      %broadcast_in_dim3A_68 = vector.broadcast %broadcast_in_dim3A_67 : i32 to vector<16xi32>
      tpu.vector_store_idx %arg12[%add3A_61, %broadcast_in_dim3A_68], %broadcast_in_dim3A_62 : memref<256x16xf32, #tpu.memory_space<vmem>>[vector<16xi32>, vector<16xi32>], vector<16xf32>,
      %broadcast_in_dim3A_69 = arith.constant 13 : i32
      %broadcast_in_dim3A_70 = vector.broadcast %broadcast_in_dim3A_69 : i32 to vector<16xi32>
      tpu.vector_store_idx %arg13[%add3A_61, %broadcast_in_dim3A_70], %broadcast_in_dim3A_62 : memref<256x16xf32, #tpu.memory_space<vmem>>[vector<16xi32>, vector<16xi32>], vector<16xf32>,
      %broadcast_in_dim3A_71 = arith.constant 14 : i32
      %broadcast_in_dim3A_72 = vector.broadcast %broadcast_in_dim3A_71 : i32 to vector<16xi32>
      tpu.vector_store_idx %arg12[%add3A_61, %broadcast_in_dim3A_72], %broadcast_in_dim3A_62 : memref<256x16xf32, #tpu.memory_space<vmem>>[vector<16xi32>, vector<16xi32>], vector<16xf32>,
      %broadcast_in_dim3A_73 = arith.constant 14 : i32
      %broadcast_in_dim3A_74 = vector.broadcast %broadcast_in_dim3A_73 : i32 to vector<16xi32>
      tpu.vector_store_idx %arg13[%add3A_61, %broadcast_in_dim3A_74], %broadcast_in_dim3A_62 : memref<256x16xf32, #tpu.memory_space<vmem>>[vector<16xi32>, vector<16xi32>], vector<16xf32>,
      %broadcast_in_dim3A_75 = arith.constant 15 : i32
      %broadcast_in_dim3A_76 = vector.broadcast %broadcast_in_dim3A_75 : i32 to vector<16xi32>
      tpu.vector_store_idx %arg12[%add3A_61, %broadcast_in_dim3A_76], %broadcast_in_dim3A_62 : memref<256x16xf32, #tpu.memory_space<vmem>>[vector<16xi32>, vector<16xi32>], vector<16xf32>,
      %broadcast_in_dim3A_77 = arith.constant 15 : i32
      %broadcast_in_dim3A_78 = vector.broadcast %broadcast_in_dim3A_77 : i32 to vector<16xi32>
      tpu.vector_store_idx %arg13[%add3A_61, %broadcast_in_dim3A_78], %broadcast_in_dim3A_62 : memref<256x16xf32, #tpu.memory_space<vmem>>[vector<16xi32>, vector<16xi32>], vector<16xf32>,
      %scan3A_79 = arith.constant 0 : i32
      scf.yield %scan3A_79 : i32
    }
    %scan3A_22 = arith.constant 16 : i32
    %barrier3A = arith.constant 0 : index
    tpu.barrier barrier_id(%barrier3A)
    %add3A_23 = arith.constant 0 : i32
    %add3A_24 = arith.addi %add3A_23, %add3A : i32
    %lt3A = arith.constant 6250 : i32
    %lt3A_25 = arith.cmpi slt, %add3A_24, %lt3A : i32
    %convert_element_type3A = arith.extui %lt3A_25 : i1 to i32
    %cond3A = arith.constant 0 : i32
    %cond3A_26 = arith.cmpi ne, %convert_element_type3A, %cond3A : i32
    scf.if %cond3A_26 {
      %add3A_56 = arith.constant 0 : i32
      %add3A_57 = arith.addi %add3A_56, %add3A : i32
      %mul3A_58 = arith.constant 256 : i32
      %mul3A_59 = arith.muli %add3A_57, %mul3A_58 : i32
      %run_scoped3A = arith.constant 0 : i32
      "tpu.region"() ({
        %run_scoped3A_75 = tpu.sem_alloc : memref<!tpu.dma_semaphore, #tpu.memory_space<semaphore_mem>>
        %dma_start3A_76 = arith.constant 0 : i32
        %dma_start3A_77 = arith.constant 0 : i32
        %dma_start3A_78 = tpu.memref_slice %arg6[%run_scoped3A, %dma_start3A_76, %dma_start3A_77] : memref<2x2x256xi32, #tpu.memory_space<vmem>> -> memref<1x2x256xi32, #tpu.memory_space<vmem>>
        %dma_start3A_79 = tpu.memref_squeeze %dma_start3A_78 : memref<1x2x256xi32, #tpu.memory_space<vmem>> -> memref<2x256xi32, #tpu.memory_space<vmem>>
        %dma_start3A_80 = arith.constant 0 : i32
        %dma_start3A_81 = tpu.memref_slice %arg2[%dma_start3A_80, %mul3A_59] : memref<2x1600000xi32, #tpu.memory_space<hbm>> -> memref<2x256xi32, #tpu.memory_space<hbm>>
        %dma_start3A_82 = arith.constant 0 : i32
        %dma_start3A_83 = arith.constant 0 : i32
        %dma_start3A_84 = tpu.memref_slice %arg6[%run_scoped3A, %dma_start3A_82, %dma_start3A_83] : memref<2x2x256xi32, #tpu.memory_space<vmem>> -> memref<1x2x256xi32, #tpu.memory_space<vmem>>
        %dma_start3A_85 = tpu.memref_squeeze %dma_start3A_84 : memref<1x2x256xi32, #tpu.memory_space<vmem>> -> memref<2x256xi32, #tpu.memory_space<vmem>>
        %dma_start3A_86 = arith.constant 0 : i32
        %dma_start3A_87 = tpu.memref_slice %arg2[%dma_start3A_86, %mul3A_59] : memref<2x1600000xi32, #tpu.memory_space<hbm>> -> memref<2x256xi32, #tpu.memory_space<hbm>>
        tpu.enqueue_dma source(%dma_start3A_87 : memref<2x256xi32, #tpu.memory_space<hbm>>) target(%dma_start3A_85 : memref<2x256xi32, #tpu.memory_space<vmem>>) target_semaphore(%run_scoped3A_75 : memref<!tpu.dma_semaphore, #tpu.memory_space<semaphore_mem>>)
        %dma_wait3A = arith.constant 0 : i32
        %dma_wait3A_88 = arith.constant 0 : i32
        %dma_wait3A_89 = tpu.memref_slice %arg6[%run_scoped3A, %dma_wait3A, %dma_wait3A_88] : memref<2x2x256xi32, #tpu.memory_space<vmem>> -> memref<1x2x256xi32, #tpu.memory_space<vmem>>
        %dma_wait3A_90 = tpu.memref_squeeze %dma_wait3A_89 : memref<1x2x256xi32, #tpu.memory_space<vmem>> -> memref<2x256xi32, #tpu.memory_space<vmem>>
        %dma_wait3A_91 = arith.constant 0 : i32
        %dma_wait3A_92 = tpu.memref_slice %arg2[%dma_wait3A_91, %mul3A_59] : memref<2x1600000xi32, #tpu.memory_space<hbm>> -> memref<2x256xi32, #tpu.memory_space<hbm>>
        %dma_wait3A_93 = arith.constant 0 : i32
        %dma_wait3A_94 = arith.constant 0 : i32
        %dma_wait3A_95 = tpu.memref_slice %arg6[%run_scoped3A, %dma_wait3A_93, %dma_wait3A_94] : memref<2x2x256xi32, #tpu.memory_space<vmem>> -> memref<1x2x256xi32, #tpu.memory_space<vmem>>
        %dma_wait3A_96 = tpu.memref_squeeze %dma_wait3A_95 : memref<1x2x256xi32, #tpu.memory_space<vmem>> -> memref<2x256xi32, #tpu.memory_space<vmem>>
        %dma_wait3A_97 = arith.constant 0 : i32
        %dma_wait3A_98 = tpu.memref_slice %arg2[%dma_wait3A_97, %mul3A_59] : memref<2x1600000xi32, #tpu.memory_space<hbm>> -> memref<2x256xi32, #tpu.memory_space<hbm>>
        tpu.wait_dma2 semaphore(%run_scoped3A_75 : memref<!tpu.dma_semaphore, #tpu.memory_space<semaphore_mem>>) src(%dma_wait3A_98 : memref<2x256xi32, #tpu.memory_space<hbm>>) dst(%dma_wait3A_96 : memref<2x256xi32, #tpu.memory_space<vmem>>)
        tpu.yield
      }) : () -> ()
      %dma_start3A = arith.constant 0 : i32
      %dma_start3A_60 = arith.constant 0 : i32
      %dma_start3A_61 = arith.constant 0 : i32
      %dma_start3A_62 = tpu.memref_slice %arg6[%dma_start3A, %dma_start3A_60, %dma_start3A_61] : memref<2x2x256xi32, #tpu.memory_space<vmem>> -> memref<1x1x256xi32, #tpu.memory_space<vmem>>
      %dma_start3A_63 = tpu.memref_squeeze %dma_start3A_62 : memref<1x1x256xi32, #tpu.memory_space<vmem>> -> memref<256xi32, #tpu.memory_space<vmem>>
      %dma_start3A_64 = arith.constant 0 : i32
      %dma_start3A_65 = arith.constant 0 : i32
      %dma_start3A_66 = tpu.memref_slice %arg3[%dma_start3A_64, %dma_start3A_65] : memref<100352x8xf32, #tpu.memory_space<hbm>> -> memref<100352x8xf32, #tpu.memory_space<hbm>>
      tpu.enqueue_indirect_dma source(%dma_start3A_66 : memref<100352x8xf32, #tpu.memory_space<hbm>>) target(%arg8 : memref<256x8xf32, #tpu.memory_space<vmem>>) offsets(%dma_start3A_63 : memref<256xi32, #tpu.memory_space<vmem>>) semaphore(%arg15 : memref<!tpu.dma_semaphore, #tpu.memory_space<semaphore_mem>>)
      %dma_start3A_67 = arith.constant 0 : i32
      %dma_start3A_68 = arith.constant 1 : i32
      %dma_start3A_69 = arith.constant 0 : i32
      %dma_start3A_70 = tpu.memref_slice %arg6[%dma_start3A_67, %dma_start3A_68, %dma_start3A_69] : memref<2x2x256xi32, #tpu.memory_space<vmem>> -> memref<1x1x256xi32, #tpu.memory_space<vmem>>
      %dma_start3A_71 = tpu.memref_squeeze %dma_start3A_70 : memref<1x1x256xi32, #tpu.memory_space<vmem>> -> memref<256xi32, #tpu.memory_space<vmem>>
      %dma_start3A_72 = arith.constant 0 : i32
      %dma_start3A_73 = arith.constant 0 : i32
      %dma_start3A_74 = tpu.memref_slice %arg4[%dma_start3A_72, %dma_start3A_73] : memref<100352x8xf32, #tpu.memory_space<hbm>> -> memref<100352x8xf32, #tpu.memory_space<hbm>>
      tpu.enqueue_indirect_dma source(%dma_start3A_74 : memref<100352x8xf32, #tpu.memory_space<hbm>>) target(%arg10 : memref<256x8xf32, #tpu.memory_space<vmem>>) offsets(%dma_start3A_71 : memref<256xi32, #tpu.memory_space<vmem>>) semaphore(%arg17 : memref<!tpu.dma_semaphore, #tpu.memory_space<semaphore_mem>>)
    } else {
    }
    %scan3A_27 = arith.constant 0 : i32
    %scan3A_28 = arith.constant 0 : i32
    %scan3A_29 = arith.constant 98 : i32
    %scan3A_30 = arith.addi %scan3A_28, %scan3A_29 : i32
    %scan3A_31 = arith.constant 1 : i32
    %scan3A_32 = scf.for %scan3A_56 = %scan3A_28 to %scan3A_30 step %scan3A_31 iter_args(%scan3A_57 = %scan3A_27) -> (i32)  : i32 {
      %mul3A_58 = arith.constant 2 : i32
      %mul3A_59 = arith.muli %mul3A_58, %scan3A_56 : i32
      %add3A_60 = arith.constant 0 : i32
      %add3A_61 = arith.addi %mul3A_59, %add3A_60 : i32
      %add3A_62 = arith.constant 1 : i32
      %add3A_63 = arith.addi %add3A_61, %add3A_62 : i32
      %mul3A_64 = arith.constant 32 : i32
      %mul3A_65 = arith.muli %add3A_63, %mul3A_64 : i32
      %add3A_66 = arith.addi %mul3A_65, %add3A : i32
      %lt3A_67 = arith.constant 6250 : i32
      %lt3A_68 = arith.cmpi slt, %add3A_66, %lt3A_67 : i32
      %convert_element_type3A_69 = arith.extui %lt3A_68 : i1 to i32
      %cond3A_70 = arith.constant 0 : i32
      %cond3A_71 = arith.cmpi ne, %convert_element_type3A_69, %cond3A_70 : i32
      scf.if %cond3A_71 {
        %mul3A_103 = arith.constant 32 : i32
        %mul3A_104 = arith.muli %add3A_63, %mul3A_103 : i32
        %add3A_105 = arith.addi %mul3A_104, %add3A : i32
        %mul3A_106 = arith.constant 256 : i32
        %mul3A_107 = arith.muli %add3A_105, %mul3A_106 : i32
        %run_scoped3A = arith.constant 1 : i32
        "tpu.region"() ({
          %run_scoped3A_123 = tpu.sem_alloc : memref<!tpu.dma_semaphore, #tpu.memory_space<semaphore_mem>>
          %dma_start3A_124 = arith.constant 0 : i32
          %dma_start3A_125 = arith.constant 0 : i32
          %dma_start3A_126 = tpu.memref_slice %arg6[%run_scoped3A, %dma_start3A_124, %dma_start3A_125] : memref<2x2x256xi32, #tpu.memory_space<vmem>> -> memref<1x2x256xi32, #tpu.memory_space<vmem>>
          %dma_start3A_127 = tpu.memref_squeeze %dma_start3A_126 : memref<1x2x256xi32, #tpu.memory_space<vmem>> -> memref<2x256xi32, #tpu.memory_space<vmem>>
          %dma_start3A_128 = arith.constant 0 : i32
          %dma_start3A_129 = tpu.memref_slice %arg2[%dma_start3A_128, %mul3A_107] : memref<2x1600000xi32, #tpu.memory_space<hbm>> -> memref<2x256xi32, #tpu.memory_space<hbm>>
          %dma_start3A_130 = arith.constant 0 : i32
          %dma_start3A_131 = arith.constant 0 : i32
          %dma_start3A_132 = tpu.memref_slice %arg6[%run_scoped3A, %dma_start3A_130, %dma_start3A_131] : memref<2x2x256xi32, #tpu.memory_space<vmem>> -> memref<1x2x256xi32, #tpu.memory_space<vmem>>
          %dma_start3A_133 = tpu.memref_squeeze %dma_start3A_132 : memref<1x2x256xi32, #tpu.memory_space<vmem>> -> memref<2x256xi32, #tpu.memory_space<vmem>>
          %dma_start3A_134 = arith.constant 0 : i32
          %dma_start3A_135 = tpu.memref_slice %arg2[%dma_start3A_134, %mul3A_107] : memref<2x1600000xi32, #tpu.memory_space<hbm>> -> memref<2x256xi32, #tpu.memory_space<hbm>>
          tpu.enqueue_dma source(%dma_start3A_135 : memref<2x256xi32, #tpu.memory_space<hbm>>) target(%dma_start3A_133 : memref<2x256xi32, #tpu.memory_space<vmem>>) target_semaphore(%run_scoped3A_123 : memref<!tpu.dma_semaphore, #tpu.memory_space<semaphore_mem>>)
          %dma_wait3A = arith.constant 0 : i32
          %dma_wait3A_136 = arith.constant 0 : i32
          %dma_wait3A_137 = tpu.memref_slice %arg6[%run_scoped3A, %dma_wait3A, %dma_wait3A_136] : memref<2x2x256xi32, #tpu.memory_space<vmem>> -> memref<1x2x256xi32, #tpu.memory_space<vmem>>
          %dma_wait3A_138 = tpu.memref_squeeze %dma_wait3A_137 : memref<1x2x256xi32, #tpu.memory_space<vmem>> -> memref<2x256xi32, #tpu.memory_space<vmem>>
          %dma_wait3A_139 = arith.constant 0 : i32
          %dma_wait3A_140 = tpu.memref_slice %arg2[%dma_wait3A_139, %mul3A_107] : memref<2x1600000xi32, #tpu.memory_space<hbm>> -> memref<2x256xi32, #tpu.memory_space<hbm>>
          %dma_wait3A_141 = arith.constant 0 : i32
          %dma_wait3A_142 = arith.constant 0 : i32
          %dma_wait3A_143 = tpu.memref_slice %arg6[%run_scoped3A, %dma_wait3A_141, %dma_wait3A_142] : memref<2x2x256xi32, #tpu.memory_space<vmem>> -> memref<1x2x256xi32, #tpu.memory_space<vmem>>
          %dma_wait3A_144 = tpu.memref_squeeze %dma_wait3A_143 : memref<1x2x256xi32, #tpu.memory_space<vmem>> -> memref<2x256xi32, #tpu.memory_space<vmem>>
          %dma_wait3A_145 = arith.constant 0 : i32
          %dma_wait3A_146 = tpu.memref_slice %arg2[%dma_wait3A_145, %mul3A_107] : memref<2x1600000xi32, #tpu.memory_space<hbm>> -> memref<2x256xi32, #tpu.memory_space<hbm>>
          tpu.wait_dma2 semaphore(%run_scoped3A_123 : memref<!tpu.dma_semaphore, #tpu.memory_space<semaphore_mem>>) src(%dma_wait3A_146 : memref<2x256xi32, #tpu.memory_space<hbm>>) dst(%dma_wait3A_144 : memref<2x256xi32, #tpu.memory_space<vmem>>)
          tpu.yield
        }) : () -> ()
        %dma_start3A = arith.constant 1 : i32
        %dma_start3A_108 = arith.constant 0 : i32
        %dma_start3A_109 = arith.constant 0 : i32
        %dma_start3A_110 = tpu.memref_slice %arg6[%dma_start3A, %dma_start3A_108, %dma_start3A_109] : memref<2x2x256xi32, #tpu.memory_space<vmem>> -> memref<1x1x256xi32, #tpu.memory_space<vmem>>
        %dma_start3A_111 = tpu.memref_squeeze %dma_start3A_110 : memref<1x1x256xi32, #tpu.memory_space<vmem>> -> memref<256xi32, #tpu.memory_space<vmem>>
        %dma_start3A_112 = arith.constant 0 : i32
        %dma_start3A_113 = arith.constant 0 : i32
        %dma_start3A_114 = tpu.memref_slice %arg3[%dma_start3A_112, %dma_start3A_113] : memref<100352x8xf32, #tpu.memory_space<hbm>> -> memref<100352x8xf32, #tpu.memory_space<hbm>>
        tpu.enqueue_indirect_dma source(%dma_start3A_114 : memref<100352x8xf32, #tpu.memory_space<hbm>>) target(%arg9 : memref<256x8xf32, #tpu.memory_space<vmem>>) offsets(%dma_start3A_111 : memref<256xi32, #tpu.memory_space<vmem>>) semaphore(%arg16 : memref<!tpu.dma_semaphore, #tpu.memory_space<semaphore_mem>>)
        %dma_start3A_115 = arith.constant 1 : i32
        %dma_start3A_116 = arith.constant 1 : i32
        %dma_start3A_117 = arith.constant 0 : i32
        %dma_start3A_118 = tpu.memref_slice %arg6[%dma_start3A_115, %dma_start3A_116, %dma_start3A_117] : memref<2x2x256xi32, #tpu.memory_space<vmem>> -> memref<1x1x256xi32, #tpu.memory_space<vmem>>
        %dma_start3A_119 = tpu.memref_squeeze %dma_start3A_118 : memref<1x1x256xi32, #tpu.memory_space<vmem>> -> memref<256xi32, #tpu.memory_space<vmem>>
        %dma_start3A_120 = arith.constant 0 : i32
        %dma_start3A_121 = arith.constant 0 : i32
        %dma_start3A_122 = tpu.memref_slice %arg4[%dma_start3A_120, %dma_start3A_121] : memref<100352x8xf32, #tpu.memory_space<hbm>> -> memref<100352x8xf32, #tpu.memory_space<hbm>>
        tpu.enqueue_indirect_dma source(%dma_start3A_122 : memref<100352x8xf32, #tpu.memory_space<hbm>>) target(%arg11 : memref<256x8xf32, #tpu.memory_space<vmem>>) offsets(%dma_start3A_119 : memref<256xi32, #tpu.memory_space<vmem>>) semaphore(%arg18 : memref<!tpu.dma_semaphore, #tpu.memory_space<semaphore_mem>>)
      } else {
      }
      %mul3A_72 = arith.constant 32 : i32
      %mul3A_73 = arith.muli %add3A_61, %mul3A_72 : i32
      %add3A_74 = arith.addi %mul3A_73, %add3A : i32
      %lt3A_75 = arith.constant 6250 : i32
      %lt3A_76 = arith.cmpi slt, %add3A_74, %lt3A_75 : i32
      %convert_element_type3A_77 = arith.extui %lt3A_76 : i1 to i32
      %cond3A_78 = arith.constant 0 : i32
      %cond3A_79 = arith.cmpi ne, %convert_element_type3A_77, %cond3A_78 : i32
      scf.if %cond3A_79 {
        %ge3A = arith.constant 2 : i32
        %ge3A_103 = arith.cmpi sge, %add3A_61, %ge3A : i32
        %convert_element_type3A_104 = arith.extui %ge3A_103 : i1 to i32
        %cond3A_105 = arith.constant 0 : i32
        %cond3A_106 = arith.cmpi ne, %convert_element_type3A_104, %cond3A_105 : i32
        scf.if %cond3A_106 {
          %dma_wait3A_157 = arith.constant 0 : i32
          %dma_wait3A_158 = arith.constant 0 : i32
          %dma_wait3A_159 = arith.constant 0 : i32
          %dma_wait3A_160 = arith.constant 0 : i32
          %dma_wait3A_161 = tpu.memref_slice %arg12[%dma_wait3A_159, %dma_wait3A_160] : memref<256x16xf32, #tpu.memory_space<vmem>> -> memref<128x16xf32, #tpu.memory_space<vmem>>
          %dma_wait3A_162 = arith.constant 0 : i32
          %dma_wait3A_163 = tpu.memref_slice %arg7[%dma_wait3A_157, %dma_wait3A_158, %dma_wait3A_162] : memref<2x2x128xi32, #tpu.memory_space<vmem>> -> memref<1x1x128xi32, #tpu.memory_space<vmem>>
          %dma_wait3A_164 = tpu.memref_squeeze %dma_wait3A_163 : memref<1x1x128xi32, #tpu.memory_space<vmem>> -> memref<128xi32, #tpu.memory_space<vmem>>
          %dma_wait3A_165 = arith.constant 0 : i32
          %dma_wait3A_166 = arith.constant 0 : i32
          %dma_wait3A_167 = tpu.memref_slice %arg21[%dma_wait3A_165, %dma_wait3A_166] : memref<100352x16xf32, #tpu.memory_space<vmem_shared>> -> memref<100352x16xf32, #tpu.memory_space<vmem_shared>>
          tpu.wait_indirect_dma semaphore(%arg19 : memref<!tpu.dma_semaphore, #tpu.memory_space<semaphore_mem>>) src(%dma_wait3A_161 : memref<128x16xf32, #tpu.memory_space<vmem>>) dst(%dma_wait3A_167 : memref<100352x16xf32, #tpu.memory_space<vmem_shared>>)
          %dma_wait3A_168 = arith.constant 0 : i32
          %dma_wait3A_169 = arith.constant 1 : i32
          %dma_wait3A_170 = arith.constant 128 : i32
          %dma_wait3A_171 = arith.constant 0 : i32
          %dma_wait3A_172 = tpu.memref_slice %arg12[%dma_wait3A_170, %dma_wait3A_171] : memref<256x16xf32, #tpu.memory_space<vmem>> -> memref<128x16xf32, #tpu.memory_space<vmem>>
          %dma_wait3A_173 = arith.constant 0 : i32
          %dma_wait3A_174 = tpu.memref_slice %arg7[%dma_wait3A_168, %dma_wait3A_169, %dma_wait3A_173] : memref<2x2x128xi32, #tpu.memory_space<vmem>> -> memref<1x1x128xi32, #tpu.memory_space<vmem>>
          %dma_wait3A_175 = tpu.memref_squeeze %dma_wait3A_174 : memref<1x1x128xi32, #tpu.memory_space<vmem>> -> memref<128xi32, #tpu.memory_space<vmem>>
          %dma_wait3A_176 = arith.constant 0 : i32
          %dma_wait3A_177 = arith.constant 0 : i32
          %dma_wait3A_178 = tpu.memref_slice %arg21[%dma_wait3A_176, %dma_wait3A_177] : memref<100352x16xf32, #tpu.memory_space<vmem_shared>> -> memref<100352x16xf32, #tpu.memory_space<vmem_shared>>
          tpu.wait_indirect_dma semaphore(%arg19 : memref<!tpu.dma_semaphore, #tpu.memory_space<semaphore_mem>>) src(%dma_wait3A_172 : memref<128x16xf32, #tpu.memory_space<vmem>>) dst(%dma_wait3A_178 : memref<100352x16xf32, #tpu.memory_space<vmem_shared>>)
        } else {
        }
        %dma_wait3A = arith.constant 0 : i32
        %dma_wait3A_107 = arith.constant 0 : i32
        %dma_wait3A_108 = arith.constant 0 : i32
        %dma_wait3A_109 = tpu.memref_slice %arg6[%dma_wait3A, %dma_wait3A_107, %dma_wait3A_108] : memref<2x2x256xi32, #tpu.memory_space<vmem>> -> memref<1x1x256xi32, #tpu.memory_space<vmem>>
        %dma_wait3A_110 = tpu.memref_squeeze %dma_wait3A_109 : memref<1x1x256xi32, #tpu.memory_space<vmem>> -> memref<256xi32, #tpu.memory_space<vmem>>
        %dma_wait3A_111 = arith.constant 0 : i32
        %dma_wait3A_112 = arith.constant 0 : i32
        %dma_wait3A_113 = tpu.memref_slice %arg3[%dma_wait3A_111, %dma_wait3A_112] : memref<100352x8xf32, #tpu.memory_space<hbm>> -> memref<100352x8xf32, #tpu.memory_space<hbm>>
        tpu.wait_indirect_dma semaphore(%arg15 : memref<!tpu.dma_semaphore, #tpu.memory_space<semaphore_mem>>) src(%dma_wait3A_113 : memref<100352x8xf32, #tpu.memory_space<hbm>>) dst(%arg8 : memref<256x8xf32, #tpu.memory_space<vmem>>)
        %dma_wait3A_114 = arith.constant 0 : i32
        %dma_wait3A_115 = arith.constant 1 : i32
        %dma_wait3A_116 = arith.constant 0 : i32
        %dma_wait3A_117 = tpu.memref_slice %arg6[%dma_wait3A_114, %dma_wait3A_115, %dma_wait3A_116] : memref<2x2x256xi32, #tpu.memory_space<vmem>> -> memref<1x1x256xi32, #tpu.memory_space<vmem>>
        %dma_wait3A_118 = tpu.memref_squeeze %dma_wait3A_117 : memref<1x1x256xi32, #tpu.memory_space<vmem>> -> memref<256xi32, #tpu.memory_space<vmem>>
        %dma_wait3A_119 = arith.constant 0 : i32
        %dma_wait3A_120 = arith.constant 0 : i32
        %dma_wait3A_121 = tpu.memref_slice %arg4[%dma_wait3A_119, %dma_wait3A_120] : memref<100352x8xf32, #tpu.memory_space<hbm>> -> memref<100352x8xf32, #tpu.memory_space<hbm>>
        tpu.wait_indirect_dma semaphore(%arg17 : memref<!tpu.dma_semaphore, #tpu.memory_space<semaphore_mem>>) src(%dma_wait3A_121 : memref<100352x8xf32, #tpu.memory_space<hbm>>) dst(%arg10 : memref<256x8xf32, #tpu.memory_space<vmem>>)
        %scan3A_122 = arith.constant 0 : i32
        %scan3A_123 = arith.constant 0 : i32
        %scan3A_124 = arith.constant 8 : i32
        %scan3A_125 = arith.addi %scan3A_123, %scan3A_124 : i32
        %scan3A_126 = arith.constant 1 : i32
        %scan3A_127 = scf.for %scan3A_157 = %scan3A_123 to %scan3A_125 step %scan3A_126 iter_args(%scan3A_158 = %scan3A_122) -> (i32)  : i32 {
          %mul3A_159 = arith.constant 16 : i32
          %mul3A_160 = arith.muli %scan3A_157, %mul3A_159 : i32
          %add3A_161 = vector.broadcast %mul3A_160 : i32 to vector<16xi32>
          %add3A_162 = arith.addi %add3A_161, %iota3A : vector<16xi32>
          %broadcast_in_dim3A = arith.constant 5 : i32
          %broadcast_in_dim3A_163 = vector.broadcast %broadcast_in_dim3A : i32 to vector<16xi32>
          %gather3A = tpu.vector_load_idx %arg8[%add3A_162, %broadcast_in_dim3A_163] : memref<256x8xf32, #tpu.memory_space<vmem>>[vector<16xi32>, vector<16xi32>], vector<16xf32>,
          %broadcast_in_dim3A_164 = arith.constant 6 : i32
          %broadcast_in_dim3A_165 = vector.broadcast %broadcast_in_dim3A_164 : i32 to vector<16xi32>
          %gather3A_166 = tpu.vector_load_idx %arg8[%add3A_162, %broadcast_in_dim3A_165] : memref<256x8xf32, #tpu.memory_space<vmem>>[vector<16xi32>, vector<16xi32>], vector<16xf32>,
          %broadcast_in_dim3A_167 = arith.constant 0 : i32
          %broadcast_in_dim3A_168 = vector.broadcast %broadcast_in_dim3A_167 : i32 to vector<16xi32>
          %gather3A_169 = tpu.vector_load_idx %arg10[%add3A_162, %broadcast_in_dim3A_168] : memref<256x8xf32, #tpu.memory_space<vmem>>[vector<16xi32>, vector<16xi32>], vector<16xf32>,
          %broadcast_in_dim3A_170 = arith.constant 1 : i32
          %broadcast_in_dim3A_171 = vector.broadcast %broadcast_in_dim3A_170 : i32 to vector<16xi32>
          %gather3A_172 = tpu.vector_load_idx %arg10[%add3A_162, %broadcast_in_dim3A_171] : memref<256x8xf32, #tpu.memory_space<vmem>>[vector<16xi32>, vector<16xi32>], vector<16xf32>,
          %add3A_173 = arith.addf %gather3A, %gather3A_169 : vector<16xf32>
          %ge3A_174 = arith.constant 0.000000e+00 : f32
          %ge3A_175 = vector.broadcast %ge3A_174 : f32 to vector<16xf32>
          %ge3A_176 = arith.cmpf oge, %add3A_173, %ge3A_175 : vector<16xf32>
          %mul3A_177 = arith.constant 2.000000e-01 : f32
          %mul3A_178 = vector.broadcast %mul3A_177 : f32 to vector<16xf32>
          %mul3A_179 = arith.mulf %add3A_173, %mul3A_178 : vector<16xf32>
          %select_n3A = arith.select %ge3A_176, %add3A_173, %mul3A_179 : vector<16xi1>, vector<16xf32>
          %exp3A = math.exp %select_n3A : vector<16xf32>
          %add3A_180 = arith.addf %gather3A_166, %gather3A_172 : vector<16xf32>
          %ge3A_181 = arith.constant 0.000000e+00 : f32
          %ge3A_182 = vector.broadcast %ge3A_181 : f32 to vector<16xf32>
          %ge3A_183 = arith.cmpf oge, %add3A_180, %ge3A_182 : vector<16xf32>
          %mul3A_184 = arith.constant 2.000000e-01 : f32
          %mul3A_185 = vector.broadcast %mul3A_184 : f32 to vector<16xf32>
          %mul3A_186 = arith.mulf %add3A_180, %mul3A_185 : vector<16xf32>
          %select_n3A_187 = arith.select %ge3A_183, %add3A_180, %mul3A_186 : vector<16xi1>, vector<16xf32>
          %exp3A_188 = math.exp %select_n3A_187 : vector<16xf32>
          %broadcast_in_dim3A_189 = arith.constant 0 : i32
          %broadcast_in_dim3A_190 = vector.broadcast %broadcast_in_dim3A_189 : i32 to vector<16xi32>
          %gather3A_191 = tpu.vector_load_idx %arg8[%add3A_162, %broadcast_in_dim3A_190] : memref<256x8xf32, #tpu.memory_space<vmem>>[vector<16xi32>, vector<16xi32>], vector<16xf32>,
          %broadcast_in_dim3A_192 = arith.constant 0 : i32
          %broadcast_in_dim3A_193 = vector.broadcast %broadcast_in_dim3A_192 : i32 to vector<16xi32>
          %mul3A_194 = arith.mulf %gather3A_191, %exp3A : vector<16xf32>
          tpu.vector_store_idx %arg12[%add3A_162, %broadcast_in_dim3A_193], %mul3A_194 : memref<256x16xf32, #tpu.memory_space<vmem>>[vector<16xi32>, vector<16xi32>], vector<16xf32>,
          %broadcast_in_dim3A_195 = arith.constant 5 : i32
          %broadcast_in_dim3A_196 = vector.broadcast %broadcast_in_dim3A_195 : i32 to vector<16xi32>
          %mul3A_197 = arith.mulf %gather3A_191, %exp3A_188 : vector<16xf32>
          tpu.vector_store_idx %arg12[%add3A_162, %broadcast_in_dim3A_196], %mul3A_197 : memref<256x16xf32, #tpu.memory_space<vmem>>[vector<16xi32>, vector<16xi32>], vector<16xf32>,
          %broadcast_in_dim3A_198 = arith.constant 1 : i32
          %broadcast_in_dim3A_199 = vector.broadcast %broadcast_in_dim3A_198 : i32 to vector<16xi32>
          %gather3A_200 = tpu.vector_load_idx %arg8[%add3A_162, %broadcast_in_dim3A_199] : memref<256x8xf32, #tpu.memory_space<vmem>>[vector<16xi32>, vector<16xi32>], vector<16xf32>,
          %broadcast_in_dim3A_201 = arith.constant 1 : i32
          %broadcast_in_dim3A_202 = vector.broadcast %broadcast_in_dim3A_201 : i32 to vector<16xi32>
          %mul3A_203 = arith.mulf %gather3A_200, %exp3A : vector<16xf32>
          tpu.vector_store_idx %arg12[%add3A_162, %broadcast_in_dim3A_202], %mul3A_203 : memref<256x16xf32, #tpu.memory_space<vmem>>[vector<16xi32>, vector<16xi32>], vector<16xf32>,
          %broadcast_in_dim3A_204 = arith.constant 6 : i32
          %broadcast_in_dim3A_205 = vector.broadcast %broadcast_in_dim3A_204 : i32 to vector<16xi32>
          %mul3A_206 = arith.mulf %gather3A_200, %exp3A_188 : vector<16xf32>
          tpu.vector_store_idx %arg12[%add3A_162, %broadcast_in_dim3A_205], %mul3A_206 : memref<256x16xf32, #tpu.memory_space<vmem>>[vector<16xi32>, vector<16xi32>], vector<16xf32>,
          %broadcast_in_dim3A_207 = arith.constant 2 : i32
          %broadcast_in_dim3A_208 = vector.broadcast %broadcast_in_dim3A_207 : i32 to vector<16xi32>
          %gather3A_209 = tpu.vector_load_idx %arg8[%add3A_162, %broadcast_in_dim3A_208] : memref<256x8xf32, #tpu.memory_space<vmem>>[vector<16xi32>, vector<16xi32>], vector<16xf32>,
          %broadcast_in_dim3A_210 = arith.constant 2 : i32
          %broadcast_in_dim3A_211 = vector.broadcast %broadcast_in_dim3A_210 : i32 to vector<16xi32>
          %mul3A_212 = arith.mulf %gather3A_209, %exp3A : vector<16xf32>
          tpu.vector_store_idx %arg12[%add3A_162, %broadcast_in_dim3A_211], %mul3A_212 : memref<256x16xf32, #tpu.memory_space<vmem>>[vector<16xi32>, vector<16xi32>], vector<16xf32>,
          %broadcast_in_dim3A_213 = arith.constant 7 : i32
          %broadcast_in_dim3A_214 = vector.broadcast %broadcast_in_dim3A_213 : i32 to vector<16xi32>
          %mul3A_215 = arith.mulf %gather3A_209, %exp3A_188 : vector<16xf32>
          tpu.vector_store_idx %arg12[%add3A_162, %broadcast_in_dim3A_214], %mul3A_215 : memref<256x16xf32, #tpu.memory_space<vmem>>[vector<16xi32>, vector<16xi32>], vector<16xf32>,
          %broadcast_in_dim3A_216 = arith.constant 3 : i32
          %broadcast_in_dim3A_217 = vector.broadcast %broadcast_in_dim3A_216 : i32 to vector<16xi32>
          %gather3A_218 = tpu.vector_load_idx %arg8[%add3A_162, %broadcast_in_dim3A_217] : memref<256x8xf32, #tpu.memory_space<vmem>>[vector<16xi32>, vector<16xi32>], vector<16xf32>,
          %broadcast_in_dim3A_219 = arith.constant 3 : i32
          %broadcast_in_dim3A_220 = vector.broadcast %broadcast_in_dim3A_219 : i32 to vector<16xi32>
          %mul3A_221 = arith.mulf %gather3A_218, %exp3A : vector<16xf32>
          tpu.vector_store_idx %arg12[%add3A_162, %broadcast_in_dim3A_220], %mul3A_221 : memref<256x16xf32, #tpu.memory_space<vmem>>[vector<16xi32>, vector<16xi32>], vector<16xf32>,
          %broadcast_in_dim3A_222 = arith.constant 8 : i32
          %broadcast_in_dim3A_223 = vector.broadcast %broadcast_in_dim3A_222 : i32 to vector<16xi32>
          %mul3A_224 = arith.mulf %gather3A_218, %exp3A_188 : vector<16xf32>
          tpu.vector_store_idx %arg12[%add3A_162, %broadcast_in_dim3A_223], %mul3A_224 : memref<256x16xf32, #tpu.memory_space<vmem>>[vector<16xi32>, vector<16xi32>], vector<16xf32>,
          %broadcast_in_dim3A_225 = arith.constant 4 : i32
          %broadcast_in_dim3A_226 = vector.broadcast %broadcast_in_dim3A_225 : i32 to vector<16xi32>
          %gather3A_227 = tpu.vector_load_idx %arg8[%add3A_162, %broadcast_in_dim3A_226] : memref<256x8xf32, #tpu.memory_space<vmem>>[vector<16xi32>, vector<16xi32>], vector<16xf32>,
          %broadcast_in_dim3A_228 = arith.constant 4 : i32
          %broadcast_in_dim3A_229 = vector.broadcast %broadcast_in_dim3A_228 : i32 to vector<16xi32>
          %mul3A_230 = arith.mulf %gather3A_227, %exp3A : vector<16xf32>
          tpu.vector_store_idx %arg12[%add3A_162, %broadcast_in_dim3A_229], %mul3A_230 : memref<256x16xf32, #tpu.memory_space<vmem>>[vector<16xi32>, vector<16xi32>], vector<16xf32>,
          %broadcast_in_dim3A_231 = arith.constant 9 : i32
          %broadcast_in_dim3A_232 = vector.broadcast %broadcast_in_dim3A_231 : i32 to vector<16xi32>
          %mul3A_233 = arith.mulf %gather3A_227, %exp3A_188 : vector<16xf32>
          tpu.vector_store_idx %arg12[%add3A_162, %broadcast_in_dim3A_232], %mul3A_233 : memref<256x16xf32, #tpu.memory_space<vmem>>[vector<16xi32>, vector<16xi32>], vector<16xf32>,
          %broadcast_in_dim3A_234 = arith.constant 10 : i32
          %broadcast_in_dim3A_235 = vector.broadcast %broadcast_in_dim3A_234 : i32 to vector<16xi32>
          tpu.vector_store_idx %arg12[%add3A_162, %broadcast_in_dim3A_235], %exp3A : memref<256x16xf32, #tpu.memory_space<vmem>>[vector<16xi32>, vector<16xi32>], vector<16xf32>,
          %broadcast_in_dim3A_236 = arith.constant 11 : i32
          %broadcast_in_dim3A_237 = vector.broadcast %broadcast_in_dim3A_236 : i32 to vector<16xi32>
          tpu.vector_store_idx %arg12[%add3A_162, %broadcast_in_dim3A_237], %exp3A_188 : memref<256x16xf32, #tpu.memory_space<vmem>>[vector<16xi32>, vector<16xi32>], vector<16xf32>,
          %gather3A_238 = arith.constant 0 : i32
          %gather3A_239 = arith.constant 1 : i32
          %gather3A_240 = arith.constant 0 : i32
          %gather3A_241 = tpu.memref_slice %arg6[%gather3A_238, %gather3A_239, %gather3A_240] : memref<2x2x256xi32, #tpu.memory_space<vmem>> -> memref<1x1x256xi32, #tpu.memory_space<vmem>>
          %gather3A_242 = tpu.memref_squeeze %gather3A_241 : memref<1x1x256xi32, #tpu.memory_space<vmem>> -> memref<256xi32, #tpu.memory_space<vmem>>
          %gather3A_243 = tpu.vector_load_idx %gather3A_242[%add3A_162] : memref<256xi32, #tpu.memory_space<vmem>>[vector<16xi32>], vector<16xi32>,
          %sub3A = arith.constant 0 : i32
          %sub3A_244 = arith.subi %scan3A_157, %sub3A : i32
          %mul3A_245 = arith.constant 16 : i32
          %mul3A_246 = arith.muli %sub3A_244, %mul3A_245 : i32
          %swap3A = arith.constant 0 : i32
          %swap3A_247 = arith.constant 0 : i32
          %swap3A_248 = arith.index_cast %swap3A : i32 to index
          %swap3A_249 = arith.index_cast %swap3A_247 : i32 to index
          %swap3A_250 = arith.index_cast %mul3A_246 : i32 to index
          %swap3A_251 = tpu.vector_load %arg7[%swap3A_248, %swap3A_249, %swap3A_250] {strides = array<i32>} : memref<2x2x128xi32, #tpu.memory_space<vmem>>, vector<16xi32>,
          tpu.vector_store %arg7[%swap3A_248, %swap3A_249, %swap3A_250], %gather3A_243 {strides = array<i32>} : memref<2x2x128xi32, #tpu.memory_space<vmem>>, vector<16xi32>,
          %scan3A_252 = arith.constant 0 : i32
          scf.yield %scan3A_252 : i32
        }
        %scan3A_128 = arith.constant 8 : i32
        %dma_start3A = arith.constant 0 : i32
        %dma_start3A_129 = arith.constant 0 : i32
        %dma_start3A_130 = arith.constant 0 : i32
        %dma_start3A_131 = arith.constant 0 : i32
        %dma_start3A_132 = tpu.memref_slice %arg12[%dma_start3A_130, %dma_start3A_131] : memref<256x16xf32, #tpu.memory_space<vmem>> -> memref<128x16xf32, #tpu.memory_space<vmem>>
        %dma_start3A_133 = arith.constant 0 : i32
        %dma_start3A_134 = tpu.memref_slice %arg7[%dma_start3A, %dma_start3A_129, %dma_start3A_133] : memref<2x2x128xi32, #tpu.memory_space<vmem>> -> memref<1x1x128xi32, #tpu.memory_space<vmem>>
        %dma_start3A_135 = tpu.memref_squeeze %dma_start3A_134 : memref<1x1x128xi32, #tpu.memory_space<vmem>> -> memref<128xi32, #tpu.memory_space<vmem>>
        %dma_start3A_136 = arith.constant 0 : i32
        %dma_start3A_137 = arith.constant 0 : i32
        %dma_start3A_138 = tpu.memref_slice %arg21[%dma_start3A_136, %dma_start3A_137] : memref<100352x16xf32, #tpu.memory_space<vmem_shared>> -> memref<100352x16xf32, #tpu.memory_space<vmem_shared>>
        tpu.enqueue_indirect_dma source(%dma_start3A_132 : memref<128x16xf32, #tpu.memory_space<vmem>>) target(%dma_start3A_138 : memref<100352x16xf32, #tpu.memory_space<vmem_shared>>) offsets(%dma_start3A_135 : memref<128xi32, #tpu.memory_space<vmem>>) semaphore(%arg19 : memref<!tpu.dma_semaphore, #tpu.memory_space<semaphore_mem>>) {add = true}
        %scan3A_139 = arith.constant 0 : i32
        %scan3A_140 = arith.constant 8 : i32
        %scan3A_141 = arith.constant 8 : i32
        %scan3A_142 = arith.addi %scan3A_140, %scan3A_141 : i32
        %scan3A_143 = arith.constant 1 : i32
        %scan3A_144 = scf.for %scan3A_157 = %scan3A_140 to %scan3A_142 step %scan3A_143 iter_args(%scan3A_158 = %scan3A_139) -> (i32)  : i32 {
          %mul3A_159 = arith.constant 16 : i32
          %mul3A_160 = arith.muli %scan3A_157, %mul3A_159 : i32
          %add3A_161 = vector.broadcast %mul3A_160 : i32 to vector<16xi32>
          %add3A_162 = arith.addi %add3A_161, %iota3A : vector<16xi32>
          %broadcast_in_dim3A = arith.constant 5 : i32
          %broadcast_in_dim3A_163 = vector.broadcast %broadcast_in_dim3A : i32 to vector<16xi32>
          %gather3A = tpu.vector_load_idx %arg8[%add3A_162, %broadcast_in_dim3A_163] : memref<256x8xf32, #tpu.memory_space<vmem>>[vector<16xi32>, vector<16xi32>], vector<16xf32>,
          %broadcast_in_dim3A_164 = arith.constant 6 : i32
          %broadcast_in_dim3A_165 = vector.broadcast %broadcast_in_dim3A_164 : i32 to vector<16xi32>
          %gather3A_166 = tpu.vector_load_idx %arg8[%add3A_162, %broadcast_in_dim3A_165] : memref<256x8xf32, #tpu.memory_space<vmem>>[vector<16xi32>, vector<16xi32>], vector<16xf32>,
          %broadcast_in_dim3A_167 = arith.constant 0 : i32
          %broadcast_in_dim3A_168 = vector.broadcast %broadcast_in_dim3A_167 : i32 to vector<16xi32>
          %gather3A_169 = tpu.vector_load_idx %arg10[%add3A_162, %broadcast_in_dim3A_168] : memref<256x8xf32, #tpu.memory_space<vmem>>[vector<16xi32>, vector<16xi32>], vector<16xf32>,
          %broadcast_in_dim3A_170 = arith.constant 1 : i32
          %broadcast_in_dim3A_171 = vector.broadcast %broadcast_in_dim3A_170 : i32 to vector<16xi32>
          %gather3A_172 = tpu.vector_load_idx %arg10[%add3A_162, %broadcast_in_dim3A_171] : memref<256x8xf32, #tpu.memory_space<vmem>>[vector<16xi32>, vector<16xi32>], vector<16xf32>,
          %add3A_173 = arith.addf %gather3A, %gather3A_169 : vector<16xf32>
          %ge3A_174 = arith.constant 0.000000e+00 : f32
          %ge3A_175 = vector.broadcast %ge3A_174 : f32 to vector<16xf32>
          %ge3A_176 = arith.cmpf oge, %add3A_173, %ge3A_175 : vector<16xf32>
          %mul3A_177 = arith.constant 2.000000e-01 : f32
          %mul3A_178 = vector.broadcast %mul3A_177 : f32 to vector<16xf32>
          %mul3A_179 = arith.mulf %add3A_173, %mul3A_178 : vector<16xf32>
          %select_n3A = arith.select %ge3A_176, %add3A_173, %mul3A_179 : vector<16xi1>, vector<16xf32>
          %exp3A = math.exp %select_n3A : vector<16xf32>
          %add3A_180 = arith.addf %gather3A_166, %gather3A_172 : vector<16xf32>
          %ge3A_181 = arith.constant 0.000000e+00 : f32
          %ge3A_182 = vector.broadcast %ge3A_181 : f32 to vector<16xf32>
          %ge3A_183 = arith.cmpf oge, %add3A_180, %ge3A_182 : vector<16xf32>
          %mul3A_184 = arith.constant 2.000000e-01 : f32
          %mul3A_185 = vector.broadcast %mul3A_184 : f32 to vector<16xf32>
          %mul3A_186 = arith.mulf %add3A_180, %mul3A_185 : vector<16xf32>
          %select_n3A_187 = arith.select %ge3A_183, %add3A_180, %mul3A_186 : vector<16xi1>, vector<16xf32>
          %exp3A_188 = math.exp %select_n3A_187 : vector<16xf32>
          %broadcast_in_dim3A_189 = arith.constant 0 : i32
          %broadcast_in_dim3A_190 = vector.broadcast %broadcast_in_dim3A_189 : i32 to vector<16xi32>
          %gather3A_191 = tpu.vector_load_idx %arg8[%add3A_162, %broadcast_in_dim3A_190] : memref<256x8xf32, #tpu.memory_space<vmem>>[vector<16xi32>, vector<16xi32>], vector<16xf32>,
          %broadcast_in_dim3A_192 = arith.constant 0 : i32
          %broadcast_in_dim3A_193 = vector.broadcast %broadcast_in_dim3A_192 : i32 to vector<16xi32>
          %mul3A_194 = arith.mulf %gather3A_191, %exp3A : vector<16xf32>
          tpu.vector_store_idx %arg12[%add3A_162, %broadcast_in_dim3A_193], %mul3A_194 : memref<256x16xf32, #tpu.memory_space<vmem>>[vector<16xi32>, vector<16xi32>], vector<16xf32>,
          %broadcast_in_dim3A_195 = arith.constant 5 : i32
          %broadcast_in_dim3A_196 = vector.broadcast %broadcast_in_dim3A_195 : i32 to vector<16xi32>
          %mul3A_197 = arith.mulf %gather3A_191, %exp3A_188 : vector<16xf32>
          tpu.vector_store_idx %arg12[%add3A_162, %broadcast_in_dim3A_196], %mul3A_197 : memref<256x16xf32, #tpu.memory_space<vmem>>[vector<16xi32>, vector<16xi32>], vector<16xf32>,
          %broadcast_in_dim3A_198 = arith.constant 1 : i32
          %broadcast_in_dim3A_199 = vector.broadcast %broadcast_in_dim3A_198 : i32 to vector<16xi32>
          %gather3A_200 = tpu.vector_load_idx %arg8[%add3A_162, %broadcast_in_dim3A_199] : memref<256x8xf32, #tpu.memory_space<vmem>>[vector<16xi32>, vector<16xi32>], vector<16xf32>,
          %broadcast_in_dim3A_201 = arith.constant 1 : i32
          %broadcast_in_dim3A_202 = vector.broadcast %broadcast_in_dim3A_201 : i32 to vector<16xi32>
          %mul3A_203 = arith.mulf %gather3A_200, %exp3A : vector<16xf32>
          tpu.vector_store_idx %arg12[%add3A_162, %broadcast_in_dim3A_202], %mul3A_203 : memref<256x16xf32, #tpu.memory_space<vmem>>[vector<16xi32>, vector<16xi32>], vector<16xf32>,
          %broadcast_in_dim3A_204 = arith.constant 6 : i32
          %broadcast_in_dim3A_205 = vector.broadcast %broadcast_in_dim3A_204 : i32 to vector<16xi32>
          %mul3A_206 = arith.mulf %gather3A_200, %exp3A_188 : vector<16xf32>
          tpu.vector_store_idx %arg12[%add3A_162, %broadcast_in_dim3A_205], %mul3A_206 : memref<256x16xf32, #tpu.memory_space<vmem>>[vector<16xi32>, vector<16xi32>], vector<16xf32>,
          %broadcast_in_dim3A_207 = arith.constant 2 : i32
          %broadcast_in_dim3A_208 = vector.broadcast %broadcast_in_dim3A_207 : i32 to vector<16xi32>
          %gather3A_209 = tpu.vector_load_idx %arg8[%add3A_162, %broadcast_in_dim3A_208] : memref<256x8xf32, #tpu.memory_space<vmem>>[vector<16xi32>, vector<16xi32>], vector<16xf32>,
          %broadcast_in_dim3A_210 = arith.constant 2 : i32
          %broadcast_in_dim3A_211 = vector.broadcast %broadcast_in_dim3A_210 : i32 to vector<16xi32>
          %mul3A_212 = arith.mulf %gather3A_209, %exp3A : vector<16xf32>
          tpu.vector_store_idx %arg12[%add3A_162, %broadcast_in_dim3A_211], %mul3A_212 : memref<256x16xf32, #tpu.memory_space<vmem>>[vector<16xi32>, vector<16xi32>], vector<16xf32>,
          %broadcast_in_dim3A_213 = arith.constant 7 : i32
          %broadcast_in_dim3A_214 = vector.broadcast %broadcast_in_dim3A_213 : i32 to vector<16xi32>
          %mul3A_215 = arith.mulf %gather3A_209, %exp3A_188 : vector<16xf32>
          tpu.vector_store_idx %arg12[%add3A_162, %broadcast_in_dim3A_214], %mul3A_215 : memref<256x16xf32, #tpu.memory_space<vmem>>[vector<16xi32>, vector<16xi32>], vector<16xf32>,
          %broadcast_in_dim3A_216 = arith.constant 3 : i32
          %broadcast_in_dim3A_217 = vector.broadcast %broadcast_in_dim3A_216 : i32 to vector<16xi32>
          %gather3A_218 = tpu.vector_load_idx %arg8[%add3A_162, %broadcast_in_dim3A_217] : memref<256x8xf32, #tpu.memory_space<vmem>>[vector<16xi32>, vector<16xi32>], vector<16xf32>,
          %broadcast_in_dim3A_219 = arith.constant 3 : i32
          %broadcast_in_dim3A_220 = vector.broadcast %broadcast_in_dim3A_219 : i32 to vector<16xi32>
          %mul3A_221 = arith.mulf %gather3A_218, %exp3A : vector<16xf32>
          tpu.vector_store_idx %arg12[%add3A_162, %broadcast_in_dim3A_220], %mul3A_221 : memref<256x16xf32, #tpu.memory_space<vmem>>[vector<16xi32>, vector<16xi32>], vector<16xf32>,
          %broadcast_in_dim3A_222 = arith.constant 8 : i32
          %broadcast_in_dim3A_223 = vector.broadcast %broadcast_in_dim3A_222 : i32 to vector<16xi32>
          %mul3A_224 = arith.mulf %gather3A_218, %exp3A_188 : vector<16xf32>
          tpu.vector_store_idx %arg12[%add3A_162, %broadcast_in_dim3A_223], %mul3A_224 : memref<256x16xf32, #tpu.memory_space<vmem>>[vector<16xi32>, vector<16xi32>], vector<16xf32>,
          %broadcast_in_dim3A_225 = arith.constant 4 : i32
          %broadcast_in_dim3A_226 = vector.broadcast %broadcast_in_dim3A_225 : i32 to vector<16xi32>
          %gather3A_227 = tpu.vector_load_idx %arg8[%add3A_162, %broadcast_in_dim3A_226] : memref<256x8xf32, #tpu.memory_space<vmem>>[vector<16xi32>, vector<16xi32>], vector<16xf32>,
          %broadcast_in_dim3A_228 = arith.constant 4 : i32
          %broadcast_in_dim3A_229 = vector.broadcast %broadcast_in_dim3A_228 : i32 to vector<16xi32>
          %mul3A_230 = arith.mulf %gather3A_227, %exp3A : vector<16xf32>
          tpu.vector_store_idx %arg12[%add3A_162, %broadcast_in_dim3A_229], %mul3A_230 : memref<256x16xf32, #tpu.memory_space<vmem>>[vector<16xi32>, vector<16xi32>], vector<16xf32>,
          %broadcast_in_dim3A_231 = arith.constant 9 : i32
          %broadcast_in_dim3A_232 = vector.broadcast %broadcast_in_dim3A_231 : i32 to vector<16xi32>
          %mul3A_233 = arith.mulf %gather3A_227, %exp3A_188 : vector<16xf32>
          tpu.vector_store_idx %arg12[%add3A_162, %broadcast_in_dim3A_232], %mul3A_233 : memref<256x16xf32, #tpu.memory_space<vmem>>[vector<16xi32>, vector<16xi32>], vector<16xf32>,
          %broadcast_in_dim3A_234 = arith.constant 10 : i32
          %broadcast_in_dim3A_235 = vector.broadcast %broadcast_in_dim3A_234 : i32 to vector<16xi32>
          tpu.vector_store_idx %arg12[%add3A_162, %broadcast_in_dim3A_235], %exp3A : memref<256x16xf32, #tpu.memory_space<vmem>>[vector<16xi32>, vector<16xi32>], vector<16xf32>,
          %broadcast_in_dim3A_236 = arith.constant 11 : i32
          %broadcast_in_dim3A_237 = vector.broadcast %broadcast_in_dim3A_236 : i32 to vector<16xi32>
          tpu.vector_store_idx %arg12[%add3A_162, %broadcast_in_dim3A_237], %exp3A_188 : memref<256x16xf32, #tpu.memory_space<vmem>>[vector<16xi32>, vector<16xi32>], vector<16xf32>,
          %gather3A_238 = arith.constant 0 : i32
          %gather3A_239 = arith.constant 1 : i32
          %gather3A_240 = arith.constant 0 : i32
          %gather3A_241 = tpu.memref_slice %arg6[%gather3A_238, %gather3A_239, %gather3A_240] : memref<2x2x256xi32, #tpu.memory_space<vmem>> -> memref<1x1x256xi32, #tpu.memory_space<vmem>>
          %gather3A_242 = tpu.memref_squeeze %gather3A_241 : memref<1x1x256xi32, #tpu.memory_space<vmem>> -> memref<256xi32, #tpu.memory_space<vmem>>
          %gather3A_243 = tpu.vector_load_idx %gather3A_242[%add3A_162] : memref<256xi32, #tpu.memory_space<vmem>>[vector<16xi32>], vector<16xi32>,
          %sub3A = arith.constant 8 : i32
          %sub3A_244 = arith.subi %scan3A_157, %sub3A : i32
          %mul3A_245 = arith.constant 16 : i32
          %mul3A_246 = arith.muli %sub3A_244, %mul3A_245 : i32
          %swap3A = arith.constant 0 : i32
          %swap3A_247 = arith.constant 1 : i32
          %swap3A_248 = arith.index_cast %swap3A : i32 to index
          %swap3A_249 = arith.index_cast %swap3A_247 : i32 to index
          %swap3A_250 = arith.index_cast %mul3A_246 : i32 to index
          %swap3A_251 = tpu.vector_load %arg7[%swap3A_248, %swap3A_249, %swap3A_250] {strides = array<i32>} : memref<2x2x128xi32, #tpu.memory_space<vmem>>, vector<16xi32>,
          tpu.vector_store %arg7[%swap3A_248, %swap3A_249, %swap3A_250], %gather3A_243 {strides = array<i32>} : memref<2x2x128xi32, #tpu.memory_space<vmem>>, vector<16xi32>,
          %scan3A_252 = arith.constant 0 : i32
          scf.yield %scan3A_252 : i32
        }
        %scan3A_145 = arith.constant 8 : i32
        %dma_start3A_146 = arith.constant 0 : i32
        %dma_start3A_147 = arith.constant 1 : i32
        %dma_start3A_148 = arith.constant 128 : i32
        %dma_start3A_149 = arith.constant 0 : i32
        %dma_start3A_150 = tpu.memref_slice %arg12[%dma_start3A_148, %dma_start3A_149] : memref<256x16xf32, #tpu.memory_space<vmem>> -> memref<128x16xf32, #tpu.memory_space<vmem>>
        %dma_start3A_151 = arith.constant 0 : i32
        %dma_start3A_152 = tpu.memref_slice %arg7[%dma_start3A_146, %dma_start3A_147, %dma_start3A_151] : memref<2x2x128xi32, #tpu.memory_space<vmem>> -> memref<1x1x128xi32, #tpu.memory_space<vmem>>
        %dma_start3A_153 = tpu.memref_squeeze %dma_start3A_152 : memref<1x1x128xi32, #tpu.memory_space<vmem>> -> memref<128xi32, #tpu.memory_space<vmem>>
        %dma_start3A_154 = arith.constant 0 : i32
        %dma_start3A_155 = arith.constant 0 : i32
        %dma_start3A_156 = tpu.memref_slice %arg21[%dma_start3A_154, %dma_start3A_155] : memref<100352x16xf32, #tpu.memory_space<vmem_shared>> -> memref<100352x16xf32, #tpu.memory_space<vmem_shared>>
        tpu.enqueue_indirect_dma source(%dma_start3A_150 : memref<128x16xf32, #tpu.memory_space<vmem>>) target(%dma_start3A_156 : memref<100352x16xf32, #tpu.memory_space<vmem_shared>>) offsets(%dma_start3A_153 : memref<128xi32, #tpu.memory_space<vmem>>) semaphore(%arg19 : memref<!tpu.dma_semaphore, #tpu.memory_space<semaphore_mem>>) {add = true}
      } else {
      }
      %mul3A_80 = arith.constant 2 : i32
      %mul3A_81 = arith.muli %mul3A_80, %scan3A_56 : i32
      %add3A_82 = arith.constant 1 : i32
      %add3A_83 = arith.addi %mul3A_81, %add3A_82 : i32
      %add3A_84 = arith.constant 1 : i32
      %add3A_85 = arith.addi %add3A_83, %add3A_84 : i32
      %mul3A_86 = arith.constant 32 : i32
      %mul3A_87 = arith.muli %add3A_85, %mul3A_86 : i32
      %add3A_88 = arith.addi %mul3A_87, %add3A : i32
      %lt3A_89 = arith.constant 6250 : i32
      %lt3A_90 = arith.cmpi slt, %add3A_88, %lt3A_89 : i32
      %convert_element_type3A_91 = arith.extui %lt3A_90 : i1 to i32
      %cond3A_92 = arith.constant 0 : i32
      %cond3A_93 = arith.cmpi ne, %convert_element_type3A_91, %cond3A_92 : i32
      scf.if %cond3A_93 {
        %mul3A_103 = arith.constant 32 : i32
        %mul3A_104 = arith.muli %add3A_85, %mul3A_103 : i32
        %add3A_105 = arith.addi %mul3A_104, %add3A : i32
        %mul3A_106 = arith.constant 256 : i32
        %mul3A_107 = arith.muli %add3A_105, %mul3A_106 : i32
        %run_scoped3A = arith.constant 0 : i32
        "tpu.region"() ({
          %run_scoped3A_123 = tpu.sem_alloc : memref<!tpu.dma_semaphore, #tpu.memory_space<semaphore_mem>>
          %dma_start3A_124 = arith.constant 0 : i32
          %dma_start3A_125 = arith.constant 0 : i32
          %dma_start3A_126 = tpu.memref_slice %arg6[%run_scoped3A, %dma_start3A_124, %dma_start3A_125] : memref<2x2x256xi32, #tpu.memory_space<vmem>> -> memref<1x2x256xi32, #tpu.memory_space<vmem>>
          %dma_start3A_127 = tpu.memref_squeeze %dma_start3A_126 : memref<1x2x256xi32, #tpu.memory_space<vmem>> -> memref<2x256xi32, #tpu.memory_space<vmem>>
          %dma_start3A_128 = arith.constant 0 : i32
          %dma_start3A_129 = tpu.memref_slice %arg2[%dma_start3A_128, %mul3A_107] : memref<2x1600000xi32, #tpu.memory_space<hbm>> -> memref<2x256xi32, #tpu.memory_space<hbm>>
          %dma_start3A_130 = arith.constant 0 : i32
          %dma_start3A_131 = arith.constant 0 : i32
          %dma_start3A_132 = tpu.memref_slice %arg6[%run_scoped3A, %dma_start3A_130, %dma_start3A_131] : memref<2x2x256xi32, #tpu.memory_space<vmem>> -> memref<1x2x256xi32, #tpu.memory_space<vmem>>
          %dma_start3A_133 = tpu.memref_squeeze %dma_start3A_132 : memref<1x2x256xi32, #tpu.memory_space<vmem>> -> memref<2x256xi32, #tpu.memory_space<vmem>>
          %dma_start3A_134 = arith.constant 0 : i32
          %dma_start3A_135 = tpu.memref_slice %arg2[%dma_start3A_134, %mul3A_107] : memref<2x1600000xi32, #tpu.memory_space<hbm>> -> memref<2x256xi32, #tpu.memory_space<hbm>>
          tpu.enqueue_dma source(%dma_start3A_135 : memref<2x256xi32, #tpu.memory_space<hbm>>) target(%dma_start3A_133 : memref<2x256xi32, #tpu.memory_space<vmem>>) target_semaphore(%run_scoped3A_123 : memref<!tpu.dma_semaphore, #tpu.memory_space<semaphore_mem>>)
          %dma_wait3A = arith.constant 0 : i32
          %dma_wait3A_136 = arith.constant 0 : i32
          %dma_wait3A_137 = tpu.memref_slice %arg6[%run_scoped3A, %dma_wait3A, %dma_wait3A_136] : memref<2x2x256xi32, #tpu.memory_space<vmem>> -> memref<1x2x256xi32, #tpu.memory_space<vmem>>
          %dma_wait3A_138 = tpu.memref_squeeze %dma_wait3A_137 : memref<1x2x256xi32, #tpu.memory_space<vmem>> -> memref<2x256xi32, #tpu.memory_space<vmem>>
          %dma_wait3A_139 = arith.constant 0 : i32
          %dma_wait3A_140 = tpu.memref_slice %arg2[%dma_wait3A_139, %mul3A_107] : memref<2x1600000xi32, #tpu.memory_space<hbm>> -> memref<2x256xi32, #tpu.memory_space<hbm>>
          %dma_wait3A_141 = arith.constant 0 : i32
          %dma_wait3A_142 = arith.constant 0 : i32
          %dma_wait3A_143 = tpu.memref_slice %arg6[%run_scoped3A, %dma_wait3A_141, %dma_wait3A_142] : memref<2x2x256xi32, #tpu.memory_space<vmem>> -> memref<1x2x256xi32, #tpu.memory_space<vmem>>
          %dma_wait3A_144 = tpu.memref_squeeze %dma_wait3A_143 : memref<1x2x256xi32, #tpu.memory_space<vmem>> -> memref<2x256xi32, #tpu.memory_space<vmem>>
          %dma_wait3A_145 = arith.constant 0 : i32
          %dma_wait3A_146 = tpu.memref_slice %arg2[%dma_wait3A_145, %mul3A_107] : memref<2x1600000xi32, #tpu.memory_space<hbm>> -> memref<2x256xi32, #tpu.memory_space<hbm>>
          tpu.wait_dma2 semaphore(%run_scoped3A_123 : memref<!tpu.dma_semaphore, #tpu.memory_space<semaphore_mem>>) src(%dma_wait3A_146 : memref<2x256xi32, #tpu.memory_space<hbm>>) dst(%dma_wait3A_144 : memref<2x256xi32, #tpu.memory_space<vmem>>)
          tpu.yield
        }) : () -> ()
        %dma_start3A = arith.constant 0 : i32
        %dma_start3A_108 = arith.constant 0 : i32
        %dma_start3A_109 = arith.constant 0 : i32
        %dma_start3A_110 = tpu.memref_slice %arg6[%dma_start3A, %dma_start3A_108, %dma_start3A_109] : memref<2x2x256xi32, #tpu.memory_space<vmem>> -> memref<1x1x256xi32, #tpu.memory_space<vmem>>
        %dma_start3A_111 = tpu.memref_squeeze %dma_start3A_110 : memref<1x1x256xi32, #tpu.memory_space<vmem>> -> memref<256xi32, #tpu.memory_space<vmem>>
        %dma_start3A_112 = arith.constant 0 : i32
        %dma_start3A_113 = arith.constant 0 : i32
        %dma_start3A_114 = tpu.memref_slice %arg3[%dma_start3A_112, %dma_start3A_113] : memref<100352x8xf32, #tpu.memory_space<hbm>> -> memref<100352x8xf32, #tpu.memory_space<hbm>>
        tpu.enqueue_indirect_dma source(%dma_start3A_114 : memref<100352x8xf32, #tpu.memory_space<hbm>>) target(%arg8 : memref<256x8xf32, #tpu.memory_space<vmem>>) offsets(%dma_start3A_111 : memref<256xi32, #tpu.memory_space<vmem>>) semaphore(%arg15 : memref<!tpu.dma_semaphore, #tpu.memory_space<semaphore_mem>>)
        %dma_start3A_115 = arith.constant 0 : i32
        %dma_start3A_116 = arith.constant 1 : i32
        %dma_start3A_117 = arith.constant 0 : i32
        %dma_start3A_118 = tpu.memref_slice %arg6[%dma_start3A_115, %dma_start3A_116, %dma_start3A_117] : memref<2x2x256xi32, #tpu.memory_space<vmem>> -> memref<1x1x256xi32, #tpu.memory_space<vmem>>
        %dma_start3A_119 = tpu.memref_squeeze %dma_start3A_118 : memref<1x1x256xi32, #tpu.memory_space<vmem>> -> memref<256xi32, #tpu.memory_space<vmem>>
        %dma_start3A_120 = arith.constant 0 : i32
        %dma_start3A_121 = arith.constant 0 : i32
        %dma_start3A_122 = tpu.memref_slice %arg4[%dma_start3A_120, %dma_start3A_121] : memref<100352x8xf32, #tpu.memory_space<hbm>> -> memref<100352x8xf32, #tpu.memory_space<hbm>>
        tpu.enqueue_indirect_dma source(%dma_start3A_122 : memref<100352x8xf32, #tpu.memory_space<hbm>>) target(%arg10 : memref<256x8xf32, #tpu.memory_space<vmem>>) offsets(%dma_start3A_119 : memref<256xi32, #tpu.memory_space<vmem>>) semaphore(%arg17 : memref<!tpu.dma_semaphore, #tpu.memory_space<semaphore_mem>>)
      } else {
      }
      %mul3A_94 = arith.constant 32 : i32
      %mul3A_95 = arith.muli %add3A_83, %mul3A_94 : i32
      %add3A_96 = arith.addi %mul3A_95, %add3A : i32
      %lt3A_97 = arith.constant 6250 : i32
      %lt3A_98 = arith.cmpi slt, %add3A_96, %lt3A_97 : i32
      %convert_element_type3A_99 = arith.extui %lt3A_98 : i1 to i32
      %cond3A_100 = arith.constant 0 : i32
      %cond3A_101 = arith.cmpi ne, %convert_element_type3A_99, %cond3A_100 : i32
      scf.if %cond3A_101 {
        %ge3A = arith.constant 2 : i32
        %ge3A_103 = arith.cmpi sge, %add3A_83, %ge3A : i32
        %convert_element_type3A_104 = arith.extui %ge3A_103 : i1 to i32
        %cond3A_105 = arith.constant 0 : i32
        %cond3A_106 = arith.cmpi ne, %convert_element_type3A_104, %cond3A_105 : i32
        scf.if %cond3A_106 {
          %dma_wait3A_157 = arith.constant 1 : i32
          %dma_wait3A_158 = arith.constant 0 : i32
          %dma_wait3A_159 = arith.constant 0 : i32
          %dma_wait3A_160 = arith.constant 0 : i32
          %dma_wait3A_161 = tpu.memref_slice %arg13[%dma_wait3A_159, %dma_wait3A_160] : memref<256x16xf32, #tpu.memory_space<vmem>> -> memref<128x16xf32, #tpu.memory_space<vmem>>
          %dma_wait3A_162 = arith.constant 0 : i32
          %dma_wait3A_163 = tpu.memref_slice %arg7[%dma_wait3A_157, %dma_wait3A_158, %dma_wait3A_162] : memref<2x2x128xi32, #tpu.memory_space<vmem>> -> memref<1x1x128xi32, #tpu.memory_space<vmem>>
          %dma_wait3A_164 = tpu.memref_squeeze %dma_wait3A_163 : memref<1x1x128xi32, #tpu.memory_space<vmem>> -> memref<128xi32, #tpu.memory_space<vmem>>
          %dma_wait3A_165 = arith.constant 0 : i32
          %dma_wait3A_166 = arith.constant 0 : i32
          %dma_wait3A_167 = tpu.memref_slice %arg21[%dma_wait3A_165, %dma_wait3A_166] : memref<100352x16xf32, #tpu.memory_space<vmem_shared>> -> memref<100352x16xf32, #tpu.memory_space<vmem_shared>>
          tpu.wait_indirect_dma semaphore(%arg20 : memref<!tpu.dma_semaphore, #tpu.memory_space<semaphore_mem>>) src(%dma_wait3A_161 : memref<128x16xf32, #tpu.memory_space<vmem>>) dst(%dma_wait3A_167 : memref<100352x16xf32, #tpu.memory_space<vmem_shared>>)
          %dma_wait3A_168 = arith.constant 1 : i32
          %dma_wait3A_169 = arith.constant 1 : i32
          %dma_wait3A_170 = arith.constant 128 : i32
          %dma_wait3A_171 = arith.constant 0 : i32
          %dma_wait3A_172 = tpu.memref_slice %arg13[%dma_wait3A_170, %dma_wait3A_171] : memref<256x16xf32, #tpu.memory_space<vmem>> -> memref<128x16xf32, #tpu.memory_space<vmem>>
          %dma_wait3A_173 = arith.constant 0 : i32
          %dma_wait3A_174 = tpu.memref_slice %arg7[%dma_wait3A_168, %dma_wait3A_169, %dma_wait3A_173] : memref<2x2x128xi32, #tpu.memory_space<vmem>> -> memref<1x1x128xi32, #tpu.memory_space<vmem>>
          %dma_wait3A_175 = tpu.memref_squeeze %dma_wait3A_174 : memref<1x1x128xi32, #tpu.memory_space<vmem>> -> memref<128xi32, #tpu.memory_space<vmem>>
          %dma_wait3A_176 = arith.constant 0 : i32
          %dma_wait3A_177 = arith.constant 0 : i32
          %dma_wait3A_178 = tpu.memref_slice %arg21[%dma_wait3A_176, %dma_wait3A_177] : memref<100352x16xf32, #tpu.memory_space<vmem_shared>> -> memref<100352x16xf32, #tpu.memory_space<vmem_shared>>
          tpu.wait_indirect_dma semaphore(%arg20 : memref<!tpu.dma_semaphore, #tpu.memory_space<semaphore_mem>>) src(%dma_wait3A_172 : memref<128x16xf32, #tpu.memory_space<vmem>>) dst(%dma_wait3A_178 : memref<100352x16xf32, #tpu.memory_space<vmem_shared>>)
        } else {
        }
        %dma_wait3A = arith.constant 1 : i32
        %dma_wait3A_107 = arith.constant 0 : i32
        %dma_wait3A_108 = arith.constant 0 : i32
        %dma_wait3A_109 = tpu.memref_slice %arg6[%dma_wait3A, %dma_wait3A_107, %dma_wait3A_108] : memref<2x2x256xi32, #tpu.memory_space<vmem>> -> memref<1x1x256xi32, #tpu.memory_space<vmem>>
        %dma_wait3A_110 = tpu.memref_squeeze %dma_wait3A_109 : memref<1x1x256xi32, #tpu.memory_space<vmem>> -> memref<256xi32, #tpu.memory_space<vmem>>
        %dma_wait3A_111 = arith.constant 0 : i32
        %dma_wait3A_112 = arith.constant 0 : i32
        %dma_wait3A_113 = tpu.memref_slice %arg3[%dma_wait3A_111, %dma_wait3A_112] : memref<100352x8xf32, #tpu.memory_space<hbm>> -> memref<100352x8xf32, #tpu.memory_space<hbm>>
        tpu.wait_indirect_dma semaphore(%arg16 : memref<!tpu.dma_semaphore, #tpu.memory_space<semaphore_mem>>) src(%dma_wait3A_113 : memref<100352x8xf32, #tpu.memory_space<hbm>>) dst(%arg9 : memref<256x8xf32, #tpu.memory_space<vmem>>)
        %dma_wait3A_114 = arith.constant 1 : i32
        %dma_wait3A_115 = arith.constant 1 : i32
        %dma_wait3A_116 = arith.constant 0 : i32
        %dma_wait3A_117 = tpu.memref_slice %arg6[%dma_wait3A_114, %dma_wait3A_115, %dma_wait3A_116] : memref<2x2x256xi32, #tpu.memory_space<vmem>> -> memref<1x1x256xi32, #tpu.memory_space<vmem>>
        %dma_wait3A_118 = tpu.memref_squeeze %dma_wait3A_117 : memref<1x1x256xi32, #tpu.memory_space<vmem>> -> memref<256xi32, #tpu.memory_space<vmem>>
        %dma_wait3A_119 = arith.constant 0 : i32
        %dma_wait3A_120 = arith.constant 0 : i32
        %dma_wait3A_121 = tpu.memref_slice %arg4[%dma_wait3A_119, %dma_wait3A_120] : memref<100352x8xf32, #tpu.memory_space<hbm>> -> memref<100352x8xf32, #tpu.memory_space<hbm>>
        tpu.wait_indirect_dma semaphore(%arg18 : memref<!tpu.dma_semaphore, #tpu.memory_space<semaphore_mem>>) src(%dma_wait3A_121 : memref<100352x8xf32, #tpu.memory_space<hbm>>) dst(%arg11 : memref<256x8xf32, #tpu.memory_space<vmem>>)
        %scan3A_122 = arith.constant 0 : i32
        %scan3A_123 = arith.constant 0 : i32
        %scan3A_124 = arith.constant 8 : i32
        %scan3A_125 = arith.addi %scan3A_123, %scan3A_124 : i32
        %scan3A_126 = arith.constant 1 : i32
        %scan3A_127 = scf.for %scan3A_157 = %scan3A_123 to %scan3A_125 step %scan3A_126 iter_args(%scan3A_158 = %scan3A_122) -> (i32)  : i32 {
          %mul3A_159 = arith.constant 16 : i32
          %mul3A_160 = arith.muli %scan3A_157, %mul3A_159 : i32
          %add3A_161 = vector.broadcast %mul3A_160 : i32 to vector<16xi32>
          %add3A_162 = arith.addi %add3A_161, %iota3A : vector<16xi32>
          %broadcast_in_dim3A = arith.constant 5 : i32
          %broadcast_in_dim3A_163 = vector.broadcast %broadcast_in_dim3A : i32 to vector<16xi32>
          %gather3A = tpu.vector_load_idx %arg9[%add3A_162, %broadcast_in_dim3A_163] : memref<256x8xf32, #tpu.memory_space<vmem>>[vector<16xi32>, vector<16xi32>], vector<16xf32>,
          %broadcast_in_dim3A_164 = arith.constant 6 : i32
          %broadcast_in_dim3A_165 = vector.broadcast %broadcast_in_dim3A_164 : i32 to vector<16xi32>
          %gather3A_166 = tpu.vector_load_idx %arg9[%add3A_162, %broadcast_in_dim3A_165] : memref<256x8xf32, #tpu.memory_space<vmem>>[vector<16xi32>, vector<16xi32>], vector<16xf32>,
          %broadcast_in_dim3A_167 = arith.constant 0 : i32
          %broadcast_in_dim3A_168 = vector.broadcast %broadcast_in_dim3A_167 : i32 to vector<16xi32>
          %gather3A_169 = tpu.vector_load_idx %arg11[%add3A_162, %broadcast_in_dim3A_168] : memref<256x8xf32, #tpu.memory_space<vmem>>[vector<16xi32>, vector<16xi32>], vector<16xf32>,
          %broadcast_in_dim3A_170 = arith.constant 1 : i32
          %broadcast_in_dim3A_171 = vector.broadcast %broadcast_in_dim3A_170 : i32 to vector<16xi32>
          %gather3A_172 = tpu.vector_load_idx %arg11[%add3A_162, %broadcast_in_dim3A_171] : memref<256x8xf32, #tpu.memory_space<vmem>>[vector<16xi32>, vector<16xi32>], vector<16xf32>,
          %add3A_173 = arith.addf %gather3A, %gather3A_169 : vector<16xf32>
          %ge3A_174 = arith.constant 0.000000e+00 : f32
          %ge3A_175 = vector.broadcast %ge3A_174 : f32 to vector<16xf32>
          %ge3A_176 = arith.cmpf oge, %add3A_173, %ge3A_175 : vector<16xf32>
          %mul3A_177 = arith.constant 2.000000e-01 : f32
          %mul3A_178 = vector.broadcast %mul3A_177 : f32 to vector<16xf32>
          %mul3A_179 = arith.mulf %add3A_173, %mul3A_178 : vector<16xf32>
          %select_n3A = arith.select %ge3A_176, %add3A_173, %mul3A_179 : vector<16xi1>, vector<16xf32>
          %exp3A = math.exp %select_n3A : vector<16xf32>
          %add3A_180 = arith.addf %gather3A_166, %gather3A_172 : vector<16xf32>
          %ge3A_181 = arith.constant 0.000000e+00 : f32
          %ge3A_182 = vector.broadcast %ge3A_181 : f32 to vector<16xf32>
          %ge3A_183 = arith.cmpf oge, %add3A_180, %ge3A_182 : vector<16xf32>
          %mul3A_184 = arith.constant 2.000000e-01 : f32
          %mul3A_185 = vector.broadcast %mul3A_184 : f32 to vector<16xf32>
          %mul3A_186 = arith.mulf %add3A_180, %mul3A_185 : vector<16xf32>
          %select_n3A_187 = arith.select %ge3A_183, %add3A_180, %mul3A_186 : vector<16xi1>, vector<16xf32>
          %exp3A_188 = math.exp %select_n3A_187 : vector<16xf32>
          %broadcast_in_dim3A_189 = arith.constant 0 : i32
          %broadcast_in_dim3A_190 = vector.broadcast %broadcast_in_dim3A_189 : i32 to vector<16xi32>
          %gather3A_191 = tpu.vector_load_idx %arg9[%add3A_162, %broadcast_in_dim3A_190] : memref<256x8xf32, #tpu.memory_space<vmem>>[vector<16xi32>, vector<16xi32>], vector<16xf32>,
          %broadcast_in_dim3A_192 = arith.constant 0 : i32
          %broadcast_in_dim3A_193 = vector.broadcast %broadcast_in_dim3A_192 : i32 to vector<16xi32>
          %mul3A_194 = arith.mulf %gather3A_191, %exp3A : vector<16xf32>
          tpu.vector_store_idx %arg13[%add3A_162, %broadcast_in_dim3A_193], %mul3A_194 : memref<256x16xf32, #tpu.memory_space<vmem>>[vector<16xi32>, vector<16xi32>], vector<16xf32>,
          %broadcast_in_dim3A_195 = arith.constant 5 : i32
          %broadcast_in_dim3A_196 = vector.broadcast %broadcast_in_dim3A_195 : i32 to vector<16xi32>
          %mul3A_197 = arith.mulf %gather3A_191, %exp3A_188 : vector<16xf32>
          tpu.vector_store_idx %arg13[%add3A_162, %broadcast_in_dim3A_196], %mul3A_197 : memref<256x16xf32, #tpu.memory_space<vmem>>[vector<16xi32>, vector<16xi32>], vector<16xf32>,
          %broadcast_in_dim3A_198 = arith.constant 1 : i32
          %broadcast_in_dim3A_199 = vector.broadcast %broadcast_in_dim3A_198 : i32 to vector<16xi32>
          %gather3A_200 = tpu.vector_load_idx %arg9[%add3A_162, %broadcast_in_dim3A_199] : memref<256x8xf32, #tpu.memory_space<vmem>>[vector<16xi32>, vector<16xi32>], vector<16xf32>,
          %broadcast_in_dim3A_201 = arith.constant 1 : i32
          %broadcast_in_dim3A_202 = vector.broadcast %broadcast_in_dim3A_201 : i32 to vector<16xi32>
          %mul3A_203 = arith.mulf %gather3A_200, %exp3A : vector<16xf32>
          tpu.vector_store_idx %arg13[%add3A_162, %broadcast_in_dim3A_202], %mul3A_203 : memref<256x16xf32, #tpu.memory_space<vmem>>[vector<16xi32>, vector<16xi32>], vector<16xf32>,
          %broadcast_in_dim3A_204 = arith.constant 6 : i32
          %broadcast_in_dim3A_205 = vector.broadcast %broadcast_in_dim3A_204 : i32 to vector<16xi32>
          %mul3A_206 = arith.mulf %gather3A_200, %exp3A_188 : vector<16xf32>
          tpu.vector_store_idx %arg13[%add3A_162, %broadcast_in_dim3A_205], %mul3A_206 : memref<256x16xf32, #tpu.memory_space<vmem>>[vector<16xi32>, vector<16xi32>], vector<16xf32>,
          %broadcast_in_dim3A_207 = arith.constant 2 : i32
          %broadcast_in_dim3A_208 = vector.broadcast %broadcast_in_dim3A_207 : i32 to vector<16xi32>
          %gather3A_209 = tpu.vector_load_idx %arg9[%add3A_162, %broadcast_in_dim3A_208] : memref<256x8xf32, #tpu.memory_space<vmem>>[vector<16xi32>, vector<16xi32>], vector<16xf32>,
          %broadcast_in_dim3A_210 = arith.constant 2 : i32
          %broadcast_in_dim3A_211 = vector.broadcast %broadcast_in_dim3A_210 : i32 to vector<16xi32>
          %mul3A_212 = arith.mulf %gather3A_209, %exp3A : vector<16xf32>
          tpu.vector_store_idx %arg13[%add3A_162, %broadcast_in_dim3A_211], %mul3A_212 : memref<256x16xf32, #tpu.memory_space<vmem>>[vector<16xi32>, vector<16xi32>], vector<16xf32>,
          %broadcast_in_dim3A_213 = arith.constant 7 : i32
          %broadcast_in_dim3A_214 = vector.broadcast %broadcast_in_dim3A_213 : i32 to vector<16xi32>
          %mul3A_215 = arith.mulf %gather3A_209, %exp3A_188 : vector<16xf32>
          tpu.vector_store_idx %arg13[%add3A_162, %broadcast_in_dim3A_214], %mul3A_215 : memref<256x16xf32, #tpu.memory_space<vmem>>[vector<16xi32>, vector<16xi32>], vector<16xf32>,
          %broadcast_in_dim3A_216 = arith.constant 3 : i32
          %broadcast_in_dim3A_217 = vector.broadcast %broadcast_in_dim3A_216 : i32 to vector<16xi32>
          %gather3A_218 = tpu.vector_load_idx %arg9[%add3A_162, %broadcast_in_dim3A_217] : memref<256x8xf32, #tpu.memory_space<vmem>>[vector<16xi32>, vector<16xi32>], vector<16xf32>,
          %broadcast_in_dim3A_219 = arith.constant 3 : i32
          %broadcast_in_dim3A_220 = vector.broadcast %broadcast_in_dim3A_219 : i32 to vector<16xi32>
          %mul3A_221 = arith.mulf %gather3A_218, %exp3A : vector<16xf32>
          tpu.vector_store_idx %arg13[%add3A_162, %broadcast_in_dim3A_220], %mul3A_221 : memref<256x16xf32, #tpu.memory_space<vmem>>[vector<16xi32>, vector<16xi32>], vector<16xf32>,
          %broadcast_in_dim3A_222 = arith.constant 8 : i32
          %broadcast_in_dim3A_223 = vector.broadcast %broadcast_in_dim3A_222 : i32 to vector<16xi32>
          %mul3A_224 = arith.mulf %gather3A_218, %exp3A_188 : vector<16xf32>
          tpu.vector_store_idx %arg13[%add3A_162, %broadcast_in_dim3A_223], %mul3A_224 : memref<256x16xf32, #tpu.memory_space<vmem>>[vector<16xi32>, vector<16xi32>], vector<16xf32>,
          %broadcast_in_dim3A_225 = arith.constant 4 : i32
          %broadcast_in_dim3A_226 = vector.broadcast %broadcast_in_dim3A_225 : i32 to vector<16xi32>
          %gather3A_227 = tpu.vector_load_idx %arg9[%add3A_162, %broadcast_in_dim3A_226] : memref<256x8xf32, #tpu.memory_space<vmem>>[vector<16xi32>, vector<16xi32>], vector<16xf32>,
          %broadcast_in_dim3A_228 = arith.constant 4 : i32
          %broadcast_in_dim3A_229 = vector.broadcast %broadcast_in_dim3A_228 : i32 to vector<16xi32>
          %mul3A_230 = arith.mulf %gather3A_227, %exp3A : vector<16xf32>
          tpu.vector_store_idx %arg13[%add3A_162, %broadcast_in_dim3A_229], %mul3A_230 : memref<256x16xf32, #tpu.memory_space<vmem>>[vector<16xi32>, vector<16xi32>], vector<16xf32>,
          %broadcast_in_dim3A_231 = arith.constant 9 : i32
          %broadcast_in_dim3A_232 = vector.broadcast %broadcast_in_dim3A_231 : i32 to vector<16xi32>
          %mul3A_233 = arith.mulf %gather3A_227, %exp3A_188 : vector<16xf32>
          tpu.vector_store_idx %arg13[%add3A_162, %broadcast_in_dim3A_232], %mul3A_233 : memref<256x16xf32, #tpu.memory_space<vmem>>[vector<16xi32>, vector<16xi32>], vector<16xf32>,
          %broadcast_in_dim3A_234 = arith.constant 10 : i32
          %broadcast_in_dim3A_235 = vector.broadcast %broadcast_in_dim3A_234 : i32 to vector<16xi32>
          tpu.vector_store_idx %arg13[%add3A_162, %broadcast_in_dim3A_235], %exp3A : memref<256x16xf32, #tpu.memory_space<vmem>>[vector<16xi32>, vector<16xi32>], vector<16xf32>,
          %broadcast_in_dim3A_236 = arith.constant 11 : i32
          %broadcast_in_dim3A_237 = vector.broadcast %broadcast_in_dim3A_236 : i32 to vector<16xi32>
          tpu.vector_store_idx %arg13[%add3A_162, %broadcast_in_dim3A_237], %exp3A_188 : memref<256x16xf32, #tpu.memory_space<vmem>>[vector<16xi32>, vector<16xi32>], vector<16xf32>,
          %gather3A_238 = arith.constant 1 : i32
          %gather3A_239 = arith.constant 1 : i32
          %gather3A_240 = arith.constant 0 : i32
          %gather3A_241 = tpu.memref_slice %arg6[%gather3A_238, %gather3A_239, %gather3A_240] : memref<2x2x256xi32, #tpu.memory_space<vmem>> -> memref<1x1x256xi32, #tpu.memory_space<vmem>>
          %gather3A_242 = tpu.memref_squeeze %gather3A_241 : memref<1x1x256xi32, #tpu.memory_space<vmem>> -> memref<256xi32, #tpu.memory_space<vmem>>
          %gather3A_243 = tpu.vector_load_idx %gather3A_242[%add3A_162] : memref<256xi32, #tpu.memory_space<vmem>>[vector<16xi32>], vector<16xi32>,
          %sub3A = arith.constant 0 : i32
          %sub3A_244 = arith.subi %scan3A_157, %sub3A : i32
          %mul3A_245 = arith.constant 16 : i32
          %mul3A_246 = arith.muli %sub3A_244, %mul3A_245 : i32
          %swap3A = arith.constant 1 : i32
          %swap3A_247 = arith.constant 0 : i32
          %swap3A_248 = arith.index_cast %swap3A : i32 to index
          %swap3A_249 = arith.index_cast %swap3A_247 : i32 to index
          %swap3A_250 = arith.index_cast %mul3A_246 : i32 to index
          %swap3A_251 = tpu.vector_load %arg7[%swap3A_248, %swap3A_249, %swap3A_250] {strides = array<i32>} : memref<2x2x128xi32, #tpu.memory_space<vmem>>, vector<16xi32>,
          tpu.vector_store %arg7[%swap3A_248, %swap3A_249, %swap3A_250], %gather3A_243 {strides = array<i32>} : memref<2x2x128xi32, #tpu.memory_space<vmem>>, vector<16xi32>,
          %scan3A_252 = arith.constant 0 : i32
          scf.yield %scan3A_252 : i32
        }
        %scan3A_128 = arith.constant 8 : i32
        %dma_start3A = arith.constant 1 : i32
        %dma_start3A_129 = arith.constant 0 : i32
        %dma_start3A_130 = arith.constant 0 : i32
        %dma_start3A_131 = arith.constant 0 : i32
        %dma_start3A_132 = tpu.memref_slice %arg13[%dma_start3A_130, %dma_start3A_131] : memref<256x16xf32, #tpu.memory_space<vmem>> -> memref<128x16xf32, #tpu.memory_space<vmem>>
        %dma_start3A_133 = arith.constant 0 : i32
        %dma_start3A_134 = tpu.memref_slice %arg7[%dma_start3A, %dma_start3A_129, %dma_start3A_133] : memref<2x2x128xi32, #tpu.memory_space<vmem>> -> memref<1x1x128xi32, #tpu.memory_space<vmem>>
        %dma_start3A_135 = tpu.memref_squeeze %dma_start3A_134 : memref<1x1x128xi32, #tpu.memory_space<vmem>> -> memref<128xi32, #tpu.memory_space<vmem>>
        %dma_start3A_136 = arith.constant 0 : i32
        %dma_start3A_137 = arith.constant 0 : i32
        %dma_start3A_138 = tpu.memref_slice %arg21[%dma_start3A_136, %dma_start3A_137] : memref<100352x16xf32, #tpu.memory_space<vmem_shared>> -> memref<100352x16xf32, #tpu.memory_space<vmem_shared>>
        tpu.enqueue_indirect_dma source(%dma_start3A_132 : memref<128x16xf32, #tpu.memory_space<vmem>>) target(%dma_start3A_138 : memref<100352x16xf32, #tpu.memory_space<vmem_shared>>) offsets(%dma_start3A_135 : memref<128xi32, #tpu.memory_space<vmem>>) semaphore(%arg20 : memref<!tpu.dma_semaphore, #tpu.memory_space<semaphore_mem>>) {add = true}
        %scan3A_139 = arith.constant 0 : i32
        %scan3A_140 = arith.constant 8 : i32
        %scan3A_141 = arith.constant 8 : i32
        %scan3A_142 = arith.addi %scan3A_140, %scan3A_141 : i32
        %scan3A_143 = arith.constant 1 : i32
        %scan3A_144 = scf.for %scan3A_157 = %scan3A_140 to %scan3A_142 step %scan3A_143 iter_args(%scan3A_158 = %scan3A_139) -> (i32)  : i32 {
          %mul3A_159 = arith.constant 16 : i32
          %mul3A_160 = arith.muli %scan3A_157, %mul3A_159 : i32
          %add3A_161 = vector.broadcast %mul3A_160 : i32 to vector<16xi32>
          %add3A_162 = arith.addi %add3A_161, %iota3A : vector<16xi32>
          %broadcast_in_dim3A = arith.constant 5 : i32
          %broadcast_in_dim3A_163 = vector.broadcast %broadcast_in_dim3A : i32 to vector<16xi32>
          %gather3A = tpu.vector_load_idx %arg9[%add3A_162, %broadcast_in_dim3A_163] : memref<256x8xf32, #tpu.memory_space<vmem>>[vector<16xi32>, vector<16xi32>], vector<16xf32>,
          %broadcast_in_dim3A_164 = arith.constant 6 : i32
          %broadcast_in_dim3A_165 = vector.broadcast %broadcast_in_dim3A_164 : i32 to vector<16xi32>
          %gather3A_166 = tpu.vector_load_idx %arg9[%add3A_162, %broadcast_in_dim3A_165] : memref<256x8xf32, #tpu.memory_space<vmem>>[vector<16xi32>, vector<16xi32>], vector<16xf32>,
          %broadcast_in_dim3A_167 = arith.constant 0 : i32
          %broadcast_in_dim3A_168 = vector.broadcast %broadcast_in_dim3A_167 : i32 to vector<16xi32>
          %gather3A_169 = tpu.vector_load_idx %arg11[%add3A_162, %broadcast_in_dim3A_168] : memref<256x8xf32, #tpu.memory_space<vmem>>[vector<16xi32>, vector<16xi32>], vector<16xf32>,
          %broadcast_in_dim3A_170 = arith.constant 1 : i32
          %broadcast_in_dim3A_171 = vector.broadcast %broadcast_in_dim3A_170 : i32 to vector<16xi32>
          %gather3A_172 = tpu.vector_load_idx %arg11[%add3A_162, %broadcast_in_dim3A_171] : memref<256x8xf32, #tpu.memory_space<vmem>>[vector<16xi32>, vector<16xi32>], vector<16xf32>,
          %add3A_173 = arith.addf %gather3A, %gather3A_169 : vector<16xf32>
          %ge3A_174 = arith.constant 0.000000e+00 : f32
          %ge3A_175 = vector.broadcast %ge3A_174 : f32 to vector<16xf32>
          %ge3A_176 = arith.cmpf oge, %add3A_173, %ge3A_175 : vector<16xf32>
          %mul3A_177 = arith.constant 2.000000e-01 : f32
          %mul3A_178 = vector.broadcast %mul3A_177 : f32 to vector<16xf32>
          %mul3A_179 = arith.mulf %add3A_173, %mul3A_178 : vector<16xf32>
          %select_n3A = arith.select %ge3A_176, %add3A_173, %mul3A_179 : vector<16xi1>, vector<16xf32>
          %exp3A = math.exp %select_n3A : vector<16xf32>
          %add3A_180 = arith.addf %gather3A_166, %gather3A_172 : vector<16xf32>
          %ge3A_181 = arith.constant 0.000000e+00 : f32
          %ge3A_182 = vector.broadcast %ge3A_181 : f32 to vector<16xf32>
          %ge3A_183 = arith.cmpf oge, %add3A_180, %ge3A_182 : vector<16xf32>
          %mul3A_184 = arith.constant 2.000000e-01 : f32
          %mul3A_185 = vector.broadcast %mul3A_184 : f32 to vector<16xf32>
          %mul3A_186 = arith.mulf %add3A_180, %mul3A_185 : vector<16xf32>
          %select_n3A_187 = arith.select %ge3A_183, %add3A_180, %mul3A_186 : vector<16xi1>, vector<16xf32>
          %exp3A_188 = math.exp %select_n3A_187 : vector<16xf32>
          %broadcast_in_dim3A_189 = arith.constant 0 : i32
          %broadcast_in_dim3A_190 = vector.broadcast %broadcast_in_dim3A_189 : i32 to vector<16xi32>
          %gather3A_191 = tpu.vector_load_idx %arg9[%add3A_162, %broadcast_in_dim3A_190] : memref<256x8xf32, #tpu.memory_space<vmem>>[vector<16xi32>, vector<16xi32>], vector<16xf32>,
          %broadcast_in_dim3A_192 = arith.constant 0 : i32
          %broadcast_in_dim3A_193 = vector.broadcast %broadcast_in_dim3A_192 : i32 to vector<16xi32>
          %mul3A_194 = arith.mulf %gather3A_191, %exp3A : vector<16xf32>
          tpu.vector_store_idx %arg13[%add3A_162, %broadcast_in_dim3A_193], %mul3A_194 : memref<256x16xf32, #tpu.memory_space<vmem>>[vector<16xi32>, vector<16xi32>], vector<16xf32>,
          %broadcast_in_dim3A_195 = arith.constant 5 : i32
          %broadcast_in_dim3A_196 = vector.broadcast %broadcast_in_dim3A_195 : i32 to vector<16xi32>
          %mul3A_197 = arith.mulf %gather3A_191, %exp3A_188 : vector<16xf32>
          tpu.vector_store_idx %arg13[%add3A_162, %broadcast_in_dim3A_196], %mul3A_197 : memref<256x16xf32, #tpu.memory_space<vmem>>[vector<16xi32>, vector<16xi32>], vector<16xf32>,
          %broadcast_in_dim3A_198 = arith.constant 1 : i32
          %broadcast_in_dim3A_199 = vector.broadcast %broadcast_in_dim3A_198 : i32 to vector<16xi32>
          %gather3A_200 = tpu.vector_load_idx %arg9[%add3A_162, %broadcast_in_dim3A_199] : memref<256x8xf32, #tpu.memory_space<vmem>>[vector<16xi32>, vector<16xi32>], vector<16xf32>,
          %broadcast_in_dim3A_201 = arith.constant 1 : i32
          %broadcast_in_dim3A_202 = vector.broadcast %broadcast_in_dim3A_201 : i32 to vector<16xi32>
          %mul3A_203 = arith.mulf %gather3A_200, %exp3A : vector<16xf32>
          tpu.vector_store_idx %arg13[%add3A_162, %broadcast_in_dim3A_202], %mul3A_203 : memref<256x16xf32, #tpu.memory_space<vmem>>[vector<16xi32>, vector<16xi32>], vector<16xf32>,
          %broadcast_in_dim3A_204 = arith.constant 6 : i32
          %broadcast_in_dim3A_205 = vector.broadcast %broadcast_in_dim3A_204 : i32 to vector<16xi32>
          %mul3A_206 = arith.mulf %gather3A_200, %exp3A_188 : vector<16xf32>
          tpu.vector_store_idx %arg13[%add3A_162, %broadcast_in_dim3A_205], %mul3A_206 : memref<256x16xf32, #tpu.memory_space<vmem>>[vector<16xi32>, vector<16xi32>], vector<16xf32>,
          %broadcast_in_dim3A_207 = arith.constant 2 : i32
          %broadcast_in_dim3A_208 = vector.broadcast %broadcast_in_dim3A_207 : i32 to vector<16xi32>
          %gather3A_209 = tpu.vector_load_idx %arg9[%add3A_162, %broadcast_in_dim3A_208] : memref<256x8xf32, #tpu.memory_space<vmem>>[vector<16xi32>, vector<16xi32>], vector<16xf32>,
          %broadcast_in_dim3A_210 = arith.constant 2 : i32
          %broadcast_in_dim3A_211 = vector.broadcast %broadcast_in_dim3A_210 : i32 to vector<16xi32>
          %mul3A_212 = arith.mulf %gather3A_209, %exp3A : vector<16xf32>
          tpu.vector_store_idx %arg13[%add3A_162, %broadcast_in_dim3A_211], %mul3A_212 : memref<256x16xf32, #tpu.memory_space<vmem>>[vector<16xi32>, vector<16xi32>], vector<16xf32>,
          %broadcast_in_dim3A_213 = arith.constant 7 : i32
          %broadcast_in_dim3A_214 = vector.broadcast %broadcast_in_dim3A_213 : i32 to vector<16xi32>
          %mul3A_215 = arith.mulf %gather3A_209, %exp3A_188 : vector<16xf32>
          tpu.vector_store_idx %arg13[%add3A_162, %broadcast_in_dim3A_214], %mul3A_215 : memref<256x16xf32, #tpu.memory_space<vmem>>[vector<16xi32>, vector<16xi32>], vector<16xf32>,
          %broadcast_in_dim3A_216 = arith.constant 3 : i32
          %broadcast_in_dim3A_217 = vector.broadcast %broadcast_in_dim3A_216 : i32 to vector<16xi32>
          %gather3A_218 = tpu.vector_load_idx %arg9[%add3A_162, %broadcast_in_dim3A_217] : memref<256x8xf32, #tpu.memory_space<vmem>>[vector<16xi32>, vector<16xi32>], vector<16xf32>,
          %broadcast_in_dim3A_219 = arith.constant 3 : i32
          %broadcast_in_dim3A_220 = vector.broadcast %broadcast_in_dim3A_219 : i32 to vector<16xi32>
          %mul3A_221 = arith.mulf %gather3A_218, %exp3A : vector<16xf32>
          tpu.vector_store_idx %arg13[%add3A_162, %broadcast_in_dim3A_220], %mul3A_221 : memref<256x16xf32, #tpu.memory_space<vmem>>[vector<16xi32>, vector<16xi32>], vector<16xf32>,
          %broadcast_in_dim3A_222 = arith.constant 8 : i32
          %broadcast_in_dim3A_223 = vector.broadcast %broadcast_in_dim3A_222 : i32 to vector<16xi32>
          %mul3A_224 = arith.mulf %gather3A_218, %exp3A_188 : vector<16xf32>
          tpu.vector_store_idx %arg13[%add3A_162, %broadcast_in_dim3A_223], %mul3A_224 : memref<256x16xf32, #tpu.memory_space<vmem>>[vector<16xi32>, vector<16xi32>], vector<16xf32>,
          %broadcast_in_dim3A_225 = arith.constant 4 : i32
          %broadcast_in_dim3A_226 = vector.broadcast %broadcast_in_dim3A_225 : i32 to vector<16xi32>
          %gather3A_227 = tpu.vector_load_idx %arg9[%add3A_162, %broadcast_in_dim3A_226] : memref<256x8xf32, #tpu.memory_space<vmem>>[vector<16xi32>, vector<16xi32>], vector<16xf32>,
          %broadcast_in_dim3A_228 = arith.constant 4 : i32
          %broadcast_in_dim3A_229 = vector.broadcast %broadcast_in_dim3A_228 : i32 to vector<16xi32>
          %mul3A_230 = arith.mulf %gather3A_227, %exp3A : vector<16xf32>
          tpu.vector_store_idx %arg13[%add3A_162, %broadcast_in_dim3A_229], %mul3A_230 : memref<256x16xf32, #tpu.memory_space<vmem>>[vector<16xi32>, vector<16xi32>], vector<16xf32>,
          %broadcast_in_dim3A_231 = arith.constant 9 : i32
          %broadcast_in_dim3A_232 = vector.broadcast %broadcast_in_dim3A_231 : i32 to vector<16xi32>
          %mul3A_233 = arith.mulf %gather3A_227, %exp3A_188 : vector<16xf32>
          tpu.vector_store_idx %arg13[%add3A_162, %broadcast_in_dim3A_232], %mul3A_233 : memref<256x16xf32, #tpu.memory_space<vmem>>[vector<16xi32>, vector<16xi32>], vector<16xf32>,
          %broadcast_in_dim3A_234 = arith.constant 10 : i32
          %broadcast_in_dim3A_235 = vector.broadcast %broadcast_in_dim3A_234 : i32 to vector<16xi32>
          tpu.vector_store_idx %arg13[%add3A_162, %broadcast_in_dim3A_235], %exp3A : memref<256x16xf32, #tpu.memory_space<vmem>>[vector<16xi32>, vector<16xi32>], vector<16xf32>,
          %broadcast_in_dim3A_236 = arith.constant 11 : i32
          %broadcast_in_dim3A_237 = vector.broadcast %broadcast_in_dim3A_236 : i32 to vector<16xi32>
          tpu.vector_store_idx %arg13[%add3A_162, %broadcast_in_dim3A_237], %exp3A_188 : memref<256x16xf32, #tpu.memory_space<vmem>>[vector<16xi32>, vector<16xi32>], vector<16xf32>,
          %gather3A_238 = arith.constant 1 : i32
          %gather3A_239 = arith.constant 1 : i32
          %gather3A_240 = arith.constant 0 : i32
          %gather3A_241 = tpu.memref_slice %arg6[%gather3A_238, %gather3A_239, %gather3A_240] : memref<2x2x256xi32, #tpu.memory_space<vmem>> -> memref<1x1x256xi32, #tpu.memory_space<vmem>>
          %gather3A_242 = tpu.memref_squeeze %gather3A_241 : memref<1x1x256xi32, #tpu.memory_space<vmem>> -> memref<256xi32, #tpu.memory_space<vmem>>
          %gather3A_243 = tpu.vector_load_idx %gather3A_242[%add3A_162] : memref<256xi32, #tpu.memory_space<vmem>>[vector<16xi32>], vector<16xi32>,
          %sub3A = arith.constant 8 : i32
          %sub3A_244 = arith.subi %scan3A_157, %sub3A : i32
          %mul3A_245 = arith.constant 16 : i32
          %mul3A_246 = arith.muli %sub3A_244, %mul3A_245 : i32
          %swap3A = arith.constant 1 : i32
          %swap3A_247 = arith.constant 1 : i32
          %swap3A_248 = arith.index_cast %swap3A : i32 to index
          %swap3A_249 = arith.index_cast %swap3A_247 : i32 to index
          %swap3A_250 = arith.index_cast %mul3A_246 : i32 to index
          %swap3A_251 = tpu.vector_load %arg7[%swap3A_248, %swap3A_249, %swap3A_250] {strides = array<i32>} : memref<2x2x128xi32, #tpu.memory_space<vmem>>, vector<16xi32>,
          tpu.vector_store %arg7[%swap3A_248, %swap3A_249, %swap3A_250], %gather3A_243 {strides = array<i32>} : memref<2x2x128xi32, #tpu.memory_space<vmem>>, vector<16xi32>,
          %scan3A_252 = arith.constant 0 : i32
          scf.yield %scan3A_252 : i32
        }
        %scan3A_145 = arith.constant 8 : i32
        %dma_start3A_146 = arith.constant 1 : i32
        %dma_start3A_147 = arith.constant 1 : i32
        %dma_start3A_148 = arith.constant 128 : i32
        %dma_start3A_149 = arith.constant 0 : i32
        %dma_start3A_150 = tpu.memref_slice %arg13[%dma_start3A_148, %dma_start3A_149] : memref<256x16xf32, #tpu.memory_space<vmem>> -> memref<128x16xf32, #tpu.memory_space<vmem>>
        %dma_start3A_151 = arith.constant 0 : i32
        %dma_start3A_152 = tpu.memref_slice %arg7[%dma_start3A_146, %dma_start3A_147, %dma_start3A_151] : memref<2x2x128xi32, #tpu.memory_space<vmem>> -> memref<1x1x128xi32, #tpu.memory_space<vmem>>
        %dma_start3A_153 = tpu.memref_squeeze %dma_start3A_152 : memref<1x1x128xi32, #tpu.memory_space<vmem>> -> memref<128xi32, #tpu.memory_space<vmem>>
        %dma_start3A_154 = arith.constant 0 : i32
        %dma_start3A_155 = arith.constant 0 : i32
        %dma_start3A_156 = tpu.memref_slice %arg21[%dma_start3A_154, %dma_start3A_155] : memref<100352x16xf32, #tpu.memory_space<vmem_shared>> -> memref<100352x16xf32, #tpu.memory_space<vmem_shared>>
        tpu.enqueue_indirect_dma source(%dma_start3A_150 : memref<128x16xf32, #tpu.memory_space<vmem>>) target(%dma_start3A_156 : memref<100352x16xf32, #tpu.memory_space<vmem_shared>>) offsets(%dma_start3A_153 : memref<128xi32, #tpu.memory_space<vmem>>) semaphore(%arg20 : memref<!tpu.dma_semaphore, #tpu.memory_space<semaphore_mem>>) {add = true}
      } else {
      }
      %scan3A_102 = arith.constant 0 : i32
      scf.yield %scan3A_102 : i32
    }
    %scan3A_33 = arith.constant 98 : i32
    %add3A_34 = arith.constant 6208 : i32
    %add3A_35 = arith.addi %add3A_34, %add3A : i32
    %lt3A_36 = arith.constant 6250 : i32
    %lt3A_37 = arith.cmpi slt, %add3A_35, %lt3A_36 : i32
    %convert_element_type3A_38 = arith.extui %lt3A_37 : i1 to i32
    %cond3A_39 = arith.constant 0 : i32
    %cond3A_40 = arith.cmpi ne, %convert_element_type3A_38, %cond3A_39 : i32
    scf.if %cond3A_40 {
      %dma_wait3A = arith.constant 0 : i32
      %dma_wait3A_56 = arith.constant 0 : i32
      %dma_wait3A_57 = arith.constant 0 : i32
      %dma_wait3A_58 = arith.constant 0 : i32
      %dma_wait3A_59 = tpu.memref_slice %arg12[%dma_wait3A_57, %dma_wait3A_58] : memref<256x16xf32, #tpu.memory_space<vmem>> -> memref<128x16xf32, #tpu.memory_space<vmem>>
      %dma_wait3A_60 = arith.constant 0 : i32
      %dma_wait3A_61 = tpu.memref_slice %arg7[%dma_wait3A, %dma_wait3A_56, %dma_wait3A_60] : memref<2x2x128xi32, #tpu.memory_space<vmem>> -> memref<1x1x128xi32, #tpu.memory_space<vmem>>
      %dma_wait3A_62 = tpu.memref_squeeze %dma_wait3A_61 : memref<1x1x128xi32, #tpu.memory_space<vmem>> -> memref<128xi32, #tpu.memory_space<vmem>>
      %dma_wait3A_63 = arith.constant 0 : i32
      %dma_wait3A_64 = arith.constant 0 : i32
      %dma_wait3A_65 = tpu.memref_slice %arg21[%dma_wait3A_63, %dma_wait3A_64] : memref<100352x16xf32, #tpu.memory_space<vmem_shared>> -> memref<100352x16xf32, #tpu.memory_space<vmem_shared>>
      tpu.wait_indirect_dma semaphore(%arg19 : memref<!tpu.dma_semaphore, #tpu.memory_space<semaphore_mem>>) src(%dma_wait3A_59 : memref<128x16xf32, #tpu.memory_space<vmem>>) dst(%dma_wait3A_65 : memref<100352x16xf32, #tpu.memory_space<vmem_shared>>)
      %dma_wait3A_66 = arith.constant 0 : i32
      %dma_wait3A_67 = arith.constant 1 : i32
      %dma_wait3A_68 = arith.constant 128 : i32
      %dma_wait3A_69 = arith.constant 0 : i32
      %dma_wait3A_70 = tpu.memref_slice %arg12[%dma_wait3A_68, %dma_wait3A_69] : memref<256x16xf32, #tpu.memory_space<vmem>> -> memref<128x16xf32, #tpu.memory_space<vmem>>
      %dma_wait3A_71 = arith.constant 0 : i32
      %dma_wait3A_72 = tpu.memref_slice %arg7[%dma_wait3A_66, %dma_wait3A_67, %dma_wait3A_71] : memref<2x2x128xi32, #tpu.memory_space<vmem>> -> memref<1x1x128xi32, #tpu.memory_space<vmem>>
      %dma_wait3A_73 = tpu.memref_squeeze %dma_wait3A_72 : memref<1x1x128xi32, #tpu.memory_space<vmem>> -> memref<128xi32, #tpu.memory_space<vmem>>
      %dma_wait3A_74 = arith.constant 0 : i32
      %dma_wait3A_75 = arith.constant 0 : i32
      %dma_wait3A_76 = tpu.memref_slice %arg21[%dma_wait3A_74, %dma_wait3A_75] : memref<100352x16xf32, #tpu.memory_space<vmem_shared>> -> memref<100352x16xf32, #tpu.memory_space<vmem_shared>>
      tpu.wait_indirect_dma semaphore(%arg19 : memref<!tpu.dma_semaphore, #tpu.memory_space<semaphore_mem>>) src(%dma_wait3A_70 : memref<128x16xf32, #tpu.memory_space<vmem>>) dst(%dma_wait3A_76 : memref<100352x16xf32, #tpu.memory_space<vmem_shared>>)
    } else {
    }
    %add3A_41 = arith.constant 6240 : i32
    %add3A_42 = arith.addi %add3A_41, %add3A : i32
    %lt3A_43 = arith.constant 6250 : i32
    %lt3A_44 = arith.cmpi slt, %add3A_42, %lt3A_43 : i32
    %convert_element_type3A_45 = arith.extui %lt3A_44 : i1 to i32
    %cond3A_46 = arith.constant 0 : i32
    %cond3A_47 = arith.cmpi ne, %convert_element_type3A_45, %cond3A_46 : i32
    scf.if %cond3A_47 {
      %dma_wait3A = arith.constant 1 : i32
      %dma_wait3A_56 = arith.constant 0 : i32
      %dma_wait3A_57 = arith.constant 0 : i32
      %dma_wait3A_58 = arith.constant 0 : i32
      %dma_wait3A_59 = tpu.memref_slice %arg13[%dma_wait3A_57, %dma_wait3A_58] : memref<256x16xf32, #tpu.memory_space<vmem>> -> memref<128x16xf32, #tpu.memory_space<vmem>>
      %dma_wait3A_60 = arith.constant 0 : i32
      %dma_wait3A_61 = tpu.memref_slice %arg7[%dma_wait3A, %dma_wait3A_56, %dma_wait3A_60] : memref<2x2x128xi32, #tpu.memory_space<vmem>> -> memref<1x1x128xi32, #tpu.memory_space<vmem>>
      %dma_wait3A_62 = tpu.memref_squeeze %dma_wait3A_61 : memref<1x1x128xi32, #tpu.memory_space<vmem>> -> memref<128xi32, #tpu.memory_space<vmem>>
      %dma_wait3A_63 = arith.constant 0 : i32
      %dma_wait3A_64 = arith.constant 0 : i32
      %dma_wait3A_65 = tpu.memref_slice %arg21[%dma_wait3A_63, %dma_wait3A_64] : memref<100352x16xf32, #tpu.memory_space<vmem_shared>> -> memref<100352x16xf32, #tpu.memory_space<vmem_shared>>
      tpu.wait_indirect_dma semaphore(%arg20 : memref<!tpu.dma_semaphore, #tpu.memory_space<semaphore_mem>>) src(%dma_wait3A_59 : memref<128x16xf32, #tpu.memory_space<vmem>>) dst(%dma_wait3A_65 : memref<100352x16xf32, #tpu.memory_space<vmem_shared>>)
      %dma_wait3A_66 = arith.constant 1 : i32
      %dma_wait3A_67 = arith.constant 1 : i32
      %dma_wait3A_68 = arith.constant 128 : i32
      %dma_wait3A_69 = arith.constant 0 : i32
      %dma_wait3A_70 = tpu.memref_slice %arg13[%dma_wait3A_68, %dma_wait3A_69] : memref<256x16xf32, #tpu.memory_space<vmem>> -> memref<128x16xf32, #tpu.memory_space<vmem>>
      %dma_wait3A_71 = arith.constant 0 : i32
      %dma_wait3A_72 = tpu.memref_slice %arg7[%dma_wait3A_66, %dma_wait3A_67, %dma_wait3A_71] : memref<2x2x128xi32, #tpu.memory_space<vmem>> -> memref<1x1x128xi32, #tpu.memory_space<vmem>>
      %dma_wait3A_73 = tpu.memref_squeeze %dma_wait3A_72 : memref<1x1x128xi32, #tpu.memory_space<vmem>> -> memref<128xi32, #tpu.memory_space<vmem>>
      %dma_wait3A_74 = arith.constant 0 : i32
      %dma_wait3A_75 = arith.constant 0 : i32
      %dma_wait3A_76 = tpu.memref_slice %arg21[%dma_wait3A_74, %dma_wait3A_75] : memref<100352x16xf32, #tpu.memory_space<vmem_shared>> -> memref<100352x16xf32, #tpu.memory_space<vmem_shared>>
      tpu.wait_indirect_dma semaphore(%arg20 : memref<!tpu.dma_semaphore, #tpu.memory_space<semaphore_mem>>) src(%dma_wait3A_70 : memref<128x16xf32, #tpu.memory_space<vmem>>) dst(%dma_wait3A_76 : memref<100352x16xf32, #tpu.memory_space<vmem_shared>>)
    } else {
    }
    %barrier3A_48 = arith.constant 0 : index
    tpu.barrier barrier_id(%barrier3A_48)
    %scan3A_49 = arith.constant 0 : i32
    %scan3A_50 = arith.constant 0 : i32
    %scan3A_51 = arith.constant 49 : i32
    %scan3A_52 = arith.addi %scan3A_50, %scan3A_51 : i32
    %scan3A_53 = arith.constant 1 : i32
    %scan3A_54 = scf.for %scan3A_56 = %scan3A_50 to %scan3A_52 step %scan3A_53 iter_args(%scan3A_57 = %scan3A_49) -> (i32)  : i32 {
      %mul3A_58 = arith.constant 128 : i32
      %mul3A_59 = arith.muli %scan3A_56, %mul3A_58 : i32
      %add3A_60 = arith.addi %mul3A_2, %mul3A_59 : i32
      "tpu.region"() ({
        %run_scoped3A = tpu.sem_alloc : memref<!tpu.dma_semaphore, #tpu.memory_space<semaphore_mem>>
        %dma_start3A = arith.constant 0 : i32
        %dma_start3A_62 = tpu.memref_slice %arg21[%add3A_60, %dma_start3A] : memref<100352x16xf32, #tpu.memory_space<vmem_shared>> -> memref<128x16xf32, #tpu.memory_space<vmem_shared>>
        %dma_start3A_63 = arith.constant 0 : i32
        %dma_start3A_64 = tpu.memref_slice %arg21[%add3A_60, %dma_start3A_63] : memref<100352x16xf32, #tpu.memory_space<vmem_shared>> -> memref<128x16xf32, #tpu.memory_space<vmem_shared>>
        tpu.enqueue_dma source(%dma_start3A_64 : memref<128x16xf32, #tpu.memory_space<vmem_shared>>) target(%arg14 : memref<128x16xf32, #tpu.memory_space<vmem>>) target_semaphore(%run_scoped3A : memref<!tpu.dma_semaphore, #tpu.memory_space<semaphore_mem>>)
        %dma_wait3A = arith.constant 0 : i32
        %dma_wait3A_65 = tpu.memref_slice %arg21[%add3A_60, %dma_wait3A] : memref<100352x16xf32, #tpu.memory_space<vmem_shared>> -> memref<128x16xf32, #tpu.memory_space<vmem_shared>>
        %dma_wait3A_66 = arith.constant 0 : i32
        %dma_wait3A_67 = tpu.memref_slice %arg21[%add3A_60, %dma_wait3A_66] : memref<100352x16xf32, #tpu.memory_space<vmem_shared>> -> memref<128x16xf32, #tpu.memory_space<vmem_shared>>
        tpu.wait_dma2 semaphore(%run_scoped3A : memref<!tpu.dma_semaphore, #tpu.memory_space<semaphore_mem>>) src(%dma_wait3A_67 : memref<128x16xf32, #tpu.memory_space<vmem_shared>>) dst(%arg14 : memref<128x16xf32, #tpu.memory_space<vmem>>)
        tpu.yield
      }) : () -> ()
      "tpu.region"() ({
        %run_scoped3A = tpu.sem_alloc : memref<!tpu.dma_semaphore, #tpu.memory_space<semaphore_mem>>
        %dma_start3A = arith.constant 0 : i32
        %dma_start3A_62 = arith.constant 0 : i32
        %dma_start3A_63 = tpu.memref_slice %arg5[%arg0, %dma_start3A, %dma_start3A_62] : memref<2x100352x16xf32, #tpu.memory_space<hbm>> -> memref<1x100352x16xf32, #tpu.memory_space<hbm>>
        %dma_start3A_64 = tpu.memref_squeeze %dma_start3A_63 : memref<1x100352x16xf32, #tpu.memory_space<hbm>> -> memref<100352x16xf32, #tpu.memory_space<hbm>>
        %dma_start3A_65 = arith.constant 0 : i32
        %dma_start3A_66 = tpu.memref_slice %dma_start3A_64[%add3A_60, %dma_start3A_65] : memref<100352x16xf32, #tpu.memory_space<hbm>> -> memref<128x16xf32, #tpu.memory_space<hbm>>
        %dma_start3A_67 = arith.constant 0 : i32
        %dma_start3A_68 = arith.constant 0 : i32
        %dma_start3A_69 = tpu.memref_slice %arg5[%arg0, %dma_start3A_67, %dma_start3A_68] : memref<2x100352x16xf32, #tpu.memory_space<hbm>> -> memref<1x100352x16xf32, #tpu.memory_space<hbm>>
        %dma_start3A_70 = tpu.memref_squeeze %dma_start3A_69 : memref<1x100352x16xf32, #tpu.memory_space<hbm>> -> memref<100352x16xf32, #tpu.memory_space<hbm>>
        %dma_start3A_71 = arith.constant 0 : i32
        %dma_start3A_72 = tpu.memref_slice %dma_start3A_70[%add3A_60, %dma_start3A_71] : memref<100352x16xf32, #tpu.memory_space<hbm>> -> memref<128x16xf32, #tpu.memory_space<hbm>>
        tpu.enqueue_dma source(%arg14 : memref<128x16xf32, #tpu.memory_space<vmem>>) target(%dma_start3A_72 : memref<128x16xf32, #tpu.memory_space<hbm>>) target_semaphore(%run_scoped3A : memref<!tpu.dma_semaphore, #tpu.memory_space<semaphore_mem>>)
        %dma_wait3A = arith.constant 0 : i32
        %dma_wait3A_73 = arith.constant 0 : i32
        %dma_wait3A_74 = tpu.memref_slice %arg5[%arg0, %dma_wait3A, %dma_wait3A_73] : memref<2x100352x16xf32, #tpu.memory_space<hbm>> -> memref<1x100352x16xf32, #tpu.memory_space<hbm>>
        %dma_wait3A_75 = tpu.memref_squeeze %dma_wait3A_74 : memref<1x100352x16xf32, #tpu.memory_space<hbm>> -> memref<100352x16xf32, #tpu.memory_space<hbm>>
        %dma_wait3A_76 = arith.constant 0 : i32
        %dma_wait3A_77 = tpu.memref_slice %dma_wait3A_75[%add3A_60, %dma_wait3A_76] : memref<100352x16xf32, #tpu.memory_space<hbm>> -> memref<128x16xf32, #tpu.memory_space<hbm>>
        %dma_wait3A_78 = arith.constant 0 : i32
        %dma_wait3A_79 = arith.constant 0 : i32
        %dma_wait3A_80 = tpu.memref_slice %arg5[%arg0, %dma_wait3A_78, %dma_wait3A_79] : memref<2x100352x16xf32, #tpu.memory_space<hbm>> -> memref<1x100352x16xf32, #tpu.memory_space<hbm>>
        %dma_wait3A_81 = tpu.memref_squeeze %dma_wait3A_80 : memref<1x100352x16xf32, #tpu.memory_space<hbm>> -> memref<100352x16xf32, #tpu.memory_space<hbm>>
        %dma_wait3A_82 = arith.constant 0 : i32
        %dma_wait3A_83 = tpu.memref_slice %dma_wait3A_81[%add3A_60, %dma_wait3A_82] : memref<100352x16xf32, #tpu.memory_space<hbm>> -> memref<128x16xf32, #tpu.memory_space<hbm>>
        tpu.wait_dma2 semaphore(%run_scoped3A : memref<!tpu.dma_semaphore, #tpu.memory_space<semaphore_mem>>) src(%arg14 : memref<128x16xf32, #tpu.memory_space<vmem>>) dst(%dma_wait3A_83 : memref<128x16xf32, #tpu.memory_space<hbm>>)
        tpu.yield
      }) : () -> ()
      %scan3A_61 = arith.constant 0 : i32
      scf.yield %scan3A_61 : i32
    }
    %scan3A_55 = arith.constant 49 : i32
    return
  }
}

#map = affine_map<(d0, d1) -> (0, 0)>
#map1 = affine_map<(d0, d1) -> (0, 0, 0)>
module attributes {stable_mosaic.version = 14 : i64} {
  func.func @k(%arg0: i32, %arg1: i32, %arg2: memref<2x1600000xi32, #tpu.memory_space<hbm>>, %arg3: memref<100352x24xf32, #tpu.memory_space<hbm>>, %arg4: memref<100352x8xf32, #tpu.memory_space<hbm>>, %arg5: memref<2x51200x24xf32, #tpu.memory_space<hbm>>, %arg6: memref<2x2x256xi32, #tpu.memory_space<vmem>>, %arg7: memref<2x2x128xi32, #tpu.memory_space<vmem>>, %arg8: memref<256x24xf32, #tpu.memory_space<vmem>>, %arg9: memref<256x24xf32, #tpu.memory_space<vmem>>, %arg10: memref<256x8xf32, #tpu.memory_space<vmem>>, %arg11: memref<256x8xf32, #tpu.memory_space<vmem>>, %arg12: memref<256x24xf32, #tpu.memory_space<vmem>>, %arg13: memref<256x24xf32, #tpu.memory_space<vmem>>, %arg14: memref<128x24xf32, #tpu.memory_space<vmem>>, %arg15: memref<!tpu.dma_semaphore, #tpu.memory_space<semaphore_mem>>, %arg16: memref<!tpu.dma_semaphore, #tpu.memory_space<semaphore_mem>>, %arg17: memref<!tpu.dma_semaphore, #tpu.memory_space<semaphore_mem>>, %arg18: memref<!tpu.dma_semaphore, #tpu.memory_space<semaphore_mem>>, %arg19: memref<!tpu.dma_semaphore, #tpu.memory_space<semaphore_mem>>, %arg20: memref<!tpu.dma_semaphore, #tpu.memory_space<semaphore_mem>>, %arg21: memref<51200x24xf32, #tpu.memory_space<vmem_shared>>) attributes {dimension_semantics = [#tpu.dimension_semantics<core_parallel>, #tpu.dimension_semantics<subcore_parallel>], iteration_bounds = array<i64: 2, 16>, scalar_prefetch = 0 : i64, scratch_operands = 16 : i64, tpu.core_type = #tpu.core_type<sc_vector_subcore>, window_params = [{transform_indices = #map}, {transform_indices = #map}, {transform_indices = #map}, {transform_indices = #map1}]} {
    %iota3A = tpu.iota {dimensions = array<i32: 0>} : vector<16xi32>
    %mul3A = arith.constant 3200 : i32
    %mul3A_0 = arith.muli %arg1, %mul3A : i32
    %mul3A_1 = arith.constant 50176 : i32
    %mul3A_2 = arith.muli %arg0, %mul3A_1 : i32
    %scan3A = arith.constant 0 : i32
    %scan3A_3 = arith.constant 0 : i32
    %scan3A_4 = arith.constant 128 : i32
    %scan3A_5 = arith.addi %scan3A_3, %scan3A_4 : i32
    %scan3A_6 = arith.constant 1 : i32
    %scan3A_7 = scf.for %scan3A_55 = %scan3A_3 to %scan3A_5 step %scan3A_6 iter_args(%scan3A_56 = %scan3A) -> (i32)  : i32 {
      %scan3A_57 = arith.constant 0 : i32
      %scan3A_58 = arith.constant 0 : i32
      %scan3A_59 = arith.constant 2 : i32
      %scan3A_60 = arith.addi %scan3A_58, %scan3A_59 : i32
      %scan3A_61 = arith.constant 1 : i32
      %scan3A_62 = scf.for %scan3A_65 = %scan3A_58 to %scan3A_60 step %scan3A_61 iter_args(%scan3A_66 = %scan3A_57) -> (i32)  : i32 {
        %broadcast_in_dim3A = vector.broadcast %scan3A_55 : i32 to vector<16xi32>
        %mul3A_67 = arith.constant 16 : i32
        %mul3A_68 = arith.muli %scan3A_65, %mul3A_67 : i32
        %add3A_69 = vector.broadcast %mul3A_68 : i32 to vector<16xi32>
        %add3A_70 = arith.addi %add3A_69, %iota3A : vector<16xi32>
        %jit3A = arith.constant 24 : i32
        %eq3A = arith.constant 0 : i32
        %eq3A_71 = arith.cmpi eq, %jit3A, %eq3A : i32
        %jit3A_72 = arith.constant 1 : i32
        %select_n3A = arith.select %eq3A_71, %jit3A_72, %jit3A : i32
        %rem3A = vector.broadcast %select_n3A : i32 to vector<16xi32>
        %rem3A_73 = arith.remsi %add3A_70, %rem3A : vector<16xi32>
        %ne3A = arith.constant 0 : i32
        %ne3A_74 = vector.broadcast %ne3A : i32 to vector<16xi32>
        %ne3A_75 = arith.cmpi ne, %rem3A_73, %ne3A_74 : vector<16xi32>
        %lt3A_76 = arith.constant 0 : i32
        %lt3A_77 = vector.broadcast %lt3A_76 : i32 to vector<16xi32>
        %lt3A_78 = arith.cmpi slt, %rem3A_73, %lt3A_77 : vector<16xi32>
        %lt3A_79 = arith.constant 0 : i32
        %lt3A_80 = arith.cmpi slt, %select_n3A, %lt3A_79 : i32
        %ne3A_81 = vector.broadcast %lt3A_80 : i1 to vector<16xi1>
        %ne3A_82 = vector.broadcast %ne3A_81 : vector<16xi1> to vector<16xi1>
        %ne3A_83 = arith.xori %lt3A_78, %ne3A_82 : vector<16xi1>
        %and3A = arith.andi %ne3A_83, %ne3A_75 : vector<16xi1>
        %add3A_84 = vector.broadcast %select_n3A : i32 to vector<16xi32>
        %add3A_85 = arith.addi %rem3A_73, %add3A_84 : vector<16xi32>
        %select_n3A_86 = arith.select %and3A, %add3A_85, %rem3A_73 : vector<16xi1>, vector<16xi32>
        %broadcast_in_dim3A_87 = arith.constant 0.000000e+00 : f32
        %broadcast_in_dim3A_88 = vector.broadcast %broadcast_in_dim3A_87 : f32 to vector<16xf32>
        tpu.vector_store_idx %arg14[%broadcast_in_dim3A, %select_n3A_86], %broadcast_in_dim3A_88 : memref<128x24xf32, #tpu.memory_space<vmem>>[vector<16xi32>, vector<16xi32>], vector<16xf32>,
        %scan3A_89 = arith.constant 0 : i32
        scf.yield %scan3A_89 : i32
      }
      %scan3A_63 = arith.constant 2 : i32
      %scan3A_64 = arith.constant 0 : i32
      scf.yield %scan3A_64 : i32
    }
    %scan3A_8 = arith.constant 128 : i32
    %scan3A_9 = arith.constant 0 : i32
    %scan3A_10 = arith.constant 0 : i32
    %scan3A_11 = arith.constant 25 : i32
    %scan3A_12 = arith.addi %scan3A_10, %scan3A_11 : i32
    %scan3A_13 = arith.constant 1 : i32
    %scan3A_14 = scf.for %scan3A_55 = %scan3A_10 to %scan3A_12 step %scan3A_13 iter_args(%scan3A_56 = %scan3A_9) -> (i32)  : i32 {
      %mul3A_57 = arith.constant 128 : i32
      %mul3A_58 = arith.muli %scan3A_55, %mul3A_57 : i32
      %add3A_59 = arith.addi %mul3A_0, %mul3A_58 : i32
      "tpu.region"() ({
        %run_scoped3A = tpu.sem_alloc : memref<!tpu.dma_semaphore, #tpu.memory_space<semaphore_mem>>
        %dma_start3A = arith.constant 0 : i32
        %dma_start3A_61 = tpu.memref_slice %arg21[%add3A_59, %dma_start3A] : memref<51200x24xf32, #tpu.memory_space<vmem_shared>> -> memref<128x24xf32, #tpu.memory_space<vmem_shared>>
        %dma_start3A_62 = arith.constant 0 : i32
        %dma_start3A_63 = tpu.memref_slice %arg21[%add3A_59, %dma_start3A_62] : memref<51200x24xf32, #tpu.memory_space<vmem_shared>> -> memref<128x24xf32, #tpu.memory_space<vmem_shared>>
        tpu.enqueue_dma source(%arg14 : memref<128x24xf32, #tpu.memory_space<vmem>>) target(%dma_start3A_63 : memref<128x24xf32, #tpu.memory_space<vmem_shared>>) target_semaphore(%run_scoped3A : memref<!tpu.dma_semaphore, #tpu.memory_space<semaphore_mem>>)
        %dma_wait3A = arith.constant 0 : i32
        %dma_wait3A_64 = tpu.memref_slice %arg21[%add3A_59, %dma_wait3A] : memref<51200x24xf32, #tpu.memory_space<vmem_shared>> -> memref<128x24xf32, #tpu.memory_space<vmem_shared>>
        %dma_wait3A_65 = arith.constant 0 : i32
        %dma_wait3A_66 = tpu.memref_slice %arg21[%add3A_59, %dma_wait3A_65] : memref<51200x24xf32, #tpu.memory_space<vmem_shared>> -> memref<128x24xf32, #tpu.memory_space<vmem_shared>>
        tpu.wait_dma2 semaphore(%run_scoped3A : memref<!tpu.dma_semaphore, #tpu.memory_space<semaphore_mem>>) src(%arg14 : memref<128x24xf32, #tpu.memory_space<vmem>>) dst(%dma_wait3A_66 : memref<128x24xf32, #tpu.memory_space<vmem_shared>>)
        tpu.yield
      }) : () -> ()
      %scan3A_60 = arith.constant 0 : i32
      scf.yield %scan3A_60 : i32
    }
    %scan3A_15 = arith.constant 25 : i32
    %scan3A_16 = arith.constant 0 : i32
    %scan3A_17 = arith.constant 0 : i32
    %scan3A_18 = arith.constant 16 : i32
    %scan3A_19 = arith.addi %scan3A_17, %scan3A_18 : i32
    %scan3A_20 = arith.constant 1 : i32
    %scan3A_21 = scf.for %scan3A_55 = %scan3A_17 to %scan3A_19 step %scan3A_20 iter_args(%scan3A_56 = %scan3A_16) -> (i32)  : i32 {
      %mul3A_57 = arith.constant 16 : i32
      %mul3A_58 = arith.muli %scan3A_55, %mul3A_57 : i32
      %add3A_59 = vector.broadcast %mul3A_58 : i32 to vector<16xi32>
      %add3A_60 = arith.addi %add3A_59, %iota3A : vector<16xi32>
      %broadcast_in_dim3A = arith.constant 0.000000e+00 : f32
      %broadcast_in_dim3A_61 = vector.broadcast %broadcast_in_dim3A : f32 to vector<16xf32>
      %broadcast_in_dim3A_62 = arith.constant 17 : i32
      %broadcast_in_dim3A_63 = vector.broadcast %broadcast_in_dim3A_62 : i32 to vector<16xi32>
      tpu.vector_store_idx %arg12[%add3A_60, %broadcast_in_dim3A_63], %broadcast_in_dim3A_61 : memref<256x24xf32, #tpu.memory_space<vmem>>[vector<16xi32>, vector<16xi32>], vector<16xf32>,
      %broadcast_in_dim3A_64 = arith.constant 17 : i32
      %broadcast_in_dim3A_65 = vector.broadcast %broadcast_in_dim3A_64 : i32 to vector<16xi32>
      tpu.vector_store_idx %arg13[%add3A_60, %broadcast_in_dim3A_65], %broadcast_in_dim3A_61 : memref<256x24xf32, #tpu.memory_space<vmem>>[vector<16xi32>, vector<16xi32>], vector<16xf32>,
      %broadcast_in_dim3A_66 = arith.constant 18 : i32
      %broadcast_in_dim3A_67 = vector.broadcast %broadcast_in_dim3A_66 : i32 to vector<16xi32>
      tpu.vector_store_idx %arg12[%add3A_60, %broadcast_in_dim3A_67], %broadcast_in_dim3A_61 : memref<256x24xf32, #tpu.memory_space<vmem>>[vector<16xi32>, vector<16xi32>], vector<16xf32>,
      %broadcast_in_dim3A_68 = arith.constant 18 : i32
      %broadcast_in_dim3A_69 = vector.broadcast %broadcast_in_dim3A_68 : i32 to vector<16xi32>
      tpu.vector_store_idx %arg13[%add3A_60, %broadcast_in_dim3A_69], %broadcast_in_dim3A_61 : memref<256x24xf32, #tpu.memory_space<vmem>>[vector<16xi32>, vector<16xi32>], vector<16xf32>,
      %broadcast_in_dim3A_70 = arith.constant 19 : i32
      %broadcast_in_dim3A_71 = vector.broadcast %broadcast_in_dim3A_70 : i32 to vector<16xi32>
      tpu.vector_store_idx %arg12[%add3A_60, %broadcast_in_dim3A_71], %broadcast_in_dim3A_61 : memref<256x24xf32, #tpu.memory_space<vmem>>[vector<16xi32>, vector<16xi32>], vector<16xf32>,
      %broadcast_in_dim3A_72 = arith.constant 19 : i32
      %broadcast_in_dim3A_73 = vector.broadcast %broadcast_in_dim3A_72 : i32 to vector<16xi32>
      tpu.vector_store_idx %arg13[%add3A_60, %broadcast_in_dim3A_73], %broadcast_in_dim3A_61 : memref<256x24xf32, #tpu.memory_space<vmem>>[vector<16xi32>, vector<16xi32>], vector<16xf32>,
      %broadcast_in_dim3A_74 = arith.constant 20 : i32
      %broadcast_in_dim3A_75 = vector.broadcast %broadcast_in_dim3A_74 : i32 to vector<16xi32>
      tpu.vector_store_idx %arg12[%add3A_60, %broadcast_in_dim3A_75], %broadcast_in_dim3A_61 : memref<256x24xf32, #tpu.memory_space<vmem>>[vector<16xi32>, vector<16xi32>], vector<16xf32>,
      %broadcast_in_dim3A_76 = arith.constant 20 : i32
      %broadcast_in_dim3A_77 = vector.broadcast %broadcast_in_dim3A_76 : i32 to vector<16xi32>
      tpu.vector_store_idx %arg13[%add3A_60, %broadcast_in_dim3A_77], %broadcast_in_dim3A_61 : memref<256x24xf32, #tpu.memory_space<vmem>>[vector<16xi32>, vector<16xi32>], vector<16xf32>,
      %broadcast_in_dim3A_78 = arith.constant 21 : i32
      %broadcast_in_dim3A_79 = vector.broadcast %broadcast_in_dim3A_78 : i32 to vector<16xi32>
      tpu.vector_store_idx %arg12[%add3A_60, %broadcast_in_dim3A_79], %broadcast_in_dim3A_61 : memref<256x24xf32, #tpu.memory_space<vmem>>[vector<16xi32>, vector<16xi32>], vector<16xf32>,
      %broadcast_in_dim3A_80 = arith.constant 21 : i32
      %broadcast_in_dim3A_81 = vector.broadcast %broadcast_in_dim3A_80 : i32 to vector<16xi32>
      tpu.vector_store_idx %arg13[%add3A_60, %broadcast_in_dim3A_81], %broadcast_in_dim3A_61 : memref<256x24xf32, #tpu.memory_space<vmem>>[vector<16xi32>, vector<16xi32>], vector<16xf32>,
      %broadcast_in_dim3A_82 = arith.constant 22 : i32
      %broadcast_in_dim3A_83 = vector.broadcast %broadcast_in_dim3A_82 : i32 to vector<16xi32>
      tpu.vector_store_idx %arg12[%add3A_60, %broadcast_in_dim3A_83], %broadcast_in_dim3A_61 : memref<256x24xf32, #tpu.memory_space<vmem>>[vector<16xi32>, vector<16xi32>], vector<16xf32>,
      %broadcast_in_dim3A_84 = arith.constant 22 : i32
      %broadcast_in_dim3A_85 = vector.broadcast %broadcast_in_dim3A_84 : i32 to vector<16xi32>
      tpu.vector_store_idx %arg13[%add3A_60, %broadcast_in_dim3A_85], %broadcast_in_dim3A_61 : memref<256x24xf32, #tpu.memory_space<vmem>>[vector<16xi32>, vector<16xi32>], vector<16xf32>,
      %broadcast_in_dim3A_86 = arith.constant 23 : i32
      %broadcast_in_dim3A_87 = vector.broadcast %broadcast_in_dim3A_86 : i32 to vector<16xi32>
      tpu.vector_store_idx %arg12[%add3A_60, %broadcast_in_dim3A_87], %broadcast_in_dim3A_61 : memref<256x24xf32, #tpu.memory_space<vmem>>[vector<16xi32>, vector<16xi32>], vector<16xf32>,
      %broadcast_in_dim3A_88 = arith.constant 23 : i32
      %broadcast_in_dim3A_89 = vector.broadcast %broadcast_in_dim3A_88 : i32 to vector<16xi32>
      tpu.vector_store_idx %arg13[%add3A_60, %broadcast_in_dim3A_89], %broadcast_in_dim3A_61 : memref<256x24xf32, #tpu.memory_space<vmem>>[vector<16xi32>, vector<16xi32>], vector<16xf32>,
      %scan3A_90 = arith.constant 0 : i32
      scf.yield %scan3A_90 : i32
    }
    %scan3A_22 = arith.constant 16 : i32
    %barrier3A = arith.constant 0 : index
    tpu.barrier barrier_id(%barrier3A)
    %add3A = arith.constant 0 : i32
    %add3A_23 = arith.addi %add3A, %arg1 : i32
    %lt3A = arith.constant 6250 : i32
    %lt3A_24 = arith.cmpi slt, %add3A_23, %lt3A : i32
    %convert_element_type3A = arith.extui %lt3A_24 : i1 to i32
    %cond3A = arith.constant 0 : i32
    %cond3A_25 = arith.cmpi ne, %convert_element_type3A, %cond3A : i32
    scf.if %cond3A_25 {
      %add3A_55 = arith.constant 0 : i32
      %add3A_56 = arith.addi %add3A_55, %arg1 : i32
      %mul3A_57 = arith.constant 256 : i32
      %mul3A_58 = arith.muli %add3A_56, %mul3A_57 : i32
      %run_scoped3A = arith.constant 0 : i32
      "tpu.region"() ({
        %run_scoped3A_74 = tpu.sem_alloc : memref<!tpu.dma_semaphore, #tpu.memory_space<semaphore_mem>>
        %dma_start3A_75 = arith.constant 0 : i32
        %dma_start3A_76 = arith.constant 0 : i32
        %dma_start3A_77 = tpu.memref_slice %arg6[%run_scoped3A, %dma_start3A_75, %dma_start3A_76] : memref<2x2x256xi32, #tpu.memory_space<vmem>> -> memref<1x2x256xi32, #tpu.memory_space<vmem>>
        %dma_start3A_78 = tpu.memref_squeeze %dma_start3A_77 : memref<1x2x256xi32, #tpu.memory_space<vmem>> -> memref<2x256xi32, #tpu.memory_space<vmem>>
        %dma_start3A_79 = arith.constant 0 : i32
        %dma_start3A_80 = tpu.memref_slice %arg2[%dma_start3A_79, %mul3A_58] : memref<2x1600000xi32, #tpu.memory_space<hbm>> -> memref<2x256xi32, #tpu.memory_space<hbm>>
        %dma_start3A_81 = arith.constant 0 : i32
        %dma_start3A_82 = arith.constant 0 : i32
        %dma_start3A_83 = tpu.memref_slice %arg6[%run_scoped3A, %dma_start3A_81, %dma_start3A_82] : memref<2x2x256xi32, #tpu.memory_space<vmem>> -> memref<1x2x256xi32, #tpu.memory_space<vmem>>
        %dma_start3A_84 = tpu.memref_squeeze %dma_start3A_83 : memref<1x2x256xi32, #tpu.memory_space<vmem>> -> memref<2x256xi32, #tpu.memory_space<vmem>>
        %dma_start3A_85 = arith.constant 0 : i32
        %dma_start3A_86 = tpu.memref_slice %arg2[%dma_start3A_85, %mul3A_58] : memref<2x1600000xi32, #tpu.memory_space<hbm>> -> memref<2x256xi32, #tpu.memory_space<hbm>>
        tpu.enqueue_dma source(%dma_start3A_86 : memref<2x256xi32, #tpu.memory_space<hbm>>) target(%dma_start3A_84 : memref<2x256xi32, #tpu.memory_space<vmem>>) target_semaphore(%run_scoped3A_74 : memref<!tpu.dma_semaphore, #tpu.memory_space<semaphore_mem>>)
        %dma_wait3A = arith.constant 0 : i32
        %dma_wait3A_87 = arith.constant 0 : i32
        %dma_wait3A_88 = tpu.memref_slice %arg6[%run_scoped3A, %dma_wait3A, %dma_wait3A_87] : memref<2x2x256xi32, #tpu.memory_space<vmem>> -> memref<1x2x256xi32, #tpu.memory_space<vmem>>
        %dma_wait3A_89 = tpu.memref_squeeze %dma_wait3A_88 : memref<1x2x256xi32, #tpu.memory_space<vmem>> -> memref<2x256xi32, #tpu.memory_space<vmem>>
        %dma_wait3A_90 = arith.constant 0 : i32
        %dma_wait3A_91 = tpu.memref_slice %arg2[%dma_wait3A_90, %mul3A_58] : memref<2x1600000xi32, #tpu.memory_space<hbm>> -> memref<2x256xi32, #tpu.memory_space<hbm>>
        %dma_wait3A_92 = arith.constant 0 : i32
        %dma_wait3A_93 = arith.constant 0 : i32
        %dma_wait3A_94 = tpu.memref_slice %arg6[%run_scoped3A, %dma_wait3A_92, %dma_wait3A_93] : memref<2x2x256xi32, #tpu.memory_space<vmem>> -> memref<1x2x256xi32, #tpu.memory_space<vmem>>
        %dma_wait3A_95 = tpu.memref_squeeze %dma_wait3A_94 : memref<1x2x256xi32, #tpu.memory_space<vmem>> -> memref<2x256xi32, #tpu.memory_space<vmem>>
        %dma_wait3A_96 = arith.constant 0 : i32
        %dma_wait3A_97 = tpu.memref_slice %arg2[%dma_wait3A_96, %mul3A_58] : memref<2x1600000xi32, #tpu.memory_space<hbm>> -> memref<2x256xi32, #tpu.memory_space<hbm>>
        tpu.wait_dma2 semaphore(%run_scoped3A_74 : memref<!tpu.dma_semaphore, #tpu.memory_space<semaphore_mem>>) src(%dma_wait3A_97 : memref<2x256xi32, #tpu.memory_space<hbm>>) dst(%dma_wait3A_95 : memref<2x256xi32, #tpu.memory_space<vmem>>)
        tpu.yield
      }) : () -> ()
      %dma_start3A = arith.constant 0 : i32
      %dma_start3A_59 = arith.constant 0 : i32
      %dma_start3A_60 = arith.constant 0 : i32
      %dma_start3A_61 = tpu.memref_slice %arg6[%dma_start3A, %dma_start3A_59, %dma_start3A_60] : memref<2x2x256xi32, #tpu.memory_space<vmem>> -> memref<1x1x256xi32, #tpu.memory_space<vmem>>
      %dma_start3A_62 = tpu.memref_squeeze %dma_start3A_61 : memref<1x1x256xi32, #tpu.memory_space<vmem>> -> memref<256xi32, #tpu.memory_space<vmem>>
      %dma_start3A_63 = arith.constant 0 : i32
      %dma_start3A_64 = arith.constant 0 : i32
      %dma_start3A_65 = tpu.memref_slice %arg3[%dma_start3A_63, %dma_start3A_64] : memref<100352x24xf32, #tpu.memory_space<hbm>> -> memref<100352x24xf32, #tpu.memory_space<hbm>>
      tpu.enqueue_indirect_dma source(%dma_start3A_65 : memref<100352x24xf32, #tpu.memory_space<hbm>>) target(%arg8 : memref<256x24xf32, #tpu.memory_space<vmem>>) offsets(%dma_start3A_62 : memref<256xi32, #tpu.memory_space<vmem>>) semaphore(%arg15 : memref<!tpu.dma_semaphore, #tpu.memory_space<semaphore_mem>>)
      %dma_start3A_66 = arith.constant 0 : i32
      %dma_start3A_67 = arith.constant 1 : i32
      %dma_start3A_68 = arith.constant 0 : i32
      %dma_start3A_69 = tpu.memref_slice %arg6[%dma_start3A_66, %dma_start3A_67, %dma_start3A_68] : memref<2x2x256xi32, #tpu.memory_space<vmem>> -> memref<1x1x256xi32, #tpu.memory_space<vmem>>
      %dma_start3A_70 = tpu.memref_squeeze %dma_start3A_69 : memref<1x1x256xi32, #tpu.memory_space<vmem>> -> memref<256xi32, #tpu.memory_space<vmem>>
      %dma_start3A_71 = arith.constant 0 : i32
      %dma_start3A_72 = arith.constant 0 : i32
      %dma_start3A_73 = tpu.memref_slice %arg4[%dma_start3A_71, %dma_start3A_72] : memref<100352x8xf32, #tpu.memory_space<hbm>> -> memref<100352x8xf32, #tpu.memory_space<hbm>>
      tpu.enqueue_indirect_dma source(%dma_start3A_73 : memref<100352x8xf32, #tpu.memory_space<hbm>>) target(%arg10 : memref<256x8xf32, #tpu.memory_space<vmem>>) offsets(%dma_start3A_70 : memref<256xi32, #tpu.memory_space<vmem>>) semaphore(%arg17 : memref<!tpu.dma_semaphore, #tpu.memory_space<semaphore_mem>>)
    } else {
    }
    %scan3A_26 = arith.constant 0 : i32
    %scan3A_27 = arith.constant 0 : i32
    %scan3A_28 = arith.constant 196 : i32
    %scan3A_29 = arith.addi %scan3A_27, %scan3A_28 : i32
    %scan3A_30 = arith.constant 1 : i32
    %scan3A_31 = scf.for %scan3A_55 = %scan3A_27 to %scan3A_29 step %scan3A_30 iter_args(%scan3A_56 = %scan3A_26) -> (i32)  : i32 {
      %mul3A_57 = arith.constant 2 : i32
      %mul3A_58 = arith.muli %mul3A_57, %scan3A_55 : i32
      %add3A_59 = arith.constant 0 : i32
      %add3A_60 = arith.addi %mul3A_58, %add3A_59 : i32
      %add3A_61 = arith.constant 1 : i32
      %add3A_62 = arith.addi %add3A_60, %add3A_61 : i32
      %mul3A_63 = arith.constant 16 : i32
      %mul3A_64 = arith.muli %add3A_62, %mul3A_63 : i32
      %add3A_65 = arith.addi %mul3A_64, %arg1 : i32
      %lt3A_66 = arith.constant 6250 : i32
      %lt3A_67 = arith.cmpi slt, %add3A_65, %lt3A_66 : i32
      %convert_element_type3A_68 = arith.extui %lt3A_67 : i1 to i32
      %cond3A_69 = arith.constant 0 : i32
      %cond3A_70 = arith.cmpi ne, %convert_element_type3A_68, %cond3A_69 : i32
      scf.if %cond3A_70 {
        %mul3A_102 = arith.constant 16 : i32
        %mul3A_103 = arith.muli %add3A_62, %mul3A_102 : i32
        %add3A_104 = arith.addi %mul3A_103, %arg1 : i32
        %mul3A_105 = arith.constant 256 : i32
        %mul3A_106 = arith.muli %add3A_104, %mul3A_105 : i32
        %run_scoped3A = arith.constant 1 : i32
        "tpu.region"() ({
          %run_scoped3A_122 = tpu.sem_alloc : memref<!tpu.dma_semaphore, #tpu.memory_space<semaphore_mem>>
          %dma_start3A_123 = arith.constant 0 : i32
          %dma_start3A_124 = arith.constant 0 : i32
          %dma_start3A_125 = tpu.memref_slice %arg6[%run_scoped3A, %dma_start3A_123, %dma_start3A_124] : memref<2x2x256xi32, #tpu.memory_space<vmem>> -> memref<1x2x256xi32, #tpu.memory_space<vmem>>
          %dma_start3A_126 = tpu.memref_squeeze %dma_start3A_125 : memref<1x2x256xi32, #tpu.memory_space<vmem>> -> memref<2x256xi32, #tpu.memory_space<vmem>>
          %dma_start3A_127 = arith.constant 0 : i32
          %dma_start3A_128 = tpu.memref_slice %arg2[%dma_start3A_127, %mul3A_106] : memref<2x1600000xi32, #tpu.memory_space<hbm>> -> memref<2x256xi32, #tpu.memory_space<hbm>>
          %dma_start3A_129 = arith.constant 0 : i32
          %dma_start3A_130 = arith.constant 0 : i32
          %dma_start3A_131 = tpu.memref_slice %arg6[%run_scoped3A, %dma_start3A_129, %dma_start3A_130] : memref<2x2x256xi32, #tpu.memory_space<vmem>> -> memref<1x2x256xi32, #tpu.memory_space<vmem>>
          %dma_start3A_132 = tpu.memref_squeeze %dma_start3A_131 : memref<1x2x256xi32, #tpu.memory_space<vmem>> -> memref<2x256xi32, #tpu.memory_space<vmem>>
          %dma_start3A_133 = arith.constant 0 : i32
          %dma_start3A_134 = tpu.memref_slice %arg2[%dma_start3A_133, %mul3A_106] : memref<2x1600000xi32, #tpu.memory_space<hbm>> -> memref<2x256xi32, #tpu.memory_space<hbm>>
          tpu.enqueue_dma source(%dma_start3A_134 : memref<2x256xi32, #tpu.memory_space<hbm>>) target(%dma_start3A_132 : memref<2x256xi32, #tpu.memory_space<vmem>>) target_semaphore(%run_scoped3A_122 : memref<!tpu.dma_semaphore, #tpu.memory_space<semaphore_mem>>)
          %dma_wait3A = arith.constant 0 : i32
          %dma_wait3A_135 = arith.constant 0 : i32
          %dma_wait3A_136 = tpu.memref_slice %arg6[%run_scoped3A, %dma_wait3A, %dma_wait3A_135] : memref<2x2x256xi32, #tpu.memory_space<vmem>> -> memref<1x2x256xi32, #tpu.memory_space<vmem>>
          %dma_wait3A_137 = tpu.memref_squeeze %dma_wait3A_136 : memref<1x2x256xi32, #tpu.memory_space<vmem>> -> memref<2x256xi32, #tpu.memory_space<vmem>>
          %dma_wait3A_138 = arith.constant 0 : i32
          %dma_wait3A_139 = tpu.memref_slice %arg2[%dma_wait3A_138, %mul3A_106] : memref<2x1600000xi32, #tpu.memory_space<hbm>> -> memref<2x256xi32, #tpu.memory_space<hbm>>
          %dma_wait3A_140 = arith.constant 0 : i32
          %dma_wait3A_141 = arith.constant 0 : i32
          %dma_wait3A_142 = tpu.memref_slice %arg6[%run_scoped3A, %dma_wait3A_140, %dma_wait3A_141] : memref<2x2x256xi32, #tpu.memory_space<vmem>> -> memref<1x2x256xi32, #tpu.memory_space<vmem>>
          %dma_wait3A_143 = tpu.memref_squeeze %dma_wait3A_142 : memref<1x2x256xi32, #tpu.memory_space<vmem>> -> memref<2x256xi32, #tpu.memory_space<vmem>>
          %dma_wait3A_144 = arith.constant 0 : i32
          %dma_wait3A_145 = tpu.memref_slice %arg2[%dma_wait3A_144, %mul3A_106] : memref<2x1600000xi32, #tpu.memory_space<hbm>> -> memref<2x256xi32, #tpu.memory_space<hbm>>
          tpu.wait_dma2 semaphore(%run_scoped3A_122 : memref<!tpu.dma_semaphore, #tpu.memory_space<semaphore_mem>>) src(%dma_wait3A_145 : memref<2x256xi32, #tpu.memory_space<hbm>>) dst(%dma_wait3A_143 : memref<2x256xi32, #tpu.memory_space<vmem>>)
          tpu.yield
        }) : () -> ()
        %dma_start3A = arith.constant 1 : i32
        %dma_start3A_107 = arith.constant 0 : i32
        %dma_start3A_108 = arith.constant 0 : i32
        %dma_start3A_109 = tpu.memref_slice %arg6[%dma_start3A, %dma_start3A_107, %dma_start3A_108] : memref<2x2x256xi32, #tpu.memory_space<vmem>> -> memref<1x1x256xi32, #tpu.memory_space<vmem>>
        %dma_start3A_110 = tpu.memref_squeeze %dma_start3A_109 : memref<1x1x256xi32, #tpu.memory_space<vmem>> -> memref<256xi32, #tpu.memory_space<vmem>>
        %dma_start3A_111 = arith.constant 0 : i32
        %dma_start3A_112 = arith.constant 0 : i32
        %dma_start3A_113 = tpu.memref_slice %arg3[%dma_start3A_111, %dma_start3A_112] : memref<100352x24xf32, #tpu.memory_space<hbm>> -> memref<100352x24xf32, #tpu.memory_space<hbm>>
        tpu.enqueue_indirect_dma source(%dma_start3A_113 : memref<100352x24xf32, #tpu.memory_space<hbm>>) target(%arg9 : memref<256x24xf32, #tpu.memory_space<vmem>>) offsets(%dma_start3A_110 : memref<256xi32, #tpu.memory_space<vmem>>) semaphore(%arg16 : memref<!tpu.dma_semaphore, #tpu.memory_space<semaphore_mem>>)
        %dma_start3A_114 = arith.constant 1 : i32
        %dma_start3A_115 = arith.constant 1 : i32
        %dma_start3A_116 = arith.constant 0 : i32
        %dma_start3A_117 = tpu.memref_slice %arg6[%dma_start3A_114, %dma_start3A_115, %dma_start3A_116] : memref<2x2x256xi32, #tpu.memory_space<vmem>> -> memref<1x1x256xi32, #tpu.memory_space<vmem>>
        %dma_start3A_118 = tpu.memref_squeeze %dma_start3A_117 : memref<1x1x256xi32, #tpu.memory_space<vmem>> -> memref<256xi32, #tpu.memory_space<vmem>>
        %dma_start3A_119 = arith.constant 0 : i32
        %dma_start3A_120 = arith.constant 0 : i32
        %dma_start3A_121 = tpu.memref_slice %arg4[%dma_start3A_119, %dma_start3A_120] : memref<100352x8xf32, #tpu.memory_space<hbm>> -> memref<100352x8xf32, #tpu.memory_space<hbm>>
        tpu.enqueue_indirect_dma source(%dma_start3A_121 : memref<100352x8xf32, #tpu.memory_space<hbm>>) target(%arg11 : memref<256x8xf32, #tpu.memory_space<vmem>>) offsets(%dma_start3A_118 : memref<256xi32, #tpu.memory_space<vmem>>) semaphore(%arg18 : memref<!tpu.dma_semaphore, #tpu.memory_space<semaphore_mem>>)
      } else {
      }
      %mul3A_71 = arith.constant 16 : i32
      %mul3A_72 = arith.muli %add3A_60, %mul3A_71 : i32
      %add3A_73 = arith.addi %mul3A_72, %arg1 : i32
      %lt3A_74 = arith.constant 6250 : i32
      %lt3A_75 = arith.cmpi slt, %add3A_73, %lt3A_74 : i32
      %convert_element_type3A_76 = arith.extui %lt3A_75 : i1 to i32
      %cond3A_77 = arith.constant 0 : i32
      %cond3A_78 = arith.cmpi ne, %convert_element_type3A_76, %cond3A_77 : i32
      scf.if %cond3A_78 {
        %ge3A = arith.constant 2 : i32
        %ge3A_102 = arith.cmpi sge, %add3A_60, %ge3A : i32
        %convert_element_type3A_103 = arith.extui %ge3A_102 : i1 to i32
        %cond3A_104 = arith.constant 0 : i32
        %cond3A_105 = arith.cmpi ne, %convert_element_type3A_103, %cond3A_104 : i32
        scf.if %cond3A_105 {
          %dma_wait3A_156 = arith.constant 0 : i32
          %dma_wait3A_157 = arith.constant 0 : i32
          %dma_wait3A_158 = arith.constant 0 : i32
          %dma_wait3A_159 = arith.constant 0 : i32
          %dma_wait3A_160 = tpu.memref_slice %arg12[%dma_wait3A_158, %dma_wait3A_159] : memref<256x24xf32, #tpu.memory_space<vmem>> -> memref<128x24xf32, #tpu.memory_space<vmem>>
          %dma_wait3A_161 = arith.constant 0 : i32
          %dma_wait3A_162 = tpu.memref_slice %arg7[%dma_wait3A_156, %dma_wait3A_157, %dma_wait3A_161] : memref<2x2x128xi32, #tpu.memory_space<vmem>> -> memref<1x1x128xi32, #tpu.memory_space<vmem>>
          %dma_wait3A_163 = tpu.memref_squeeze %dma_wait3A_162 : memref<1x1x128xi32, #tpu.memory_space<vmem>> -> memref<128xi32, #tpu.memory_space<vmem>>
          %dma_wait3A_164 = arith.constant 0 : i32
          %dma_wait3A_165 = arith.constant 0 : i32
          %dma_wait3A_166 = tpu.memref_slice %arg21[%dma_wait3A_164, %dma_wait3A_165] : memref<51200x24xf32, #tpu.memory_space<vmem_shared>> -> memref<51200x24xf32, #tpu.memory_space<vmem_shared>>
          tpu.wait_indirect_dma semaphore(%arg19 : memref<!tpu.dma_semaphore, #tpu.memory_space<semaphore_mem>>) src(%dma_wait3A_160 : memref<128x24xf32, #tpu.memory_space<vmem>>) dst(%dma_wait3A_166 : memref<51200x24xf32, #tpu.memory_space<vmem_shared>>)
          %dma_wait3A_167 = arith.constant 0 : i32
          %dma_wait3A_168 = arith.constant 1 : i32
          %dma_wait3A_169 = arith.constant 128 : i32
          %dma_wait3A_170 = arith.constant 0 : i32
          %dma_wait3A_171 = tpu.memref_slice %arg12[%dma_wait3A_169, %dma_wait3A_170] : memref<256x24xf32, #tpu.memory_space<vmem>> -> memref<128x24xf32, #tpu.memory_space<vmem>>
          %dma_wait3A_172 = arith.constant 0 : i32
          %dma_wait3A_173 = tpu.memref_slice %arg7[%dma_wait3A_167, %dma_wait3A_168, %dma_wait3A_172] : memref<2x2x128xi32, #tpu.memory_space<vmem>> -> memref<1x1x128xi32, #tpu.memory_space<vmem>>
          %dma_wait3A_174 = tpu.memref_squeeze %dma_wait3A_173 : memref<1x1x128xi32, #tpu.memory_space<vmem>> -> memref<128xi32, #tpu.memory_space<vmem>>
          %dma_wait3A_175 = arith.constant 0 : i32
          %dma_wait3A_176 = arith.constant 0 : i32
          %dma_wait3A_177 = tpu.memref_slice %arg21[%dma_wait3A_175, %dma_wait3A_176] : memref<51200x24xf32, #tpu.memory_space<vmem_shared>> -> memref<51200x24xf32, #tpu.memory_space<vmem_shared>>
          tpu.wait_indirect_dma semaphore(%arg19 : memref<!tpu.dma_semaphore, #tpu.memory_space<semaphore_mem>>) src(%dma_wait3A_171 : memref<128x24xf32, #tpu.memory_space<vmem>>) dst(%dma_wait3A_177 : memref<51200x24xf32, #tpu.memory_space<vmem_shared>>)
        } else {
        }
        %dma_wait3A = arith.constant 0 : i32
        %dma_wait3A_106 = arith.constant 0 : i32
        %dma_wait3A_107 = arith.constant 0 : i32
        %dma_wait3A_108 = tpu.memref_slice %arg6[%dma_wait3A, %dma_wait3A_106, %dma_wait3A_107] : memref<2x2x256xi32, #tpu.memory_space<vmem>> -> memref<1x1x256xi32, #tpu.memory_space<vmem>>
        %dma_wait3A_109 = tpu.memref_squeeze %dma_wait3A_108 : memref<1x1x256xi32, #tpu.memory_space<vmem>> -> memref<256xi32, #tpu.memory_space<vmem>>
        %dma_wait3A_110 = arith.constant 0 : i32
        %dma_wait3A_111 = arith.constant 0 : i32
        %dma_wait3A_112 = tpu.memref_slice %arg3[%dma_wait3A_110, %dma_wait3A_111] : memref<100352x24xf32, #tpu.memory_space<hbm>> -> memref<100352x24xf32, #tpu.memory_space<hbm>>
        tpu.wait_indirect_dma semaphore(%arg15 : memref<!tpu.dma_semaphore, #tpu.memory_space<semaphore_mem>>) src(%dma_wait3A_112 : memref<100352x24xf32, #tpu.memory_space<hbm>>) dst(%arg8 : memref<256x24xf32, #tpu.memory_space<vmem>>)
        %dma_wait3A_113 = arith.constant 0 : i32
        %dma_wait3A_114 = arith.constant 1 : i32
        %dma_wait3A_115 = arith.constant 0 : i32
        %dma_wait3A_116 = tpu.memref_slice %arg6[%dma_wait3A_113, %dma_wait3A_114, %dma_wait3A_115] : memref<2x2x256xi32, #tpu.memory_space<vmem>> -> memref<1x1x256xi32, #tpu.memory_space<vmem>>
        %dma_wait3A_117 = tpu.memref_squeeze %dma_wait3A_116 : memref<1x1x256xi32, #tpu.memory_space<vmem>> -> memref<256xi32, #tpu.memory_space<vmem>>
        %dma_wait3A_118 = arith.constant 0 : i32
        %dma_wait3A_119 = arith.constant 0 : i32
        %dma_wait3A_120 = tpu.memref_slice %arg4[%dma_wait3A_118, %dma_wait3A_119] : memref<100352x8xf32, #tpu.memory_space<hbm>> -> memref<100352x8xf32, #tpu.memory_space<hbm>>
        tpu.wait_indirect_dma semaphore(%arg17 : memref<!tpu.dma_semaphore, #tpu.memory_space<semaphore_mem>>) src(%dma_wait3A_120 : memref<100352x8xf32, #tpu.memory_space<hbm>>) dst(%arg10 : memref<256x8xf32, #tpu.memory_space<vmem>>)
        %scan3A_121 = arith.constant 0 : i32
        %scan3A_122 = arith.constant 0 : i32
        %scan3A_123 = arith.constant 8 : i32
        %scan3A_124 = arith.addi %scan3A_122, %scan3A_123 : i32
        %scan3A_125 = arith.constant 1 : i32
        %scan3A_126 = scf.for %scan3A_156 = %scan3A_122 to %scan3A_124 step %scan3A_125 iter_args(%scan3A_157 = %scan3A_121) -> (i32)  : i32 {
          %mul3A_158 = arith.constant 16 : i32
          %mul3A_159 = arith.muli %scan3A_156, %mul3A_158 : i32
          %add3A_160 = vector.broadcast %mul3A_159 : i32 to vector<16xi32>
          %add3A_161 = arith.addi %add3A_160, %iota3A : vector<16xi32>
          %broadcast_in_dim3A = arith.constant 16 : i32
          %broadcast_in_dim3A_162 = vector.broadcast %broadcast_in_dim3A : i32 to vector<16xi32>
          %gather3A = tpu.vector_load_idx %arg8[%add3A_161, %broadcast_in_dim3A_162] : memref<256x24xf32, #tpu.memory_space<vmem>>[vector<16xi32>, vector<16xi32>], vector<16xf32>,
          %broadcast_in_dim3A_163 = arith.constant 1 : i32
          %broadcast_in_dim3A_164 = vector.broadcast %broadcast_in_dim3A_163 : i32 to vector<16xi32>
          %gather3A_165 = tpu.vector_load_idx %arg10[%add3A_161, %broadcast_in_dim3A_164] : memref<256x8xf32, #tpu.memory_space<vmem>>[vector<16xi32>, vector<16xi32>], vector<16xf32>,
          %add3A_166 = arith.addf %gather3A, %gather3A_165 : vector<16xf32>
          %ge3A_167 = arith.constant 0.000000e+00 : f32
          %ge3A_168 = vector.broadcast %ge3A_167 : f32 to vector<16xf32>
          %ge3A_169 = arith.cmpf oge, %add3A_166, %ge3A_168 : vector<16xf32>
          %mul3A_170 = arith.constant 2.000000e-01 : f32
          %mul3A_171 = vector.broadcast %mul3A_170 : f32 to vector<16xf32>
          %mul3A_172 = arith.mulf %add3A_166, %mul3A_171 : vector<16xf32>
          %select_n3A = arith.select %ge3A_169, %add3A_166, %mul3A_172 : vector<16xi1>, vector<16xf32>
          %exp3A = math.exp %select_n3A : vector<16xf32>
          %broadcast_in_dim3A_173 = arith.constant 0 : i32
          %broadcast_in_dim3A_174 = vector.broadcast %broadcast_in_dim3A_173 : i32 to vector<16xi32>
          %gather3A_175 = tpu.vector_load_idx %arg8[%add3A_161, %broadcast_in_dim3A_174] : memref<256x24xf32, #tpu.memory_space<vmem>>[vector<16xi32>, vector<16xi32>], vector<16xf32>,
          %broadcast_in_dim3A_176 = arith.constant 0 : i32
          %broadcast_in_dim3A_177 = vector.broadcast %broadcast_in_dim3A_176 : i32 to vector<16xi32>
          %mul3A_178 = arith.mulf %gather3A_175, %exp3A : vector<16xf32>
          tpu.vector_store_idx %arg12[%add3A_161, %broadcast_in_dim3A_177], %mul3A_178 : memref<256x24xf32, #tpu.memory_space<vmem>>[vector<16xi32>, vector<16xi32>], vector<16xf32>,
          %broadcast_in_dim3A_179 = arith.constant 1 : i32
          %broadcast_in_dim3A_180 = vector.broadcast %broadcast_in_dim3A_179 : i32 to vector<16xi32>
          %gather3A_181 = tpu.vector_load_idx %arg8[%add3A_161, %broadcast_in_dim3A_180] : memref<256x24xf32, #tpu.memory_space<vmem>>[vector<16xi32>, vector<16xi32>], vector<16xf32>,
          %broadcast_in_dim3A_182 = arith.constant 1 : i32
          %broadcast_in_dim3A_183 = vector.broadcast %broadcast_in_dim3A_182 : i32 to vector<16xi32>
          %mul3A_184 = arith.mulf %gather3A_181, %exp3A : vector<16xf32>
          tpu.vector_store_idx %arg12[%add3A_161, %broadcast_in_dim3A_183], %mul3A_184 : memref<256x24xf32, #tpu.memory_space<vmem>>[vector<16xi32>, vector<16xi32>], vector<16xf32>,
          %broadcast_in_dim3A_185 = arith.constant 2 : i32
          %broadcast_in_dim3A_186 = vector.broadcast %broadcast_in_dim3A_185 : i32 to vector<16xi32>
          %gather3A_187 = tpu.vector_load_idx %arg8[%add3A_161, %broadcast_in_dim3A_186] : memref<256x24xf32, #tpu.memory_space<vmem>>[vector<16xi32>, vector<16xi32>], vector<16xf32>,
          %broadcast_in_dim3A_188 = arith.constant 2 : i32
          %broadcast_in_dim3A_189 = vector.broadcast %broadcast_in_dim3A_188 : i32 to vector<16xi32>
          %mul3A_190 = arith.mulf %gather3A_187, %exp3A : vector<16xf32>
          tpu.vector_store_idx %arg12[%add3A_161, %broadcast_in_dim3A_189], %mul3A_190 : memref<256x24xf32, #tpu.memory_space<vmem>>[vector<16xi32>, vector<16xi32>], vector<16xf32>,
          %broadcast_in_dim3A_191 = arith.constant 3 : i32
          %broadcast_in_dim3A_192 = vector.broadcast %broadcast_in_dim3A_191 : i32 to vector<16xi32>
          %gather3A_193 = tpu.vector_load_idx %arg8[%add3A_161, %broadcast_in_dim3A_192] : memref<256x24xf32, #tpu.memory_space<vmem>>[vector<16xi32>, vector<16xi32>], vector<16xf32>,
          %broadcast_in_dim3A_194 = arith.constant 3 : i32
          %broadcast_in_dim3A_195 = vector.broadcast %broadcast_in_dim3A_194 : i32 to vector<16xi32>
          %mul3A_196 = arith.mulf %gather3A_193, %exp3A : vector<16xf32>
          tpu.vector_store_idx %arg12[%add3A_161, %broadcast_in_dim3A_195], %mul3A_196 : memref<256x24xf32, #tpu.memory_space<vmem>>[vector<16xi32>, vector<16xi32>], vector<16xf32>,
          %broadcast_in_dim3A_197 = arith.constant 4 : i32
          %broadcast_in_dim3A_198 = vector.broadcast %broadcast_in_dim3A_197 : i32 to vector<16xi32>
          %gather3A_199 = tpu.vector_load_idx %arg8[%add3A_161, %broadcast_in_dim3A_198] : memref<256x24xf32, #tpu.memory_space<vmem>>[vector<16xi32>, vector<16xi32>], vector<16xf32>,
          %broadcast_in_dim3A_200 = arith.constant 4 : i32
          %broadcast_in_dim3A_201 = vector.broadcast %broadcast_in_dim3A_200 : i32 to vector<16xi32>
          %mul3A_202 = arith.mulf %gather3A_199, %exp3A : vector<16xf32>
          tpu.vector_store_idx %arg12[%add3A_161, %broadcast_in_dim3A_201], %mul3A_202 : memref<256x24xf32, #tpu.memory_space<vmem>>[vector<16xi32>, vector<16xi32>], vector<16xf32>,
          %broadcast_in_dim3A_203 = arith.constant 5 : i32
          %broadcast_in_dim3A_204 = vector.broadcast %broadcast_in_dim3A_203 : i32 to vector<16xi32>
          %gather3A_205 = tpu.vector_load_idx %arg8[%add3A_161, %broadcast_in_dim3A_204] : memref<256x24xf32, #tpu.memory_space<vmem>>[vector<16xi32>, vector<16xi32>], vector<16xf32>,
          %broadcast_in_dim3A_206 = arith.constant 5 : i32
          %broadcast_in_dim3A_207 = vector.broadcast %broadcast_in_dim3A_206 : i32 to vector<16xi32>
          %mul3A_208 = arith.mulf %gather3A_205, %exp3A : vector<16xf32>
          tpu.vector_store_idx %arg12[%add3A_161, %broadcast_in_dim3A_207], %mul3A_208 : memref<256x24xf32, #tpu.memory_space<vmem>>[vector<16xi32>, vector<16xi32>], vector<16xf32>,
          %broadcast_in_dim3A_209 = arith.constant 6 : i32
          %broadcast_in_dim3A_210 = vector.broadcast %broadcast_in_dim3A_209 : i32 to vector<16xi32>
          %gather3A_211 = tpu.vector_load_idx %arg8[%add3A_161, %broadcast_in_dim3A_210] : memref<256x24xf32, #tpu.memory_space<vmem>>[vector<16xi32>, vector<16xi32>], vector<16xf32>,
          %broadcast_in_dim3A_212 = arith.constant 6 : i32
          %broadcast_in_dim3A_213 = vector.broadcast %broadcast_in_dim3A_212 : i32 to vector<16xi32>
          %mul3A_214 = arith.mulf %gather3A_211, %exp3A : vector<16xf32>
          tpu.vector_store_idx %arg12[%add3A_161, %broadcast_in_dim3A_213], %mul3A_214 : memref<256x24xf32, #tpu.memory_space<vmem>>[vector<16xi32>, vector<16xi32>], vector<16xf32>,
          %broadcast_in_dim3A_215 = arith.constant 7 : i32
          %broadcast_in_dim3A_216 = vector.broadcast %broadcast_in_dim3A_215 : i32 to vector<16xi32>
          %gather3A_217 = tpu.vector_load_idx %arg8[%add3A_161, %broadcast_in_dim3A_216] : memref<256x24xf32, #tpu.memory_space<vmem>>[vector<16xi32>, vector<16xi32>], vector<16xf32>,
          %broadcast_in_dim3A_218 = arith.constant 7 : i32
          %broadcast_in_dim3A_219 = vector.broadcast %broadcast_in_dim3A_218 : i32 to vector<16xi32>
          %mul3A_220 = arith.mulf %gather3A_217, %exp3A : vector<16xf32>
          tpu.vector_store_idx %arg12[%add3A_161, %broadcast_in_dim3A_219], %mul3A_220 : memref<256x24xf32, #tpu.memory_space<vmem>>[vector<16xi32>, vector<16xi32>], vector<16xf32>,
          %broadcast_in_dim3A_221 = arith.constant 8 : i32
          %broadcast_in_dim3A_222 = vector.broadcast %broadcast_in_dim3A_221 : i32 to vector<16xi32>
          %gather3A_223 = tpu.vector_load_idx %arg8[%add3A_161, %broadcast_in_dim3A_222] : memref<256x24xf32, #tpu.memory_space<vmem>>[vector<16xi32>, vector<16xi32>], vector<16xf32>,
          %broadcast_in_dim3A_224 = arith.constant 8 : i32
          %broadcast_in_dim3A_225 = vector.broadcast %broadcast_in_dim3A_224 : i32 to vector<16xi32>
          %mul3A_226 = arith.mulf %gather3A_223, %exp3A : vector<16xf32>
          tpu.vector_store_idx %arg12[%add3A_161, %broadcast_in_dim3A_225], %mul3A_226 : memref<256x24xf32, #tpu.memory_space<vmem>>[vector<16xi32>, vector<16xi32>], vector<16xf32>,
          %broadcast_in_dim3A_227 = arith.constant 9 : i32
          %broadcast_in_dim3A_228 = vector.broadcast %broadcast_in_dim3A_227 : i32 to vector<16xi32>
          %gather3A_229 = tpu.vector_load_idx %arg8[%add3A_161, %broadcast_in_dim3A_228] : memref<256x24xf32, #tpu.memory_space<vmem>>[vector<16xi32>, vector<16xi32>], vector<16xf32>,
          %broadcast_in_dim3A_230 = arith.constant 9 : i32
          %broadcast_in_dim3A_231 = vector.broadcast %broadcast_in_dim3A_230 : i32 to vector<16xi32>
          %mul3A_232 = arith.mulf %gather3A_229, %exp3A : vector<16xf32>
          tpu.vector_store_idx %arg12[%add3A_161, %broadcast_in_dim3A_231], %mul3A_232 : memref<256x24xf32, #tpu.memory_space<vmem>>[vector<16xi32>, vector<16xi32>], vector<16xf32>,
          %broadcast_in_dim3A_233 = arith.constant 10 : i32
          %broadcast_in_dim3A_234 = vector.broadcast %broadcast_in_dim3A_233 : i32 to vector<16xi32>
          %gather3A_235 = tpu.vector_load_idx %arg8[%add3A_161, %broadcast_in_dim3A_234] : memref<256x24xf32, #tpu.memory_space<vmem>>[vector<16xi32>, vector<16xi32>], vector<16xf32>,
          %broadcast_in_dim3A_236 = arith.constant 10 : i32
          %broadcast_in_dim3A_237 = vector.broadcast %broadcast_in_dim3A_236 : i32 to vector<16xi32>
          %mul3A_238 = arith.mulf %gather3A_235, %exp3A : vector<16xf32>
          tpu.vector_store_idx %arg12[%add3A_161, %broadcast_in_dim3A_237], %mul3A_238 : memref<256x24xf32, #tpu.memory_space<vmem>>[vector<16xi32>, vector<16xi32>], vector<16xf32>,
          %broadcast_in_dim3A_239 = arith.constant 11 : i32
          %broadcast_in_dim3A_240 = vector.broadcast %broadcast_in_dim3A_239 : i32 to vector<16xi32>
          %gather3A_241 = tpu.vector_load_idx %arg8[%add3A_161, %broadcast_in_dim3A_240] : memref<256x24xf32, #tpu.memory_space<vmem>>[vector<16xi32>, vector<16xi32>], vector<16xf32>,
          %broadcast_in_dim3A_242 = arith.constant 11 : i32
          %broadcast_in_dim3A_243 = vector.broadcast %broadcast_in_dim3A_242 : i32 to vector<16xi32>
          %mul3A_244 = arith.mulf %gather3A_241, %exp3A : vector<16xf32>
          tpu.vector_store_idx %arg12[%add3A_161, %broadcast_in_dim3A_243], %mul3A_244 : memref<256x24xf32, #tpu.memory_space<vmem>>[vector<16xi32>, vector<16xi32>], vector<16xf32>,
          %broadcast_in_dim3A_245 = arith.constant 12 : i32
          %broadcast_in_dim3A_246 = vector.broadcast %broadcast_in_dim3A_245 : i32 to vector<16xi32>
          %gather3A_247 = tpu.vector_load_idx %arg8[%add3A_161, %broadcast_in_dim3A_246] : memref<256x24xf32, #tpu.memory_space<vmem>>[vector<16xi32>, vector<16xi32>], vector<16xf32>,
          %broadcast_in_dim3A_248 = arith.constant 12 : i32
          %broadcast_in_dim3A_249 = vector.broadcast %broadcast_in_dim3A_248 : i32 to vector<16xi32>
          %mul3A_250 = arith.mulf %gather3A_247, %exp3A : vector<16xf32>
          tpu.vector_store_idx %arg12[%add3A_161, %broadcast_in_dim3A_249], %mul3A_250 : memref<256x24xf32, #tpu.memory_space<vmem>>[vector<16xi32>, vector<16xi32>], vector<16xf32>,
          %broadcast_in_dim3A_251 = arith.constant 13 : i32
          %broadcast_in_dim3A_252 = vector.broadcast %broadcast_in_dim3A_251 : i32 to vector<16xi32>
          %gather3A_253 = tpu.vector_load_idx %arg8[%add3A_161, %broadcast_in_dim3A_252] : memref<256x24xf32, #tpu.memory_space<vmem>>[vector<16xi32>, vector<16xi32>], vector<16xf32>,
          %broadcast_in_dim3A_254 = arith.constant 13 : i32
          %broadcast_in_dim3A_255 = vector.broadcast %broadcast_in_dim3A_254 : i32 to vector<16xi32>
          %mul3A_256 = arith.mulf %gather3A_253, %exp3A : vector<16xf32>
          tpu.vector_store_idx %arg12[%add3A_161, %broadcast_in_dim3A_255], %mul3A_256 : memref<256x24xf32, #tpu.memory_space<vmem>>[vector<16xi32>, vector<16xi32>], vector<16xf32>,
          %broadcast_in_dim3A_257 = arith.constant 14 : i32
          %broadcast_in_dim3A_258 = vector.broadcast %broadcast_in_dim3A_257 : i32 to vector<16xi32>
          %gather3A_259 = tpu.vector_load_idx %arg8[%add3A_161, %broadcast_in_dim3A_258] : memref<256x24xf32, #tpu.memory_space<vmem>>[vector<16xi32>, vector<16xi32>], vector<16xf32>,
          %broadcast_in_dim3A_260 = arith.constant 14 : i32
          %broadcast_in_dim3A_261 = vector.broadcast %broadcast_in_dim3A_260 : i32 to vector<16xi32>
          %mul3A_262 = arith.mulf %gather3A_259, %exp3A : vector<16xf32>
          tpu.vector_store_idx %arg12[%add3A_161, %broadcast_in_dim3A_261], %mul3A_262 : memref<256x24xf32, #tpu.memory_space<vmem>>[vector<16xi32>, vector<16xi32>], vector<16xf32>,
          %broadcast_in_dim3A_263 = arith.constant 15 : i32
          %broadcast_in_dim3A_264 = vector.broadcast %broadcast_in_dim3A_263 : i32 to vector<16xi32>
          %gather3A_265 = tpu.vector_load_idx %arg8[%add3A_161, %broadcast_in_dim3A_264] : memref<256x24xf32, #tpu.memory_space<vmem>>[vector<16xi32>, vector<16xi32>], vector<16xf32>,
          %broadcast_in_dim3A_266 = arith.constant 15 : i32
          %broadcast_in_dim3A_267 = vector.broadcast %broadcast_in_dim3A_266 : i32 to vector<16xi32>
          %mul3A_268 = arith.mulf %gather3A_265, %exp3A : vector<16xf32>
          tpu.vector_store_idx %arg12[%add3A_161, %broadcast_in_dim3A_267], %mul3A_268 : memref<256x24xf32, #tpu.memory_space<vmem>>[vector<16xi32>, vector<16xi32>], vector<16xf32>,
          %broadcast_in_dim3A_269 = arith.constant 16 : i32
          %broadcast_in_dim3A_270 = vector.broadcast %broadcast_in_dim3A_269 : i32 to vector<16xi32>
          tpu.vector_store_idx %arg12[%add3A_161, %broadcast_in_dim3A_270], %exp3A : memref<256x24xf32, #tpu.memory_space<vmem>>[vector<16xi32>, vector<16xi32>], vector<16xf32>,
          %gather3A_271 = arith.constant 0 : i32
          %gather3A_272 = arith.constant 1 : i32
          %gather3A_273 = arith.constant 0 : i32
          %gather3A_274 = tpu.memref_slice %arg6[%gather3A_271, %gather3A_272, %gather3A_273] : memref<2x2x256xi32, #tpu.memory_space<vmem>> -> memref<1x1x256xi32, #tpu.memory_space<vmem>>
          %gather3A_275 = tpu.memref_squeeze %gather3A_274 : memref<1x1x256xi32, #tpu.memory_space<vmem>> -> memref<256xi32, #tpu.memory_space<vmem>>
          %gather3A_276 = tpu.vector_load_idx %gather3A_275[%add3A_161] : memref<256xi32, #tpu.memory_space<vmem>>[vector<16xi32>], vector<16xi32>,
          %sub3A = vector.broadcast %mul3A_2 : i32 to vector<16xi32>
          %sub3A_277 = arith.subi %gather3A_276, %sub3A : vector<16xi32>
          %ge3A_278 = arith.constant 0 : i32
          %ge3A_279 = vector.broadcast %ge3A_278 : i32 to vector<16xi32>
          %ge3A_280 = arith.cmpi sge, %sub3A_277, %ge3A_279 : vector<16xi32>
          %lt3A_281 = arith.constant 50176 : i32
          %lt3A_282 = vector.broadcast %lt3A_281 : i32 to vector<16xi32>
          %lt3A_283 = arith.cmpi slt, %sub3A_277, %lt3A_282 : vector<16xi32>
          %and3A = arith.andi %ge3A_280, %lt3A_283 : vector<16xi1>
          %jit3A = arith.constant 50176 : i32
          %broadcast_in_dim3A_284 = vector.broadcast %jit3A : i32 to vector<16xi32>
          %select_n3A_285 = arith.select %and3A, %sub3A_277, %broadcast_in_dim3A_284 : vector<16xi1>, vector<16xi32>
          %sub3A_286 = arith.constant 0 : i32
          %sub3A_287 = arith.subi %scan3A_156, %sub3A_286 : i32
          %mul3A_288 = arith.constant 16 : i32
          %mul3A_289 = arith.muli %sub3A_287, %mul3A_288 : i32
          %swap3A = arith.constant 0 : i32
          %swap3A_290 = arith.constant 0 : i32
          %swap3A_291 = arith.index_cast %swap3A : i32 to index
          %swap3A_292 = arith.index_cast %swap3A_290 : i32 to index
          %swap3A_293 = arith.index_cast %mul3A_289 : i32 to index
          %swap3A_294 = tpu.vector_load %arg7[%swap3A_291, %swap3A_292, %swap3A_293] {strides = array<i32>} : memref<2x2x128xi32, #tpu.memory_space<vmem>>, vector<16xi32>,
          tpu.vector_store %arg7[%swap3A_291, %swap3A_292, %swap3A_293], %select_n3A_285 {strides = array<i32>} : memref<2x2x128xi32, #tpu.memory_space<vmem>>, vector<16xi32>,
          %scan3A_295 = arith.constant 0 : i32
          scf.yield %scan3A_295 : i32
        }
        %scan3A_127 = arith.constant 8 : i32
        %dma_start3A = arith.constant 0 : i32
        %dma_start3A_128 = arith.constant 0 : i32
        %dma_start3A_129 = arith.constant 0 : i32
        %dma_start3A_130 = arith.constant 0 : i32
        %dma_start3A_131 = tpu.memref_slice %arg12[%dma_start3A_129, %dma_start3A_130] : memref<256x24xf32, #tpu.memory_space<vmem>> -> memref<128x24xf32, #tpu.memory_space<vmem>>
        %dma_start3A_132 = arith.constant 0 : i32
        %dma_start3A_133 = tpu.memref_slice %arg7[%dma_start3A, %dma_start3A_128, %dma_start3A_132] : memref<2x2x128xi32, #tpu.memory_space<vmem>> -> memref<1x1x128xi32, #tpu.memory_space<vmem>>
        %dma_start3A_134 = tpu.memref_squeeze %dma_start3A_133 : memref<1x1x128xi32, #tpu.memory_space<vmem>> -> memref<128xi32, #tpu.memory_space<vmem>>
        %dma_start3A_135 = arith.constant 0 : i32
        %dma_start3A_136 = arith.constant 0 : i32
        %dma_start3A_137 = tpu.memref_slice %arg21[%dma_start3A_135, %dma_start3A_136] : memref<51200x24xf32, #tpu.memory_space<vmem_shared>> -> memref<51200x24xf32, #tpu.memory_space<vmem_shared>>
        tpu.enqueue_indirect_dma source(%dma_start3A_131 : memref<128x24xf32, #tpu.memory_space<vmem>>) target(%dma_start3A_137 : memref<51200x24xf32, #tpu.memory_space<vmem_shared>>) offsets(%dma_start3A_134 : memref<128xi32, #tpu.memory_space<vmem>>) semaphore(%arg19 : memref<!tpu.dma_semaphore, #tpu.memory_space<semaphore_mem>>) {add = true}
        %scan3A_138 = arith.constant 0 : i32
        %scan3A_139 = arith.constant 8 : i32
        %scan3A_140 = arith.constant 8 : i32
        %scan3A_141 = arith.addi %scan3A_139, %scan3A_140 : i32
        %scan3A_142 = arith.constant 1 : i32
        %scan3A_143 = scf.for %scan3A_156 = %scan3A_139 to %scan3A_141 step %scan3A_142 iter_args(%scan3A_157 = %scan3A_138) -> (i32)  : i32 {
          %mul3A_158 = arith.constant 16 : i32
          %mul3A_159 = arith.muli %scan3A_156, %mul3A_158 : i32
          %add3A_160 = vector.broadcast %mul3A_159 : i32 to vector<16xi32>
          %add3A_161 = arith.addi %add3A_160, %iota3A : vector<16xi32>
          %broadcast_in_dim3A = arith.constant 16 : i32
          %broadcast_in_dim3A_162 = vector.broadcast %broadcast_in_dim3A : i32 to vector<16xi32>
          %gather3A = tpu.vector_load_idx %arg8[%add3A_161, %broadcast_in_dim3A_162] : memref<256x24xf32, #tpu.memory_space<vmem>>[vector<16xi32>, vector<16xi32>], vector<16xf32>,
          %broadcast_in_dim3A_163 = arith.constant 1 : i32
          %broadcast_in_dim3A_164 = vector.broadcast %broadcast_in_dim3A_163 : i32 to vector<16xi32>
          %gather3A_165 = tpu.vector_load_idx %arg10[%add3A_161, %broadcast_in_dim3A_164] : memref<256x8xf32, #tpu.memory_space<vmem>>[vector<16xi32>, vector<16xi32>], vector<16xf32>,
          %add3A_166 = arith.addf %gather3A, %gather3A_165 : vector<16xf32>
          %ge3A_167 = arith.constant 0.000000e+00 : f32
          %ge3A_168 = vector.broadcast %ge3A_167 : f32 to vector<16xf32>
          %ge3A_169 = arith.cmpf oge, %add3A_166, %ge3A_168 : vector<16xf32>
          %mul3A_170 = arith.constant 2.000000e-01 : f32
          %mul3A_171 = vector.broadcast %mul3A_170 : f32 to vector<16xf32>
          %mul3A_172 = arith.mulf %add3A_166, %mul3A_171 : vector<16xf32>
          %select_n3A = arith.select %ge3A_169, %add3A_166, %mul3A_172 : vector<16xi1>, vector<16xf32>
          %exp3A = math.exp %select_n3A : vector<16xf32>
          %broadcast_in_dim3A_173 = arith.constant 0 : i32
          %broadcast_in_dim3A_174 = vector.broadcast %broadcast_in_dim3A_173 : i32 to vector<16xi32>
          %gather3A_175 = tpu.vector_load_idx %arg8[%add3A_161, %broadcast_in_dim3A_174] : memref<256x24xf32, #tpu.memory_space<vmem>>[vector<16xi32>, vector<16xi32>], vector<16xf32>,
          %broadcast_in_dim3A_176 = arith.constant 0 : i32
          %broadcast_in_dim3A_177 = vector.broadcast %broadcast_in_dim3A_176 : i32 to vector<16xi32>
          %mul3A_178 = arith.mulf %gather3A_175, %exp3A : vector<16xf32>
          tpu.vector_store_idx %arg12[%add3A_161, %broadcast_in_dim3A_177], %mul3A_178 : memref<256x24xf32, #tpu.memory_space<vmem>>[vector<16xi32>, vector<16xi32>], vector<16xf32>,
          %broadcast_in_dim3A_179 = arith.constant 1 : i32
          %broadcast_in_dim3A_180 = vector.broadcast %broadcast_in_dim3A_179 : i32 to vector<16xi32>
          %gather3A_181 = tpu.vector_load_idx %arg8[%add3A_161, %broadcast_in_dim3A_180] : memref<256x24xf32, #tpu.memory_space<vmem>>[vector<16xi32>, vector<16xi32>], vector<16xf32>,
          %broadcast_in_dim3A_182 = arith.constant 1 : i32
          %broadcast_in_dim3A_183 = vector.broadcast %broadcast_in_dim3A_182 : i32 to vector<16xi32>
          %mul3A_184 = arith.mulf %gather3A_181, %exp3A : vector<16xf32>
          tpu.vector_store_idx %arg12[%add3A_161, %broadcast_in_dim3A_183], %mul3A_184 : memref<256x24xf32, #tpu.memory_space<vmem>>[vector<16xi32>, vector<16xi32>], vector<16xf32>,
          %broadcast_in_dim3A_185 = arith.constant 2 : i32
          %broadcast_in_dim3A_186 = vector.broadcast %broadcast_in_dim3A_185 : i32 to vector<16xi32>
          %gather3A_187 = tpu.vector_load_idx %arg8[%add3A_161, %broadcast_in_dim3A_186] : memref<256x24xf32, #tpu.memory_space<vmem>>[vector<16xi32>, vector<16xi32>], vector<16xf32>,
          %broadcast_in_dim3A_188 = arith.constant 2 : i32
          %broadcast_in_dim3A_189 = vector.broadcast %broadcast_in_dim3A_188 : i32 to vector<16xi32>
          %mul3A_190 = arith.mulf %gather3A_187, %exp3A : vector<16xf32>
          tpu.vector_store_idx %arg12[%add3A_161, %broadcast_in_dim3A_189], %mul3A_190 : memref<256x24xf32, #tpu.memory_space<vmem>>[vector<16xi32>, vector<16xi32>], vector<16xf32>,
          %broadcast_in_dim3A_191 = arith.constant 3 : i32
          %broadcast_in_dim3A_192 = vector.broadcast %broadcast_in_dim3A_191 : i32 to vector<16xi32>
          %gather3A_193 = tpu.vector_load_idx %arg8[%add3A_161, %broadcast_in_dim3A_192] : memref<256x24xf32, #tpu.memory_space<vmem>>[vector<16xi32>, vector<16xi32>], vector<16xf32>,
          %broadcast_in_dim3A_194 = arith.constant 3 : i32
          %broadcast_in_dim3A_195 = vector.broadcast %broadcast_in_dim3A_194 : i32 to vector<16xi32>
          %mul3A_196 = arith.mulf %gather3A_193, %exp3A : vector<16xf32>
          tpu.vector_store_idx %arg12[%add3A_161, %broadcast_in_dim3A_195], %mul3A_196 : memref<256x24xf32, #tpu.memory_space<vmem>>[vector<16xi32>, vector<16xi32>], vector<16xf32>,
          %broadcast_in_dim3A_197 = arith.constant 4 : i32
          %broadcast_in_dim3A_198 = vector.broadcast %broadcast_in_dim3A_197 : i32 to vector<16xi32>
          %gather3A_199 = tpu.vector_load_idx %arg8[%add3A_161, %broadcast_in_dim3A_198] : memref<256x24xf32, #tpu.memory_space<vmem>>[vector<16xi32>, vector<16xi32>], vector<16xf32>,
          %broadcast_in_dim3A_200 = arith.constant 4 : i32
          %broadcast_in_dim3A_201 = vector.broadcast %broadcast_in_dim3A_200 : i32 to vector<16xi32>
          %mul3A_202 = arith.mulf %gather3A_199, %exp3A : vector<16xf32>
          tpu.vector_store_idx %arg12[%add3A_161, %broadcast_in_dim3A_201], %mul3A_202 : memref<256x24xf32, #tpu.memory_space<vmem>>[vector<16xi32>, vector<16xi32>], vector<16xf32>,
          %broadcast_in_dim3A_203 = arith.constant 5 : i32
          %broadcast_in_dim3A_204 = vector.broadcast %broadcast_in_dim3A_203 : i32 to vector<16xi32>
          %gather3A_205 = tpu.vector_load_idx %arg8[%add3A_161, %broadcast_in_dim3A_204] : memref<256x24xf32, #tpu.memory_space<vmem>>[vector<16xi32>, vector<16xi32>], vector<16xf32>,
          %broadcast_in_dim3A_206 = arith.constant 5 : i32
          %broadcast_in_dim3A_207 = vector.broadcast %broadcast_in_dim3A_206 : i32 to vector<16xi32>
          %mul3A_208 = arith.mulf %gather3A_205, %exp3A : vector<16xf32>
          tpu.vector_store_idx %arg12[%add3A_161, %broadcast_in_dim3A_207], %mul3A_208 : memref<256x24xf32, #tpu.memory_space<vmem>>[vector<16xi32>, vector<16xi32>], vector<16xf32>,
          %broadcast_in_dim3A_209 = arith.constant 6 : i32
          %broadcast_in_dim3A_210 = vector.broadcast %broadcast_in_dim3A_209 : i32 to vector<16xi32>
          %gather3A_211 = tpu.vector_load_idx %arg8[%add3A_161, %broadcast_in_dim3A_210] : memref<256x24xf32, #tpu.memory_space<vmem>>[vector<16xi32>, vector<16xi32>], vector<16xf32>,
          %broadcast_in_dim3A_212 = arith.constant 6 : i32
          %broadcast_in_dim3A_213 = vector.broadcast %broadcast_in_dim3A_212 : i32 to vector<16xi32>
          %mul3A_214 = arith.mulf %gather3A_211, %exp3A : vector<16xf32>
          tpu.vector_store_idx %arg12[%add3A_161, %broadcast_in_dim3A_213], %mul3A_214 : memref<256x24xf32, #tpu.memory_space<vmem>>[vector<16xi32>, vector<16xi32>], vector<16xf32>,
          %broadcast_in_dim3A_215 = arith.constant 7 : i32
          %broadcast_in_dim3A_216 = vector.broadcast %broadcast_in_dim3A_215 : i32 to vector<16xi32>
          %gather3A_217 = tpu.vector_load_idx %arg8[%add3A_161, %broadcast_in_dim3A_216] : memref<256x24xf32, #tpu.memory_space<vmem>>[vector<16xi32>, vector<16xi32>], vector<16xf32>,
          %broadcast_in_dim3A_218 = arith.constant 7 : i32
          %broadcast_in_dim3A_219 = vector.broadcast %broadcast_in_dim3A_218 : i32 to vector<16xi32>
          %mul3A_220 = arith.mulf %gather3A_217, %exp3A : vector<16xf32>
          tpu.vector_store_idx %arg12[%add3A_161, %broadcast_in_dim3A_219], %mul3A_220 : memref<256x24xf32, #tpu.memory_space<vmem>>[vector<16xi32>, vector<16xi32>], vector<16xf32>,
          %broadcast_in_dim3A_221 = arith.constant 8 : i32
          %broadcast_in_dim3A_222 = vector.broadcast %broadcast_in_dim3A_221 : i32 to vector<16xi32>
          %gather3A_223 = tpu.vector_load_idx %arg8[%add3A_161, %broadcast_in_dim3A_222] : memref<256x24xf32, #tpu.memory_space<vmem>>[vector<16xi32>, vector<16xi32>], vector<16xf32>,
          %broadcast_in_dim3A_224 = arith.constant 8 : i32
          %broadcast_in_dim3A_225 = vector.broadcast %broadcast_in_dim3A_224 : i32 to vector<16xi32>
          %mul3A_226 = arith.mulf %gather3A_223, %exp3A : vector<16xf32>
          tpu.vector_store_idx %arg12[%add3A_161, %broadcast_in_dim3A_225], %mul3A_226 : memref<256x24xf32, #tpu.memory_space<vmem>>[vector<16xi32>, vector<16xi32>], vector<16xf32>,
          %broadcast_in_dim3A_227 = arith.constant 9 : i32
          %broadcast_in_dim3A_228 = vector.broadcast %broadcast_in_dim3A_227 : i32 to vector<16xi32>
          %gather3A_229 = tpu.vector_load_idx %arg8[%add3A_161, %broadcast_in_dim3A_228] : memref<256x24xf32, #tpu.memory_space<vmem>>[vector<16xi32>, vector<16xi32>], vector<16xf32>,
          %broadcast_in_dim3A_230 = arith.constant 9 : i32
          %broadcast_in_dim3A_231 = vector.broadcast %broadcast_in_dim3A_230 : i32 to vector<16xi32>
          %mul3A_232 = arith.mulf %gather3A_229, %exp3A : vector<16xf32>
          tpu.vector_store_idx %arg12[%add3A_161, %broadcast_in_dim3A_231], %mul3A_232 : memref<256x24xf32, #tpu.memory_space<vmem>>[vector<16xi32>, vector<16xi32>], vector<16xf32>,
          %broadcast_in_dim3A_233 = arith.constant 10 : i32
          %broadcast_in_dim3A_234 = vector.broadcast %broadcast_in_dim3A_233 : i32 to vector<16xi32>
          %gather3A_235 = tpu.vector_load_idx %arg8[%add3A_161, %broadcast_in_dim3A_234] : memref<256x24xf32, #tpu.memory_space<vmem>>[vector<16xi32>, vector<16xi32>], vector<16xf32>,
          %broadcast_in_dim3A_236 = arith.constant 10 : i32
          %broadcast_in_dim3A_237 = vector.broadcast %broadcast_in_dim3A_236 : i32 to vector<16xi32>
          %mul3A_238 = arith.mulf %gather3A_235, %exp3A : vector<16xf32>
          tpu.vector_store_idx %arg12[%add3A_161, %broadcast_in_dim3A_237], %mul3A_238 : memref<256x24xf32, #tpu.memory_space<vmem>>[vector<16xi32>, vector<16xi32>], vector<16xf32>,
          %broadcast_in_dim3A_239 = arith.constant 11 : i32
          %broadcast_in_dim3A_240 = vector.broadcast %broadcast_in_dim3A_239 : i32 to vector<16xi32>
          %gather3A_241 = tpu.vector_load_idx %arg8[%add3A_161, %broadcast_in_dim3A_240] : memref<256x24xf32, #tpu.memory_space<vmem>>[vector<16xi32>, vector<16xi32>], vector<16xf32>,
          %broadcast_in_dim3A_242 = arith.constant 11 : i32
          %broadcast_in_dim3A_243 = vector.broadcast %broadcast_in_dim3A_242 : i32 to vector<16xi32>
          %mul3A_244 = arith.mulf %gather3A_241, %exp3A : vector<16xf32>
          tpu.vector_store_idx %arg12[%add3A_161, %broadcast_in_dim3A_243], %mul3A_244 : memref<256x24xf32, #tpu.memory_space<vmem>>[vector<16xi32>, vector<16xi32>], vector<16xf32>,
          %broadcast_in_dim3A_245 = arith.constant 12 : i32
          %broadcast_in_dim3A_246 = vector.broadcast %broadcast_in_dim3A_245 : i32 to vector<16xi32>
          %gather3A_247 = tpu.vector_load_idx %arg8[%add3A_161, %broadcast_in_dim3A_246] : memref<256x24xf32, #tpu.memory_space<vmem>>[vector<16xi32>, vector<16xi32>], vector<16xf32>,
          %broadcast_in_dim3A_248 = arith.constant 12 : i32
          %broadcast_in_dim3A_249 = vector.broadcast %broadcast_in_dim3A_248 : i32 to vector<16xi32>
          %mul3A_250 = arith.mulf %gather3A_247, %exp3A : vector<16xf32>
          tpu.vector_store_idx %arg12[%add3A_161, %broadcast_in_dim3A_249], %mul3A_250 : memref<256x24xf32, #tpu.memory_space<vmem>>[vector<16xi32>, vector<16xi32>], vector<16xf32>,
          %broadcast_in_dim3A_251 = arith.constant 13 : i32
          %broadcast_in_dim3A_252 = vector.broadcast %broadcast_in_dim3A_251 : i32 to vector<16xi32>
          %gather3A_253 = tpu.vector_load_idx %arg8[%add3A_161, %broadcast_in_dim3A_252] : memref<256x24xf32, #tpu.memory_space<vmem>>[vector<16xi32>, vector<16xi32>], vector<16xf32>,
          %broadcast_in_dim3A_254 = arith.constant 13 : i32
          %broadcast_in_dim3A_255 = vector.broadcast %broadcast_in_dim3A_254 : i32 to vector<16xi32>
          %mul3A_256 = arith.mulf %gather3A_253, %exp3A : vector<16xf32>
          tpu.vector_store_idx %arg12[%add3A_161, %broadcast_in_dim3A_255], %mul3A_256 : memref<256x24xf32, #tpu.memory_space<vmem>>[vector<16xi32>, vector<16xi32>], vector<16xf32>,
          %broadcast_in_dim3A_257 = arith.constant 14 : i32
          %broadcast_in_dim3A_258 = vector.broadcast %broadcast_in_dim3A_257 : i32 to vector<16xi32>
          %gather3A_259 = tpu.vector_load_idx %arg8[%add3A_161, %broadcast_in_dim3A_258] : memref<256x24xf32, #tpu.memory_space<vmem>>[vector<16xi32>, vector<16xi32>], vector<16xf32>,
          %broadcast_in_dim3A_260 = arith.constant 14 : i32
          %broadcast_in_dim3A_261 = vector.broadcast %broadcast_in_dim3A_260 : i32 to vector<16xi32>
          %mul3A_262 = arith.mulf %gather3A_259, %exp3A : vector<16xf32>
          tpu.vector_store_idx %arg12[%add3A_161, %broadcast_in_dim3A_261], %mul3A_262 : memref<256x24xf32, #tpu.memory_space<vmem>>[vector<16xi32>, vector<16xi32>], vector<16xf32>,
          %broadcast_in_dim3A_263 = arith.constant 15 : i32
          %broadcast_in_dim3A_264 = vector.broadcast %broadcast_in_dim3A_263 : i32 to vector<16xi32>
          %gather3A_265 = tpu.vector_load_idx %arg8[%add3A_161, %broadcast_in_dim3A_264] : memref<256x24xf32, #tpu.memory_space<vmem>>[vector<16xi32>, vector<16xi32>], vector<16xf32>,
          %broadcast_in_dim3A_266 = arith.constant 15 : i32
          %broadcast_in_dim3A_267 = vector.broadcast %broadcast_in_dim3A_266 : i32 to vector<16xi32>
          %mul3A_268 = arith.mulf %gather3A_265, %exp3A : vector<16xf32>
          tpu.vector_store_idx %arg12[%add3A_161, %broadcast_in_dim3A_267], %mul3A_268 : memref<256x24xf32, #tpu.memory_space<vmem>>[vector<16xi32>, vector<16xi32>], vector<16xf32>,
          %broadcast_in_dim3A_269 = arith.constant 16 : i32
          %broadcast_in_dim3A_270 = vector.broadcast %broadcast_in_dim3A_269 : i32 to vector<16xi32>
          tpu.vector_store_idx %arg12[%add3A_161, %broadcast_in_dim3A_270], %exp3A : memref<256x24xf32, #tpu.memory_space<vmem>>[vector<16xi32>, vector<16xi32>], vector<16xf32>,
          %gather3A_271 = arith.constant 0 : i32
          %gather3A_272 = arith.constant 1 : i32
          %gather3A_273 = arith.constant 0 : i32
          %gather3A_274 = tpu.memref_slice %arg6[%gather3A_271, %gather3A_272, %gather3A_273] : memref<2x2x256xi32, #tpu.memory_space<vmem>> -> memref<1x1x256xi32, #tpu.memory_space<vmem>>
          %gather3A_275 = tpu.memref_squeeze %gather3A_274 : memref<1x1x256xi32, #tpu.memory_space<vmem>> -> memref<256xi32, #tpu.memory_space<vmem>>
          %gather3A_276 = tpu.vector_load_idx %gather3A_275[%add3A_161] : memref<256xi32, #tpu.memory_space<vmem>>[vector<16xi32>], vector<16xi32>,
          %sub3A = vector.broadcast %mul3A_2 : i32 to vector<16xi32>
          %sub3A_277 = arith.subi %gather3A_276, %sub3A : vector<16xi32>
          %ge3A_278 = arith.constant 0 : i32
          %ge3A_279 = vector.broadcast %ge3A_278 : i32 to vector<16xi32>
          %ge3A_280 = arith.cmpi sge, %sub3A_277, %ge3A_279 : vector<16xi32>
          %lt3A_281 = arith.constant 50176 : i32
          %lt3A_282 = vector.broadcast %lt3A_281 : i32 to vector<16xi32>
          %lt3A_283 = arith.cmpi slt, %sub3A_277, %lt3A_282 : vector<16xi32>
          %and3A = arith.andi %ge3A_280, %lt3A_283 : vector<16xi1>
          %jit3A = arith.constant 50176 : i32
          %broadcast_in_dim3A_284 = vector.broadcast %jit3A : i32 to vector<16xi32>
          %select_n3A_285 = arith.select %and3A, %sub3A_277, %broadcast_in_dim3A_284 : vector<16xi1>, vector<16xi32>
          %sub3A_286 = arith.constant 8 : i32
          %sub3A_287 = arith.subi %scan3A_156, %sub3A_286 : i32
          %mul3A_288 = arith.constant 16 : i32
          %mul3A_289 = arith.muli %sub3A_287, %mul3A_288 : i32
          %swap3A = arith.constant 0 : i32
          %swap3A_290 = arith.constant 1 : i32
          %swap3A_291 = arith.index_cast %swap3A : i32 to index
          %swap3A_292 = arith.index_cast %swap3A_290 : i32 to index
          %swap3A_293 = arith.index_cast %mul3A_289 : i32 to index
          %swap3A_294 = tpu.vector_load %arg7[%swap3A_291, %swap3A_292, %swap3A_293] {strides = array<i32>} : memref<2x2x128xi32, #tpu.memory_space<vmem>>, vector<16xi32>,
          tpu.vector_store %arg7[%swap3A_291, %swap3A_292, %swap3A_293], %select_n3A_285 {strides = array<i32>} : memref<2x2x128xi32, #tpu.memory_space<vmem>>, vector<16xi32>,
          %scan3A_295 = arith.constant 0 : i32
          scf.yield %scan3A_295 : i32
        }
        %scan3A_144 = arith.constant 8 : i32
        %dma_start3A_145 = arith.constant 0 : i32
        %dma_start3A_146 = arith.constant 1 : i32
        %dma_start3A_147 = arith.constant 128 : i32
        %dma_start3A_148 = arith.constant 0 : i32
        %dma_start3A_149 = tpu.memref_slice %arg12[%dma_start3A_147, %dma_start3A_148] : memref<256x24xf32, #tpu.memory_space<vmem>> -> memref<128x24xf32, #tpu.memory_space<vmem>>
        %dma_start3A_150 = arith.constant 0 : i32
        %dma_start3A_151 = tpu.memref_slice %arg7[%dma_start3A_145, %dma_start3A_146, %dma_start3A_150] : memref<2x2x128xi32, #tpu.memory_space<vmem>> -> memref<1x1x128xi32, #tpu.memory_space<vmem>>
        %dma_start3A_152 = tpu.memref_squeeze %dma_start3A_151 : memref<1x1x128xi32, #tpu.memory_space<vmem>> -> memref<128xi32, #tpu.memory_space<vmem>>
        %dma_start3A_153 = arith.constant 0 : i32
        %dma_start3A_154 = arith.constant 0 : i32
        %dma_start3A_155 = tpu.memref_slice %arg21[%dma_start3A_153, %dma_start3A_154] : memref<51200x24xf32, #tpu.memory_space<vmem_shared>> -> memref<51200x24xf32, #tpu.memory_space<vmem_shared>>
        tpu.enqueue_indirect_dma source(%dma_start3A_149 : memref<128x24xf32, #tpu.memory_space<vmem>>) target(%dma_start3A_155 : memref<51200x24xf32, #tpu.memory_space<vmem_shared>>) offsets(%dma_start3A_152 : memref<128xi32, #tpu.memory_space<vmem>>) semaphore(%arg19 : memref<!tpu.dma_semaphore, #tpu.memory_space<semaphore_mem>>) {add = true}
      } else {
      }
      %mul3A_79 = arith.constant 2 : i32
      %mul3A_80 = arith.muli %mul3A_79, %scan3A_55 : i32
      %add3A_81 = arith.constant 1 : i32
      %add3A_82 = arith.addi %mul3A_80, %add3A_81 : i32
      %add3A_83 = arith.constant 1 : i32
      %add3A_84 = arith.addi %add3A_82, %add3A_83 : i32
      %mul3A_85 = arith.constant 16 : i32
      %mul3A_86 = arith.muli %add3A_84, %mul3A_85 : i32
      %add3A_87 = arith.addi %mul3A_86, %arg1 : i32
      %lt3A_88 = arith.constant 6250 : i32
      %lt3A_89 = arith.cmpi slt, %add3A_87, %lt3A_88 : i32
      %convert_element_type3A_90 = arith.extui %lt3A_89 : i1 to i32
      %cond3A_91 = arith.constant 0 : i32
      %cond3A_92 = arith.cmpi ne, %convert_element_type3A_90, %cond3A_91 : i32
      scf.if %cond3A_92 {
        %mul3A_102 = arith.constant 16 : i32
        %mul3A_103 = arith.muli %add3A_84, %mul3A_102 : i32
        %add3A_104 = arith.addi %mul3A_103, %arg1 : i32
        %mul3A_105 = arith.constant 256 : i32
        %mul3A_106 = arith.muli %add3A_104, %mul3A_105 : i32
        %run_scoped3A = arith.constant 0 : i32
        "tpu.region"() ({
          %run_scoped3A_122 = tpu.sem_alloc : memref<!tpu.dma_semaphore, #tpu.memory_space<semaphore_mem>>
          %dma_start3A_123 = arith.constant 0 : i32
          %dma_start3A_124 = arith.constant 0 : i32
          %dma_start3A_125 = tpu.memref_slice %arg6[%run_scoped3A, %dma_start3A_123, %dma_start3A_124] : memref<2x2x256xi32, #tpu.memory_space<vmem>> -> memref<1x2x256xi32, #tpu.memory_space<vmem>>
          %dma_start3A_126 = tpu.memref_squeeze %dma_start3A_125 : memref<1x2x256xi32, #tpu.memory_space<vmem>> -> memref<2x256xi32, #tpu.memory_space<vmem>>
          %dma_start3A_127 = arith.constant 0 : i32
          %dma_start3A_128 = tpu.memref_slice %arg2[%dma_start3A_127, %mul3A_106] : memref<2x1600000xi32, #tpu.memory_space<hbm>> -> memref<2x256xi32, #tpu.memory_space<hbm>>
          %dma_start3A_129 = arith.constant 0 : i32
          %dma_start3A_130 = arith.constant 0 : i32
          %dma_start3A_131 = tpu.memref_slice %arg6[%run_scoped3A, %dma_start3A_129, %dma_start3A_130] : memref<2x2x256xi32, #tpu.memory_space<vmem>> -> memref<1x2x256xi32, #tpu.memory_space<vmem>>
          %dma_start3A_132 = tpu.memref_squeeze %dma_start3A_131 : memref<1x2x256xi32, #tpu.memory_space<vmem>> -> memref<2x256xi32, #tpu.memory_space<vmem>>
          %dma_start3A_133 = arith.constant 0 : i32
          %dma_start3A_134 = tpu.memref_slice %arg2[%dma_start3A_133, %mul3A_106] : memref<2x1600000xi32, #tpu.memory_space<hbm>> -> memref<2x256xi32, #tpu.memory_space<hbm>>
          tpu.enqueue_dma source(%dma_start3A_134 : memref<2x256xi32, #tpu.memory_space<hbm>>) target(%dma_start3A_132 : memref<2x256xi32, #tpu.memory_space<vmem>>) target_semaphore(%run_scoped3A_122 : memref<!tpu.dma_semaphore, #tpu.memory_space<semaphore_mem>>)
          %dma_wait3A = arith.constant 0 : i32
          %dma_wait3A_135 = arith.constant 0 : i32
          %dma_wait3A_136 = tpu.memref_slice %arg6[%run_scoped3A, %dma_wait3A, %dma_wait3A_135] : memref<2x2x256xi32, #tpu.memory_space<vmem>> -> memref<1x2x256xi32, #tpu.memory_space<vmem>>
          %dma_wait3A_137 = tpu.memref_squeeze %dma_wait3A_136 : memref<1x2x256xi32, #tpu.memory_space<vmem>> -> memref<2x256xi32, #tpu.memory_space<vmem>>
          %dma_wait3A_138 = arith.constant 0 : i32
          %dma_wait3A_139 = tpu.memref_slice %arg2[%dma_wait3A_138, %mul3A_106] : memref<2x1600000xi32, #tpu.memory_space<hbm>> -> memref<2x256xi32, #tpu.memory_space<hbm>>
          %dma_wait3A_140 = arith.constant 0 : i32
          %dma_wait3A_141 = arith.constant 0 : i32
          %dma_wait3A_142 = tpu.memref_slice %arg6[%run_scoped3A, %dma_wait3A_140, %dma_wait3A_141] : memref<2x2x256xi32, #tpu.memory_space<vmem>> -> memref<1x2x256xi32, #tpu.memory_space<vmem>>
          %dma_wait3A_143 = tpu.memref_squeeze %dma_wait3A_142 : memref<1x2x256xi32, #tpu.memory_space<vmem>> -> memref<2x256xi32, #tpu.memory_space<vmem>>
          %dma_wait3A_144 = arith.constant 0 : i32
          %dma_wait3A_145 = tpu.memref_slice %arg2[%dma_wait3A_144, %mul3A_106] : memref<2x1600000xi32, #tpu.memory_space<hbm>> -> memref<2x256xi32, #tpu.memory_space<hbm>>
          tpu.wait_dma2 semaphore(%run_scoped3A_122 : memref<!tpu.dma_semaphore, #tpu.memory_space<semaphore_mem>>) src(%dma_wait3A_145 : memref<2x256xi32, #tpu.memory_space<hbm>>) dst(%dma_wait3A_143 : memref<2x256xi32, #tpu.memory_space<vmem>>)
          tpu.yield
        }) : () -> ()
        %dma_start3A = arith.constant 0 : i32
        %dma_start3A_107 = arith.constant 0 : i32
        %dma_start3A_108 = arith.constant 0 : i32
        %dma_start3A_109 = tpu.memref_slice %arg6[%dma_start3A, %dma_start3A_107, %dma_start3A_108] : memref<2x2x256xi32, #tpu.memory_space<vmem>> -> memref<1x1x256xi32, #tpu.memory_space<vmem>>
        %dma_start3A_110 = tpu.memref_squeeze %dma_start3A_109 : memref<1x1x256xi32, #tpu.memory_space<vmem>> -> memref<256xi32, #tpu.memory_space<vmem>>
        %dma_start3A_111 = arith.constant 0 : i32
        %dma_start3A_112 = arith.constant 0 : i32
        %dma_start3A_113 = tpu.memref_slice %arg3[%dma_start3A_111, %dma_start3A_112] : memref<100352x24xf32, #tpu.memory_space<hbm>> -> memref<100352x24xf32, #tpu.memory_space<hbm>>
        tpu.enqueue_indirect_dma source(%dma_start3A_113 : memref<100352x24xf32, #tpu.memory_space<hbm>>) target(%arg8 : memref<256x24xf32, #tpu.memory_space<vmem>>) offsets(%dma_start3A_110 : memref<256xi32, #tpu.memory_space<vmem>>) semaphore(%arg15 : memref<!tpu.dma_semaphore, #tpu.memory_space<semaphore_mem>>)
        %dma_start3A_114 = arith.constant 0 : i32
        %dma_start3A_115 = arith.constant 1 : i32
        %dma_start3A_116 = arith.constant 0 : i32
        %dma_start3A_117 = tpu.memref_slice %arg6[%dma_start3A_114, %dma_start3A_115, %dma_start3A_116] : memref<2x2x256xi32, #tpu.memory_space<vmem>> -> memref<1x1x256xi32, #tpu.memory_space<vmem>>
        %dma_start3A_118 = tpu.memref_squeeze %dma_start3A_117 : memref<1x1x256xi32, #tpu.memory_space<vmem>> -> memref<256xi32, #tpu.memory_space<vmem>>
        %dma_start3A_119 = arith.constant 0 : i32
        %dma_start3A_120 = arith.constant 0 : i32
        %dma_start3A_121 = tpu.memref_slice %arg4[%dma_start3A_119, %dma_start3A_120] : memref<100352x8xf32, #tpu.memory_space<hbm>> -> memref<100352x8xf32, #tpu.memory_space<hbm>>
        tpu.enqueue_indirect_dma source(%dma_start3A_121 : memref<100352x8xf32, #tpu.memory_space<hbm>>) target(%arg10 : memref<256x8xf32, #tpu.memory_space<vmem>>) offsets(%dma_start3A_118 : memref<256xi32, #tpu.memory_space<vmem>>) semaphore(%arg17 : memref<!tpu.dma_semaphore, #tpu.memory_space<semaphore_mem>>)
      } else {
      }
      %mul3A_93 = arith.constant 16 : i32
      %mul3A_94 = arith.muli %add3A_82, %mul3A_93 : i32
      %add3A_95 = arith.addi %mul3A_94, %arg1 : i32
      %lt3A_96 = arith.constant 6250 : i32
      %lt3A_97 = arith.cmpi slt, %add3A_95, %lt3A_96 : i32
      %convert_element_type3A_98 = arith.extui %lt3A_97 : i1 to i32
      %cond3A_99 = arith.constant 0 : i32
      %cond3A_100 = arith.cmpi ne, %convert_element_type3A_98, %cond3A_99 : i32
      scf.if %cond3A_100 {
        %ge3A = arith.constant 2 : i32
        %ge3A_102 = arith.cmpi sge, %add3A_82, %ge3A : i32
        %convert_element_type3A_103 = arith.extui %ge3A_102 : i1 to i32
        %cond3A_104 = arith.constant 0 : i32
        %cond3A_105 = arith.cmpi ne, %convert_element_type3A_103, %cond3A_104 : i32
        scf.if %cond3A_105 {
          %dma_wait3A_156 = arith.constant 1 : i32
          %dma_wait3A_157 = arith.constant 0 : i32
          %dma_wait3A_158 = arith.constant 0 : i32
          %dma_wait3A_159 = arith.constant 0 : i32
          %dma_wait3A_160 = tpu.memref_slice %arg13[%dma_wait3A_158, %dma_wait3A_159] : memref<256x24xf32, #tpu.memory_space<vmem>> -> memref<128x24xf32, #tpu.memory_space<vmem>>
          %dma_wait3A_161 = arith.constant 0 : i32
          %dma_wait3A_162 = tpu.memref_slice %arg7[%dma_wait3A_156, %dma_wait3A_157, %dma_wait3A_161] : memref<2x2x128xi32, #tpu.memory_space<vmem>> -> memref<1x1x128xi32, #tpu.memory_space<vmem>>
          %dma_wait3A_163 = tpu.memref_squeeze %dma_wait3A_162 : memref<1x1x128xi32, #tpu.memory_space<vmem>> -> memref<128xi32, #tpu.memory_space<vmem>>
          %dma_wait3A_164 = arith.constant 0 : i32
          %dma_wait3A_165 = arith.constant 0 : i32
          %dma_wait3A_166 = tpu.memref_slice %arg21[%dma_wait3A_164, %dma_wait3A_165] : memref<51200x24xf32, #tpu.memory_space<vmem_shared>> -> memref<51200x24xf32, #tpu.memory_space<vmem_shared>>
          tpu.wait_indirect_dma semaphore(%arg20 : memref<!tpu.dma_semaphore, #tpu.memory_space<semaphore_mem>>) src(%dma_wait3A_160 : memref<128x24xf32, #tpu.memory_space<vmem>>) dst(%dma_wait3A_166 : memref<51200x24xf32, #tpu.memory_space<vmem_shared>>)
          %dma_wait3A_167 = arith.constant 1 : i32
          %dma_wait3A_168 = arith.constant 1 : i32
          %dma_wait3A_169 = arith.constant 128 : i32
          %dma_wait3A_170 = arith.constant 0 : i32
          %dma_wait3A_171 = tpu.memref_slice %arg13[%dma_wait3A_169, %dma_wait3A_170] : memref<256x24xf32, #tpu.memory_space<vmem>> -> memref<128x24xf32, #tpu.memory_space<vmem>>
          %dma_wait3A_172 = arith.constant 0 : i32
          %dma_wait3A_173 = tpu.memref_slice %arg7[%dma_wait3A_167, %dma_wait3A_168, %dma_wait3A_172] : memref<2x2x128xi32, #tpu.memory_space<vmem>> -> memref<1x1x128xi32, #tpu.memory_space<vmem>>
          %dma_wait3A_174 = tpu.memref_squeeze %dma_wait3A_173 : memref<1x1x128xi32, #tpu.memory_space<vmem>> -> memref<128xi32, #tpu.memory_space<vmem>>
          %dma_wait3A_175 = arith.constant 0 : i32
          %dma_wait3A_176 = arith.constant 0 : i32
          %dma_wait3A_177 = tpu.memref_slice %arg21[%dma_wait3A_175, %dma_wait3A_176] : memref<51200x24xf32, #tpu.memory_space<vmem_shared>> -> memref<51200x24xf32, #tpu.memory_space<vmem_shared>>
          tpu.wait_indirect_dma semaphore(%arg20 : memref<!tpu.dma_semaphore, #tpu.memory_space<semaphore_mem>>) src(%dma_wait3A_171 : memref<128x24xf32, #tpu.memory_space<vmem>>) dst(%dma_wait3A_177 : memref<51200x24xf32, #tpu.memory_space<vmem_shared>>)
        } else {
        }
        %dma_wait3A = arith.constant 1 : i32
        %dma_wait3A_106 = arith.constant 0 : i32
        %dma_wait3A_107 = arith.constant 0 : i32
        %dma_wait3A_108 = tpu.memref_slice %arg6[%dma_wait3A, %dma_wait3A_106, %dma_wait3A_107] : memref<2x2x256xi32, #tpu.memory_space<vmem>> -> memref<1x1x256xi32, #tpu.memory_space<vmem>>
        %dma_wait3A_109 = tpu.memref_squeeze %dma_wait3A_108 : memref<1x1x256xi32, #tpu.memory_space<vmem>> -> memref<256xi32, #tpu.memory_space<vmem>>
        %dma_wait3A_110 = arith.constant 0 : i32
        %dma_wait3A_111 = arith.constant 0 : i32
        %dma_wait3A_112 = tpu.memref_slice %arg3[%dma_wait3A_110, %dma_wait3A_111] : memref<100352x24xf32, #tpu.memory_space<hbm>> -> memref<100352x24xf32, #tpu.memory_space<hbm>>
        tpu.wait_indirect_dma semaphore(%arg16 : memref<!tpu.dma_semaphore, #tpu.memory_space<semaphore_mem>>) src(%dma_wait3A_112 : memref<100352x24xf32, #tpu.memory_space<hbm>>) dst(%arg9 : memref<256x24xf32, #tpu.memory_space<vmem>>)
        %dma_wait3A_113 = arith.constant 1 : i32
        %dma_wait3A_114 = arith.constant 1 : i32
        %dma_wait3A_115 = arith.constant 0 : i32
        %dma_wait3A_116 = tpu.memref_slice %arg6[%dma_wait3A_113, %dma_wait3A_114, %dma_wait3A_115] : memref<2x2x256xi32, #tpu.memory_space<vmem>> -> memref<1x1x256xi32, #tpu.memory_space<vmem>>
        %dma_wait3A_117 = tpu.memref_squeeze %dma_wait3A_116 : memref<1x1x256xi32, #tpu.memory_space<vmem>> -> memref<256xi32, #tpu.memory_space<vmem>>
        %dma_wait3A_118 = arith.constant 0 : i32
        %dma_wait3A_119 = arith.constant 0 : i32
        %dma_wait3A_120 = tpu.memref_slice %arg4[%dma_wait3A_118, %dma_wait3A_119] : memref<100352x8xf32, #tpu.memory_space<hbm>> -> memref<100352x8xf32, #tpu.memory_space<hbm>>
        tpu.wait_indirect_dma semaphore(%arg18 : memref<!tpu.dma_semaphore, #tpu.memory_space<semaphore_mem>>) src(%dma_wait3A_120 : memref<100352x8xf32, #tpu.memory_space<hbm>>) dst(%arg11 : memref<256x8xf32, #tpu.memory_space<vmem>>)
        %scan3A_121 = arith.constant 0 : i32
        %scan3A_122 = arith.constant 0 : i32
        %scan3A_123 = arith.constant 8 : i32
        %scan3A_124 = arith.addi %scan3A_122, %scan3A_123 : i32
        %scan3A_125 = arith.constant 1 : i32
        %scan3A_126 = scf.for %scan3A_156 = %scan3A_122 to %scan3A_124 step %scan3A_125 iter_args(%scan3A_157 = %scan3A_121) -> (i32)  : i32 {
          %mul3A_158 = arith.constant 16 : i32
          %mul3A_159 = arith.muli %scan3A_156, %mul3A_158 : i32
          %add3A_160 = vector.broadcast %mul3A_159 : i32 to vector<16xi32>
          %add3A_161 = arith.addi %add3A_160, %iota3A : vector<16xi32>
          %broadcast_in_dim3A = arith.constant 16 : i32
          %broadcast_in_dim3A_162 = vector.broadcast %broadcast_in_dim3A : i32 to vector<16xi32>
          %gather3A = tpu.vector_load_idx %arg9[%add3A_161, %broadcast_in_dim3A_162] : memref<256x24xf32, #tpu.memory_space<vmem>>[vector<16xi32>, vector<16xi32>], vector<16xf32>,
          %broadcast_in_dim3A_163 = arith.constant 1 : i32
          %broadcast_in_dim3A_164 = vector.broadcast %broadcast_in_dim3A_163 : i32 to vector<16xi32>
          %gather3A_165 = tpu.vector_load_idx %arg11[%add3A_161, %broadcast_in_dim3A_164] : memref<256x8xf32, #tpu.memory_space<vmem>>[vector<16xi32>, vector<16xi32>], vector<16xf32>,
          %add3A_166 = arith.addf %gather3A, %gather3A_165 : vector<16xf32>
          %ge3A_167 = arith.constant 0.000000e+00 : f32
          %ge3A_168 = vector.broadcast %ge3A_167 : f32 to vector<16xf32>
          %ge3A_169 = arith.cmpf oge, %add3A_166, %ge3A_168 : vector<16xf32>
          %mul3A_170 = arith.constant 2.000000e-01 : f32
          %mul3A_171 = vector.broadcast %mul3A_170 : f32 to vector<16xf32>
          %mul3A_172 = arith.mulf %add3A_166, %mul3A_171 : vector<16xf32>
          %select_n3A = arith.select %ge3A_169, %add3A_166, %mul3A_172 : vector<16xi1>, vector<16xf32>
          %exp3A = math.exp %select_n3A : vector<16xf32>
          %broadcast_in_dim3A_173 = arith.constant 0 : i32
          %broadcast_in_dim3A_174 = vector.broadcast %broadcast_in_dim3A_173 : i32 to vector<16xi32>
          %gather3A_175 = tpu.vector_load_idx %arg9[%add3A_161, %broadcast_in_dim3A_174] : memref<256x24xf32, #tpu.memory_space<vmem>>[vector<16xi32>, vector<16xi32>], vector<16xf32>,
          %broadcast_in_dim3A_176 = arith.constant 0 : i32
          %broadcast_in_dim3A_177 = vector.broadcast %broadcast_in_dim3A_176 : i32 to vector<16xi32>
          %mul3A_178 = arith.mulf %gather3A_175, %exp3A : vector<16xf32>
          tpu.vector_store_idx %arg13[%add3A_161, %broadcast_in_dim3A_177], %mul3A_178 : memref<256x24xf32, #tpu.memory_space<vmem>>[vector<16xi32>, vector<16xi32>], vector<16xf32>,
          %broadcast_in_dim3A_179 = arith.constant 1 : i32
          %broadcast_in_dim3A_180 = vector.broadcast %broadcast_in_dim3A_179 : i32 to vector<16xi32>
          %gather3A_181 = tpu.vector_load_idx %arg9[%add3A_161, %broadcast_in_dim3A_180] : memref<256x24xf32, #tpu.memory_space<vmem>>[vector<16xi32>, vector<16xi32>], vector<16xf32>,
          %broadcast_in_dim3A_182 = arith.constant 1 : i32
          %broadcast_in_dim3A_183 = vector.broadcast %broadcast_in_dim3A_182 : i32 to vector<16xi32>
          %mul3A_184 = arith.mulf %gather3A_181, %exp3A : vector<16xf32>
          tpu.vector_store_idx %arg13[%add3A_161, %broadcast_in_dim3A_183], %mul3A_184 : memref<256x24xf32, #tpu.memory_space<vmem>>[vector<16xi32>, vector<16xi32>], vector<16xf32>,
          %broadcast_in_dim3A_185 = arith.constant 2 : i32
          %broadcast_in_dim3A_186 = vector.broadcast %broadcast_in_dim3A_185 : i32 to vector<16xi32>
          %gather3A_187 = tpu.vector_load_idx %arg9[%add3A_161, %broadcast_in_dim3A_186] : memref<256x24xf32, #tpu.memory_space<vmem>>[vector<16xi32>, vector<16xi32>], vector<16xf32>,
          %broadcast_in_dim3A_188 = arith.constant 2 : i32
          %broadcast_in_dim3A_189 = vector.broadcast %broadcast_in_dim3A_188 : i32 to vector<16xi32>
          %mul3A_190 = arith.mulf %gather3A_187, %exp3A : vector<16xf32>
          tpu.vector_store_idx %arg13[%add3A_161, %broadcast_in_dim3A_189], %mul3A_190 : memref<256x24xf32, #tpu.memory_space<vmem>>[vector<16xi32>, vector<16xi32>], vector<16xf32>,
          %broadcast_in_dim3A_191 = arith.constant 3 : i32
          %broadcast_in_dim3A_192 = vector.broadcast %broadcast_in_dim3A_191 : i32 to vector<16xi32>
          %gather3A_193 = tpu.vector_load_idx %arg9[%add3A_161, %broadcast_in_dim3A_192] : memref<256x24xf32, #tpu.memory_space<vmem>>[vector<16xi32>, vector<16xi32>], vector<16xf32>,
          %broadcast_in_dim3A_194 = arith.constant 3 : i32
          %broadcast_in_dim3A_195 = vector.broadcast %broadcast_in_dim3A_194 : i32 to vector<16xi32>
          %mul3A_196 = arith.mulf %gather3A_193, %exp3A : vector<16xf32>
          tpu.vector_store_idx %arg13[%add3A_161, %broadcast_in_dim3A_195], %mul3A_196 : memref<256x24xf32, #tpu.memory_space<vmem>>[vector<16xi32>, vector<16xi32>], vector<16xf32>,
          %broadcast_in_dim3A_197 = arith.constant 4 : i32
          %broadcast_in_dim3A_198 = vector.broadcast %broadcast_in_dim3A_197 : i32 to vector<16xi32>
          %gather3A_199 = tpu.vector_load_idx %arg9[%add3A_161, %broadcast_in_dim3A_198] : memref<256x24xf32, #tpu.memory_space<vmem>>[vector<16xi32>, vector<16xi32>], vector<16xf32>,
          %broadcast_in_dim3A_200 = arith.constant 4 : i32
          %broadcast_in_dim3A_201 = vector.broadcast %broadcast_in_dim3A_200 : i32 to vector<16xi32>
          %mul3A_202 = arith.mulf %gather3A_199, %exp3A : vector<16xf32>
          tpu.vector_store_idx %arg13[%add3A_161, %broadcast_in_dim3A_201], %mul3A_202 : memref<256x24xf32, #tpu.memory_space<vmem>>[vector<16xi32>, vector<16xi32>], vector<16xf32>,
          %broadcast_in_dim3A_203 = arith.constant 5 : i32
          %broadcast_in_dim3A_204 = vector.broadcast %broadcast_in_dim3A_203 : i32 to vector<16xi32>
          %gather3A_205 = tpu.vector_load_idx %arg9[%add3A_161, %broadcast_in_dim3A_204] : memref<256x24xf32, #tpu.memory_space<vmem>>[vector<16xi32>, vector<16xi32>], vector<16xf32>,
          %broadcast_in_dim3A_206 = arith.constant 5 : i32
          %broadcast_in_dim3A_207 = vector.broadcast %broadcast_in_dim3A_206 : i32 to vector<16xi32>
          %mul3A_208 = arith.mulf %gather3A_205, %exp3A : vector<16xf32>
          tpu.vector_store_idx %arg13[%add3A_161, %broadcast_in_dim3A_207], %mul3A_208 : memref<256x24xf32, #tpu.memory_space<vmem>>[vector<16xi32>, vector<16xi32>], vector<16xf32>,
          %broadcast_in_dim3A_209 = arith.constant 6 : i32
          %broadcast_in_dim3A_210 = vector.broadcast %broadcast_in_dim3A_209 : i32 to vector<16xi32>
          %gather3A_211 = tpu.vector_load_idx %arg9[%add3A_161, %broadcast_in_dim3A_210] : memref<256x24xf32, #tpu.memory_space<vmem>>[vector<16xi32>, vector<16xi32>], vector<16xf32>,
          %broadcast_in_dim3A_212 = arith.constant 6 : i32
          %broadcast_in_dim3A_213 = vector.broadcast %broadcast_in_dim3A_212 : i32 to vector<16xi32>
          %mul3A_214 = arith.mulf %gather3A_211, %exp3A : vector<16xf32>
          tpu.vector_store_idx %arg13[%add3A_161, %broadcast_in_dim3A_213], %mul3A_214 : memref<256x24xf32, #tpu.memory_space<vmem>>[vector<16xi32>, vector<16xi32>], vector<16xf32>,
          %broadcast_in_dim3A_215 = arith.constant 7 : i32
          %broadcast_in_dim3A_216 = vector.broadcast %broadcast_in_dim3A_215 : i32 to vector<16xi32>
          %gather3A_217 = tpu.vector_load_idx %arg9[%add3A_161, %broadcast_in_dim3A_216] : memref<256x24xf32, #tpu.memory_space<vmem>>[vector<16xi32>, vector<16xi32>], vector<16xf32>,
          %broadcast_in_dim3A_218 = arith.constant 7 : i32
          %broadcast_in_dim3A_219 = vector.broadcast %broadcast_in_dim3A_218 : i32 to vector<16xi32>
          %mul3A_220 = arith.mulf %gather3A_217, %exp3A : vector<16xf32>
          tpu.vector_store_idx %arg13[%add3A_161, %broadcast_in_dim3A_219], %mul3A_220 : memref<256x24xf32, #tpu.memory_space<vmem>>[vector<16xi32>, vector<16xi32>], vector<16xf32>,
          %broadcast_in_dim3A_221 = arith.constant 8 : i32
          %broadcast_in_dim3A_222 = vector.broadcast %broadcast_in_dim3A_221 : i32 to vector<16xi32>
          %gather3A_223 = tpu.vector_load_idx %arg9[%add3A_161, %broadcast_in_dim3A_222] : memref<256x24xf32, #tpu.memory_space<vmem>>[vector<16xi32>, vector<16xi32>], vector<16xf32>,
          %broadcast_in_dim3A_224 = arith.constant 8 : i32
          %broadcast_in_dim3A_225 = vector.broadcast %broadcast_in_dim3A_224 : i32 to vector<16xi32>
          %mul3A_226 = arith.mulf %gather3A_223, %exp3A : vector<16xf32>
          tpu.vector_store_idx %arg13[%add3A_161, %broadcast_in_dim3A_225], %mul3A_226 : memref<256x24xf32, #tpu.memory_space<vmem>>[vector<16xi32>, vector<16xi32>], vector<16xf32>,
          %broadcast_in_dim3A_227 = arith.constant 9 : i32
          %broadcast_in_dim3A_228 = vector.broadcast %broadcast_in_dim3A_227 : i32 to vector<16xi32>
          %gather3A_229 = tpu.vector_load_idx %arg9[%add3A_161, %broadcast_in_dim3A_228] : memref<256x24xf32, #tpu.memory_space<vmem>>[vector<16xi32>, vector<16xi32>], vector<16xf32>,
          %broadcast_in_dim3A_230 = arith.constant 9 : i32
          %broadcast_in_dim3A_231 = vector.broadcast %broadcast_in_dim3A_230 : i32 to vector<16xi32>
          %mul3A_232 = arith.mulf %gather3A_229, %exp3A : vector<16xf32>
          tpu.vector_store_idx %arg13[%add3A_161, %broadcast_in_dim3A_231], %mul3A_232 : memref<256x24xf32, #tpu.memory_space<vmem>>[vector<16xi32>, vector<16xi32>], vector<16xf32>,
          %broadcast_in_dim3A_233 = arith.constant 10 : i32
          %broadcast_in_dim3A_234 = vector.broadcast %broadcast_in_dim3A_233 : i32 to vector<16xi32>
          %gather3A_235 = tpu.vector_load_idx %arg9[%add3A_161, %broadcast_in_dim3A_234] : memref<256x24xf32, #tpu.memory_space<vmem>>[vector<16xi32>, vector<16xi32>], vector<16xf32>,
          %broadcast_in_dim3A_236 = arith.constant 10 : i32
          %broadcast_in_dim3A_237 = vector.broadcast %broadcast_in_dim3A_236 : i32 to vector<16xi32>
          %mul3A_238 = arith.mulf %gather3A_235, %exp3A : vector<16xf32>
          tpu.vector_store_idx %arg13[%add3A_161, %broadcast_in_dim3A_237], %mul3A_238 : memref<256x24xf32, #tpu.memory_space<vmem>>[vector<16xi32>, vector<16xi32>], vector<16xf32>,
          %broadcast_in_dim3A_239 = arith.constant 11 : i32
          %broadcast_in_dim3A_240 = vector.broadcast %broadcast_in_dim3A_239 : i32 to vector<16xi32>
          %gather3A_241 = tpu.vector_load_idx %arg9[%add3A_161, %broadcast_in_dim3A_240] : memref<256x24xf32, #tpu.memory_space<vmem>>[vector<16xi32>, vector<16xi32>], vector<16xf32>,
          %broadcast_in_dim3A_242 = arith.constant 11 : i32
          %broadcast_in_dim3A_243 = vector.broadcast %broadcast_in_dim3A_242 : i32 to vector<16xi32>
          %mul3A_244 = arith.mulf %gather3A_241, %exp3A : vector<16xf32>
          tpu.vector_store_idx %arg13[%add3A_161, %broadcast_in_dim3A_243], %mul3A_244 : memref<256x24xf32, #tpu.memory_space<vmem>>[vector<16xi32>, vector<16xi32>], vector<16xf32>,
          %broadcast_in_dim3A_245 = arith.constant 12 : i32
          %broadcast_in_dim3A_246 = vector.broadcast %broadcast_in_dim3A_245 : i32 to vector<16xi32>
          %gather3A_247 = tpu.vector_load_idx %arg9[%add3A_161, %broadcast_in_dim3A_246] : memref<256x24xf32, #tpu.memory_space<vmem>>[vector<16xi32>, vector<16xi32>], vector<16xf32>,
          %broadcast_in_dim3A_248 = arith.constant 12 : i32
          %broadcast_in_dim3A_249 = vector.broadcast %broadcast_in_dim3A_248 : i32 to vector<16xi32>
          %mul3A_250 = arith.mulf %gather3A_247, %exp3A : vector<16xf32>
          tpu.vector_store_idx %arg13[%add3A_161, %broadcast_in_dim3A_249], %mul3A_250 : memref<256x24xf32, #tpu.memory_space<vmem>>[vector<16xi32>, vector<16xi32>], vector<16xf32>,
          %broadcast_in_dim3A_251 = arith.constant 13 : i32
          %broadcast_in_dim3A_252 = vector.broadcast %broadcast_in_dim3A_251 : i32 to vector<16xi32>
          %gather3A_253 = tpu.vector_load_idx %arg9[%add3A_161, %broadcast_in_dim3A_252] : memref<256x24xf32, #tpu.memory_space<vmem>>[vector<16xi32>, vector<16xi32>], vector<16xf32>,
          %broadcast_in_dim3A_254 = arith.constant 13 : i32
          %broadcast_in_dim3A_255 = vector.broadcast %broadcast_in_dim3A_254 : i32 to vector<16xi32>
          %mul3A_256 = arith.mulf %gather3A_253, %exp3A : vector<16xf32>
          tpu.vector_store_idx %arg13[%add3A_161, %broadcast_in_dim3A_255], %mul3A_256 : memref<256x24xf32, #tpu.memory_space<vmem>>[vector<16xi32>, vector<16xi32>], vector<16xf32>,
          %broadcast_in_dim3A_257 = arith.constant 14 : i32
          %broadcast_in_dim3A_258 = vector.broadcast %broadcast_in_dim3A_257 : i32 to vector<16xi32>
          %gather3A_259 = tpu.vector_load_idx %arg9[%add3A_161, %broadcast_in_dim3A_258] : memref<256x24xf32, #tpu.memory_space<vmem>>[vector<16xi32>, vector<16xi32>], vector<16xf32>,
          %broadcast_in_dim3A_260 = arith.constant 14 : i32
          %broadcast_in_dim3A_261 = vector.broadcast %broadcast_in_dim3A_260 : i32 to vector<16xi32>
          %mul3A_262 = arith.mulf %gather3A_259, %exp3A : vector<16xf32>
          tpu.vector_store_idx %arg13[%add3A_161, %broadcast_in_dim3A_261], %mul3A_262 : memref<256x24xf32, #tpu.memory_space<vmem>>[vector<16xi32>, vector<16xi32>], vector<16xf32>,
          %broadcast_in_dim3A_263 = arith.constant 15 : i32
          %broadcast_in_dim3A_264 = vector.broadcast %broadcast_in_dim3A_263 : i32 to vector<16xi32>
          %gather3A_265 = tpu.vector_load_idx %arg9[%add3A_161, %broadcast_in_dim3A_264] : memref<256x24xf32, #tpu.memory_space<vmem>>[vector<16xi32>, vector<16xi32>], vector<16xf32>,
          %broadcast_in_dim3A_266 = arith.constant 15 : i32
          %broadcast_in_dim3A_267 = vector.broadcast %broadcast_in_dim3A_266 : i32 to vector<16xi32>
          %mul3A_268 = arith.mulf %gather3A_265, %exp3A : vector<16xf32>
          tpu.vector_store_idx %arg13[%add3A_161, %broadcast_in_dim3A_267], %mul3A_268 : memref<256x24xf32, #tpu.memory_space<vmem>>[vector<16xi32>, vector<16xi32>], vector<16xf32>,
          %broadcast_in_dim3A_269 = arith.constant 16 : i32
          %broadcast_in_dim3A_270 = vector.broadcast %broadcast_in_dim3A_269 : i32 to vector<16xi32>
          tpu.vector_store_idx %arg13[%add3A_161, %broadcast_in_dim3A_270], %exp3A : memref<256x24xf32, #tpu.memory_space<vmem>>[vector<16xi32>, vector<16xi32>], vector<16xf32>,
          %gather3A_271 = arith.constant 1 : i32
          %gather3A_272 = arith.constant 1 : i32
          %gather3A_273 = arith.constant 0 : i32
          %gather3A_274 = tpu.memref_slice %arg6[%gather3A_271, %gather3A_272, %gather3A_273] : memref<2x2x256xi32, #tpu.memory_space<vmem>> -> memref<1x1x256xi32, #tpu.memory_space<vmem>>
          %gather3A_275 = tpu.memref_squeeze %gather3A_274 : memref<1x1x256xi32, #tpu.memory_space<vmem>> -> memref<256xi32, #tpu.memory_space<vmem>>
          %gather3A_276 = tpu.vector_load_idx %gather3A_275[%add3A_161] : memref<256xi32, #tpu.memory_space<vmem>>[vector<16xi32>], vector<16xi32>,
          %sub3A = vector.broadcast %mul3A_2 : i32 to vector<16xi32>
          %sub3A_277 = arith.subi %gather3A_276, %sub3A : vector<16xi32>
          %ge3A_278 = arith.constant 0 : i32
          %ge3A_279 = vector.broadcast %ge3A_278 : i32 to vector<16xi32>
          %ge3A_280 = arith.cmpi sge, %sub3A_277, %ge3A_279 : vector<16xi32>
          %lt3A_281 = arith.constant 50176 : i32
          %lt3A_282 = vector.broadcast %lt3A_281 : i32 to vector<16xi32>
          %lt3A_283 = arith.cmpi slt, %sub3A_277, %lt3A_282 : vector<16xi32>
          %and3A = arith.andi %ge3A_280, %lt3A_283 : vector<16xi1>
          %jit3A = arith.constant 50176 : i32
          %broadcast_in_dim3A_284 = vector.broadcast %jit3A : i32 to vector<16xi32>
          %select_n3A_285 = arith.select %and3A, %sub3A_277, %broadcast_in_dim3A_284 : vector<16xi1>, vector<16xi32>
          %sub3A_286 = arith.constant 0 : i32
          %sub3A_287 = arith.subi %scan3A_156, %sub3A_286 : i32
          %mul3A_288 = arith.constant 16 : i32
          %mul3A_289 = arith.muli %sub3A_287, %mul3A_288 : i32
          %swap3A = arith.constant 1 : i32
          %swap3A_290 = arith.constant 0 : i32
          %swap3A_291 = arith.index_cast %swap3A : i32 to index
          %swap3A_292 = arith.index_cast %swap3A_290 : i32 to index
          %swap3A_293 = arith.index_cast %mul3A_289 : i32 to index
          %swap3A_294 = tpu.vector_load %arg7[%swap3A_291, %swap3A_292, %swap3A_293] {strides = array<i32>} : memref<2x2x128xi32, #tpu.memory_space<vmem>>, vector<16xi32>,
          tpu.vector_store %arg7[%swap3A_291, %swap3A_292, %swap3A_293], %select_n3A_285 {strides = array<i32>} : memref<2x2x128xi32, #tpu.memory_space<vmem>>, vector<16xi32>,
          %scan3A_295 = arith.constant 0 : i32
          scf.yield %scan3A_295 : i32
        }
        %scan3A_127 = arith.constant 8 : i32
        %dma_start3A = arith.constant 1 : i32
        %dma_start3A_128 = arith.constant 0 : i32
        %dma_start3A_129 = arith.constant 0 : i32
        %dma_start3A_130 = arith.constant 0 : i32
        %dma_start3A_131 = tpu.memref_slice %arg13[%dma_start3A_129, %dma_start3A_130] : memref<256x24xf32, #tpu.memory_space<vmem>> -> memref<128x24xf32, #tpu.memory_space<vmem>>
        %dma_start3A_132 = arith.constant 0 : i32
        %dma_start3A_133 = tpu.memref_slice %arg7[%dma_start3A, %dma_start3A_128, %dma_start3A_132] : memref<2x2x128xi32, #tpu.memory_space<vmem>> -> memref<1x1x128xi32, #tpu.memory_space<vmem>>
        %dma_start3A_134 = tpu.memref_squeeze %dma_start3A_133 : memref<1x1x128xi32, #tpu.memory_space<vmem>> -> memref<128xi32, #tpu.memory_space<vmem>>
        %dma_start3A_135 = arith.constant 0 : i32
        %dma_start3A_136 = arith.constant 0 : i32
        %dma_start3A_137 = tpu.memref_slice %arg21[%dma_start3A_135, %dma_start3A_136] : memref<51200x24xf32, #tpu.memory_space<vmem_shared>> -> memref<51200x24xf32, #tpu.memory_space<vmem_shared>>
        tpu.enqueue_indirect_dma source(%dma_start3A_131 : memref<128x24xf32, #tpu.memory_space<vmem>>) target(%dma_start3A_137 : memref<51200x24xf32, #tpu.memory_space<vmem_shared>>) offsets(%dma_start3A_134 : memref<128xi32, #tpu.memory_space<vmem>>) semaphore(%arg20 : memref<!tpu.dma_semaphore, #tpu.memory_space<semaphore_mem>>) {add = true}
        %scan3A_138 = arith.constant 0 : i32
        %scan3A_139 = arith.constant 8 : i32
        %scan3A_140 = arith.constant 8 : i32
        %scan3A_141 = arith.addi %scan3A_139, %scan3A_140 : i32
        %scan3A_142 = arith.constant 1 : i32
        %scan3A_143 = scf.for %scan3A_156 = %scan3A_139 to %scan3A_141 step %scan3A_142 iter_args(%scan3A_157 = %scan3A_138) -> (i32)  : i32 {
          %mul3A_158 = arith.constant 16 : i32
          %mul3A_159 = arith.muli %scan3A_156, %mul3A_158 : i32
          %add3A_160 = vector.broadcast %mul3A_159 : i32 to vector<16xi32>
          %add3A_161 = arith.addi %add3A_160, %iota3A : vector<16xi32>
          %broadcast_in_dim3A = arith.constant 16 : i32
          %broadcast_in_dim3A_162 = vector.broadcast %broadcast_in_dim3A : i32 to vector<16xi32>
          %gather3A = tpu.vector_load_idx %arg9[%add3A_161, %broadcast_in_dim3A_162] : memref<256x24xf32, #tpu.memory_space<vmem>>[vector<16xi32>, vector<16xi32>], vector<16xf32>,
          %broadcast_in_dim3A_163 = arith.constant 1 : i32
          %broadcast_in_dim3A_164 = vector.broadcast %broadcast_in_dim3A_163 : i32 to vector<16xi32>
          %gather3A_165 = tpu.vector_load_idx %arg11[%add3A_161, %broadcast_in_dim3A_164] : memref<256x8xf32, #tpu.memory_space<vmem>>[vector<16xi32>, vector<16xi32>], vector<16xf32>,
          %add3A_166 = arith.addf %gather3A, %gather3A_165 : vector<16xf32>
          %ge3A_167 = arith.constant 0.000000e+00 : f32
          %ge3A_168 = vector.broadcast %ge3A_167 : f32 to vector<16xf32>
          %ge3A_169 = arith.cmpf oge, %add3A_166, %ge3A_168 : vector<16xf32>
          %mul3A_170 = arith.constant 2.000000e-01 : f32
          %mul3A_171 = vector.broadcast %mul3A_170 : f32 to vector<16xf32>
          %mul3A_172 = arith.mulf %add3A_166, %mul3A_171 : vector<16xf32>
          %select_n3A = arith.select %ge3A_169, %add3A_166, %mul3A_172 : vector<16xi1>, vector<16xf32>
          %exp3A = math.exp %select_n3A : vector<16xf32>
          %broadcast_in_dim3A_173 = arith.constant 0 : i32
          %broadcast_in_dim3A_174 = vector.broadcast %broadcast_in_dim3A_173 : i32 to vector<16xi32>
          %gather3A_175 = tpu.vector_load_idx %arg9[%add3A_161, %broadcast_in_dim3A_174] : memref<256x24xf32, #tpu.memory_space<vmem>>[vector<16xi32>, vector<16xi32>], vector<16xf32>,
          %broadcast_in_dim3A_176 = arith.constant 0 : i32
          %broadcast_in_dim3A_177 = vector.broadcast %broadcast_in_dim3A_176 : i32 to vector<16xi32>
          %mul3A_178 = arith.mulf %gather3A_175, %exp3A : vector<16xf32>
          tpu.vector_store_idx %arg13[%add3A_161, %broadcast_in_dim3A_177], %mul3A_178 : memref<256x24xf32, #tpu.memory_space<vmem>>[vector<16xi32>, vector<16xi32>], vector<16xf32>,
          %broadcast_in_dim3A_179 = arith.constant 1 : i32
          %broadcast_in_dim3A_180 = vector.broadcast %broadcast_in_dim3A_179 : i32 to vector<16xi32>
          %gather3A_181 = tpu.vector_load_idx %arg9[%add3A_161, %broadcast_in_dim3A_180] : memref<256x24xf32, #tpu.memory_space<vmem>>[vector<16xi32>, vector<16xi32>], vector<16xf32>,
          %broadcast_in_dim3A_182 = arith.constant 1 : i32
          %broadcast_in_dim3A_183 = vector.broadcast %broadcast_in_dim3A_182 : i32 to vector<16xi32>
          %mul3A_184 = arith.mulf %gather3A_181, %exp3A : vector<16xf32>
          tpu.vector_store_idx %arg13[%add3A_161, %broadcast_in_dim3A_183], %mul3A_184 : memref<256x24xf32, #tpu.memory_space<vmem>>[vector<16xi32>, vector<16xi32>], vector<16xf32>,
          %broadcast_in_dim3A_185 = arith.constant 2 : i32
          %broadcast_in_dim3A_186 = vector.broadcast %broadcast_in_dim3A_185 : i32 to vector<16xi32>
          %gather3A_187 = tpu.vector_load_idx %arg9[%add3A_161, %broadcast_in_dim3A_186] : memref<256x24xf32, #tpu.memory_space<vmem>>[vector<16xi32>, vector<16xi32>], vector<16xf32>,
          %broadcast_in_dim3A_188 = arith.constant 2 : i32
          %broadcast_in_dim3A_189 = vector.broadcast %broadcast_in_dim3A_188 : i32 to vector<16xi32>
          %mul3A_190 = arith.mulf %gather3A_187, %exp3A : vector<16xf32>
          tpu.vector_store_idx %arg13[%add3A_161, %broadcast_in_dim3A_189], %mul3A_190 : memref<256x24xf32, #tpu.memory_space<vmem>>[vector<16xi32>, vector<16xi32>], vector<16xf32>,
          %broadcast_in_dim3A_191 = arith.constant 3 : i32
          %broadcast_in_dim3A_192 = vector.broadcast %broadcast_in_dim3A_191 : i32 to vector<16xi32>
          %gather3A_193 = tpu.vector_load_idx %arg9[%add3A_161, %broadcast_in_dim3A_192] : memref<256x24xf32, #tpu.memory_space<vmem>>[vector<16xi32>, vector<16xi32>], vector<16xf32>,
          %broadcast_in_dim3A_194 = arith.constant 3 : i32
          %broadcast_in_dim3A_195 = vector.broadcast %broadcast_in_dim3A_194 : i32 to vector<16xi32>
          %mul3A_196 = arith.mulf %gather3A_193, %exp3A : vector<16xf32>
          tpu.vector_store_idx %arg13[%add3A_161, %broadcast_in_dim3A_195], %mul3A_196 : memref<256x24xf32, #tpu.memory_space<vmem>>[vector<16xi32>, vector<16xi32>], vector<16xf32>,
          %broadcast_in_dim3A_197 = arith.constant 4 : i32
          %broadcast_in_dim3A_198 = vector.broadcast %broadcast_in_dim3A_197 : i32 to vector<16xi32>
          %gather3A_199 = tpu.vector_load_idx %arg9[%add3A_161, %broadcast_in_dim3A_198] : memref<256x24xf32, #tpu.memory_space<vmem>>[vector<16xi32>, vector<16xi32>], vector<16xf32>,
          %broadcast_in_dim3A_200 = arith.constant 4 : i32
          %broadcast_in_dim3A_201 = vector.broadcast %broadcast_in_dim3A_200 : i32 to vector<16xi32>
          %mul3A_202 = arith.mulf %gather3A_199, %exp3A : vector<16xf32>
          tpu.vector_store_idx %arg13[%add3A_161, %broadcast_in_dim3A_201], %mul3A_202 : memref<256x24xf32, #tpu.memory_space<vmem>>[vector<16xi32>, vector<16xi32>], vector<16xf32>,
          %broadcast_in_dim3A_203 = arith.constant 5 : i32
          %broadcast_in_dim3A_204 = vector.broadcast %broadcast_in_dim3A_203 : i32 to vector<16xi32>
          %gather3A_205 = tpu.vector_load_idx %arg9[%add3A_161, %broadcast_in_dim3A_204] : memref<256x24xf32, #tpu.memory_space<vmem>>[vector<16xi32>, vector<16xi32>], vector<16xf32>,
          %broadcast_in_dim3A_206 = arith.constant 5 : i32
          %broadcast_in_dim3A_207 = vector.broadcast %broadcast_in_dim3A_206 : i32 to vector<16xi32>
          %mul3A_208 = arith.mulf %gather3A_205, %exp3A : vector<16xf32>
          tpu.vector_store_idx %arg13[%add3A_161, %broadcast_in_dim3A_207], %mul3A_208 : memref<256x24xf32, #tpu.memory_space<vmem>>[vector<16xi32>, vector<16xi32>], vector<16xf32>,
          %broadcast_in_dim3A_209 = arith.constant 6 : i32
          %broadcast_in_dim3A_210 = vector.broadcast %broadcast_in_dim3A_209 : i32 to vector<16xi32>
          %gather3A_211 = tpu.vector_load_idx %arg9[%add3A_161, %broadcast_in_dim3A_210] : memref<256x24xf32, #tpu.memory_space<vmem>>[vector<16xi32>, vector<16xi32>], vector<16xf32>,
          %broadcast_in_dim3A_212 = arith.constant 6 : i32
          %broadcast_in_dim3A_213 = vector.broadcast %broadcast_in_dim3A_212 : i32 to vector<16xi32>
          %mul3A_214 = arith.mulf %gather3A_211, %exp3A : vector<16xf32>
          tpu.vector_store_idx %arg13[%add3A_161, %broadcast_in_dim3A_213], %mul3A_214 : memref<256x24xf32, #tpu.memory_space<vmem>>[vector<16xi32>, vector<16xi32>], vector<16xf32>,
          %broadcast_in_dim3A_215 = arith.constant 7 : i32
          %broadcast_in_dim3A_216 = vector.broadcast %broadcast_in_dim3A_215 : i32 to vector<16xi32>
          %gather3A_217 = tpu.vector_load_idx %arg9[%add3A_161, %broadcast_in_dim3A_216] : memref<256x24xf32, #tpu.memory_space<vmem>>[vector<16xi32>, vector<16xi32>], vector<16xf32>,
          %broadcast_in_dim3A_218 = arith.constant 7 : i32
          %broadcast_in_dim3A_219 = vector.broadcast %broadcast_in_dim3A_218 : i32 to vector<16xi32>
          %mul3A_220 = arith.mulf %gather3A_217, %exp3A : vector<16xf32>
          tpu.vector_store_idx %arg13[%add3A_161, %broadcast_in_dim3A_219], %mul3A_220 : memref<256x24xf32, #tpu.memory_space<vmem>>[vector<16xi32>, vector<16xi32>], vector<16xf32>,
          %broadcast_in_dim3A_221 = arith.constant 8 : i32
          %broadcast_in_dim3A_222 = vector.broadcast %broadcast_in_dim3A_221 : i32 to vector<16xi32>
          %gather3A_223 = tpu.vector_load_idx %arg9[%add3A_161, %broadcast_in_dim3A_222] : memref<256x24xf32, #tpu.memory_space<vmem>>[vector<16xi32>, vector<16xi32>], vector<16xf32>,
          %broadcast_in_dim3A_224 = arith.constant 8 : i32
          %broadcast_in_dim3A_225 = vector.broadcast %broadcast_in_dim3A_224 : i32 to vector<16xi32>
          %mul3A_226 = arith.mulf %gather3A_223, %exp3A : vector<16xf32>
          tpu.vector_store_idx %arg13[%add3A_161, %broadcast_in_dim3A_225], %mul3A_226 : memref<256x24xf32, #tpu.memory_space<vmem>>[vector<16xi32>, vector<16xi32>], vector<16xf32>,
          %broadcast_in_dim3A_227 = arith.constant 9 : i32
          %broadcast_in_dim3A_228 = vector.broadcast %broadcast_in_dim3A_227 : i32 to vector<16xi32>
          %gather3A_229 = tpu.vector_load_idx %arg9[%add3A_161, %broadcast_in_dim3A_228] : memref<256x24xf32, #tpu.memory_space<vmem>>[vector<16xi32>, vector<16xi32>], vector<16xf32>,
          %broadcast_in_dim3A_230 = arith.constant 9 : i32
          %broadcast_in_dim3A_231 = vector.broadcast %broadcast_in_dim3A_230 : i32 to vector<16xi32>
          %mul3A_232 = arith.mulf %gather3A_229, %exp3A : vector<16xf32>
          tpu.vector_store_idx %arg13[%add3A_161, %broadcast_in_dim3A_231], %mul3A_232 : memref<256x24xf32, #tpu.memory_space<vmem>>[vector<16xi32>, vector<16xi32>], vector<16xf32>,
          %broadcast_in_dim3A_233 = arith.constant 10 : i32
          %broadcast_in_dim3A_234 = vector.broadcast %broadcast_in_dim3A_233 : i32 to vector<16xi32>
          %gather3A_235 = tpu.vector_load_idx %arg9[%add3A_161, %broadcast_in_dim3A_234] : memref<256x24xf32, #tpu.memory_space<vmem>>[vector<16xi32>, vector<16xi32>], vector<16xf32>,
          %broadcast_in_dim3A_236 = arith.constant 10 : i32
          %broadcast_in_dim3A_237 = vector.broadcast %broadcast_in_dim3A_236 : i32 to vector<16xi32>
          %mul3A_238 = arith.mulf %gather3A_235, %exp3A : vector<16xf32>
          tpu.vector_store_idx %arg13[%add3A_161, %broadcast_in_dim3A_237], %mul3A_238 : memref<256x24xf32, #tpu.memory_space<vmem>>[vector<16xi32>, vector<16xi32>], vector<16xf32>,
          %broadcast_in_dim3A_239 = arith.constant 11 : i32
          %broadcast_in_dim3A_240 = vector.broadcast %broadcast_in_dim3A_239 : i32 to vector<16xi32>
          %gather3A_241 = tpu.vector_load_idx %arg9[%add3A_161, %broadcast_in_dim3A_240] : memref<256x24xf32, #tpu.memory_space<vmem>>[vector<16xi32>, vector<16xi32>], vector<16xf32>,
          %broadcast_in_dim3A_242 = arith.constant 11 : i32
          %broadcast_in_dim3A_243 = vector.broadcast %broadcast_in_dim3A_242 : i32 to vector<16xi32>
          %mul3A_244 = arith.mulf %gather3A_241, %exp3A : vector<16xf32>
          tpu.vector_store_idx %arg13[%add3A_161, %broadcast_in_dim3A_243], %mul3A_244 : memref<256x24xf32, #tpu.memory_space<vmem>>[vector<16xi32>, vector<16xi32>], vector<16xf32>,
          %broadcast_in_dim3A_245 = arith.constant 12 : i32
          %broadcast_in_dim3A_246 = vector.broadcast %broadcast_in_dim3A_245 : i32 to vector<16xi32>
          %gather3A_247 = tpu.vector_load_idx %arg9[%add3A_161, %broadcast_in_dim3A_246] : memref<256x24xf32, #tpu.memory_space<vmem>>[vector<16xi32>, vector<16xi32>], vector<16xf32>,
          %broadcast_in_dim3A_248 = arith.constant 12 : i32
          %broadcast_in_dim3A_249 = vector.broadcast %broadcast_in_dim3A_248 : i32 to vector<16xi32>
          %mul3A_250 = arith.mulf %gather3A_247, %exp3A : vector<16xf32>
          tpu.vector_store_idx %arg13[%add3A_161, %broadcast_in_dim3A_249], %mul3A_250 : memref<256x24xf32, #tpu.memory_space<vmem>>[vector<16xi32>, vector<16xi32>], vector<16xf32>,
          %broadcast_in_dim3A_251 = arith.constant 13 : i32
          %broadcast_in_dim3A_252 = vector.broadcast %broadcast_in_dim3A_251 : i32 to vector<16xi32>
          %gather3A_253 = tpu.vector_load_idx %arg9[%add3A_161, %broadcast_in_dim3A_252] : memref<256x24xf32, #tpu.memory_space<vmem>>[vector<16xi32>, vector<16xi32>], vector<16xf32>,
          %broadcast_in_dim3A_254 = arith.constant 13 : i32
          %broadcast_in_dim3A_255 = vector.broadcast %broadcast_in_dim3A_254 : i32 to vector<16xi32>
          %mul3A_256 = arith.mulf %gather3A_253, %exp3A : vector<16xf32>
          tpu.vector_store_idx %arg13[%add3A_161, %broadcast_in_dim3A_255], %mul3A_256 : memref<256x24xf32, #tpu.memory_space<vmem>>[vector<16xi32>, vector<16xi32>], vector<16xf32>,
          %broadcast_in_dim3A_257 = arith.constant 14 : i32
          %broadcast_in_dim3A_258 = vector.broadcast %broadcast_in_dim3A_257 : i32 to vector<16xi32>
          %gather3A_259 = tpu.vector_load_idx %arg9[%add3A_161, %broadcast_in_dim3A_258] : memref<256x24xf32, #tpu.memory_space<vmem>>[vector<16xi32>, vector<16xi32>], vector<16xf32>,
          %broadcast_in_dim3A_260 = arith.constant 14 : i32
          %broadcast_in_dim3A_261 = vector.broadcast %broadcast_in_dim3A_260 : i32 to vector<16xi32>
          %mul3A_262 = arith.mulf %gather3A_259, %exp3A : vector<16xf32>
          tpu.vector_store_idx %arg13[%add3A_161, %broadcast_in_dim3A_261], %mul3A_262 : memref<256x24xf32, #tpu.memory_space<vmem>>[vector<16xi32>, vector<16xi32>], vector<16xf32>,
          %broadcast_in_dim3A_263 = arith.constant 15 : i32
          %broadcast_in_dim3A_264 = vector.broadcast %broadcast_in_dim3A_263 : i32 to vector<16xi32>
          %gather3A_265 = tpu.vector_load_idx %arg9[%add3A_161, %broadcast_in_dim3A_264] : memref<256x24xf32, #tpu.memory_space<vmem>>[vector<16xi32>, vector<16xi32>], vector<16xf32>,
          %broadcast_in_dim3A_266 = arith.constant 15 : i32
          %broadcast_in_dim3A_267 = vector.broadcast %broadcast_in_dim3A_266 : i32 to vector<16xi32>
          %mul3A_268 = arith.mulf %gather3A_265, %exp3A : vector<16xf32>
          tpu.vector_store_idx %arg13[%add3A_161, %broadcast_in_dim3A_267], %mul3A_268 : memref<256x24xf32, #tpu.memory_space<vmem>>[vector<16xi32>, vector<16xi32>], vector<16xf32>,
          %broadcast_in_dim3A_269 = arith.constant 16 : i32
          %broadcast_in_dim3A_270 = vector.broadcast %broadcast_in_dim3A_269 : i32 to vector<16xi32>
          tpu.vector_store_idx %arg13[%add3A_161, %broadcast_in_dim3A_270], %exp3A : memref<256x24xf32, #tpu.memory_space<vmem>>[vector<16xi32>, vector<16xi32>], vector<16xf32>,
          %gather3A_271 = arith.constant 1 : i32
          %gather3A_272 = arith.constant 1 : i32
          %gather3A_273 = arith.constant 0 : i32
          %gather3A_274 = tpu.memref_slice %arg6[%gather3A_271, %gather3A_272, %gather3A_273] : memref<2x2x256xi32, #tpu.memory_space<vmem>> -> memref<1x1x256xi32, #tpu.memory_space<vmem>>
          %gather3A_275 = tpu.memref_squeeze %gather3A_274 : memref<1x1x256xi32, #tpu.memory_space<vmem>> -> memref<256xi32, #tpu.memory_space<vmem>>
          %gather3A_276 = tpu.vector_load_idx %gather3A_275[%add3A_161] : memref<256xi32, #tpu.memory_space<vmem>>[vector<16xi32>], vector<16xi32>,
          %sub3A = vector.broadcast %mul3A_2 : i32 to vector<16xi32>
          %sub3A_277 = arith.subi %gather3A_276, %sub3A : vector<16xi32>
          %ge3A_278 = arith.constant 0 : i32
          %ge3A_279 = vector.broadcast %ge3A_278 : i32 to vector<16xi32>
          %ge3A_280 = arith.cmpi sge, %sub3A_277, %ge3A_279 : vector<16xi32>
          %lt3A_281 = arith.constant 50176 : i32
          %lt3A_282 = vector.broadcast %lt3A_281 : i32 to vector<16xi32>
          %lt3A_283 = arith.cmpi slt, %sub3A_277, %lt3A_282 : vector<16xi32>
          %and3A = arith.andi %ge3A_280, %lt3A_283 : vector<16xi1>
          %jit3A = arith.constant 50176 : i32
          %broadcast_in_dim3A_284 = vector.broadcast %jit3A : i32 to vector<16xi32>
          %select_n3A_285 = arith.select %and3A, %sub3A_277, %broadcast_in_dim3A_284 : vector<16xi1>, vector<16xi32>
          %sub3A_286 = arith.constant 8 : i32
          %sub3A_287 = arith.subi %scan3A_156, %sub3A_286 : i32
          %mul3A_288 = arith.constant 16 : i32
          %mul3A_289 = arith.muli %sub3A_287, %mul3A_288 : i32
          %swap3A = arith.constant 1 : i32
          %swap3A_290 = arith.constant 1 : i32
          %swap3A_291 = arith.index_cast %swap3A : i32 to index
          %swap3A_292 = arith.index_cast %swap3A_290 : i32 to index
          %swap3A_293 = arith.index_cast %mul3A_289 : i32 to index
          %swap3A_294 = tpu.vector_load %arg7[%swap3A_291, %swap3A_292, %swap3A_293] {strides = array<i32>} : memref<2x2x128xi32, #tpu.memory_space<vmem>>, vector<16xi32>,
          tpu.vector_store %arg7[%swap3A_291, %swap3A_292, %swap3A_293], %select_n3A_285 {strides = array<i32>} : memref<2x2x128xi32, #tpu.memory_space<vmem>>, vector<16xi32>,
          %scan3A_295 = arith.constant 0 : i32
          scf.yield %scan3A_295 : i32
        }
        %scan3A_144 = arith.constant 8 : i32
        %dma_start3A_145 = arith.constant 1 : i32
        %dma_start3A_146 = arith.constant 1 : i32
        %dma_start3A_147 = arith.constant 128 : i32
        %dma_start3A_148 = arith.constant 0 : i32
        %dma_start3A_149 = tpu.memref_slice %arg13[%dma_start3A_147, %dma_start3A_148] : memref<256x24xf32, #tpu.memory_space<vmem>> -> memref<128x24xf32, #tpu.memory_space<vmem>>
        %dma_start3A_150 = arith.constant 0 : i32
        %dma_start3A_151 = tpu.memref_slice %arg7[%dma_start3A_145, %dma_start3A_146, %dma_start3A_150] : memref<2x2x128xi32, #tpu.memory_space<vmem>> -> memref<1x1x128xi32, #tpu.memory_space<vmem>>
        %dma_start3A_152 = tpu.memref_squeeze %dma_start3A_151 : memref<1x1x128xi32, #tpu.memory_space<vmem>> -> memref<128xi32, #tpu.memory_space<vmem>>
        %dma_start3A_153 = arith.constant 0 : i32
        %dma_start3A_154 = arith.constant 0 : i32
        %dma_start3A_155 = tpu.memref_slice %arg21[%dma_start3A_153, %dma_start3A_154] : memref<51200x24xf32, #tpu.memory_space<vmem_shared>> -> memref<51200x24xf32, #tpu.memory_space<vmem_shared>>
        tpu.enqueue_indirect_dma source(%dma_start3A_149 : memref<128x24xf32, #tpu.memory_space<vmem>>) target(%dma_start3A_155 : memref<51200x24xf32, #tpu.memory_space<vmem_shared>>) offsets(%dma_start3A_152 : memref<128xi32, #tpu.memory_space<vmem>>) semaphore(%arg20 : memref<!tpu.dma_semaphore, #tpu.memory_space<semaphore_mem>>) {add = true}
      } else {
      }
      %scan3A_101 = arith.constant 0 : i32
      scf.yield %scan3A_101 : i32
    }
    %scan3A_32 = arith.constant 196 : i32
    %add3A_33 = arith.constant 6240 : i32
    %add3A_34 = arith.addi %add3A_33, %arg1 : i32
    %lt3A_35 = arith.constant 6250 : i32
    %lt3A_36 = arith.cmpi slt, %add3A_34, %lt3A_35 : i32
    %convert_element_type3A_37 = arith.extui %lt3A_36 : i1 to i32
    %cond3A_38 = arith.constant 0 : i32
    %cond3A_39 = arith.cmpi ne, %convert_element_type3A_37, %cond3A_38 : i32
    scf.if %cond3A_39 {
      %dma_wait3A = arith.constant 0 : i32
      %dma_wait3A_55 = arith.constant 0 : i32
      %dma_wait3A_56 = arith.constant 0 : i32
      %dma_wait3A_57 = arith.constant 0 : i32
      %dma_wait3A_58 = tpu.memref_slice %arg12[%dma_wait3A_56, %dma_wait3A_57] : memref<256x24xf32, #tpu.memory_space<vmem>> -> memref<128x24xf32, #tpu.memory_space<vmem>>
      %dma_wait3A_59 = arith.constant 0 : i32
      %dma_wait3A_60 = tpu.memref_slice %arg7[%dma_wait3A, %dma_wait3A_55, %dma_wait3A_59] : memref<2x2x128xi32, #tpu.memory_space<vmem>> -> memref<1x1x128xi32, #tpu.memory_space<vmem>>
      %dma_wait3A_61 = tpu.memref_squeeze %dma_wait3A_60 : memref<1x1x128xi32, #tpu.memory_space<vmem>> -> memref<128xi32, #tpu.memory_space<vmem>>
      %dma_wait3A_62 = arith.constant 0 : i32
      %dma_wait3A_63 = arith.constant 0 : i32
      %dma_wait3A_64 = tpu.memref_slice %arg21[%dma_wait3A_62, %dma_wait3A_63] : memref<51200x24xf32, #tpu.memory_space<vmem_shared>> -> memref<51200x24xf32, #tpu.memory_space<vmem_shared>>
      tpu.wait_indirect_dma semaphore(%arg19 : memref<!tpu.dma_semaphore, #tpu.memory_space<semaphore_mem>>) src(%dma_wait3A_58 : memref<128x24xf32, #tpu.memory_space<vmem>>) dst(%dma_wait3A_64 : memref<51200x24xf32, #tpu.memory_space<vmem_shared>>)
      %dma_wait3A_65 = arith.constant 0 : i32
      %dma_wait3A_66 = arith.constant 1 : i32
      %dma_wait3A_67 = arith.constant 128 : i32
      %dma_wait3A_68 = arith.constant 0 : i32
      %dma_wait3A_69 = tpu.memref_slice %arg12[%dma_wait3A_67, %dma_wait3A_68] : memref<256x24xf32, #tpu.memory_space<vmem>> -> memref<128x24xf32, #tpu.memory_space<vmem>>
      %dma_wait3A_70 = arith.constant 0 : i32
      %dma_wait3A_71 = tpu.memref_slice %arg7[%dma_wait3A_65, %dma_wait3A_66, %dma_wait3A_70] : memref<2x2x128xi32, #tpu.memory_space<vmem>> -> memref<1x1x128xi32, #tpu.memory_space<vmem>>
      %dma_wait3A_72 = tpu.memref_squeeze %dma_wait3A_71 : memref<1x1x128xi32, #tpu.memory_space<vmem>> -> memref<128xi32, #tpu.memory_space<vmem>>
      %dma_wait3A_73 = arith.constant 0 : i32
      %dma_wait3A_74 = arith.constant 0 : i32
      %dma_wait3A_75 = tpu.memref_slice %arg21[%dma_wait3A_73, %dma_wait3A_74] : memref<51200x24xf32, #tpu.memory_space<vmem_shared>> -> memref<51200x24xf32, #tpu.memory_space<vmem_shared>>
      tpu.wait_indirect_dma semaphore(%arg19 : memref<!tpu.dma_semaphore, #tpu.memory_space<semaphore_mem>>) src(%dma_wait3A_69 : memref<128x24xf32, #tpu.memory_space<vmem>>) dst(%dma_wait3A_75 : memref<51200x24xf32, #tpu.memory_space<vmem_shared>>)
    } else {
    }
    %add3A_40 = arith.constant 6256 : i32
    %add3A_41 = arith.addi %add3A_40, %arg1 : i32
    %lt3A_42 = arith.constant 6250 : i32
    %lt3A_43 = arith.cmpi slt, %add3A_41, %lt3A_42 : i32
    %convert_element_type3A_44 = arith.extui %lt3A_43 : i1 to i32
    %cond3A_45 = arith.constant 0 : i32
    %cond3A_46 = arith.cmpi ne, %convert_element_type3A_44, %cond3A_45 : i32
    scf.if %cond3A_46 {
      %dma_wait3A = arith.constant 1 : i32
      %dma_wait3A_55 = arith.constant 0 : i32
      %dma_wait3A_56 = arith.constant 0 : i32
      %dma_wait3A_57 = arith.constant 0 : i32
      %dma_wait3A_58 = tpu.memref_slice %arg13[%dma_wait3A_56, %dma_wait3A_57] : memref<256x24xf32, #tpu.memory_space<vmem>> -> memref<128x24xf32, #tpu.memory_space<vmem>>
      %dma_wait3A_59 = arith.constant 0 : i32
      %dma_wait3A_60 = tpu.memref_slice %arg7[%dma_wait3A, %dma_wait3A_55, %dma_wait3A_59] : memref<2x2x128xi32, #tpu.memory_space<vmem>> -> memref<1x1x128xi32, #tpu.memory_space<vmem>>
      %dma_wait3A_61 = tpu.memref_squeeze %dma_wait3A_60 : memref<1x1x128xi32, #tpu.memory_space<vmem>> -> memref<128xi32, #tpu.memory_space<vmem>>
      %dma_wait3A_62 = arith.constant 0 : i32
      %dma_wait3A_63 = arith.constant 0 : i32
      %dma_wait3A_64 = tpu.memref_slice %arg21[%dma_wait3A_62, %dma_wait3A_63] : memref<51200x24xf32, #tpu.memory_space<vmem_shared>> -> memref<51200x24xf32, #tpu.memory_space<vmem_shared>>
      tpu.wait_indirect_dma semaphore(%arg20 : memref<!tpu.dma_semaphore, #tpu.memory_space<semaphore_mem>>) src(%dma_wait3A_58 : memref<128x24xf32, #tpu.memory_space<vmem>>) dst(%dma_wait3A_64 : memref<51200x24xf32, #tpu.memory_space<vmem_shared>>)
      %dma_wait3A_65 = arith.constant 1 : i32
      %dma_wait3A_66 = arith.constant 1 : i32
      %dma_wait3A_67 = arith.constant 128 : i32
      %dma_wait3A_68 = arith.constant 0 : i32
      %dma_wait3A_69 = tpu.memref_slice %arg13[%dma_wait3A_67, %dma_wait3A_68] : memref<256x24xf32, #tpu.memory_space<vmem>> -> memref<128x24xf32, #tpu.memory_space<vmem>>
      %dma_wait3A_70 = arith.constant 0 : i32
      %dma_wait3A_71 = tpu.memref_slice %arg7[%dma_wait3A_65, %dma_wait3A_66, %dma_wait3A_70] : memref<2x2x128xi32, #tpu.memory_space<vmem>> -> memref<1x1x128xi32, #tpu.memory_space<vmem>>
      %dma_wait3A_72 = tpu.memref_squeeze %dma_wait3A_71 : memref<1x1x128xi32, #tpu.memory_space<vmem>> -> memref<128xi32, #tpu.memory_space<vmem>>
      %dma_wait3A_73 = arith.constant 0 : i32
      %dma_wait3A_74 = arith.constant 0 : i32
      %dma_wait3A_75 = tpu.memref_slice %arg21[%dma_wait3A_73, %dma_wait3A_74] : memref<51200x24xf32, #tpu.memory_space<vmem_shared>> -> memref<51200x24xf32, #tpu.memory_space<vmem_shared>>
      tpu.wait_indirect_dma semaphore(%arg20 : memref<!tpu.dma_semaphore, #tpu.memory_space<semaphore_mem>>) src(%dma_wait3A_69 : memref<128x24xf32, #tpu.memory_space<vmem>>) dst(%dma_wait3A_75 : memref<51200x24xf32, #tpu.memory_space<vmem_shared>>)
    } else {
    }
    %barrier3A_47 = arith.constant 0 : index
    tpu.barrier barrier_id(%barrier3A_47)
    %scan3A_48 = arith.constant 0 : i32
    %scan3A_49 = arith.constant 0 : i32
    %scan3A_50 = arith.constant 25 : i32
    %scan3A_51 = arith.addi %scan3A_49, %scan3A_50 : i32
    %scan3A_52 = arith.constant 1 : i32
    %scan3A_53 = scf.for %scan3A_55 = %scan3A_49 to %scan3A_51 step %scan3A_52 iter_args(%scan3A_56 = %scan3A_48) -> (i32)  : i32 {
      %mul3A_57 = arith.constant 128 : i32
      %mul3A_58 = arith.muli %scan3A_55, %mul3A_57 : i32
      %add3A_59 = arith.addi %mul3A_0, %mul3A_58 : i32
      "tpu.region"() ({
        %run_scoped3A = tpu.sem_alloc : memref<!tpu.dma_semaphore, #tpu.memory_space<semaphore_mem>>
        %dma_start3A = arith.constant 0 : i32
        %dma_start3A_61 = tpu.memref_slice %arg21[%add3A_59, %dma_start3A] : memref<51200x24xf32, #tpu.memory_space<vmem_shared>> -> memref<128x24xf32, #tpu.memory_space<vmem_shared>>
        %dma_start3A_62 = arith.constant 0 : i32
        %dma_start3A_63 = tpu.memref_slice %arg21[%add3A_59, %dma_start3A_62] : memref<51200x24xf32, #tpu.memory_space<vmem_shared>> -> memref<128x24xf32, #tpu.memory_space<vmem_shared>>
        tpu.enqueue_dma source(%dma_start3A_63 : memref<128x24xf32, #tpu.memory_space<vmem_shared>>) target(%arg14 : memref<128x24xf32, #tpu.memory_space<vmem>>) target_semaphore(%run_scoped3A : memref<!tpu.dma_semaphore, #tpu.memory_space<semaphore_mem>>)
        %dma_wait3A = arith.constant 0 : i32
        %dma_wait3A_64 = tpu.memref_slice %arg21[%add3A_59, %dma_wait3A] : memref<51200x24xf32, #tpu.memory_space<vmem_shared>> -> memref<128x24xf32, #tpu.memory_space<vmem_shared>>
        %dma_wait3A_65 = arith.constant 0 : i32
        %dma_wait3A_66 = tpu.memref_slice %arg21[%add3A_59, %dma_wait3A_65] : memref<51200x24xf32, #tpu.memory_space<vmem_shared>> -> memref<128x24xf32, #tpu.memory_space<vmem_shared>>
        tpu.wait_dma2 semaphore(%run_scoped3A : memref<!tpu.dma_semaphore, #tpu.memory_space<semaphore_mem>>) src(%dma_wait3A_66 : memref<128x24xf32, #tpu.memory_space<vmem_shared>>) dst(%arg14 : memref<128x24xf32, #tpu.memory_space<vmem>>)
        tpu.yield
      }) : () -> ()
      "tpu.region"() ({
        %run_scoped3A = tpu.sem_alloc : memref<!tpu.dma_semaphore, #tpu.memory_space<semaphore_mem>>
        %dma_start3A = arith.constant 0 : i32
        %dma_start3A_61 = arith.constant 0 : i32
        %dma_start3A_62 = tpu.memref_slice %arg5[%arg0, %dma_start3A, %dma_start3A_61] : memref<2x51200x24xf32, #tpu.memory_space<hbm>> -> memref<1x51200x24xf32, #tpu.memory_space<hbm>>
        %dma_start3A_63 = tpu.memref_squeeze %dma_start3A_62 : memref<1x51200x24xf32, #tpu.memory_space<hbm>> -> memref<51200x24xf32, #tpu.memory_space<hbm>>
        %dma_start3A_64 = arith.constant 0 : i32
        %dma_start3A_65 = tpu.memref_slice %dma_start3A_63[%add3A_59, %dma_start3A_64] : memref<51200x24xf32, #tpu.memory_space<hbm>> -> memref<128x24xf32, #tpu.memory_space<hbm>>
        %dma_start3A_66 = arith.constant 0 : i32
        %dma_start3A_67 = arith.constant 0 : i32
        %dma_start3A_68 = tpu.memref_slice %arg5[%arg0, %dma_start3A_66, %dma_start3A_67] : memref<2x51200x24xf32, #tpu.memory_space<hbm>> -> memref<1x51200x24xf32, #tpu.memory_space<hbm>>
        %dma_start3A_69 = tpu.memref_squeeze %dma_start3A_68 : memref<1x51200x24xf32, #tpu.memory_space<hbm>> -> memref<51200x24xf32, #tpu.memory_space<hbm>>
        %dma_start3A_70 = arith.constant 0 : i32
        %dma_start3A_71 = tpu.memref_slice %dma_start3A_69[%add3A_59, %dma_start3A_70] : memref<51200x24xf32, #tpu.memory_space<hbm>> -> memref<128x24xf32, #tpu.memory_space<hbm>>
        tpu.enqueue_dma source(%arg14 : memref<128x24xf32, #tpu.memory_space<vmem>>) target(%dma_start3A_71 : memref<128x24xf32, #tpu.memory_space<hbm>>) target_semaphore(%run_scoped3A : memref<!tpu.dma_semaphore, #tpu.memory_space<semaphore_mem>>)
        %dma_wait3A = arith.constant 0 : i32
        %dma_wait3A_72 = arith.constant 0 : i32
        %dma_wait3A_73 = tpu.memref_slice %arg5[%arg0, %dma_wait3A, %dma_wait3A_72] : memref<2x51200x24xf32, #tpu.memory_space<hbm>> -> memref<1x51200x24xf32, #tpu.memory_space<hbm>>
        %dma_wait3A_74 = tpu.memref_squeeze %dma_wait3A_73 : memref<1x51200x24xf32, #tpu.memory_space<hbm>> -> memref<51200x24xf32, #tpu.memory_space<hbm>>
        %dma_wait3A_75 = arith.constant 0 : i32
        %dma_wait3A_76 = tpu.memref_slice %dma_wait3A_74[%add3A_59, %dma_wait3A_75] : memref<51200x24xf32, #tpu.memory_space<hbm>> -> memref<128x24xf32, #tpu.memory_space<hbm>>
        %dma_wait3A_77 = arith.constant 0 : i32
        %dma_wait3A_78 = arith.constant 0 : i32
        %dma_wait3A_79 = tpu.memref_slice %arg5[%arg0, %dma_wait3A_77, %dma_wait3A_78] : memref<2x51200x24xf32, #tpu.memory_space<hbm>> -> memref<1x51200x24xf32, #tpu.memory_space<hbm>>
        %dma_wait3A_80 = tpu.memref_squeeze %dma_wait3A_79 : memref<1x51200x24xf32, #tpu.memory_space<hbm>> -> memref<51200x24xf32, #tpu.memory_space<hbm>>
        %dma_wait3A_81 = arith.constant 0 : i32
        %dma_wait3A_82 = tpu.memref_slice %dma_wait3A_80[%add3A_59, %dma_wait3A_81] : memref<51200x24xf32, #tpu.memory_space<hbm>> -> memref<128x24xf32, #tpu.memory_space<hbm>>
        tpu.wait_dma2 semaphore(%run_scoped3A : memref<!tpu.dma_semaphore, #tpu.memory_space<semaphore_mem>>) src(%arg14 : memref<128x24xf32, #tpu.memory_space<vmem>>) dst(%dma_wait3A_82 : memref<128x24xf32, #tpu.memory_space<hbm>>)
        tpu.yield
      }) : () -> ()
      %scan3A_60 = arith.constant 0 : i32
      scf.yield %scan3A_60 : i32
    }
    %scan3A_54 = arith.constant 25 : i32
    return
  }
}

module attributes {stable_mosaic.version = 14 : i64} {
  func.func @body(%arg0: i32, %arg1: memref<2048x5xf32, #tpu.memory_space<vmem>>, %arg2: memref<5x2xf32, #tpu.memory_space<vmem>>, %arg3: memref<5x2xf32, #tpu.memory_space<vmem>>, %arg4: memref<2048x8xf32, #tpu.memory_space<vmem>>, %arg5: memref<2048x8xf32, #tpu.memory_space<vmem>>) attributes {dimension_semantics = [#tpu.dimension_semantics<arbitrary>], iteration_bounds = array<i64: 49>, scalar_prefetch = 0 : i64, scratch_operands = 0 : i64, tpu.core_type = #tpu.core_type<tc>, window_params = [{transform_indices = @transform_0, window_bounds = array<i64: 2048, 5>}, {pipeline_mode = #tpu.pipeline_mode<synchronous>, transform_indices = @transform_1, window_bounds = array<i64: 5, 2>}, {pipeline_mode = #tpu.pipeline_mode<synchronous>, transform_indices = @transform_2, window_bounds = array<i64: 5, 2>}, {transform_indices = @transform_3, window_bounds = array<i64: 2048, 8>}, {transform_indices = @transform_4, window_bounds = array<i64: 2048, 8>}]} {
    %get3A = arith.constant 0 : index
    %get3A_0 = arith.constant 0 : index
    %get3A_1 = vector.load %arg1[%get3A, %get3A_0] : memref<2048x5xf32, #tpu.memory_space<vmem>>, vector<2048x5xf32>
    %get3A_2 = arith.constant 0 : index
    %get3A_3 = arith.constant 0 : index
    %get3A_4 = vector.load %arg2[%get3A_2, %get3A_3] : memref<5x2xf32, #tpu.memory_space<vmem>>, vector<5x2xf32>
    %dot_general3A = arith.constant dense<0.000000e+00> : vector<2048x2xf32>
    %dot_general3A_5 = tpu.matmul %get3A_1, %get3A_4, %dot_general3A {dimension_numbers = #tpu.dot_dimension_numbers<[1], [0], [0], [1], [0, 0, 1, 1], [], []>, transpose_lhs_hint = false} : vector<2048x5xf32>, vector<5x2xf32>, vector<2048x2xf32> -> vector<2048x2xf32>
    %get3A_6 = arith.constant 0 : index
    %get3A_7 = arith.constant 0 : index
    %get3A_8 = vector.load %arg3[%get3A_6, %get3A_7] : memref<5x2xf32, #tpu.memory_space<vmem>>, vector<5x2xf32>
    %dot_general3A_9 = arith.constant dense<0.000000e+00> : vector<2048x2xf32>
    %dot_general3A_10 = tpu.matmul %get3A_1, %get3A_8, %dot_general3A_9 {dimension_numbers = #tpu.dot_dimension_numbers<[1], [0], [0], [1], [0, 0, 1, 1], [], []>, transpose_lhs_hint = false} : vector<2048x5xf32>, vector<5x2xf32>, vector<2048x2xf32> -> vector<2048x2xf32>
    %broadcast_in_dim3A = arith.constant 0.000000e+00 : f32
    %broadcast_in_dim3A_11 = vector.broadcast %broadcast_in_dim3A : f32 to vector<2048x1xf32>
    %broadcast_in_dim3A_12 = arith.constant 0.000000e+00 : f32
    %broadcast_in_dim3A_13 = vector.broadcast %broadcast_in_dim3A_12 : f32 to vector<2048x6xf32>
    %concatenate3A = tpu.concatenate %get3A_1, %dot_general3A_5, %broadcast_in_dim3A_11 in 1 : vector<2048x5xf32>, vector<2048x2xf32>, vector<2048x1xf32> -> vector<2048x8xf32>
    %swap3A = arith.constant 0 : index
    %swap3A_14 = arith.constant 0 : index
    %swap3A_15 = vector.load %arg4[%swap3A, %swap3A_14] : memref<2048x8xf32, #tpu.memory_space<vmem>>, vector<2048x8xf32>
    tpu.vector_store %arg4[%swap3A, %swap3A_14], %concatenate3A {strides = array<i32>} : memref<2048x8xf32, #tpu.memory_space<vmem>>, vector<2048x8xf32>,
    %concatenate3A_16 = tpu.concatenate %dot_general3A_10, %broadcast_in_dim3A_13 in 1 : vector<2048x2xf32>, vector<2048x6xf32> -> vector<2048x8xf32>
    %swap3A_17 = arith.constant 0 : index
    %swap3A_18 = arith.constant 0 : index
    %swap3A_19 = vector.load %arg5[%swap3A_17, %swap3A_18] : memref<2048x8xf32, #tpu.memory_space<vmem>>, vector<2048x8xf32>
    tpu.vector_store %arg5[%swap3A_17, %swap3A_18], %concatenate3A_16 {strides = array<i32>} : memref<2048x8xf32, #tpu.memory_space<vmem>>, vector<2048x8xf32>,
    return
  }
  func.func @transform_0(%arg0: i32) -> (i32, i32) {
    %c0_i32 = arith.constant 0 : i32
    %c0_i32_0 = arith.constant 0 : i32
    return %arg0, %c0_i32 : i32, i32
  }
  func.func @transform_1(%arg0: i32) -> (i32, i32) {
    %c0_i32 = arith.constant 0 : i32
    %c0_i32_0 = arith.constant 0 : i32
    %c0_i32_1 = arith.constant 0 : i32
    return %c0_i32, %c0_i32_0 : i32, i32
  }
  func.func @transform_2(%arg0: i32) -> (i32, i32) {
    %c0_i32 = arith.constant 0 : i32
    %c0_i32_0 = arith.constant 0 : i32
    %c0_i32_1 = arith.constant 0 : i32
    return %c0_i32, %c0_i32_0 : i32, i32
  }
  func.func @transform_3(%arg0: i32) -> (i32, i32) {
    %c0_i32 = arith.constant 0 : i32
    %c0_i32_0 = arith.constant 0 : i32
    return %arg0, %c0_i32 : i32, i32
  }
  func.func @transform_4(%arg0: i32) -> (i32, i32) {
    %c0_i32 = arith.constant 0 : i32
    %c0_i32_0 = arith.constant 0 : i32
    return %arg0, %c0_i32 : i32, i32
  }
}

module attributes {stable_mosaic.version = 14 : i64} {
  func.func @body(%arg0: i32, %arg1: memref<2x2048x16xf32, #tpu.memory_space<vmem>>, %arg2: memref<5x64xf32, #tpu.memory_space<vmem>>, %arg3: memref<1x64xf32, #tpu.memory_space<vmem>>, %arg4: memref<64x16xf32, #tpu.memory_space<vmem>>, %arg5: memref<2x16xf32, #tpu.memory_space<vmem>>, %arg6: memref<2048x24xf32, #tpu.memory_space<vmem>>, %arg7: memref<2048x8xf32, #tpu.memory_space<vmem>>) attributes {dimension_semantics = [#tpu.dimension_semantics<arbitrary>], iteration_bounds = array<i64: 49>, scalar_prefetch = 0 : i64, scratch_operands = 0 : i64, tpu.core_type = #tpu.core_type<tc>, window_params = [{transform_indices = @transform_0, window_bounds = array<i64: 2, 2048, 16>}, {pipeline_mode = #tpu.pipeline_mode<synchronous>, transform_indices = @transform_1, window_bounds = array<i64: 5, 64>}, {pipeline_mode = #tpu.pipeline_mode<synchronous>, transform_indices = @transform_2, window_bounds = array<i64: 1, 64>}, {pipeline_mode = #tpu.pipeline_mode<synchronous>, transform_indices = @transform_3, window_bounds = array<i64: 64, 16>}, {pipeline_mode = #tpu.pipeline_mode<synchronous>, transform_indices = @transform_4, window_bounds = array<i64: 2, 16>}, {transform_indices = @transform_5, window_bounds = array<i64: 2048, 24>}, {transform_indices = @transform_6, window_bounds = array<i64: 2048, 8>}]} {
    %get3A = arith.constant 0 : index
    %get3A_0 = arith.constant 0 : index
    %get3A_1 = arith.constant 0 : index
    %get3A_2 = vector.load %arg1[%get3A, %get3A_0, %get3A_1] : memref<2x2048x16xf32, #tpu.memory_space<vmem>>, vector<1x2048x16xf32>
    %get3A_3 = vector.shape_cast %get3A_2 : vector<1x2048x16xf32> to vector<2048x16xf32>
    %get3A_4 = arith.constant 1 : index
    %get3A_5 = arith.constant 0 : index
    %get3A_6 = arith.constant 0 : index
    %get3A_7 = vector.load %arg1[%get3A_4, %get3A_5, %get3A_6] : memref<2x2048x16xf32, #tpu.memory_space<vmem>>, vector<1x2048x16xf32>
    %get3A_8 = vector.shape_cast %get3A_7 : vector<1x2048x16xf32> to vector<2048x16xf32>
    %add3A = arith.addf %get3A_3, %get3A_8 : vector<2048x16xf32>
    %slice3A = vector.extract_strided_slice %add3A {offsets = [0, 10], sizes = [2048, 1], strides = [1, 1]} : vector<2048x16xf32> to vector<2048x1xf32>
    %add3A_9 = arith.constant 1.000000e-16 : f32
    %add3A_10 = vector.broadcast %add3A_9 : f32 to vector<2048x1xf32>
    %add3A_11 = arith.addf %slice3A, %add3A_10 : vector<2048x1xf32>
    %slice3A_12 = vector.extract_strided_slice %add3A {offsets = [0, 11], sizes = [2048, 1], strides = [1, 1]} : vector<2048x16xf32> to vector<2048x1xf32>
    %add3A_13 = arith.constant 1.000000e-16 : f32
    %add3A_14 = vector.broadcast %add3A_13 : f32 to vector<2048x1xf32>
    %add3A_15 = arith.addf %slice3A_12, %add3A_14 : vector<2048x1xf32>
    %get3A_16 = arith.constant 0 : index
    %get3A_17 = arith.constant 0 : index
    %get3A_18 = vector.load %arg2[%get3A_16, %get3A_17] : memref<5x64xf32, #tpu.memory_space<vmem>>, vector<5x64xf32>
    %slice3A_19 = vector.extract_strided_slice %add3A {offsets = [0, 0], sizes = [2048, 5], strides = [1, 1]} : vector<2048x16xf32> to vector<2048x5xf32>
    %slice3A_20 = vector.extract_strided_slice %get3A_18 {offsets = [0, 0], sizes = [5, 32], strides = [1, 1]} : vector<5x64xf32> to vector<5x32xf32>
    %dot_general3A = arith.constant dense<0.000000e+00> : vector<2048x32xf32>
    %dot_general3A_21 = tpu.matmul %slice3A_19, %slice3A_20, %dot_general3A {dimension_numbers = #tpu.dot_dimension_numbers<[1], [0], [0], [1], [0, 0, 1, 1], [], []>, transpose_lhs_hint = false} : vector<2048x5xf32>, vector<5x32xf32>, vector<2048x32xf32> -> vector<2048x32xf32>
    %div3A = vector.broadcast %add3A_11 : vector<2048x1xf32> to vector<2048x32xf32>
    %div3A_22 = arith.divf %dot_general3A_21, %div3A : vector<2048x32xf32>
    %slice3A_23 = vector.extract_strided_slice %add3A {offsets = [0, 5], sizes = [2048, 5], strides = [1, 1]} : vector<2048x16xf32> to vector<2048x5xf32>
    %slice3A_24 = vector.extract_strided_slice %get3A_18 {offsets = [0, 32], sizes = [5, 32], strides = [1, 1]} : vector<5x64xf32> to vector<5x32xf32>
    %dot_general3A_25 = arith.constant dense<0.000000e+00> : vector<2048x32xf32>
    %dot_general3A_26 = tpu.matmul %slice3A_23, %slice3A_24, %dot_general3A_25 {dimension_numbers = #tpu.dot_dimension_numbers<[1], [0], [0], [1], [0, 0, 1, 1], [], []>, transpose_lhs_hint = false} : vector<2048x5xf32>, vector<5x32xf32>, vector<2048x32xf32> -> vector<2048x32xf32>
    %div3A_27 = vector.broadcast %add3A_15 : vector<2048x1xf32> to vector<2048x32xf32>
    %div3A_28 = arith.divf %dot_general3A_26, %div3A_27 : vector<2048x32xf32>
    %concatenate3A = tpu.concatenate %div3A_22, %div3A_28 in 1 : vector<2048x32xf32>, vector<2048x32xf32> -> vector<2048x64xf32>
    %get3A_29 = arith.constant 0 : index
    %get3A_30 = arith.constant 0 : index
    %get3A_31 = vector.load %arg3[%get3A_29, %get3A_30] : memref<1x64xf32, #tpu.memory_space<vmem>>, vector<1x64xf32>
    %add3A_32 = vector.broadcast %get3A_31 : vector<1x64xf32> to vector<2048x64xf32>
    %add3A_33 = arith.addf %concatenate3A, %add3A_32 : vector<2048x64xf32>
    %max3A = arith.constant 0.000000e+00 : f32
    %max3A_34 = vector.broadcast %max3A : f32 to vector<2048x64xf32>
    %max3A_35 = arith.maximumf %add3A_33, %max3A_34 : vector<2048x64xf32>
    %get3A_36 = arith.constant 0 : index
    %get3A_37 = arith.constant 0 : index
    %get3A_38 = vector.load %arg4[%get3A_36, %get3A_37] : memref<64x16xf32, #tpu.memory_space<vmem>>, vector<64x16xf32>
    %dot_general3A_39 = arith.constant dense<0.000000e+00> : vector<2048x16xf32>
    %dot_general3A_40 = tpu.matmul %max3A_35, %get3A_38, %dot_general3A_39 {dimension_numbers = #tpu.dot_dimension_numbers<[1], [0], [0], [1], [0, 0, 1, 1], [], []>, transpose_lhs_hint = false} : vector<2048x64xf32>, vector<64x16xf32>, vector<2048x16xf32> -> vector<2048x16xf32>
    %get3A_41 = arith.constant 0 : index
    %get3A_42 = arith.constant 0 : index
    %get3A_43 = vector.load %arg5[%get3A_41, %get3A_42] : memref<2x16xf32, #tpu.memory_space<vmem>>, vector<2x16xf32>
    %slice3A_44 = vector.extract_strided_slice %get3A_43 {offsets = [0, 0], sizes = [1, 16], strides = [1, 1]} : vector<2x16xf32> to vector<1x16xf32>
    %mul3A = vector.broadcast %slice3A_44 : vector<1x16xf32> to vector<2048x16xf32>
    %mul3A_45 = arith.mulf %dot_general3A_40, %mul3A : vector<2048x16xf32>
    %reduce_sum3A = arith.constant dense<0.000000e+00> : vector<2048xf32>
    %reduce_sum3A_46 = vector.multi_reduction <add>, %mul3A_45, %reduce_sum3A [1] : vector<2048x16xf32> to vector<2048xf32>
    %broadcast_in_dim3A = vector.shape_cast %reduce_sum3A_46 : vector<2048xf32> to vector<2048x1xf32>
    %slice3A_47 = vector.extract_strided_slice %get3A_43 {offsets = [1, 0], sizes = [1, 16], strides = [1, 1]} : vector<2x16xf32> to vector<1x16xf32>
    %mul3A_48 = vector.broadcast %slice3A_47 : vector<1x16xf32> to vector<2048x16xf32>
    %mul3A_49 = arith.mulf %dot_general3A_40, %mul3A_48 : vector<2048x16xf32>
    %reduce_sum3A_50 = arith.constant dense<0.000000e+00> : vector<2048xf32>
    %reduce_sum3A_51 = vector.multi_reduction <add>, %mul3A_49, %reduce_sum3A_50 [1] : vector<2048x16xf32> to vector<2048xf32>
    %broadcast_in_dim3A_52 = vector.shape_cast %reduce_sum3A_51 : vector<2048xf32> to vector<2048x1xf32>
    %broadcast_in_dim3A_53 = arith.constant 0.000000e+00 : f32
    %broadcast_in_dim3A_54 = vector.broadcast %broadcast_in_dim3A_53 : f32 to vector<2048x6xf32>
    %concatenate3A_55 = tpu.concatenate %dot_general3A_40, %broadcast_in_dim3A, %broadcast_in_dim3A_52, %broadcast_in_dim3A_54 in 1 : vector<2048x16xf32>, vector<2048x1xf32>, vector<2048x1xf32>, vector<2048x6xf32> -> vector<2048x24xf32>
    %swap3A = arith.constant 0 : index
    %swap3A_56 = arith.constant 0 : index
    %swap3A_57 = vector.load %arg6[%swap3A, %swap3A_56] : memref<2048x24xf32, #tpu.memory_space<vmem>>, vector<2048x24xf32>
    tpu.vector_store %arg6[%swap3A, %swap3A_56], %concatenate3A_55 {strides = array<i32>} : memref<2048x24xf32, #tpu.memory_space<vmem>>, vector<2048x24xf32>,
    %concatenate3A_58 = tpu.concatenate %broadcast_in_dim3A, %broadcast_in_dim3A_52, %broadcast_in_dim3A_54 in 1 : vector<2048x1xf32>, vector<2048x1xf32>, vector<2048x6xf32> -> vector<2048x8xf32>
    %swap3A_59 = arith.constant 0 : index
    %swap3A_60 = arith.constant 0 : index
    %swap3A_61 = vector.load %arg7[%swap3A_59, %swap3A_60] : memref<2048x8xf32, #tpu.memory_space<vmem>>, vector<2048x8xf32>
    tpu.vector_store %arg7[%swap3A_59, %swap3A_60], %concatenate3A_58 {strides = array<i32>} : memref<2048x8xf32, #tpu.memory_space<vmem>>, vector<2048x8xf32>,
    return
  }
  func.func @transform_0(%arg0: i32) -> (i32, i32, i32) {
    %c0_i32 = arith.constant 0 : i32
    %c0_i32_0 = arith.constant 0 : i32
    %c0_i32_1 = arith.constant 0 : i32
    return %c0_i32, %arg0, %c0_i32_0 : i32, i32, i32
  }
  func.func @transform_1(%arg0: i32) -> (i32, i32) {
    %c0_i32 = arith.constant 0 : i32
    %c0_i32_0 = arith.constant 0 : i32
    %c0_i32_1 = arith.constant 0 : i32
    return %c0_i32, %c0_i32_0 : i32, i32
  }
  func.func @transform_2(%arg0: i32) -> (i32, i32) {
    %c0_i32 = arith.constant 0 : i32
    %c0_i32_0 = arith.constant 0 : i32
    %c0_i32_1 = arith.constant 0 : i32
    return %c0_i32, %c0_i32_0 : i32, i32
  }
  func.func @transform_3(%arg0: i32) -> (i32, i32) {
    %c0_i32 = arith.constant 0 : i32
    %c0_i32_0 = arith.constant 0 : i32
    %c0_i32_1 = arith.constant 0 : i32
    return %c0_i32, %c0_i32_0 : i32, i32
  }
  func.func @transform_4(%arg0: i32) -> (i32, i32) {
    %c0_i32 = arith.constant 0 : i32
    %c0_i32_0 = arith.constant 0 : i32
    %c0_i32_1 = arith.constant 0 : i32
    return %c0_i32, %c0_i32_0 : i32, i32
  }
  func.func @transform_5(%arg0: i32) -> (i32, i32) {
    %c0_i32 = arith.constant 0 : i32
    %c0_i32_0 = arith.constant 0 : i32
    return %arg0, %c0_i32 : i32, i32
  }
  func.func @transform_6(%arg0: i32) -> (i32, i32) {
    %c0_i32 = arith.constant 0 : i32
    %c0_i32_0 = arith.constant 0 : i32
    return %arg0, %c0_i32 : i32, i32
  }
}

module attributes {stable_mosaic.version = 14 : i64} {
  func.func @body(%arg0: i32, %arg1: memref<1x1024x24xf32, #tpu.memory_space<vmem>>, %arg2: memref<1x16xf32, #tpu.memory_space<vmem>>, %arg3: memref<1024x16xf32, #tpu.memory_space<vmem>>) attributes {dimension_semantics = [#tpu.dimension_semantics<arbitrary>], iteration_bounds = array<i64: 98>, scalar_prefetch = 0 : i64, scratch_operands = 0 : i64, tpu.core_type = #tpu.core_type<tc>, window_params = [{transform_indices = @transform_0, window_bounds = array<i64: 1, 1024, 24>}, {pipeline_mode = #tpu.pipeline_mode<synchronous>, transform_indices = @transform_1, window_bounds = array<i64: 1, 16>}, {transform_indices = @transform_2, window_bounds = array<i64: 1024, 16>}]} {
    %get3A = arith.constant 0 : index
    %get3A_0 = arith.constant 0 : index
    %get3A_1 = arith.constant 0 : index
    %get3A_2 = vector.load %arg1[%get3A, %get3A_0, %get3A_1] : memref<1x1024x24xf32, #tpu.memory_space<vmem>>, vector<1x1024x24xf32>
    %get3A_3 = vector.shape_cast %get3A_2 : vector<1x1024x24xf32> to vector<1024x24xf32>
    %slice3A = vector.extract_strided_slice %get3A_3 {offsets = [0, 16], sizes = [1024, 1], strides = [1, 1]} : vector<1024x24xf32> to vector<1024x1xf32>
    %add3A = arith.constant 1.000000e-16 : f32
    %add3A_4 = vector.broadcast %add3A : f32 to vector<1024x1xf32>
    %add3A_5 = arith.addf %slice3A, %add3A_4 : vector<1024x1xf32>
    %slice3A_6 = vector.extract_strided_slice %get3A_3 {offsets = [0, 0], sizes = [1024, 16], strides = [1, 1]} : vector<1024x24xf32> to vector<1024x16xf32>
    %div3A = vector.broadcast %add3A_5 : vector<1024x1xf32> to vector<1024x16xf32>
    %div3A_7 = arith.divf %slice3A_6, %div3A : vector<1024x16xf32>
    %get3A_8 = arith.constant 0 : index
    %get3A_9 = arith.constant 0 : index
    %get3A_10 = vector.load %arg2[%get3A_8, %get3A_9] : memref<1x16xf32, #tpu.memory_space<vmem>>, vector<1x16xf32>
    %add3A_11 = vector.broadcast %get3A_10 : vector<1x16xf32> to vector<1024x16xf32>
    %add3A_12 = arith.addf %div3A_7, %add3A_11 : vector<1024x16xf32>
    %swap3A = arith.constant 0 : index
    %swap3A_13 = arith.constant 0 : index
    %swap3A_14 = vector.load %arg3[%swap3A, %swap3A_13] : memref<1024x16xf32, #tpu.memory_space<vmem>>, vector<1024x16xf32>
    tpu.vector_store %arg3[%swap3A, %swap3A_13], %add3A_12 {strides = array<i32>} : memref<1024x16xf32, #tpu.memory_space<vmem>>, vector<1024x16xf32>,
    return
  }
  func.func @transform_0(%arg0: i32) -> (i32, i32, i32) {
    %jit3A = arith.constant 49 : i32
    %div3A = arith.divsi %arg0, %jit3A : i32
    %sign3A = arith.constant 0 : i32
    %sign3A_0 = arith.cmpi sgt, %arg0, %sign3A : i32
    %sign3A_1 = arith.extui %sign3A_0 : i1 to i32
    %sign3A_2 = arith.constant 0 : i32
    %sign3A_3 = arith.cmpi slt, %arg0, %sign3A_2 : i32
    %sign3A_4 = arith.extui %sign3A_3 : i1 to i32
    %sign3A_5 = arith.subi %sign3A_1, %sign3A_4 : i32
    %sign3A_6 = arith.constant 0 : i32
    %sign3A_7 = arith.cmpi sgt, %jit3A, %sign3A_6 : i32
    %sign3A_8 = arith.extui %sign3A_7 : i1 to i32
    %sign3A_9 = arith.constant 0 : i32
    %sign3A_10 = arith.cmpi slt, %jit3A, %sign3A_9 : i32
    %sign3A_11 = arith.extui %sign3A_10 : i1 to i32
    %sign3A_12 = arith.subi %sign3A_8, %sign3A_11 : i32
    %ne3A = arith.cmpi ne, %sign3A_5, %sign3A_12 : i32
    %rem3A = arith.remsi %arg0, %jit3A : i32
    %ne3A_13 = arith.constant 0 : i32
    %ne3A_14 = arith.cmpi ne, %rem3A, %ne3A_13 : i32
    %and3A = arith.andi %ne3A, %ne3A_14 : i1
    %sub3A = arith.constant 1 : i32
    %sub3A_15 = arith.subi %div3A, %sub3A : i32
    %select_n3A = arith.select %and3A, %sub3A_15, %div3A : i32
    %jit3A_16 = arith.constant 49 : i32
    %eq3A = arith.constant 0 : i32
    %eq3A_17 = arith.cmpi eq, %jit3A_16, %eq3A : i32
    %jit3A_18 = arith.constant 1 : i32
    %select_n3A_19 = arith.select %eq3A_17, %jit3A_18, %jit3A_16 : i32
    %rem3A_20 = arith.remsi %arg0, %select_n3A_19 : i32
    %ne3A_21 = arith.constant 0 : i32
    %ne3A_22 = arith.cmpi ne, %rem3A_20, %ne3A_21 : i32
    %lt3A = arith.constant 0 : i32
    %lt3A_23 = arith.cmpi slt, %rem3A_20, %lt3A : i32
    %lt3A_24 = arith.constant 0 : i32
    %lt3A_25 = arith.cmpi slt, %select_n3A_19, %lt3A_24 : i32
    %ne3A_26 = arith.xori %lt3A_23, %lt3A_25 : i1
    %and3A_27 = arith.andi %ne3A_26, %ne3A_22 : i1
    %add3A = arith.addi %rem3A_20, %select_n3A_19 : i32
    %select_n3A_28 = arith.select %and3A_27, %add3A, %rem3A_20 : i32
    %c0_i32 = arith.constant 0 : i32
    %c0_i32_29 = arith.constant 0 : i32
    return %select_n3A, %select_n3A_28, %c0_i32 : i32, i32, i32
  }
  func.func @transform_1(%arg0: i32) -> (i32, i32) {
    %c0_i32 = arith.constant 0 : i32
    %c0_i32_0 = arith.constant 0 : i32
    %c0_i32_1 = arith.constant 0 : i32
    return %c0_i32, %c0_i32_0 : i32, i32
  }
  func.func @transform_2(%arg0: i32) -> (i32, i32) {
    %c0_i32 = arith.constant 0 : i32
    %c0_i32_0 = arith.constant 0 : i32
    return %arg0, %c0_i32 : i32, i32
  }
}

</mosaic_0001>

<sc_bundles>
// kernel: kernel.10.cloned.1.call-start
scs
__scs_entry_jumppad:
0x0: {  	(pc) =	sbr.rel $0x88, $3  }
0x1: {  	(tag) =	ssettag $0x0;
	lr =	simm.s32 $0x1  }
0x2: {  	[smem:$0x3F97] =	sst lr;
	_ =	strace $0xD0000000  }
0x3: {  	_ = 	snop  }
0x4: {  	_ = 	snop  }
0x5: {  	_ = 	snop  }
0x6: {  	_ = 	snop  }
0x7: {  	_ = 	snop  }
__scs_overlays_trampoline_lowered:
0x8: {  	[smem:$0x3FA6] =	sst s0  }
0x9: {  	[smem:$0x3FA7] =	sst s1  }
0xa: {  	[smem:$0x3FA8] =	sst s2  }
0xb: {  	[smem:$0x3FA9] =	sst s3  }
0xc: {  	[smem:$0x3FAA] =	sst s4  }
0xd: {  	[smem:$0x3FAB] =	sst s5  }
0xe: {  	[smem:$0x3FAC] =	sst s6  }
0xf: {  	[smem:$0x3FAD] =	sst s7  }
0x10: {  	[smem:$0x3FAE] =	sst s8  }
0x11: {  	[smem:$0x3FAF] =	sst s9;
	s0 =	simm.s32 @!p0 $0x0  }
0x12: {  	s1 =	sld [smem:$0x3F95];
	s0 =	simm.s32 @p0 $0x1  }
0x13: {  	[smem:$0x3FB0] =	sst s0;
	s0 =	simm.s32 @!p1 $0x0  }
0x14: {  	s2 =	sld [smem:$0x3F94];
	s0 =	simm.s32 @p1 $0x1  }
0x15: {  	[smem:$0x3FB1] =	sst s0;
	s0 =	simm.s32 @!p2 $0x0  }
0x16: {  	s3 =	sld [smem:$0x3FDB];
	s0 =	simm.s32 @p2 $0x1  }
0x17: {  	s4 =	simm.s32 $0x1BF5;
	[smem:$0x3FB3] =	sst s0  }
0x18: {  	s0 =	sld [smem:$0x3F96];
	_ =	swait.ge [sflag:s4], $0x0  }
0x19: {  	s7 =	sld [smem:$0x3F97]  }
0x1a: {  	s8 =	sadd.s32 $0xFFFFE003, lr  }
0x1b: {  	s9 =	sadd.s32 $0xFFFFFEF7, lr;
	s5 =	simm.s32 $0xFFFFFFFF;
	p2 =	slt.u32 s8, $0xFFFFF086  }
0x1c: {  	p1 =	slt.u32 s9, $0xF7A;
	s5 =	simm.s32 @!p2 $0x0  }
0x1d: {  	s5 =	simm.s32 @p1 $0x1;
	p0 =	seq.s32 s7, s2  }
0x1e: {  	s7 =	smul.u32 @!p0 $0xF7A, s2;
	p2 =	seq.s32 @!p0 s5, $0x0  }
0x1f: {  	s9 =	smul.u32 $0xF7A, s1;
	s8 =	simm.s32 @!p0 $0x1BF5;
	p2 =	por !p2, p0  }
0x20: {  	[sflag:s8] =	ssyncset.s32 @!p0 $0xFFFFF086;
	s6 =	sadd.s32 @!p0 s3, s7;
	s7 =	simm.s32 @!p0 $0x108  }
0x21: {  	s3 =	sadd.s32 s3, s9;
	s6 =	sadd.s32 @!p0 $0x88, s6;
	s7 =	simm.s32 @p2 $0x1082  }
0x22: {  	[simem:s7], [sflag:s8] =	dma.local @!p0 [hbm:s6], $0xF7A  }
0x23: {  	s9 =	sor.u32 $0xD0000000, s2;
	s6 =	simm.s32 $0x108;
	_ =	swait.ge @!p0 [sflag:s8], $0x0  }
0x24: {  	s3 =	sadd.s32 $0x88, s3;
	s6 =	simm.s32 @!p1 $0x1082;
	[sflag:s4] =	ssyncset.s32 $0xFFFFF086  }
0x25: {  	[simem:s6], [sflag:s4] =	dma.local [hbm:s3], $0xF7A  }
0x26: {  	[smem:$0x3F97] =	sst s1;
	(tag) =	ssettag s2;
	_ =	strace s9  }
0x27: {  	s1 =	sld [smem:$0x3FA7]  }
0x28: {  	s2 =	sld [smem:$0x3FA8]  }
0x29: {  	s4 =	sld [smem:$0x3FAA]  }
0x2a: {  	p0 =	seq.s32 s5, $0x0;
	s5 =	sld [smem:$0x3FAB]  }
0x2b: {  	s6 =	sld [smem:$0x3FAC]  }
0x2c: {  	s7 =	sld [smem:$0x3FAD]  }
0x2d: {  	s3 =	simm.s32 $0x108;
	s8 =	sld [smem:$0x3FAE]  }
0x2e: {  	s3 =	simm.s32 @!p0 $0x1082;
	s9 =	sld [smem:$0x3FAF]  }
0x2f: {  	lr =	sadd.s32 s0, s3;
	s0 =	sld [smem:$0x3FA6]  }
0x30: {  	s3 =	sld [smem:$0x3FA9]  }
0x31: {  	[smem:$0x3FB2] =	sst s10  }
0x32: {  	s10 =	sld [smem:$0x3FB0];
	_ =	sdelay $0x3  }
0x33: {  	p0 =	seq.s32 s10, $0x1;
	s10 =	sld [smem:$0x3FB2];
	_ =	sdelay $0x3  }
0x34: {  	[smem:$0x3FB2] =	sst s10  }
0x35: {  	s10 =	sld [smem:$0x3FB1];
	_ =	sdelay $0x3  }
0x36: {  	p1 =	seq.s32 s10, $0x1;
	s10 =	sld [smem:$0x3FB2];
	_ =	sdelay $0x3  }
0x37: {  	[smem:$0x3FB2] =	sst s10  }
0x38: {  	s10 =	sld [smem:$0x3FB3]  }
0x39: {  	_ = 	snop;
	(pc) =	sbr.ind lr, $3  }
0x3a: {  	_ = 	snop  }
0x3b: {  	_ = 	snop  }
0x3c: {  	p2 =	seq.s32 s10, $0x1;
	s10 =	sld [smem:$0x3FB2]  }
0x3d: {  	_ =	shalt  }
0x3e: {  	_ =	shalt  }
0x3f: {  	_ =	shalt  }
0x40: {  	_ =	shalt  }
0x41: {  	_ =	shalt  }
0x42: {  	_ =	shalt  }
0x43: {  	_ =	shalt  }
0x44: {  	_ =	shalt  }
0x45: {  	_ =	shalt  }
0x46: {  	_ =	shalt  }
0x47: {  	_ =	shalt  }
0x48: {  	_ =	shalt  }
0x49: {  	_ =	shalt  }
0x4a: {  	_ =	shalt  }
0x4b: {  	_ =	shalt  }
0x4c: {  	_ =	shalt  }
0x4d: {  	_ =	shalt  }
0x4e: {  	_ =	shalt  }
0x4f: {  	_ =	shalt  }
0x50: {  	_ =	shalt  }
0x51: {  	_ =	shalt  }
0x52: {  	_ =	shalt  }
0x53: {  	_ =	shalt  }
0x54: {  	_ =	shalt  }
0x55: {  	_ =	shalt  }
0x56: {  	_ =	shalt  }
0x57: {  	_ =	shalt  }
0x58: {  	_ =	shalt  }
0x59: {  	_ =	shalt  }
0x5a: {  	_ =	shalt  }
0x5b: {  	_ =	shalt  }
0x5c: {  	_ =	shalt  }
0x5d: {  	_ =	shalt  }
0x5e: {  	_ =	shalt  }
0x5f: {  	_ =	shalt  }
0x60: {  	_ =	shalt  }
0x61: {  	_ =	shalt  }
0x62: {  	_ =	shalt  }
0x63: {  	_ =	shalt  }
0x64: {  	_ =	shalt  }
0x65: {  	_ =	shalt  }
0x66: {  	_ =	shalt  }
0x67: {  	_ =	shalt  }
0x68: {  	_ =	shalt  }
0x69: {  	_ =	shalt  }
0x6a: {  	_ =	shalt  }
0x6b: {  	_ =	shalt  }
0x6c: {  	_ =	shalt  }
0x6d: {  	_ =	shalt  }
0x6e: {  	_ =	shalt  }
0x6f: {  	_ =	shalt  }
0x70: {  	_ =	shalt  }
0x71: {  	_ =	shalt  }
0x72: {  	_ =	shalt  }
0x73: {  	_ =	shalt  }
0x74: {  	_ =	shalt  }
0x75: {  	_ =	shalt  }
0x76: {  	_ =	shalt  }
0x77: {  	_ =	shalt  }
0x78: {  	_ =	shalt  }
0x79: {  	_ =	shalt  }
0x7a: {  	_ =	shalt  }
0x7b: {  	_ =	shalt  }
0x7c: {  	_ =	shalt  }
0x7d: {  	_ =	shalt  }
0x7e: {  	_ =	shalt  }
0x7f: {  	_ =	shalt  }
0x80: {  	_ =	shalt  }
0x81: {  	_ =	shalt  }
0x82: {  	_ =	shalt  }
0x83: {  	_ =	shalt  }
0x84: {  	_ =	shalt  }
0x85: {  	_ =	shalt  }
0x86: {  	_ =	shalt  }
0x87: {  	_ =	shalt  }
.Lfunc_end0:
.L_simem_size_0:
called_computation.1_lowered:
.L_overlay_start_0:
0x88: {  	s2 =	sld [smem:$0x3FD9]  }
0x89: {  	s3 =	sld [smem:$0x3FFE];
	_ =	sdelay $0x1  }
0x8a: {  	s1 =	srdreg.scid  }
0x8b: {  	s0 =	sand.u32 $0x1, s1  }
0x8c: {  	s17 =	sshll.u32 s0, $0xA;
	s2 =	sadd.s32 s3, s2  }
0x8d: {  	s2 =	sadd.s32 s2, s17  }
0x8e: {  	[smem:$0x3FBE] =	sst s2  }
0x8f: {  	_ = 	snop  }
0x90: {  	s2 =	sld [smem:$0x3FD0];
	(tm) =	ssettm $0x1  }
0x91: {  	s18 =	sld [smem:$0x3FFB];
	_ =	sdelay $0x3  }
0x92: {  	_ =	strace s18  }
0x93: {  	s3 =	sld [smem:$0x3FFC];
	_ =	sdelay $0x3  }
0x94: {  	_ =	strace s3  }
0x95: {  	s3 =	sld [smem:$0x3FFD];
	_ =	sdelay $0x3  }
0x96: {  	_ =	strace s3  }
0x97: {  	_ =	strace $0x8FFFFFFF  }
0x98: {  	s19 =	sld [smem:$0x3FDB];
	_ =	sdelay $0x1  }
0x99: {  	s4 =	simm.s32 $_scs_section_size  }
0x9a: {  	s5 =	simm.s32 $_size__tile_overlayer_lowered;
	s6 =	simm.s32 $_tile_overlayer_lowered  }
0x9b: {  	s22 =	simm.s32 $0x1BFF;
	s21 =	sshll.u32 s6, $0x1;
	s3 =	sadd.s32 s4, s19  }
0x9c: {  	s7 =	simm.s32 $0x0;
	s20 =	sshll.u32 s5, $0x1;
	s5 =	sadd.s32 s21, s3  }
0x9d: {  	[timem:s7], [sflag:s22] =	dma.local [hbm:s5], s20  }
0x9e: {  	_ =	swait.ge [sflag:s22], s20  }
0x9f: {  	s4 =	ssub.s32 $0x0, s20;
	[sflag:s22] =	ssyncset.done $0x0  }
0xa0: {  	[sflag:s22] =	ssyncadd.s32 s4;
	_ =	sdelay $0x1  }
0xa1: {  	s23 =	simm.s32 $0x1B8B  }
0xa2: {  	_ =	swait.ge [sflag:s23], $0x1  }
0xa3: {  	[sflag:s23] =	ssyncset.done $0x0  }
0xa4: {  	s25 =	simm.s32 $0x1B8E;
	s24 =	sld [smem:$0x3FFE];
	[sflag:s23] =	ssyncadd.s32 $0xFFFFFFFF  }
0xa5: {  	s26 =	simm.s32 $execute0_lowered;
	[smem:$0x3FD2] =	sst s25  }
0xa6: {  	s5 =	sshll.u32 s26, $0x1;
	_ =	strace $0x80000049;
	[dreg:$0x1] =	wrdreg $0xFFFFFFFF  }
0xa7: {  	s28 =	simm.s32 $_size_execute0_lowered;
	s3 =	sadd.s32 s3, s5;
	[dreg:$0x0] =	wrdreg $0x0  }
0xa8: {  	s5 =	sshll.u32 s28, $0x1;
	[dreg:$0x2] =	wrdreg s3  }
0xa9: {  	[dreg:$0x3] =	wrdreg s5  }
0xaa: {  	[dreg:$0x4] =	wrdreg $0xC0  }
0xab: {  	_ =	task [dreg:s7], $0x5FFFF  }
0xac: {  	[dreg:$0x1] =	wrdreg $0xFFFFFFFF  }
0xad: {  	[dreg:$0x0] =	wrdreg $0x60  }
0xae: {  	[dreg:$0x2] =	wrdreg s24  }
0xaf: {  	[dreg:$0x3] =	wrdreg s2  }
0xb0: {  	[dreg:$0x4] =	wrdreg $0x82000  }
0xb1: {  	[dreg:$0x5] =	wrdreg $0x9  }
0xb2: {  	_ =	task.clear_ibuf [dreg:s7], $0x6FFFF;
	_ =	strace $0x90000049  }
0xb3: {  	s29 =	simm.s32 $0x9;
	_ =	strace $0x8000004B  }
0xb4: {  	_ =	swait.ge [sflag:s29], $0x1  }
0xb5: {  	[sflag:s29] =	ssyncadd.s32 $0xFFFFFFFF  }
0xb6: {  	_ =	strace $0x9000004B  }
0xb7: {  	_ =	sfence  }
0xb8: {  	s30 =	sld [smem:$0x0];
	_ =	sdelay $0x2  }
0xb9: {  	s31 =	sshll.u32 s1, $0xD;
	s1 =	sshrl.u32 s1, $0x2  }
0xba: {  	s3 =	sand.u32 $0x4000, s31;
	s1 =	sadd.s32 s1, s30  }
0xbb: {  	s0 =	sor.u32 s3, s0;
	s1 =	sshll.u32 s1, $0x11  }
0xbc: {  	s0 =	sor.u32 s1, s0  }
0xbd: {  	s0 =	sadd.s32 $0x8F2B, s0  }
0xbe: {  	[sflag:s0] =	ssyncadd.remote.s32 $0x1  }
0xbf: {  	_ =	sfence.sel $0xFFFF  }
0xc0: {  	[dreg:$0x0] =	wrdreg $0xFFFFFFFF;
	(pc) =	sbr.abs _section_cstart, $3  }
0xc1: {  	[dreg:$0x1] =	wrdreg $0xFFFFFFFF  }
0xc2: {  	_ =	task.clear_ibuf [dreg:s7], $0x2FFFF;
	_ =	strace $0x9FFFFFFF  }
0xc3: {  	(tm) =	ssettm $0x7FFFFFFF  }
tec
execute0_lowered:
.L_overlay_start_1:
0x0: {  	(tag) =	ssettag $0x1  }
0x1: {  	s0 =	rddreg [dreg:$0x0]  }
0x2: {  	s1 =	rddreg [dreg:$0x1]  }
0x3: {  	s2 =	rddreg [dreg:$0x2];
	s3 =	simm.s32 $0x0  }
0x4: {  	s4 =	srdreg.scid;
	s11 =	simm.s32 $0x7600;
	s12 =	simm.s32 $0x7  }
0x5: {  	s13 =	simm.s32 $0x4600;
	s14 =	simm.s32 $0x5E00;
	s15 =	simm.s32 $0x100  }
0x6: {  	s17 =	simm.s32 $0x600;
	s18 =	simm.s32 $0x3600;
	s19 =	simm.s32 $0x1  }
0x7: {  	s20 =	simm.s32 $0x3;
	s22 =	simm.s32 $0x80;
	s28 =	simm.s32 $0x4  }
0x8: {  	s29 =	simm.s32 $0x1E00;
	s30 =	simm.s32 $0x3E00;
	s31 =	simm.s32 $0x300  }
0x9: {  	v1 =	vimm.s32 $0x13121110;
	[smem:$0x7FF] =	sst s3;
	s7 =	sand.u32 $0x1, s4;
	s5 =	sadd.s32 $0x1400, s0  }
0xa: {  	v0 =	vimm.s32 $0x76543210;
	v2 =	vimm.s32 $0x17161514;
	s6 =	sadd.s32 $0x63000, s0;
	s4 =	smul.u32 $0x25800, s7;
	s8 =	ssub.s32 $0x2, s7  }
0xb: {  	vm0 =	vcmask $0x1F10;
	_ =	strace $0x8000004A;
	s7 =	smul.u32 $0xC400, s7;
	s9 =	sshrl.u32 s8, $0x1  }
0xc: {  	v3 =	vunpack.c.l.s4.s8 v0;
	v0 =	vlaneseq.u32;
	v4 =	vunpack.c.0.s8.s32 v1;
	s0 =	sadd.s32 s4, s0;
	s4 =	stileid.u32;
	s9 =	ssub.s32 s8, s9  }
0xd: {  	v5 =	vunpack.c.0.s8.s32 v2;
	v10 =	vmul.u32 $0x18, v0;
	v1 =	vmov s7;
	s7 =	simm.s32 $0x0;
	s24 =	sshll.u32 s4, $0x5;
	s10 =	smul.u32 $0x4B000, s4  }
0xe: {  	v2 =	vimm.f32 $0.0e+00;
	v11 =	vor.u32 $0xFFFFFFF8, v0;
	v3 =	vunpack.c.0.s8.s32 v3;
	s0 =	sadd.s32 $0xAC800, s0;
	s9 =	smax.u32 s9, $0x1;
	s26 =	smul.u32 $0x2580, s4  }
0xf: {  	v4 =	vsel vm0, v5, v4;
	v5 =	vadd.s32 $0x12, v10;
	v6 =	vadd.s32 $0x13, v10;
	p0 =	sgt.u32 s4, $0x9;
	s8 =	sadd.s32 s5, s24;
	[dreg:$0x5] =	wrdreg s9  }
0x10: {  	v7 =	vadd.s32 $0x14, v10;
	v8 =	vadd.s32 $0x15, v10;
	v3 =	vcombine.low v4, v3;
	[dreg:$0x4] =	wrdreg s8;
	s8 =	sor.u32 $0x20, s4;
	s25 =	sshrl.u32 s10, $0x2  }
0x11: {  	v9 =	vadd.s32 $0x16, v10;
	v4 =	vadd.s32 $0x11, v10;
	v10 =	vadd.s32 $0x17, v10;
	s24 =	sadd.s32 s0, s26;
	s26 =	simm.s32 $0x2;
	s10 =	sadd.s32 s25, s2  }
.LBB2_1:
0x12: {  	v12 =	vmov s3  }
0x13: {  	v12 =	vmul.u32 $0x18, v12;
	_ =	sdelay $0x1  }
0x14: {  	v13 =	vbroadcast v12, $0x0;
	_ =	sdelay $0x1  }
0x15: {  	s0 =	simm.s32 $0x1;
	v12 =	vadd.s32 v0, v13  }
.LBB2_2:
0x16: {  	v14 =	vmov s0;
	v15 =	vadd.s32 v3, v13;
	p1 =	seq.s32 s0, $0x7F  }
.Ltmp0:
0x17: {  	s0 =	sadd.s32 $0x1, s0;
	v13 =	vmul.u32 $0x18, v14;
	(pc) =	sbr.rel @!p1 .LBB2_2-.Ltmp0, $4  }
0x18: {  	_ = 	snop  }
0x19: {  	v13 =	vbroadcast v13, $0x0  }
0x1a: {  	[tilespmem:v12+s11+$0x0] =	vst.idx.msk $0xffff, v2  }
0x1b: {  	v12 =	vadd.s32 v0, v13;
	[tilespmem:v15+s11+$0x0] =	vst.idx.msk $0xffff, v2  }
0x1c: {  	v13 =	vadd.s32 v3, v13;
	_ =	sdelay $0x3  }
0x1d: {  	[tilespmem:v12+s11+$0x0] =	vst.idx.msk $0xffff, v2  }
0x1e: {  	s9 =	sadd.s32 $0x0, s10;
	[tilespmem:v13+s11+$0x0] =	vst.idx.msk $0xffff, v2  }
0x1f: {  	[spmem:s9] =	stream.linear.scatter [tilespmem:s11], [sflag:$0x7], $0xC00, $0x38;
	[tilespmem:$0x1AE00] =	vst v63  }
0x20: {  	s0 =	simm.s32 $0x0;
	s9 =	simm.s32 $0x3000;
	_ =	swait.ge [sflag:s12], $0xC00  }
.LBB2_4:
0x21: {  	s21 =	sshra.s32 s9, $0x2;
	[sflag:s12] =	ssyncset.done $0x0;
	p1 =	sne.s32 s9, $0x48000  }
.Ltmp1:
0x22: {  	s21 =	sadd.s32 s21, s10;
	[sflag:s12] =	ssyncadd.s32 $0xFFFFF400;
	(pc) =	sbr.rel @p1 .LBB2_4-.Ltmp1, $3  }
0x23: {  	[spmem:s21] =	stream.linear.scatter [tilespmem:s11], [sflag:$0x7], $0xC00, $0x38;
	[tilespmem:$0x1AE00] =	vst v63  }
0x24: {  	s9 =	sadd.s32 $0x3000, s9;
	_ =	sdelay $0x1  }
0x25: {  	_ =	swait.ge [sflag:s12], $0xC00  }
0x26: {  	v12 =	vmov s0  }
0x27: {  	v12 =	vmul.u32 $0x18, v12;
	_ =	sdelay $0x1  }
0x28: {  	v12 =	vbroadcast v12, $0x0;
	_ =	sdelay $0x1  }
0x29: {  	v13 =	vadd.s32 v4, v12;
	_ =	sdelay $0x1  }
0x2a: {  	v16 =	vadd.s32 v5, v12  }
0x2b: {  	[sflag:s12] =	ssyncset.done $0x0  }
0x2c: {  	[sflag:s12] =	ssyncadd.s32 $0xFFFFF400;
	v14 =	vadd.s32 v6, v12  }
0x2d: {  	[tilespmem:v13+s13+$0x0] =	vst.idx.msk $0xffff, v2  }
0x2e: {  	v15 =	vadd.s32 v7, v12;
	[tilespmem:v13+s14+$0x0] =	vst.idx.msk $0xffff, v2  }
0x2f: {  	[tilespmem:v16+s13+$0x0] =	vst.idx.msk $0xffff, v2  }
0x30: {  	[dreg:$0x6] =	wrdreg s7;
	s0 =	simm.s32 $0x10;
	v13 =	vadd.s32 v8, v12;
	[tilespmem:v16+s14+$0x0] =	vst.idx.msk $0xffff, v2  }
.LBB2_6:
0x31: {  	v16 =	vmov s0;
	p1 =	sne.s32 s0, $0xF0;
	s0 =	sadd.s32 $0x10, s0;
	[tilespmem:v14+s13+$0x0] =	vst.idx.msk $0xffff, v2  }
0x32: {  	v16 =	vmul.u32 $0x18, v16;
	[tilespmem:v14+s14+$0x0] =	vst.idx.msk $0xffff, v2;
	v14 =	vadd.s32 v9, v12  }
0x33: {  	[tilespmem:v15+s13+$0x0] =	vst.idx.msk $0xffff, v2  }
0x34: {  	[tilespmem:v15+s14+$0x0] =	vst.idx.msk $0xffff, v2;
	v15 =	vadd.s32 v10, v12;
	v12 =	vbroadcast v16, $0x0  }
0x35: {  	[tilespmem:v13+s13+$0x0] =	vst.idx.msk $0xffff, v2  }
0x36: {  	v16 =	vadd.s32 v4, v12;
	[tilespmem:v13+s14+$0x0] =	vst.idx.msk $0xffff, v2  }
0x37: {  	[tilespmem:v14+s13+$0x0] =	vst.idx.msk $0xffff, v2  }
0x38: {  	v13 =	vadd.s32 v5, v12;
	[tilespmem:v14+s14+$0x0] =	vst.idx.msk $0xffff, v2  }
0x39: {  	[tilespmem:v15+s13+$0x0] =	vst.idx.msk $0xffff, v2  }
.Ltmp2:
0x3a: {  	v14 =	vadd.s32 v6, v12;
	[tilespmem:v15+s14+$0x0] =	vst.idx.msk $0xffff, v2;
	(pc) =	sbr.rel @p1 .LBB2_6-.Ltmp2, $4  }
0x3b: {  	[tilespmem:v16+s13+$0x0] =	vst.idx.msk $0xffff, v2  }
0x3c: {  	v15 =	vadd.s32 v7, v12;
	[tilespmem:v16+s14+$0x0] =	vst.idx.msk $0xffff, v2  }
0x3d: {  	[tilespmem:v13+s13+$0x0] =	vst.idx.msk $0xffff, v2  }
0x3e: {  	[tilespmem:v13+s14+$0x0] =	vst.idx.msk $0xffff, v2;
	v13 =	vadd.s32 v8, v12  }
0x3f: {  	_ =	sdelay $0x3  }
0x40: {  	[tilespmem:v14+s13+$0x0] =	vst.idx.msk $0xffff, v2  }
0x41: {  	v62 =	vadd.s32 v9, v12;
	[tilespmem:v14+s14+$0x0] =	vst.idx.msk $0xffff, v2  }
0x42: {  	[tilespmem:v15+s13+$0x0] =	vst.idx.msk $0xffff, v2  }
0x43: {  	v63 =	vadd.s32 v10, v12;
	[tilespmem:v15+s14+$0x0] =	vst.idx.msk $0xffff, v2  }
0x44: {  	[tilespmem:v13+s13+$0x0] =	vst.idx.msk $0xffff, v2  }
0x45: {  	[tilespmem:v13+s14+$0x0] =	vst.idx.msk $0xffff, v2  }
0x46: {  	[tilespmem:v62+s13+$0x0] =	vst.idx.msk $0xffff, v2  }
0x47: {  	[tilespmem:v62+s14+$0x0] =	vst.idx.msk $0xffff, v2  }
0x48: {  	[tilespmem:v63+s13+$0x0] =	vst.idx.msk $0xffff, v2  }
0x49: {  	[tilespmem:v63+s14+$0x0] =	vst.idx.msk $0xffff, v2  }
0x4a: {  	[bflag:$0x0] =	sbarrier.arrive $0xFFFF  }
0x4b: {  	s9 =	simm.s32 $0x0;
	s7 =	simm.s32 $0x186A00;
	s0 =	rddreg [dreg:$0x4]  }
0x4c: {  	[tilespmem:s9], [sflag:$0x7] =	stream.strided.gather [hbm4b:s0+s15], $0x200, s7, s15, $0x38;
	[tilespmem:$0x1AE00] =	vst v63  }
0x4d: {  	_ =	swait.ge [sflag:s12], $0x200  }
.Ltmp3:
0x4e: {  	[sflag:s12] =	ssyncset.done $0x0;
	(pc) =	sbr.rel .LBB2_8-.Ltmp3, $4  }
0x4f: {  	[sflag:s12] =	ssyncadd.s32 $0xFFFFFE00  }
0x50: {  	[tilespmem:s17], [sflag:$0x1] =	stream.indirect.gather [hbm4b:s6+s15], $0x18, s9, s15, $0xb8;
	[tilespmem:$0x1AE00] =	vst v63  }
0x51: {  	_ = 	snop  }
0x52: {  	[tilespmem:s18], [sflag:$0x3] =	stream.indirect.gather [hbm4b:s1+s15], $0x8, s15, s15, $0xb8;
	[tilespmem:$0x1AE00] =	vst v63  }
.LBB2_20:
0x53: {  	s9 =	sadd.s32 $0x1, s9  }
0x54: {  	p1 =	sne.s32 s9, $0xC4  }
.Ltmp4:
0x55: {  	_ = 	snop;
	(pc) =	sbr.rel @!p1 .LBB2_21-.Ltmp4, $1  }
0x56: {  	_ =	sdelay $0x3  }
.LBB2_8:
0x57: {  	s21 =	sshll.u32 s9, $0x5  }
0x58: {  	s0 =	sor.u32 s4, s21  }
0x59: {  	s23 =	sor.u32 $0x10, s0  }
0x5a: {  	p1 =	sgt.u32 s23, $0x1869  }
0x5b: {  	s23 =	sshll.u32 @!p1 s23, $0x5;
	s25 =	simm.s32 @!p1 $0x100  }
0x5c: {  	s16 =	simm.s32 @!p1 $0x186A00;
	s7 =	simm.s32 @!p1 $0x200;
	s23 =	sadd.s32 @!p1 s5, s23  }
0x5d: {  	[tilespmem:s7], [sflag:$0x7] =	stream.strided.gather @!p1 [hbm4b:s23+s25], $0x200, s16, s25, $0x38;
	[tilespmem:$0x1AE00] =	vst v63  }
0x5e: {  	s16 =	simm.s32 @!p1 $0x7  }
0x5f: {  	p3 =	sgt.u32 s0, $0x1869;
	_ =	swait.ge @!p1 [sflag:s16], $0x200  }
.Ltmp5:
0x60: {  	[sflag:s16] =	ssyncset.done @!p1 $0x0;
	(pc) =	sbr.rel @p3 .LBB2_14-.Ltmp5, $4  }
0x61: {  	[sflag:s16] =	ssyncadd.s32 @!p1 $0xFFFFFE00;
	s16 =	simm.s32 @!p1 $0x1E00  }
0x62: {  	[tilespmem:s16], [sflag:$0x2] =	stream.indirect.gather @!p1 [hbm4b:s6+s25], $0x18, s7, s25, $0xb8;
	[tilespmem:$0x1AE00] =	vst v63  }
0x63: {  	p2 =	seq.s32 s9, $0x0;
	s7 =	simm.s32 @!p1 $0x300;
	s16 =	simm.s32 @!p1 $0x3E00  }
0x64: {  	[tilespmem:s16], [sflag:$0x4] =	stream.indirect.gather @!p1 [hbm4b:s1+s25], $0x8, s7, s25, $0xb8;
	[tilespmem:$0x1AE00] =	vst v63  }
0x65: {  	s0 =	simm.s32 @!p2 $0x5  }
0x66: {  	_ =	swait.ge @!p2 [sflag:s0], $0xC00  }
0x67: {  	[sflag:s0] =	ssyncset.done @!p2 $0x0  }
0x68: {  	[sflag:s0] =	ssyncadd.s32 @!p2 $0xFFFFF400  }
0x69: {  	_ =	swait.ge @!p2 [sflag:s0], $0xC00  }
0x6a: {  	s7 =	simm.s32 $0x0;
	[sflag:s0] =	ssyncset.done @!p2 $0x0  }
0x6b: {  	v12 =	vor.u32 s7, v0;
	[sflag:s0] =	ssyncadd.s32 @!p2 $0xFFFFF400  }
0x6c: {  	v13 =	vmul.u32 $0x18, v12;
	v14 =	vshll.u32 v12, $0x3;
	_ =	swait.ge [sflag:s19], $0x1800  }
0x6d: {  	v14 =	vor.u32 $0x1, v14;
	[sflag:s19] =	ssyncset.done $0x0  }
0x6e: {  	v15 =	vadd.s32 $0x10, v13;
	[sflag:s19] =	ssyncadd.s32 $0xFFFFE800  }
0x6f: {  	_ =	swait.ge [sflag:s20], $0x800  }
0x70: {  	[sflag:s20] =	ssyncset.done $0x0  }
0x71: {  	[sflag:s20] =	ssyncadd.s32 $0xFFFFF800  }
0x72: {  	v14 =	vld.idx.msk [tilespmem:v14+s18+$0x0], $0xffff  }
0x73: {  	v16 =	vld.idx.msk [tilespmem:v15+s17+$0x0], $0xffff;
	_ =	sdelay $0x4  }
0x74: {  	v14 =	vadd.f32 v14, v16;
	_ =	sdelay $0x1  }
0x75: {  	v16 =	vmul.f32 $2.000000030e-01, v14  }
0x76: {  	vm0 =	vge.f32 v14, $0.0e+00  }
0x77: {  	v14 =	vsel vm0, v14, v16  }
0x78: {  	v14 =	vmul.f32 $1.442695020e+00, v14;
	_ =	sdelay $0x1  }
0x79: {  	(erf) = vpow2.f32 v14;
	_ =	sdelay $0x4  }
0x7a: {  	v14 =	vld.idx.msk [tilespmem:v13+s17+$0x0], $0xffff;
	_ =	sdelay $0x2  }
0x7b: {  	v16 =	vor.u32 $0x1, v13  }
0x7c: {  	v17 =	vpop (erf)  }
0x7d: {  	v14 =	vmul.f32 v17, v14;
	_ =	sdelay $0x1  }
0x7e: {  	[tilespmem:v13+s13+$0x0] =	vst.idx.msk $0xffff, v14  }
0x7f: {  	v14 =	vld.idx.msk [tilespmem:v16+s17+$0x0], $0xffff;
	_ =	sdelay $0x2  }
0x80: {  	v18 =	vor.u32 $0x2, v13;
	_ =	sdelay $0x1  }
0x81: {  	v14 =	vmul.f32 v17, v14;
	_ =	sdelay $0x1  }
0x82: {  	[tilespmem:v16+s13+$0x0] =	vst.idx.msk $0xffff, v14  }
0x83: {  	v14 =	vld.idx.msk [tilespmem:v18+s17+$0x0], $0xffff;
	_ =	sdelay $0x2  }
0x84: {  	v16 =	vor.u32 $0x3, v13;
	_ =	sdelay $0x1  }
0x85: {  	v14 =	vmul.f32 v17, v14;
	_ =	sdelay $0x1  }
0x86: {  	[tilespmem:v18+s13+$0x0] =	vst.idx.msk $0xffff, v14  }
0x87: {  	v14 =	vld.idx.msk [tilespmem:v16+s17+$0x0], $0xffff;
	_ =	sdelay $0x2  }
0x88: {  	v18 =	vor.u32 $0x4, v13;
	_ =	sdelay $0x1  }
0x89: {  	v14 =	vmul.f32 v14, v17;
	_ =	sdelay $0x1  }
0x8a: {  	[tilespmem:v16+s13+$0x0] =	vst.idx.msk $0xffff, v14  }
0x8b: {  	v14 =	vld.idx.msk [tilespmem:v18+s17+$0x0], $0xffff;
	_ =	sdelay $0x2  }
0x8c: {  	v16 =	vor.u32 $0x5, v13;
	_ =	sdelay $0x1  }
0x8d: {  	v14 =	vmul.f32 v14, v17;
	_ =	sdelay $0x1  }
0x8e: {  	[tilespmem:v18+s13+$0x0] =	vst.idx.msk $0xffff, v14  }
0x8f: {  	v14 =	vld.idx.msk [tilespmem:v16+s17+$0x0], $0xffff;
	_ =	sdelay $0x2  }
0x90: {  	v18 =	vor.u32 $0x6, v13;
	_ =	sdelay $0x1  }
0x91: {  	v14 =	vmul.f32 v14, v17;
	_ =	sdelay $0x1  }
0x92: {  	[tilespmem:v16+s13+$0x0] =	vst.idx.msk $0xffff, v14  }
0x93: {  	v14 =	vld.idx.msk [tilespmem:v18+s17+$0x0], $0xffff;
	_ =	sdelay $0x2  }
0x94: {  	v16 =	vor.u32 $0x7, v13;
	_ =	sdelay $0x1  }
0x95: {  	v14 =	vmul.f32 v14, v17;
	_ =	sdelay $0x1  }
0x96: {  	[tilespmem:v18+s13+$0x0] =	vst.idx.msk $0xffff, v14  }
0x97: {  	v14 =	vld.idx.msk [tilespmem:v16+s17+$0x0], $0xffff;
	_ =	sdelay $0x2  }
0x98: {  	v18 =	vadd.s32 $0x8, v13;
	_ =	sdelay $0x1  }
0x99: {  	v14 =	vmul.f32 v14, v17;
	_ =	sdelay $0x1  }
0x9a: {  	[tilespmem:v16+s13+$0x0] =	vst.idx.msk $0xffff, v14  }
0x9b: {  	v14 =	vld.idx.msk [tilespmem:v18+s17+$0x0], $0xffff;
	_ =	sdelay $0x2  }
0x9c: {  	v16 =	vadd.s32 $0x9, v13;
	_ =	sdelay $0x1  }
0x9d: {  	v14 =	vmul.f32 v14, v17;
	_ =	sdelay $0x1  }
0x9e: {  	[tilespmem:v18+s13+$0x0] =	vst.idx.msk $0xffff, v14  }
0x9f: {  	v14 =	vld.idx.msk [tilespmem:v16+s17+$0x0], $0xffff;
	_ =	sdelay $0x2  }
0xa0: {  	v18 =	vadd.s32 $0xA, v13;
	_ =	sdelay $0x1  }
0xa1: {  	v14 =	vmul.f32 v14, v17;
	_ =	sdelay $0x1  }
0xa2: {  	[tilespmem:v16+s13+$0x0] =	vst.idx.msk $0xffff, v14  }
0xa3: {  	v14 =	vld.idx.msk [tilespmem:v18+s17+$0x0], $0xffff;
	_ =	sdelay $0x2  }
0xa4: {  	v16 =	vadd.s32 $0xB, v13;
	_ =	sdelay $0x1  }
0xa5: {  	v14 =	vmul.f32 v14, v17;
	_ =	sdelay $0x1  }
0xa6: {  	[tilespmem:v18+s13+$0x0] =	vst.idx.msk $0xffff, v14  }
0xa7: {  	v14 =	vld.idx.msk [tilespmem:v16+s17+$0x0], $0xffff;
	_ =	sdelay $0x2  }
0xa8: {  	v18 =	vadd.s32 $0xC, v13;
	_ =	sdelay $0x1  }
0xa9: {  	v14 =	vmul.f32 v14, v17;
	_ =	sdelay $0x1  }
0xaa: {  	[tilespmem:v16+s13+$0x0] =	vst.idx.msk $0xffff, v14  }
0xab: {  	v14 =	vld.idx.msk [tilespmem:v18+s17+$0x0], $0xffff;
	_ =	sdelay $0x2  }
0xac: {  	v16 =	vadd.s32 $0xD, v13;
	_ =	sdelay $0x1  }
0xad: {  	v14 =	vmul.f32 v14, v17;
	_ =	sdelay $0x1  }
0xae: {  	[tilespmem:v18+s13+$0x0] =	vst.idx.msk $0xffff, v14  }
0xaf: {  	v14 =	vld.idx.msk [tilespmem:v16+s17+$0x0], $0xffff;
	_ =	sdelay $0x2  }
0xb0: {  	v18 =	vadd.s32 $0xE, v13;
	_ =	sdelay $0x1  }
0xb1: {  	v14 =	vmul.f32 v14, v17;
	_ =	sdelay $0x1  }
0xb2: {  	[tilespmem:v16+s13+$0x0] =	vst.idx.msk $0xffff, v14  }
0xb3: {  	v14 =	vld.idx.msk [tilespmem:v18+s17+$0x0], $0xffff;
	_ =	sdelay $0x2  }
0xb4: {  	v13 =	vadd.s32 $0xF, v13;
	_ =	sdelay $0x1  }
0xb5: {  	v14 =	vmul.f32 v14, v17;
	_ =	sdelay $0x1  }
0xb6: {  	[tilespmem:v18+s13+$0x0] =	vst.idx.msk $0xffff, v14  }
0xb7: {  	v14 =	vld.idx.msk [tilespmem:v13+s17+$0x0], $0xffff;
	_ =	sdelay $0x3  }
0xb8: {  	v12 =	vand.u32 v11, v12  }
0xb9: {  	v14 =	vmul.f32 v14, v17;
	_ =	sdelay $0x1  }
0xba: {  	[tilespmem:v13+s13+$0x0] =	vst.idx.msk $0xffff, v14  }
0xbb: {  	[tilespmem:v15+s13+$0x0] =	vst.idx.msk $0xffff, v17  }
0xbc: {  	v13 =	vld.idx.msk [tilespmem:v12+s15+$0x0], $0xffff  }
0xbd: {  	s25 =	simm.s32 $0x10  }
0xbe: {  	v12 =	vor.u32 s25, v0  }
0xbf: {  	v14 =	vmul.u32 $0x18, v12;
	v15 =	vshll.u32 v12, $0x3  }
0xc0: {  	v15 =	vor.u32 $0x1, v15  }
0xc1: {  	v16 =	vsub.s32 v13, v1;
	v13 =	vadd.s32 $0x10, v14  }
0xc2: {  	s23 =	simm.s32 $0x400;
	s25 =	simm.s32 $0x20;
	v16 =	vmin.u32 v16, $0xC400  }
.LBB2_10:
0xc3: {  	p3 =	sne.s32 s25, $0x70  }
0xc4: {  	[tilespmem:s23+$0x0] =	vst v16;
	s23 =	sadd.s32 $0x10, s23;
	s0 =	smov.u32 s25;
	s25 =	sadd.s32 $0x10, s25  }
0xc5: {  	v15 =	vld.idx.msk [tilespmem:v15+s18+$0x0], $0xffff  }
0xc6: {  	v16 =	vld.idx.msk [tilespmem:v13+s17+$0x0], $0xffff;
	_ =	sdelay $0x5  }
0xc7: {  	v15 =	vadd.f32 v15, v16;
	_ =	sdelay $0x1  }
0xc8: {  	v16 =	vmul.f32 $2.000000030e-01, v15  }
0xc9: {  	vm0 =	vge.f32 v15, $0.0e+00  }
0xca: {  	v15 =	vsel vm0, v15, v16  }
0xcb: {  	v15 =	vmul.f32 $1.442695020e+00, v15;
	_ =	sdelay $0x1  }
0xcc: {  	(erf) = vpow2.f32 v15;
	_ =	sdelay $0x3  }
0xcd: {  	v16 =	vld.idx.msk [tilespmem:v14+s17+$0x0], $0xffff;
	_ =	sdelay $0x3  }
0xce: {  	v17 =	vor.u32 $0x1, v14  }
0xcf: {  	v15 =	vpop (erf)  }
0xd0: {  	v16 =	vmul.f32 v15, v16;
	_ =	sdelay $0x1  }
0xd1: {  	[tilespmem:v14+s13+$0x0] =	vst.idx.msk $0xffff, v16  }
0xd2: {  	v16 =	vld.idx.msk [tilespmem:v17+s17+$0x0], $0xffff;
	_ =	sdelay $0x3  }
0xd3: {  	v18 =	vor.u32 $0x2, v14;
	_ =	sdelay $0x1  }
0xd4: {  	v16 =	vmul.f32 v15, v16;
	_ =	sdelay $0x1  }
0xd5: {  	[tilespmem:v17+s13+$0x0] =	vst.idx.msk $0xffff, v16  }
0xd6: {  	v16 =	vld.idx.msk [tilespmem:v18+s17+$0x0], $0xffff;
	_ =	sdelay $0x3  }
0xd7: {  	v17 =	vor.u32 $0x3, v14;
	_ =	sdelay $0x1  }
0xd8: {  	v16 =	vmul.f32 v15, v16;
	_ =	sdelay $0x1  }
0xd9: {  	[tilespmem:v18+s13+$0x0] =	vst.idx.msk $0xffff, v16  }
0xda: {  	v16 =	vld.idx.msk [tilespmem:v17+s17+$0x0], $0xffff;
	_ =	sdelay $0x3  }
0xdb: {  	v18 =	vor.u32 $0x4, v14;
	_ =	sdelay $0x1  }
0xdc: {  	v16 =	vmul.f32 v16, v15;
	_ =	sdelay $0x1  }
0xdd: {  	[tilespmem:v17+s13+$0x0] =	vst.idx.msk $0xffff, v16  }
0xde: {  	v16 =	vld.idx.msk [tilespmem:v18+s17+$0x0], $0xffff;
	_ =	sdelay $0x3  }
0xdf: {  	v17 =	vor.u32 $0x5, v14;
	_ =	sdelay $0x1  }
0xe0: {  	v16 =	vmul.f32 v16, v15;
	_ =	sdelay $0x1  }
0xe1: {  	[tilespmem:v18+s13+$0x0] =	vst.idx.msk $0xffff, v16  }
0xe2: {  	v16 =	vld.idx.msk [tilespmem:v17+s17+$0x0], $0xffff;
	_ =	sdelay $0x3  }
0xe3: {  	v18 =	vor.u32 $0x6, v14;
	_ =	sdelay $0x1  }
0xe4: {  	v16 =	vmul.f32 v16, v15;
	_ =	sdelay $0x1  }
0xe5: {  	[tilespmem:v17+s13+$0x0] =	vst.idx.msk $0xffff, v16  }
0xe6: {  	v16 =	vld.idx.msk [tilespmem:v18+s17+$0x0], $0xffff;
	_ =	sdelay $0x3  }
0xe7: {  	v17 =	vor.u32 $0x7, v14;
	_ =	sdelay $0x1  }
0xe8: {  	v16 =	vmul.f32 v16, v15;
	_ =	sdelay $0x1  }
0xe9: {  	[tilespmem:v18+s13+$0x0] =	vst.idx.msk $0xffff, v16  }
0xea: {  	v16 =	vld.idx.msk [tilespmem:v17+s17+$0x0], $0xffff;
	_ =	sdelay $0x3  }
0xeb: {  	v18 =	vadd.s32 $0x8, v14;
	_ =	sdelay $0x1  }
0xec: {  	v16 =	vmul.f32 v16, v15;
	_ =	sdelay $0x1  }
0xed: {  	[tilespmem:v17+s13+$0x0] =	vst.idx.msk $0xffff, v16  }
0xee: {  	v16 =	vld.idx.msk [tilespmem:v18+s17+$0x0], $0xffff;
	_ =	sdelay $0x3  }
0xef: {  	v17 =	vadd.s32 $0x9, v14;
	_ =	sdelay $0x1  }
0xf0: {  	v16 =	vmul.f32 v16, v15;
	_ =	sdelay $0x1  }
0xf1: {  	[tilespmem:v18+s13+$0x0] =	vst.idx.msk $0xffff, v16  }
0xf2: {  	v16 =	vld.idx.msk [tilespmem:v17+s17+$0x0], $0xffff;
	_ =	sdelay $0x3  }
0xf3: {  	v18 =	vadd.s32 $0xA, v14;
	_ =	sdelay $0x1  }
0xf4: {  	v16 =	vmul.f32 v16, v15;
	_ =	sdelay $0x1  }
0xf5: {  	[tilespmem:v17+s13+$0x0] =	vst.idx.msk $0xffff, v16  }
0xf6: {  	v16 =	vld.idx.msk [tilespmem:v18+s17+$0x0], $0xffff;
	_ =	sdelay $0x3  }
0xf7: {  	v17 =	vadd.s32 $0xB, v14;
	_ =	sdelay $0x1  }
0xf8: {  	v16 =	vmul.f32 v16, v15;
	_ =	sdelay $0x1  }
0xf9: {  	[tilespmem:v18+s13+$0x0] =	vst.idx.msk $0xffff, v16  }
0xfa: {  	v16 =	vld.idx.msk [tilespmem:v17+s17+$0x0], $0xffff;
	_ =	sdelay $0x3  }
0xfb: {  	v18 =	vadd.s32 $0xC, v14;
	_ =	sdelay $0x1  }
0xfc: {  	v16 =	vmul.f32 v16, v15;
	_ =	sdelay $0x1  }
0xfd: {  	[tilespmem:v17+s13+$0x0] =	vst.idx.msk $0xffff, v16  }
0xfe: {  	v16 =	vld.idx.msk [tilespmem:v18+s17+$0x0], $0xffff;
	_ =	sdelay $0x3  }
0xff: {  	v17 =	vadd.s32 $0xD, v14;
	_ =	sdelay $0x1  }
0x100: {  	v16 =	vmul.f32 v16, v15;
	_ =	sdelay $0x1  }
0x101: {  	[tilespmem:v18+s13+$0x0] =	vst.idx.msk $0xffff, v16  }
0x102: {  	v16 =	vld.idx.msk [tilespmem:v17+s17+$0x0], $0xffff;
	_ =	sdelay $0x3  }
0x103: {  	v18 =	vadd.s32 $0xE, v14;
	_ =	sdelay $0x1  }
0x104: {  	v16 =	vmul.f32 v16, v15;
	_ =	sdelay $0x1  }
0x105: {  	[tilespmem:v17+s13+$0x0] =	vst.idx.msk $0xffff, v16  }
0x106: {  	v16 =	vld.idx.msk [tilespmem:v18+s17+$0x0], $0xffff;
	_ =	sdelay $0x3  }
0x107: {  	v14 =	vadd.s32 $0xF, v14;
	_ =	sdelay $0x1  }
0x108: {  	v16 =	vmul.f32 v16, v15;
	_ =	sdelay $0x1  }
0x109: {  	[tilespmem:v18+s13+$0x0] =	vst.idx.msk $0xffff, v16  }
0x10a: {  	v16 =	vld.idx.msk [tilespmem:v14+s17+$0x0], $0xffff;
	_ =	sdelay $0x4  }
0x10b: {  	v12 =	vand.u32 v11, v12  }
0x10c: {  	v16 =	vmul.f32 v16, v15;
	_ =	sdelay $0x1  }
0x10d: {  	[tilespmem:v14+s13+$0x0] =	vst.idx.msk $0xffff, v16  }
0x10e: {  	[tilespmem:v13+s13+$0x0] =	vst.idx.msk $0xffff, v15  }
0x10f: {  	v16 =	vld.idx.msk [tilespmem:v12+s15+$0x0], $0xffff;
	_ =	sdelay $0x1  }
0x110: {  	v12 =	vor.u32 s0, v0  }
.Ltmp6:
0x111: {  	v14 =	vmul.u32 $0x18, v12;
	v13 =	vshll.u32 v12, $0x3;
	(pc) =	sbr.rel @p3 .LBB2_10-.Ltmp6, $4  }
0x112: {  	v15 =	vor.u32 $0x1, v13  }
0x113: {  	v13 =	vadd.s32 $0x10, v14  }
0x114: {  	v16 =	vsub.s32 v16, v1  }
0x115: {  	v16 =	vmin.u32 v16, $0xC400  }
0x116: {  	_ =	sdelay $0x2  }
0x117: {  	[tilespmem:s23+$0x0] =	vst v16  }
0x118: {  	v15 =	vld.idx.msk [tilespmem:v15+s18+$0x0], $0xffff  }
0x119: {  	v16 =	vld.idx.msk [tilespmem:v13+s17+$0x0], $0xffff;
	_ =	sdelay $0x4  }
0x11a: {  	v15 =	vadd.f32 v15, v16;
	_ =	sdelay $0x1  }
0x11b: {  	v16 =	vmul.f32 $2.000000030e-01, v15  }
0x11c: {  	vm0 =	vge.f32 v15, $0.0e+00  }
0x11d: {  	v15 =	vsel vm0, v15, v16  }
0x11e: {  	v15 =	vmul.f32 $1.442695020e+00, v15;
	_ =	sdelay $0x1  }
0x11f: {  	(erf) = vpow2.f32 v15;
	_ =	sdelay $0x4  }
0x120: {  	v15 =	vld.idx.msk [tilespmem:v14+s17+$0x0], $0xffff;
	_ =	sdelay $0x2  }
0x121: {  	v16 =	vor.u32 $0x1, v14  }
0x122: {  	v17 =	vpop (erf)  }
0x123: {  	v15 =	vmul.f32 v17, v15;
	_ =	sdelay $0x1  }
0x124: {  	[tilespmem:v14+s13+$0x0] =	vst.idx.msk $0xffff, v15  }
0x125: {  	v15 =	vld.idx.msk [tilespmem:v16+s17+$0x0], $0xffff;
	_ =	sdelay $0x2  }
0x126: {  	v18 =	vor.u32 $0x2, v14;
	_ =	sdelay $0x1  }
0x127: {  	v15 =	vmul.f32 v17, v15;
	_ =	sdelay $0x1  }
0x128: {  	[tilespmem:v16+s13+$0x0] =	vst.idx.msk $0xffff, v15  }
0x129: {  	v15 =	vld.idx.msk [tilespmem:v18+s17+$0x0], $0xffff;
	_ =	sdelay $0x2  }
0x12a: {  	v16 =	vor.u32 $0x3, v14;
	_ =	sdelay $0x1  }
0x12b: {  	v15 =	vmul.f32 v17, v15;
	_ =	sdelay $0x1  }
0x12c: {  	[tilespmem:v18+s13+$0x0] =	vst.idx.msk $0xffff, v15  }
0x12d: {  	v15 =	vld.idx.msk [tilespmem:v16+s17+$0x0], $0xffff;
	_ =	sdelay $0x2  }
0x12e: {  	v18 =	vor.u32 $0x4, v14;
	_ =	sdelay $0x1  }
0x12f: {  	v15 =	vmul.f32 v15, v17;
	_ =	sdelay $0x1  }
0x130: {  	[tilespmem:v16+s13+$0x0] =	vst.idx.msk $0xffff, v15  }
0x131: {  	v15 =	vld.idx.msk [tilespmem:v18+s17+$0x0], $0xffff;
	_ =	sdelay $0x2  }
0x132: {  	v16 =	vor.u32 $0x5, v14;
	_ =	sdelay $0x1  }
0x133: {  	v15 =	vmul.f32 v15, v17;
	_ =	sdelay $0x1  }
0x134: {  	[tilespmem:v18+s13+$0x0] =	vst.idx.msk $0xffff, v15  }
0x135: {  	v15 =	vld.idx.msk [tilespmem:v16+s17+$0x0], $0xffff;
	_ =	sdelay $0x2  }
0x136: {  	v18 =	vor.u32 $0x6, v14;
	_ =	sdelay $0x1  }
0x137: {  	v15 =	vmul.f32 v15, v17;
	_ =	sdelay $0x1  }
0x138: {  	[tilespmem:v16+s13+$0x0] =	vst.idx.msk $0xffff, v15  }
0x139: {  	v15 =	vld.idx.msk [tilespmem:v18+s17+$0x0], $0xffff;
	_ =	sdelay $0x2  }
0x13a: {  	v16 =	vor.u32 $0x7, v14;
	_ =	sdelay $0x1  }
0x13b: {  	v15 =	vmul.f32 v15, v17;
	_ =	sdelay $0x1  }
0x13c: {  	[tilespmem:v18+s13+$0x0] =	vst.idx.msk $0xffff, v15  }
0x13d: {  	v15 =	vld.idx.msk [tilespmem:v16+s17+$0x0], $0xffff;
	_ =	sdelay $0x2  }
0x13e: {  	v18 =	vadd.s32 $0x8, v14;
	_ =	sdelay $0x1  }
0x13f: {  	v15 =	vmul.f32 v15, v17;
	_ =	sdelay $0x1  }
0x140: {  	[tilespmem:v16+s13+$0x0] =	vst.idx.msk $0xffff, v15  }
0x141: {  	v15 =	vld.idx.msk [tilespmem:v18+s17+$0x0], $0xffff;
	_ =	sdelay $0x2  }
0x142: {  	v16 =	vadd.s32 $0x9, v14;
	_ =	sdelay $0x1  }
0x143: {  	v15 =	vmul.f32 v15, v17;
	_ =	sdelay $0x1  }
0x144: {  	[tilespmem:v18+s13+$0x0] =	vst.idx.msk $0xffff, v15  }
0x145: {  	v15 =	vld.idx.msk [tilespmem:v16+s17+$0x0], $0xffff;
	_ =	sdelay $0x2  }
0x146: {  	v18 =	vadd.s32 $0xA, v14;
	_ =	sdelay $0x1  }
0x147: {  	v15 =	vmul.f32 v15, v17;
	_ =	sdelay $0x1  }
0x148: {  	[tilespmem:v16+s13+$0x0] =	vst.idx.msk $0xffff, v15  }
0x149: {  	v15 =	vld.idx.msk [tilespmem:v18+s17+$0x0], $0xffff;
	_ =	sdelay $0x2  }
0x14a: {  	v16 =	vadd.s32 $0xB, v14;
	_ =	sdelay $0x1  }
0x14b: {  	v15 =	vmul.f32 v15, v17;
	_ =	sdelay $0x1  }
0x14c: {  	[tilespmem:v18+s13+$0x0] =	vst.idx.msk $0xffff, v15  }
0x14d: {  	v15 =	vld.idx.msk [tilespmem:v16+s17+$0x0], $0xffff;
	_ =	sdelay $0x2  }
0x14e: {  	v18 =	vadd.s32 $0xC, v14;
	_ =	sdelay $0x1  }
0x14f: {  	v15 =	vmul.f32 v15, v17;
	_ =	sdelay $0x1  }
0x150: {  	[tilespmem:v16+s13+$0x0] =	vst.idx.msk $0xffff, v15  }
0x151: {  	v15 =	vld.idx.msk [tilespmem:v18+s17+$0x0], $0xffff;
	_ =	sdelay $0x2  }
0x152: {  	v16 =	vadd.s32 $0xD, v14;
	_ =	sdelay $0x1  }
0x153: {  	v15 =	vmul.f32 v15, v17;
	_ =	sdelay $0x1  }
0x154: {  	[tilespmem:v18+s13+$0x0] =	vst.idx.msk $0xffff, v15  }
0x155: {  	v15 =	vld.idx.msk [tilespmem:v16+s17+$0x0], $0xffff;
	_ =	sdelay $0x2  }
0x156: {  	v18 =	vadd.s32 $0xE, v14;
	_ =	sdelay $0x1  }
0x157: {  	v15 =	vmul.f32 v15, v17;
	_ =	sdelay $0x1  }
0x158: {  	[tilespmem:v16+s13+$0x0] =	vst.idx.msk $0xffff, v15  }
0x159: {  	v15 =	vld.idx.msk [tilespmem:v18+s17+$0x0], $0xffff;
	_ =	sdelay $0x2  }
0x15a: {  	v14 =	vadd.s32 $0xF, v14;
	_ =	sdelay $0x1  }
0x15b: {  	v15 =	vmul.f32 v15, v17;
	_ =	sdelay $0x1  }
0x15c: {  	[tilespmem:v18+s13+$0x0] =	vst.idx.msk $0xffff, v15  }
0x15d: {  	v15 =	vld.idx.msk [tilespmem:v14+s17+$0x0], $0xffff;
	_ =	sdelay $0x3  }
0x15e: {  	v12 =	vand.u32 v11, v12  }
0x15f: {  	v15 =	vmul.f32 v15, v17;
	_ =	sdelay $0x1  }
0x160: {  	[tilespmem:v14+s13+$0x0] =	vst.idx.msk $0xffff, v15  }
0x161: {  	[tilespmem:v13+s13+$0x0] =	vst.idx.msk $0xffff, v17  }
0x162: {  	v12 =	vld.idx.msk [tilespmem:v12+s15+$0x0], $0xffff  }
0x163: {  	s0 =	simm.s32 $0x80  }
0x164: {  	v13 =	vor.u32 s0, v0  }
0x165: {  	v14 =	vmul.u32 $0x18, v13;
	v15 =	vshll.u32 v13, $0x3  }
0x166: {  	v15 =	vor.u32 $0x1, v15  }
0x167: {  	v16 =	vadd.s32 $0x10, v14;
	v12 =	vsub.s32 v12, v1  }
0x168: {  	s7 =	sadd.s32 $0x10, s23;
	v12 =	vmin.u32 v12, $0xC400  }
0x169: {  	s23 =	simm.s32 $0x400;
	[tilespmem:s7+$0x0] =	vst v12  }
0x16a: {  	[spmem:s2] =	stream.indirect.scatter.add.f32 [tilespmem:s13], [sflag:$0x5], $0x18, s23, s0, $0xb8;
	[tilespmem:$0x1AE00] =	vst v63  }
0x16b: {  	v12 =	vld.idx.msk [tilespmem:v15+s18+$0x0], $0xffff  }
0x16c: {  	v15 =	vld.idx.msk [tilespmem:v16+s17+$0x0], $0xffff;
	_ =	sdelay $0x4  }
0x16d: {  	v12 =	vadd.f32 v12, v15;
	_ =	sdelay $0x1  }
0x16e: {  	v15 =	vmul.f32 $2.000000030e-01, v12  }
0x16f: {  	vm15 =	vge.f32 v12, $0.0e+00  }
0x170: {  	v12 =	vsel vm15, v12, v15  }
0x171: {  	v12 =	vmul.f32 $1.442695020e+00, v12;
	_ =	sdelay $0x1  }
0x172: {  	(erf) = vpow2.f32 v12;
	_ =	sdelay $0x4  }
0x173: {  	v12 =	vld.idx.msk [tilespmem:v14+s17+$0x0], $0xffff;
	_ =	sdelay $0x2  }
0x174: {  	v15 =	vor.u32 $0x1, v14  }
0x175: {  	v17 =	vpop (erf)  }
0x176: {  	v12 =	vmul.f32 v17, v12;
	_ =	sdelay $0x1  }
0x177: {  	[tilespmem:v14+s13+$0x0] =	vst.idx.msk $0xffff, v12  }
0x178: {  	v12 =	vld.idx.msk [tilespmem:v15+s17+$0x0], $0xffff;
	_ =	sdelay $0x2  }
0x179: {  	v18 =	vor.u32 $0x2, v14;
	_ =	sdelay $0x1  }
0x17a: {  	v12 =	vmul.f32 v17, v12;
	_ =	sdelay $0x1  }
0x17b: {  	[tilespmem:v15+s13+$0x0] =	vst.idx.msk $0xffff, v12  }
0x17c: {  	v12 =	vld.idx.msk [tilespmem:v18+s17+$0x0], $0xffff;
	_ =	sdelay $0x2  }
0x17d: {  	v15 =	vor.u32 $0x3, v14;
	_ =	sdelay $0x1  }
0x17e: {  	v12 =	vmul.f32 v17, v12;
	_ =	sdelay $0x1  }
0x17f: {  	[tilespmem:v18+s13+$0x0] =	vst.idx.msk $0xffff, v12  }
0x180: {  	v12 =	vld.idx.msk [tilespmem:v15+s17+$0x0], $0xffff;
	_ =	sdelay $0x2  }
0x181: {  	v18 =	vor.u32 $0x4, v14;
	_ =	sdelay $0x1  }
0x182: {  	v12 =	vmul.f32 v12, v17;
	_ =	sdelay $0x1  }
0x183: {  	[tilespmem:v15+s13+$0x0] =	vst.idx.msk $0xffff, v12  }
0x184: {  	v12 =	vld.idx.msk [tilespmem:v18+s17+$0x0], $0xffff;
	_ =	sdelay $0x2  }
0x185: {  	v15 =	vor.u32 $0x5, v14;
	_ =	sdelay $0x1  }
0x186: {  	v12 =	vmul.f32 v12, v17;
	_ =	sdelay $0x1  }
0x187: {  	[tilespmem:v18+s13+$0x0] =	vst.idx.msk $0xffff, v12  }
0x188: {  	v12 =	vld.idx.msk [tilespmem:v15+s17+$0x0], $0xffff;
	_ =	sdelay $0x2  }
0x189: {  	v18 =	vor.u32 $0x6, v14;
	_ =	sdelay $0x1  }
0x18a: {  	v12 =	vmul.f32 v12, v17;
	_ =	sdelay $0x1  }
0x18b: {  	[tilespmem:v15+s13+$0x0] =	vst.idx.msk $0xffff, v12  }
0x18c: {  	v12 =	vld.idx.msk [tilespmem:v18+s17+$0x0], $0xffff;
	_ =	sdelay $0x2  }
0x18d: {  	v15 =	vor.u32 $0x7, v14;
	_ =	sdelay $0x1  }
0x18e: {  	v12 =	vmul.f32 v12, v17;
	_ =	sdelay $0x1  }
0x18f: {  	[tilespmem:v18+s13+$0x0] =	vst.idx.msk $0xffff, v12  }
0x190: {  	v12 =	vld.idx.msk [tilespmem:v15+s17+$0x0], $0xffff;
	_ =	sdelay $0x2  }
0x191: {  	v18 =	vadd.s32 $0x8, v14;
	_ =	sdelay $0x1  }
0x192: {  	v12 =	vmul.f32 v12, v17;
	_ =	sdelay $0x1  }
0x193: {  	[tilespmem:v15+s13+$0x0] =	vst.idx.msk $0xffff, v12  }
0x194: {  	v12 =	vld.idx.msk [tilespmem:v18+s17+$0x0], $0xffff;
	_ =	sdelay $0x2  }
0x195: {  	v15 =	vadd.s32 $0x9, v14;
	_ =	sdelay $0x1  }
0x196: {  	v12 =	vmul.f32 v12, v17;
	_ =	sdelay $0x1  }
0x197: {  	[tilespmem:v18+s13+$0x0] =	vst.idx.msk $0xffff, v12  }
0x198: {  	v12 =	vld.idx.msk [tilespmem:v15+s17+$0x0], $0xffff;
	_ =	sdelay $0x2  }
0x199: {  	v18 =	vadd.s32 $0xA, v14;
	_ =	sdelay $0x1  }
0x19a: {  	v12 =	vmul.f32 v12, v17;
	_ =	sdelay $0x1  }
0x19b: {  	[tilespmem:v15+s13+$0x0] =	vst.idx.msk $0xffff, v12  }
0x19c: {  	v12 =	vld.idx.msk [tilespmem:v18+s17+$0x0], $0xffff;
	_ =	sdelay $0x2  }
0x19d: {  	v15 =	vadd.s32 $0xB, v14;
	_ =	sdelay $0x1  }
0x19e: {  	v12 =	vmul.f32 v12, v17;
	_ =	sdelay $0x1  }
0x19f: {  	[tilespmem:v18+s13+$0x0] =	vst.idx.msk $0xffff, v12  }
0x1a0: {  	v12 =	vld.idx.msk [tilespmem:v15+s17+$0x0], $0xffff;
	_ =	sdelay $0x2  }
0x1a1: {  	v18 =	vadd.s32 $0xC, v14;
	_ =	sdelay $0x1  }
0x1a2: {  	v12 =	vmul.f32 v12, v17;
	_ =	sdelay $0x1  }
0x1a3: {  	[tilespmem:v15+s13+$0x0] =	vst.idx.msk $0xffff, v12  }
0x1a4: {  	v12 =	vld.idx.msk [tilespmem:v18+s17+$0x0], $0xffff;
	_ =	sdelay $0x2  }
0x1a5: {  	v15 =	vadd.s32 $0xD, v14;
	_ =	sdelay $0x1  }
0x1a6: {  	v12 =	vmul.f32 v12, v17;
	_ =	sdelay $0x1  }
0x1a7: {  	[tilespmem:v18+s13+$0x0] =	vst.idx.msk $0xffff, v12  }
0x1a8: {  	v12 =	vld.idx.msk [tilespmem:v15+s17+$0x0], $0xffff;
	_ =	sdelay $0x2  }
0x1a9: {  	v18 =	vadd.s32 $0xE, v14;
	_ =	sdelay $0x1  }
0x1aa: {  	v12 =	vmul.f32 v12, v17;
	_ =	sdelay $0x1  }
0x1ab: {  	[tilespmem:v15+s13+$0x0] =	vst.idx.msk $0xffff, v12  }
0x1ac: {  	v12 =	vld.idx.msk [tilespmem:v18+s17+$0x0], $0xffff;
	_ =	sdelay $0x2  }
0x1ad: {  	v14 =	vadd.s32 $0xF, v14;
	_ =	sdelay $0x1  }
0x1ae: {  	v12 =	vmul.f32 v12, v17;
	_ =	sdelay $0x1  }
0x1af: {  	[tilespmem:v18+s13+$0x0] =	vst.idx.msk $0xffff, v12  }
0x1b0: {  	v12 =	vld.idx.msk [tilespmem:v14+s17+$0x0], $0xffff;
	_ =	sdelay $0x3  }
0x1b1: {  	v13 =	vand.u32 v11, v13  }
0x1b2: {  	v12 =	vmul.f32 v12, v17;
	_ =	sdelay $0x1  }
0x1b3: {  	[tilespmem:v14+s13+$0x0] =	vst.idx.msk $0xffff, v12  }
0x1b4: {  	[tilespmem:v16+s13+$0x0] =	vst.idx.msk $0xffff, v17  }
0x1b5: {  	v13 =	vld.idx.msk [tilespmem:v13+s15+$0x0], $0xffff  }
0x1b6: {  	s25 =	simm.s32 $0x90  }
0x1b7: {  	v12 =	vor.u32 s25, v0  }
0x1b8: {  	v14 =	vmul.u32 $0x18, v12;
	v15 =	vshll.u32 v12, $0x3  }
0x1b9: {  	v15 =	vor.u32 $0x1, v15  }
0x1ba: {  	v16 =	vsub.s32 v13, v1;
	v13 =	vadd.s32 $0x10, v14  }
0x1bb: {  	s23 =	simm.s32 $0x480;
	s25 =	simm.s32 $0xA0;
	v16 =	vmin.u32 v16, $0xC400  }
.LBB2_12:
0x1bc: {  	p3 =	sne.s32 s25, $0xF0  }
0x1bd: {  	[tilespmem:s23+$0x0] =	vst v16;
	s23 =	sadd.s32 $0x10, s23;
	s0 =	smov.u32 s25;
	s25 =	sadd.s32 $0x10, s25  }
0x1be: {  	v15 =	vld.idx.msk [tilespmem:v15+s18+$0x0], $0xffff  }
0x1bf: {  	v16 =	vld.idx.msk [tilespmem:v13+s17+$0x0], $0xffff;
	_ =	sdelay $0x5  }
0x1c0: {  	v15 =	vadd.f32 v15, v16;
	_ =	sdelay $0x1  }
0x1c1: {  	v16 =	vmul.f32 $2.000000030e-01, v15  }
0x1c2: {  	vm0 =	vge.f32 v15, $0.0e+00  }
0x1c3: {  	v15 =	vsel vm0, v15, v16  }
0x1c4: {  	v15 =	vmul.f32 $1.442695020e+00, v15;
	_ =	sdelay $0x1  }
0x1c5: {  	(erf) = vpow2.f32 v15;
	_ =	sdelay $0x3  }
0x1c6: {  	v16 =	vld.idx.msk [tilespmem:v14+s17+$0x0], $0xffff;
	_ =	sdelay $0x3  }
0x1c7: {  	v17 =	vor.u32 $0x1, v14  }
0x1c8: {  	v15 =	vpop (erf)  }
0x1c9: {  	v16 =	vmul.f32 v15, v16;
	_ =	sdelay $0x1  }
0x1ca: {  	[tilespmem:v14+s13+$0x0] =	vst.idx.msk $0xffff, v16  }
0x1cb: {  	v16 =	vld.idx.msk [tilespmem:v17+s17+$0x0], $0xffff;
	_ =	sdelay $0x3  }
0x1cc: {  	v18 =	vor.u32 $0x2, v14;
	_ =	sdelay $0x1  }
0x1cd: {  	v16 =	vmul.f32 v15, v16;
	_ =	sdelay $0x1  }
0x1ce: {  	[tilespmem:v17+s13+$0x0] =	vst.idx.msk $0xffff, v16  }
0x1cf: {  	v16 =	vld.idx.msk [tilespmem:v18+s17+$0x0], $0xffff;
	_ =	sdelay $0x3  }
0x1d0: {  	v17 =	vor.u32 $0x3, v14;
	_ =	sdelay $0x1  }
0x1d1: {  	v16 =	vmul.f32 v15, v16;
	_ =	sdelay $0x1  }
0x1d2: {  	[tilespmem:v18+s13+$0x0] =	vst.idx.msk $0xffff, v16  }
0x1d3: {  	v16 =	vld.idx.msk [tilespmem:v17+s17+$0x0], $0xffff;
	_ =	sdelay $0x3  }
0x1d4: {  	v18 =	vor.u32 $0x4, v14;
	_ =	sdelay $0x1  }
0x1d5: {  	v16 =	vmul.f32 v16, v15;
	_ =	sdelay $0x1  }
0x1d6: {  	[tilespmem:v17+s13+$0x0] =	vst.idx.msk $0xffff, v16  }
0x1d7: {  	v16 =	vld.idx.msk [tilespmem:v18+s17+$0x0], $0xffff;
	_ =	sdelay $0x3  }
0x1d8: {  	v17 =	vor.u32 $0x5, v14;
	_ =	sdelay $0x1  }
0x1d9: {  	v16 =	vmul.f32 v16, v15;
	_ =	sdelay $0x1  }
0x1da: {  	[tilespmem:v18+s13+$0x0] =	vst.idx.msk $0xffff, v16  }
0x1db: {  	v16 =	vld.idx.msk [tilespmem:v17+s17+$0x0], $0xffff;
	_ =	sdelay $0x3  }
0x1dc: {  	v18 =	vor.u32 $0x6, v14;
	_ =	sdelay $0x1  }
0x1dd: {  	v16 =	vmul.f32 v16, v15;
	_ =	sdelay $0x1  }
0x1de: {  	[tilespmem:v17+s13+$0x0] =	vst.idx.msk $0xffff, v16  }
0x1df: {  	v16 =	vld.idx.msk [tilespmem:v18+s17+$0x0], $0xffff;
	_ =	sdelay $0x3  }
0x1e0: {  	v17 =	vor.u32 $0x7, v14;
	_ =	sdelay $0x1  }
0x1e1: {  	v16 =	vmul.f32 v16, v15;
	_ =	sdelay $0x1  }
0x1e2: {  	[tilespmem:v18+s13+$0x0] =	vst.idx.msk $0xffff, v16  }
0x1e3: {  	v16 =	vld.idx.msk [tilespmem:v17+s17+$0x0], $0xffff;
	_ =	sdelay $0x3  }
0x1e4: {  	v18 =	vadd.s32 $0x8, v14;
	_ =	sdelay $0x1  }
0x1e5: {  	v16 =	vmul.f32 v16, v15;
	_ =	sdelay $0x1  }
0x1e6: {  	[tilespmem:v17+s13+$0x0] =	vst.idx.msk $0xffff, v16  }
0x1e7: {  	v16 =	vld.idx.msk [tilespmem:v18+s17+$0x0], $0xffff;
	_ =	sdelay $0x3  }
0x1e8: {  	v17 =	vadd.s32 $0x9, v14;
	_ =	sdelay $0x1  }
0x1e9: {  	v16 =	vmul.f32 v16, v15;
	_ =	sdelay $0x1  }
0x1ea: {  	[tilespmem:v18+s13+$0x0] =	vst.idx.msk $0xffff, v16  }
0x1eb: {  	v16 =	vld.idx.msk [tilespmem:v17+s17+$0x0], $0xffff;
	_ =	sdelay $0x3  }
0x1ec: {  	v18 =	vadd.s32 $0xA, v14;
	_ =	sdelay $0x1  }
0x1ed: {  	v16 =	vmul.f32 v16, v15;
	_ =	sdelay $0x1  }
0x1ee: {  	[tilespmem:v17+s13+$0x0] =	vst.idx.msk $0xffff, v16  }
0x1ef: {  	v16 =	vld.idx.msk [tilespmem:v18+s17+$0x0], $0xffff;
	_ =	sdelay $0x3  }
0x1f0: {  	v17 =	vadd.s32 $0xB, v14;
	_ =	sdelay $0x1  }
0x1f1: {  	v16 =	vmul.f32 v16, v15;
	_ =	sdelay $0x1  }
0x1f2: {  	[tilespmem:v18+s13+$0x0] =	vst.idx.msk $0xffff, v16  }
0x1f3: {  	v16 =	vld.idx.msk [tilespmem:v17+s17+$0x0], $0xffff;
	_ =	sdelay $0x3  }
0x1f4: {  	v18 =	vadd.s32 $0xC, v14;
	_ =	sdelay $0x1  }
0x1f5: {  	v16 =	vmul.f32 v16, v15;
	_ =	sdelay $0x1  }
0x1f6: {  	[tilespmem:v17+s13+$0x0] =	vst.idx.msk $0xffff, v16  }
0x1f7: {  	v16 =	vld.idx.msk [tilespmem:v18+s17+$0x0], $0xffff;
	_ =	sdelay $0x3  }
0x1f8: {  	v17 =	vadd.s32 $0xD, v14;
	_ =	sdelay $0x1  }
0x1f9: {  	v16 =	vmul.f32 v16, v15;
	_ =	sdelay $0x1  }
0x1fa: {  	[tilespmem:v18+s13+$0x0] =	vst.idx.msk $0xffff, v16  }
0x1fb: {  	v16 =	vld.idx.msk [tilespmem:v17+s17+$0x0], $0xffff;
	_ =	sdelay $0x3  }
0x1fc: {  	v18 =	vadd.s32 $0xE, v14;
	_ =	sdelay $0x1  }
0x1fd: {  	v16 =	vmul.f32 v16, v15;
	_ =	sdelay $0x1  }
0x1fe: {  	[tilespmem:v17+s13+$0x0] =	vst.idx.msk $0xffff, v16  }
0x1ff: {  	v16 =	vld.idx.msk [tilespmem:v18+s17+$0x0], $0xffff;
	_ =	sdelay $0x3  }
0x200: {  	v14 =	vadd.s32 $0xF, v14;
	_ =	sdelay $0x1  }
0x201: {  	v16 =	vmul.f32 v16, v15;
	_ =	sdelay $0x1  }
0x202: {  	[tilespmem:v18+s13+$0x0] =	vst.idx.msk $0xffff, v16  }
0x203: {  	v16 =	vld.idx.msk [tilespmem:v14+s17+$0x0], $0xffff;
	_ =	sdelay $0x4  }
0x204: {  	v12 =	vand.u32 v11, v12  }
0x205: {  	v16 =	vmul.f32 v16, v15;
	_ =	sdelay $0x1  }
0x206: {  	[tilespmem:v14+s13+$0x0] =	vst.idx.msk $0xffff, v16  }
0x207: {  	[tilespmem:v13+s13+$0x0] =	vst.idx.msk $0xffff, v15  }
0x208: {  	v16 =	vld.idx.msk [tilespmem:v12+s15+$0x0], $0xffff;
	_ =	sdelay $0x1  }
0x209: {  	v12 =	vor.u32 s0, v0  }
.Ltmp7:
0x20a: {  	v14 =	vmul.u32 $0x18, v12;
	v13 =	vshll.u32 v12, $0x3;
	(pc) =	sbr.rel @p3 .LBB2_12-.Ltmp7, $4  }
0x20b: {  	v15 =	vor.u32 $0x1, v13  }
0x20c: {  	v13 =	vadd.s32 $0x10, v14  }
0x20d: {  	v16 =	vsub.s32 v16, v1  }
0x20e: {  	v16 =	vmin.u32 v16, $0xC400  }
0x20f: {  	_ =	sdelay $0x2  }
0x210: {  	[tilespmem:s23+$0x0] =	vst v16  }
0x211: {  	v15 =	vld.idx.msk [tilespmem:v15+s18+$0x0], $0xffff  }
0x212: {  	v16 =	vld.idx.msk [tilespmem:v13+s17+$0x0], $0xffff;
	_ =	sdelay $0x4  }
0x213: {  	v15 =	vadd.f32 v15, v16;
	_ =	sdelay $0x1  }
0x214: {  	v16 =	vmul.f32 $2.000000030e-01, v15  }
0x215: {  	vm0 =	vge.f32 v15, $0.0e+00  }
0x216: {  	v15 =	vsel vm0, v15, v16  }
0x217: {  	v15 =	vmul.f32 $1.442695020e+00, v15;
	_ =	sdelay $0x1  }
0x218: {  	(erf) = vpow2.f32 v15;
	_ =	sdelay $0x4  }
0x219: {  	v49 =	vld.idx.msk [tilespmem:v14+s17+$0x0], $0xffff;
	_ =	sdelay $0x2  }
0x21a: {  	v50 =	vor.u32 $0x1, v14  }
0x21b: {  	v17 =	vpop (erf)  }
0x21c: {  	v15 =	vmul.f32 v17, v49;
	_ =	sdelay $0x1  }
0x21d: {  	[tilespmem:v14+s13+$0x0] =	vst.idx.msk $0xffff, v15  }
0x21e: {  	v15 =	vld.idx.msk [tilespmem:v50+s17+$0x0], $0xffff;
	_ =	sdelay $0x2  }
0x21f: {  	v18 =	vor.u32 $0x2, v14;
	_ =	sdelay $0x1  }
0x220: {  	v15 =	vmul.f32 v17, v15;
	_ =	sdelay $0x1  }
0x221: {  	[tilespmem:v50+s13+$0x0] =	vst.idx.msk $0xffff, v15  }
0x222: {  	v15 =	vld.idx.msk [tilespmem:v18+s17+$0x0], $0xffff;
	_ =	sdelay $0x2  }
0x223: {  	v51 =	vor.u32 $0x3, v14;
	_ =	sdelay $0x1  }
0x224: {  	v15 =	vmul.f32 v17, v15;
	_ =	sdelay $0x1  }
0x225: {  	[tilespmem:v18+s13+$0x0] =	vst.idx.msk $0xffff, v15  }
0x226: {  	v15 =	vld.idx.msk [tilespmem:v51+s17+$0x0], $0xffff;
	_ =	sdelay $0x2  }
0x227: {  	v52 =	vor.u32 $0x4, v14;
	_ =	sdelay $0x1  }
0x228: {  	v15 =	vmul.f32 v15, v17;
	_ =	sdelay $0x1  }
0x229: {  	[tilespmem:v51+s13+$0x0] =	vst.idx.msk $0xffff, v15  }
0x22a: {  	v15 =	vld.idx.msk [tilespmem:v52+s17+$0x0], $0xffff;
	_ =	sdelay $0x2  }
0x22b: {  	v53 =	vor.u32 $0x5, v14;
	_ =	sdelay $0x1  }
0x22c: {  	v15 =	vmul.f32 v15, v17;
	_ =	sdelay $0x1  }
0x22d: {  	[tilespmem:v52+s13+$0x0] =	vst.idx.msk $0xffff, v15  }
0x22e: {  	v15 =	vld.idx.msk [tilespmem:v53+s17+$0x0], $0xffff;
	_ =	sdelay $0x2  }
0x22f: {  	v54 =	vor.u32 $0x6, v14;
	_ =	sdelay $0x1  }
0x230: {  	v15 =	vmul.f32 v15, v17;
	_ =	sdelay $0x1  }
0x231: {  	[tilespmem:v53+s13+$0x0] =	vst.idx.msk $0xffff, v15  }
0x232: {  	v15 =	vld.idx.msk [tilespmem:v54+s17+$0x0], $0xffff;
	_ =	sdelay $0x2  }
0x233: {  	v55 =	vor.u32 $0x7, v14;
	_ =	sdelay $0x1  }
0x234: {  	v15 =	vmul.f32 v15, v17;
	_ =	sdelay $0x1  }
0x235: {  	[tilespmem:v54+s13+$0x0] =	vst.idx.msk $0xffff, v15  }
0x236: {  	v15 =	vld.idx.msk [tilespmem:v55+s17+$0x0], $0xffff;
	_ =	sdelay $0x2  }
0x237: {  	v56 =	vadd.s32 $0x8, v14;
	_ =	sdelay $0x1  }
0x238: {  	v15 =	vmul.f32 v15, v17;
	_ =	sdelay $0x1  }
0x239: {  	[tilespmem:v55+s13+$0x0] =	vst.idx.msk $0xffff, v15  }
0x23a: {  	v15 =	vld.idx.msk [tilespmem:v56+s17+$0x0], $0xffff;
	_ =	sdelay $0x2  }
0x23b: {  	v57 =	vadd.s32 $0x9, v14;
	_ =	sdelay $0x1  }
0x23c: {  	v15 =	vmul.f32 v15, v17;
	_ =	sdelay $0x1  }
0x23d: {  	[tilespmem:v56+s13+$0x0] =	vst.idx.msk $0xffff, v15  }
0x23e: {  	v15 =	vld.idx.msk [tilespmem:v57+s17+$0x0], $0xffff;
	_ =	sdelay $0x2  }
0x23f: {  	v58 =	vadd.s32 $0xA, v14;
	_ =	sdelay $0x1  }
0x240: {  	v15 =	vmul.f32 v15, v17;
	_ =	sdelay $0x1  }
0x241: {  	[tilespmem:v57+s13+$0x0] =	vst.idx.msk $0xffff, v15  }
0x242: {  	v15 =	vld.idx.msk [tilespmem:v58+s17+$0x0], $0xffff;
	_ =	sdelay $0x2  }
0x243: {  	v59 =	vadd.s32 $0xB, v14;
	_ =	sdelay $0x1  }
0x244: {  	v15 =	vmul.f32 v15, v17;
	_ =	sdelay $0x1  }
0x245: {  	[tilespmem:v58+s13+$0x0] =	vst.idx.msk $0xffff, v15  }
0x246: {  	v15 =	vld.idx.msk [tilespmem:v59+s17+$0x0], $0xffff;
	_ =	sdelay $0x2  }
0x247: {  	v60 =	vadd.s32 $0xC, v14;
	_ =	sdelay $0x1  }
0x248: {  	v15 =	vmul.f32 v15, v17;
	_ =	sdelay $0x1  }
0x249: {  	[tilespmem:v59+s13+$0x0] =	vst.idx.msk $0xffff, v15  }
0x24a: {  	v15 =	vld.idx.msk [tilespmem:v60+s17+$0x0], $0xffff;
	_ =	sdelay $0x2  }
0x24b: {  	v61 =	vadd.s32 $0xD, v14;
	_ =	sdelay $0x1  }
0x24c: {  	v15 =	vmul.f32 v15, v17;
	_ =	sdelay $0x1  }
0x24d: {  	[tilespmem:v60+s13+$0x0] =	vst.idx.msk $0xffff, v15  }
0x24e: {  	v15 =	vld.idx.msk [tilespmem:v61+s17+$0x0], $0xffff;
	_ =	sdelay $0x2  }
0x24f: {  	v62 =	vadd.s32 $0xE, v14;
	_ =	sdelay $0x1  }
0x250: {  	v15 =	vmul.f32 v15, v17;
	_ =	sdelay $0x1  }
0x251: {  	[tilespmem:v61+s13+$0x0] =	vst.idx.msk $0xffff, v15  }
0x252: {  	v15 =	vld.idx.msk [tilespmem:v62+s17+$0x0], $0xffff;
	_ =	sdelay $0x2  }
0x253: {  	v63 =	vadd.s32 $0xF, v14;
	_ =	sdelay $0x1  }
0x254: {  	v15 =	vmul.f32 v15, v17;
	_ =	sdelay $0x1  }
0x255: {  	[tilespmem:v62+s13+$0x0] =	vst.idx.msk $0xffff, v15  }
0x256: {  	v15 =	vld.idx.msk [tilespmem:v63+s17+$0x0], $0xffff;
	_ =	sdelay $0x3  }
0x257: {  	v12 =	vand.u32 v11, v12  }
0x258: {  	v15 =	vmul.f32 v15, v17;
	_ =	sdelay $0x1  }
0x259: {  	[tilespmem:v63+s13+$0x0] =	vst.idx.msk $0xffff, v15  }
0x25a: {  	[tilespmem:v13+s13+$0x0] =	vst.idx.msk $0xffff, v17  }
0x25b: {  	v12 =	vld.idx.msk [tilespmem:v12+s15+$0x0], $0xffff;
	_ =	sdelay $0x4  }
0x25c: {  	v12 =	vsub.s32 v12, v1  }
0x25d: {  	s0 =	sadd.s32 $0x10, s23;
	v12 =	vmin.u32 v12, $0xC400  }
0x25e: {  	s25 =	simm.s32 $0x480;
	s7 =	simm.s32 $0x5200;
	[tilespmem:s0+$0x0] =	vst v12  }
0x25f: {  	[spmem:s2] =	stream.indirect.scatter.add.f32 [tilespmem:s7], [sflag:$0x5], $0x18, s25, s22, $0xb8;
	[tilespmem:$0x1AE00] =	vst v63  }
.LBB2_14:
0x260: {  	s0 =	sadd.s32 s8, s21  }
0x261: {  	p3 =	sgt.u32 s0, $0x1869  }
0x262: {  	s0 =	sshll.u32 @!p3 s0, $0x5;
	s7 =	simm.s32 @!p3 $0x100  }
0x263: {  	s16 =	simm.s32 @!p3 $0x186A00;
	s21 =	simm.s32 @!p3 $0x0;
	s0 =	sadd.s32 @!p3 s5, s0  }
0x264: {  	[tilespmem:s21], [sflag:$0x7] =	stream.strided.gather @!p3 [hbm4b:s0+s7], $0x200, s16, s7, $0x38;
	[tilespmem:$0x1AE00] =	vst v63  }
0x265: {  	s0 =	simm.s32 @!p3 $0x7  }
0x266: {  	_ =	swait.ge @!p3 [sflag:s0], $0x200  }
.Ltmp8:
0x267: {  	[sflag:s0] =	ssyncset.done @!p3 $0x0;
	(pc) =	sbr.rel @p1 .LBB2_20-.Ltmp8, $4  }
0x268: {  	[sflag:s0] =	ssyncadd.s32 @!p3 $0xFFFFFE00;
	s0 =	simm.s32 @!p3 $0x600  }
0x269: {  	[tilespmem:s0], [sflag:$0x1] =	stream.indirect.gather @!p3 [hbm4b:s6+s7], $0x18, s21, s7, $0xb8;
	[tilespmem:$0x1AE00] =	vst v63  }
0x26a: {  	s0 =	simm.s32 @!p3 $0x3600  }
0x26b: {  	[tilespmem:s0], [sflag:$0x3] =	stream.indirect.gather @!p3 [hbm4b:s1+s7], $0x8, s7, s7, $0xb8;
	[tilespmem:$0x1AE00] =	vst v63  }
0x26c: {  	s0 =	simm.s32 @!p2 $0x6  }
0x26d: {  	_ =	swait.ge @!p2 [sflag:s0], $0xC00  }
0x26e: {  	[sflag:s0] =	ssyncset.done @!p2 $0x0  }
0x26f: {  	[sflag:s0] =	ssyncadd.s32 @!p2 $0xFFFFF400  }
0x270: {  	_ =	swait.ge @!p2 [sflag:s0], $0xC00  }
0x271: {  	s7 =	simm.s32 $0x0;
	[sflag:s0] =	ssyncset.done @!p2 $0x0  }
0x272: {  	v12 =	vor.u32 s7, v0;
	[sflag:s0] =	ssyncadd.s32 @!p2 $0xFFFFF400  }
0x273: {  	v13 =	vmul.u32 $0x18, v12;
	v14 =	vshll.u32 v12, $0x3;
	_ =	swait.ge [sflag:s26], $0x1800  }
0x274: {  	v14 =	vor.u32 $0x1, v14;
	[sflag:s26] =	ssyncset.done $0x0  }
0x275: {  	v15 =	vadd.s32 $0x10, v13;
	[sflag:s26] =	ssyncadd.s32 $0xFFFFE800  }
0x276: {  	_ =	swait.ge [sflag:s28], $0x800  }
0x277: {  	[sflag:s28] =	ssyncset.done $0x0  }
0x278: {  	[sflag:s28] =	ssyncadd.s32 $0xFFFFF800  }
0x279: {  	v14 =	vld.idx.msk [tilespmem:v14+s30+$0x0], $0xffff  }
0x27a: {  	v16 =	vld.idx.msk [tilespmem:v15+s29+$0x0], $0xffff;
	_ =	sdelay $0x4  }
0x27b: {  	v14 =	vadd.f32 v14, v16;
	_ =	sdelay $0x1  }
0x27c: {  	v16 =	vmul.f32 $2.000000030e-01, v14  }
0x27d: {  	vm0 =	vge.f32 v14, $0.0e+00  }
0x27e: {  	v14 =	vsel vm0, v14, v16  }
0x27f: {  	v14 =	vmul.f32 $1.442695020e+00, v14;
	_ =	sdelay $0x1  }
0x280: {  	(erf) = vpow2.f32 v14;
	_ =	sdelay $0x4  }
0x281: {  	v14 =	vld.idx.msk [tilespmem:v13+s29+$0x0], $0xffff;
	_ =	sdelay $0x2  }
0x282: {  	v16 =	vor.u32 $0x1, v13  }
0x283: {  	v17 =	vpop (erf)  }
0x284: {  	v14 =	vmul.f32 v17, v14;
	_ =	sdelay $0x1  }
0x285: {  	[tilespmem:v13+s14+$0x0] =	vst.idx.msk $0xffff, v14  }
0x286: {  	v14 =	vld.idx.msk [tilespmem:v16+s29+$0x0], $0xffff;
	_ =	sdelay $0x2  }
0x287: {  	v18 =	vor.u32 $0x2, v13;
	_ =	sdelay $0x1  }
0x288: {  	v14 =	vmul.f32 v17, v14;
	_ =	sdelay $0x1  }
0x289: {  	[tilespmem:v16+s14+$0x0] =	vst.idx.msk $0xffff, v14  }
0x28a: {  	v14 =	vld.idx.msk [tilespmem:v18+s29+$0x0], $0xffff;
	_ =	sdelay $0x2  }
0x28b: {  	v16 =	vor.u32 $0x3, v13;
	_ =	sdelay $0x1  }
0x28c: {  	v14 =	vmul.f32 v17, v14;
	_ =	sdelay $0x1  }
0x28d: {  	[tilespmem:v18+s14+$0x0] =	vst.idx.msk $0xffff, v14  }
0x28e: {  	v14 =	vld.idx.msk [tilespmem:v16+s29+$0x0], $0xffff;
	_ =	sdelay $0x2  }
0x28f: {  	v18 =	vor.u32 $0x4, v13;
	_ =	sdelay $0x1  }
0x290: {  	v14 =	vmul.f32 v14, v17;
	_ =	sdelay $0x1  }
0x291: {  	[tilespmem:v16+s14+$0x0] =	vst.idx.msk $0xffff, v14  }
0x292: {  	v14 =	vld.idx.msk [tilespmem:v18+s29+$0x0], $0xffff;
	_ =	sdelay $0x2  }
0x293: {  	v16 =	vor.u32 $0x5, v13;
	_ =	sdelay $0x1  }
0x294: {  	v14 =	vmul.f32 v14, v17;
	_ =	sdelay $0x1  }
0x295: {  	[tilespmem:v18+s14+$0x0] =	vst.idx.msk $0xffff, v14  }
0x296: {  	v14 =	vld.idx.msk [tilespmem:v16+s29+$0x0], $0xffff;
	_ =	sdelay $0x2  }
0x297: {  	v18 =	vor.u32 $0x6, v13;
	_ =	sdelay $0x1  }
0x298: {  	v14 =	vmul.f32 v14, v17;
	_ =	sdelay $0x1  }
0x299: {  	[tilespmem:v16+s14+$0x0] =	vst.idx.msk $0xffff, v14  }
0x29a: {  	v14 =	vld.idx.msk [tilespmem:v18+s29+$0x0], $0xffff;
	_ =	sdelay $0x2  }
0x29b: {  	v16 =	vor.u32 $0x7, v13;
	_ =	sdelay $0x1  }
0x29c: {  	v14 =	vmul.f32 v14, v17;
	_ =	sdelay $0x1  }
0x29d: {  	[tilespmem:v18+s14+$0x0] =	vst.idx.msk $0xffff, v14  }
0x29e: {  	v14 =	vld.idx.msk [tilespmem:v16+s29+$0x0], $0xffff;
	_ =	sdelay $0x2  }
0x29f: {  	v18 =	vadd.s32 $0x8, v13;
	_ =	sdelay $0x1  }
0x2a0: {  	v14 =	vmul.f32 v14, v17;
	_ =	sdelay $0x1  }
0x2a1: {  	[tilespmem:v16+s14+$0x0] =	vst.idx.msk $0xffff, v14  }
0x2a2: {  	v14 =	vld.idx.msk [tilespmem:v18+s29+$0x0], $0xffff;
	_ =	sdelay $0x2  }
0x2a3: {  	v16 =	vadd.s32 $0x9, v13;
	_ =	sdelay $0x1  }
0x2a4: {  	v14 =	vmul.f32 v14, v17;
	_ =	sdelay $0x1  }
0x2a5: {  	[tilespmem:v18+s14+$0x0] =	vst.idx.msk $0xffff, v14  }
0x2a6: {  	v14 =	vld.idx.msk [tilespmem:v16+s29+$0x0], $0xffff;
	_ =	sdelay $0x2  }
0x2a7: {  	v18 =	vadd.s32 $0xA, v13;
	_ =	sdelay $0x1  }
0x2a8: {  	v14 =	vmul.f32 v14, v17;
	_ =	sdelay $0x1  }
0x2a9: {  	[tilespmem:v16+s14+$0x0] =	vst.idx.msk $0xffff, v14  }
0x2aa: {  	v14 =	vld.idx.msk [tilespmem:v18+s29+$0x0], $0xffff;
	_ =	sdelay $0x2  }
0x2ab: {  	v16 =	vadd.s32 $0xB, v13;
	_ =	sdelay $0x1  }
0x2ac: {  	v14 =	vmul.f32 v14, v17;
	_ =	sdelay $0x1  }
0x2ad: {  	[tilespmem:v18+s14+$0x0] =	vst.idx.msk $0xffff, v14  }
0x2ae: {  	v14 =	vld.idx.msk [tilespmem:v16+s29+$0x0], $0xffff;
	_ =	sdelay $0x2  }
0x2af: {  	v18 =	vadd.s32 $0xC, v13;
	_ =	sdelay $0x1  }
0x2b0: {  	v14 =	vmul.f32 v14, v17;
	_ =	sdelay $0x1  }
0x2b1: {  	[tilespmem:v16+s14+$0x0] =	vst.idx.msk $0xffff, v14  }
0x2b2: {  	v14 =	vld.idx.msk [tilespmem:v18+s29+$0x0], $0xffff;
	_ =	sdelay $0x2  }
0x2b3: {  	v16 =	vadd.s32 $0xD, v13;
	_ =	sdelay $0x1  }
0x2b4: {  	v14 =	vmul.f32 v14, v17;
	_ =	sdelay $0x1  }
0x2b5: {  	[tilespmem:v18+s14+$0x0] =	vst.idx.msk $0xffff, v14  }
0x2b6: {  	v14 =	vld.idx.msk [tilespmem:v16+s29+$0x0], $0xffff;
	_ =	sdelay $0x2  }
0x2b7: {  	v18 =	vadd.s32 $0xE, v13;
	_ =	sdelay $0x1  }
0x2b8: {  	v14 =	vmul.f32 v14, v17;
	_ =	sdelay $0x1  }
0x2b9: {  	[tilespmem:v16+s14+$0x0] =	vst.idx.msk $0xffff, v14  }
0x2ba: {  	v14 =	vld.idx.msk [tilespmem:v18+s29+$0x0], $0xffff;
	_ =	sdelay $0x2  }
0x2bb: {  	v13 =	vadd.s32 $0xF, v13;
	_ =	sdelay $0x1  }
0x2bc: {  	v14 =	vmul.f32 v14, v17;
	_ =	sdelay $0x1  }
0x2bd: {  	[tilespmem:v18+s14+$0x0] =	vst.idx.msk $0xffff, v14  }
0x2be: {  	v14 =	vld.idx.msk [tilespmem:v13+s29+$0x0], $0xffff;
	_ =	sdelay $0x3  }
0x2bf: {  	v12 =	vand.u32 v11, v12  }
0x2c0: {  	v14 =	vmul.f32 v14, v17;
	_ =	sdelay $0x1  }
0x2c1: {  	[tilespmem:v13+s14+$0x0] =	vst.idx.msk $0xffff, v14  }
0x2c2: {  	[tilespmem:v15+s14+$0x0] =	vst.idx.msk $0xffff, v17  }
0x2c3: {  	v13 =	vld.idx.msk [tilespmem:v12+s31+$0x0], $0xffff  }
0x2c4: {  	s25 =	simm.s32 $0x10  }
0x2c5: {  	v12 =	vor.u32 s25, v0  }
0x2c6: {  	v14 =	vmul.u32 $0x18, v12;
	v15 =	vshll.u32 v12, $0x3  }
0x2c7: {  	v15 =	vor.u32 $0x1, v15  }
0x2c8: {  	v16 =	vsub.s32 v13, v1;
	v13 =	vadd.s32 $0x10, v14  }
0x2c9: {  	s21 =	simm.s32 $0x500;
	s23 =	simm.s32 $0x20;
	v16 =	vmin.u32 v16, $0xC400  }
.LBB2_16:
0x2ca: {  	p1 =	sne.s32 s23, $0x70  }
0x2cb: {  	[tilespmem:s21+$0x0] =	vst v16;
	s21 =	sadd.s32 $0x10, s21;
	s0 =	smov.u32 s23;
	s23 =	sadd.s32 $0x10, s23  }
0x2cc: {  	v15 =	vld.idx.msk [tilespmem:v15+s30+$0x0], $0xffff  }
0x2cd: {  	v16 =	vld.idx.msk [tilespmem:v13+s29+$0x0], $0xffff;
	_ =	sdelay $0x5  }
0x2ce: {  	v15 =	vadd.f32 v15, v16;
	_ =	sdelay $0x1  }
0x2cf: {  	v16 =	vmul.f32 $2.000000030e-01, v15  }
0x2d0: {  	vm0 =	vge.f32 v15, $0.0e+00  }
0x2d1: {  	v15 =	vsel vm0, v15, v16  }
0x2d2: {  	v15 =	vmul.f32 $1.442695020e+00, v15;
	_ =	sdelay $0x1  }
0x2d3: {  	(erf) = vpow2.f32 v15;
	_ =	sdelay $0x3  }
0x2d4: {  	v16 =	vld.idx.msk [tilespmem:v14+s29+$0x0], $0xffff;
	_ =	sdelay $0x3  }
0x2d5: {  	v17 =	vor.u32 $0x1, v14  }
0x2d6: {  	v15 =	vpop (erf)  }
0x2d7: {  	v16 =	vmul.f32 v15, v16;
	_ =	sdelay $0x1  }
0x2d8: {  	[tilespmem:v14+s14+$0x0] =	vst.idx.msk $0xffff, v16  }
0x2d9: {  	v16 =	vld.idx.msk [tilespmem:v17+s29+$0x0], $0xffff;
	_ =	sdelay $0x3  }
0x2da: {  	v18 =	vor.u32 $0x2, v14;
	_ =	sdelay $0x1  }
0x2db: {  	v16 =	vmul.f32 v15, v16;
	_ =	sdelay $0x1  }
0x2dc: {  	[tilespmem:v17+s14+$0x0] =	vst.idx.msk $0xffff, v16  }
0x2dd: {  	v16 =	vld.idx.msk [tilespmem:v18+s29+$0x0], $0xffff;
	_ =	sdelay $0x3  }
0x2de: {  	v17 =	vor.u32 $0x3, v14;
	_ =	sdelay $0x1  }
0x2df: {  	v16 =	vmul.f32 v15, v16;
	_ =	sdelay $0x1  }
0x2e0: {  	[tilespmem:v18+s14+$0x0] =	vst.idx.msk $0xffff, v16  }
0x2e1: {  	v16 =	vld.idx.msk [tilespmem:v17+s29+$0x0], $0xffff;
	_ =	sdelay $0x3  }
0x2e2: {  	v18 =	vor.u32 $0x4, v14;
	_ =	sdelay $0x1  }
0x2e3: {  	v16 =	vmul.f32 v16, v15;
	_ =	sdelay $0x1  }
0x2e4: {  	[tilespmem:v17+s14+$0x0] =	vst.idx.msk $0xffff, v16  }
0x2e5: {  	v16 =	vld.idx.msk [tilespmem:v18+s29+$0x0], $0xffff;
	_ =	sdelay $0x3  }
0x2e6: {  	v17 =	vor.u32 $0x5, v14;
	_ =	sdelay $0x1  }
0x2e7: {  	v16 =	vmul.f32 v16, v15;
	_ =	sdelay $0x1  }
0x2e8: {  	[tilespmem:v18+s14+$0x0] =	vst.idx.msk $0xffff, v16  }
0x2e9: {  	v16 =	vld.idx.msk [tilespmem:v17+s29+$0x0], $0xffff;
	_ =	sdelay $0x3  }
0x2ea: {  	v18 =	vor.u32 $0x6, v14;
	_ =	sdelay $0x1  }
0x2eb: {  	v16 =	vmul.f32 v16, v15;
	_ =	sdelay $0x1  }
0x2ec: {  	[tilespmem:v17+s14+$0x0] =	vst.idx.msk $0xffff, v16  }
0x2ed: {  	v16 =	vld.idx.msk [tilespmem:v18+s29+$0x0], $0xffff;
	_ =	sdelay $0x3  }
0x2ee: {  	v17 =	vor.u32 $0x7, v14;
	_ =	sdelay $0x1  }
0x2ef: {  	v16 =	vmul.f32 v16, v15;
	_ =	sdelay $0x1  }
0x2f0: {  	[tilespmem:v18+s14+$0x0] =	vst.idx.msk $0xffff, v16  }
0x2f1: {  	v16 =	vld.idx.msk [tilespmem:v17+s29+$0x0], $0xffff;
	_ =	sdelay $0x3  }
0x2f2: {  	v18 =	vadd.s32 $0x8, v14;
	_ =	sdelay $0x1  }
0x2f3: {  	v16 =	vmul.f32 v16, v15;
	_ =	sdelay $0x1  }
0x2f4: {  	[tilespmem:v17+s14+$0x0] =	vst.idx.msk $0xffff, v16  }
0x2f5: {  	v16 =	vld.idx.msk [tilespmem:v18+s29+$0x0], $0xffff;
	_ =	sdelay $0x3  }
0x2f6: {  	v17 =	vadd.s32 $0x9, v14;
	_ =	sdelay $0x1  }
0x2f7: {  	v16 =	vmul.f32 v16, v15;
	_ =	sdelay $0x1  }
0x2f8: {  	[tilespmem:v18+s14+$0x0] =	vst.idx.msk $0xffff, v16  }
0x2f9: {  	v16 =	vld.idx.msk [tilespmem:v17+s29+$0x0], $0xffff;
	_ =	sdelay $0x3  }
0x2fa: {  	v18 =	vadd.s32 $0xA, v14;
	_ =	sdelay $0x1  }
0x2fb: {  	v16 =	vmul.f32 v16, v15;
	_ =	sdelay $0x1  }
0x2fc: {  	[tilespmem:v17+s14+$0x0] =	vst.idx.msk $0xffff, v16  }
0x2fd: {  	v16 =	vld.idx.msk [tilespmem:v18+s29+$0x0], $0xffff;
	_ =	sdelay $0x3  }
0x2fe: {  	v17 =	vadd.s32 $0xB, v14;
	_ =	sdelay $0x1  }
0x2ff: {  	v16 =	vmul.f32 v16, v15;
	_ =	sdelay $0x1  }
0x300: {  	[tilespmem:v18+s14+$0x0] =	vst.idx.msk $0xffff, v16  }
0x301: {  	v16 =	vld.idx.msk [tilespmem:v17+s29+$0x0], $0xffff;
	_ =	sdelay $0x3  }
0x302: {  	v18 =	vadd.s32 $0xC, v14;
	_ =	sdelay $0x1  }
0x303: {  	v16 =	vmul.f32 v16, v15;
	_ =	sdelay $0x1  }
0x304: {  	[tilespmem:v17+s14+$0x0] =	vst.idx.msk $0xffff, v16  }
0x305: {  	v16 =	vld.idx.msk [tilespmem:v18+s29+$0x0], $0xffff;
	_ =	sdelay $0x3  }
0x306: {  	v17 =	vadd.s32 $0xD, v14;
	_ =	sdelay $0x1  }
0x307: {  	v16 =	vmul.f32 v16, v15;
	_ =	sdelay $0x1  }
0x308: {  	[tilespmem:v18+s14+$0x0] =	vst.idx.msk $0xffff, v16  }
0x309: {  	v16 =	vld.idx.msk [tilespmem:v17+s29+$0x0], $0xffff;
	_ =	sdelay $0x3  }
0x30a: {  	v18 =	vadd.s32 $0xE, v14;
	_ =	sdelay $0x1  }
0x30b: {  	v16 =	vmul.f32 v16, v15;
	_ =	sdelay $0x1  }
0x30c: {  	[tilespmem:v17+s14+$0x0] =	vst.idx.msk $0xffff, v16  }
0x30d: {  	v16 =	vld.idx.msk [tilespmem:v18+s29+$0x0], $0xffff;
	_ =	sdelay $0x3  }
0x30e: {  	v14 =	vadd.s32 $0xF, v14;
	_ =	sdelay $0x1  }
0x30f: {  	v16 =	vmul.f32 v16, v15;
	_ =	sdelay $0x1  }
0x310: {  	[tilespmem:v18+s14+$0x0] =	vst.idx.msk $0xffff, v16  }
0x311: {  	v16 =	vld.idx.msk [tilespmem:v14+s29+$0x0], $0xffff;
	_ =	sdelay $0x4  }
0x312: {  	v12 =	vand.u32 v11, v12  }
0x313: {  	v16 =	vmul.f32 v16, v15;
	_ =	sdelay $0x1  }
0x314: {  	[tilespmem:v14+s14+$0x0] =	vst.idx.msk $0xffff, v16  }
0x315: {  	[tilespmem:v13+s14+$0x0] =	vst.idx.msk $0xffff, v15  }
0x316: {  	v16 =	vld.idx.msk [tilespmem:v12+s31+$0x0], $0xffff;
	_ =	sdelay $0x1  }
0x317: {  	v12 =	vor.u32 s0, v0  }
.Ltmp9:
0x318: {  	v14 =	vmul.u32 $0x18, v12;
	v13 =	vshll.u32 v12, $0x3;
	(pc) =	sbr.rel @p1 .LBB2_16-.Ltmp9, $4  }
0x319: {  	v15 =	vor.u32 $0x1, v13  }
0x31a: {  	v13 =	vadd.s32 $0x10, v14  }
0x31b: {  	v16 =	vsub.s32 v16, v1  }
0x31c: {  	v16 =	vmin.u32 v16, $0xC400  }
0x31d: {  	_ =	sdelay $0x2  }
0x31e: {  	[tilespmem:s21+$0x0] =	vst v16  }
0x31f: {  	v15 =	vld.idx.msk [tilespmem:v15+s30+$0x0], $0xffff  }
0x320: {  	v16 =	vld.idx.msk [tilespmem:v13+s29+$0x0], $0xffff;
	_ =	sdelay $0x4  }
0x321: {  	v15 =	vadd.f32 v15, v16;
	_ =	sdelay $0x1  }
0x322: {  	v16 =	vmul.f32 $2.000000030e-01, v15  }
0x323: {  	vm0 =	vge.f32 v15, $0.0e+00  }
0x324: {  	v15 =	vsel vm0, v15, v16  }
0x325: {  	v15 =	vmul.f32 $1.442695020e+00, v15;
	_ =	sdelay $0x1  }
0x326: {  	(erf) = vpow2.f32 v15;
	_ =	sdelay $0x4  }
0x327: {  	v15 =	vld.idx.msk [tilespmem:v14+s29+$0x0], $0xffff;
	_ =	sdelay $0x2  }
0x328: {  	v16 =	vor.u32 $0x1, v14  }
0x329: {  	v17 =	vpop (erf)  }
0x32a: {  	v15 =	vmul.f32 v17, v15;
	_ =	sdelay $0x1  }
0x32b: {  	[tilespmem:v14+s14+$0x0] =	vst.idx.msk $0xffff, v15  }
0x32c: {  	v15 =	vld.idx.msk [tilespmem:v16+s29+$0x0], $0xffff;
	_ =	sdelay $0x2  }
0x32d: {  	v18 =	vor.u32 $0x2, v14;
	_ =	sdelay $0x1  }
0x32e: {  	v15 =	vmul.f32 v17, v15;
	_ =	sdelay $0x1  }
0x32f: {  	[tilespmem:v16+s14+$0x0] =	vst.idx.msk $0xffff, v15  }
0x330: {  	v15 =	vld.idx.msk [tilespmem:v18+s29+$0x0], $0xffff;
	_ =	sdelay $0x2  }
0x331: {  	v16 =	vor.u32 $0x3, v14;
	_ =	sdelay $0x1  }
0x332: {  	v15 =	vmul.f32 v17, v15;
	_ =	sdelay $0x1  }
0x333: {  	[tilespmem:v18+s14+$0x0] =	vst.idx.msk $0xffff, v15  }
0x334: {  	v15 =	vld.idx.msk [tilespmem:v16+s29+$0x0], $0xffff;
	_ =	sdelay $0x2  }
0x335: {  	v18 =	vor.u32 $0x4, v14;
	_ =	sdelay $0x1  }
0x336: {  	v15 =	vmul.f32 v15, v17;
	_ =	sdelay $0x1  }
0x337: {  	[tilespmem:v16+s14+$0x0] =	vst.idx.msk $0xffff, v15  }
0x338: {  	v15 =	vld.idx.msk [tilespmem:v18+s29+$0x0], $0xffff;
	_ =	sdelay $0x2  }
0x339: {  	v16 =	vor.u32 $0x5, v14;
	_ =	sdelay $0x1  }
0x33a: {  	v15 =	vmul.f32 v15, v17;
	_ =	sdelay $0x1  }
0x33b: {  	[tilespmem:v18+s14+$0x0] =	vst.idx.msk $0xffff, v15  }
0x33c: {  	v15 =	vld.idx.msk [tilespmem:v16+s29+$0x0], $0xffff;
	_ =	sdelay $0x2  }
0x33d: {  	v18 =	vor.u32 $0x6, v14;
	_ =	sdelay $0x1  }
0x33e: {  	v15 =	vmul.f32 v15, v17;
	_ =	sdelay $0x1  }
0x33f: {  	[tilespmem:v16+s14+$0x0] =	vst.idx.msk $0xffff, v15  }
0x340: {  	v15 =	vld.idx.msk [tilespmem:v18+s29+$0x0], $0xffff;
	_ =	sdelay $0x2  }
0x341: {  	v16 =	vor.u32 $0x7, v14;
	_ =	sdelay $0x1  }
0x342: {  	v15 =	vmul.f32 v15, v17;
	_ =	sdelay $0x1  }
0x343: {  	[tilespmem:v18+s14+$0x0] =	vst.idx.msk $0xffff, v15  }
0x344: {  	v15 =	vld.idx.msk [tilespmem:v16+s29+$0x0], $0xffff;
	_ =	sdelay $0x2  }
0x345: {  	v18 =	vadd.s32 $0x8, v14;
	_ =	sdelay $0x1  }
0x346: {  	v15 =	vmul.f32 v15, v17;
	_ =	sdelay $0x1  }
0x347: {  	[tilespmem:v16+s14+$0x0] =	vst.idx.msk $0xffff, v15  }
0x348: {  	v15 =	vld.idx.msk [tilespmem:v18+s29+$0x0], $0xffff;
	_ =	sdelay $0x2  }
0x349: {  	v16 =	vadd.s32 $0x9, v14;
	_ =	sdelay $0x1  }
0x34a: {  	v15 =	vmul.f32 v15, v17;
	_ =	sdelay $0x1  }
0x34b: {  	[tilespmem:v18+s14+$0x0] =	vst.idx.msk $0xffff, v15  }
0x34c: {  	v15 =	vld.idx.msk [tilespmem:v16+s29+$0x0], $0xffff;
	_ =	sdelay $0x2  }
0x34d: {  	v18 =	vadd.s32 $0xA, v14;
	_ =	sdelay $0x1  }
0x34e: {  	v15 =	vmul.f32 v15, v17;
	_ =	sdelay $0x1  }
0x34f: {  	[tilespmem:v16+s14+$0x0] =	vst.idx.msk $0xffff, v15  }
0x350: {  	v15 =	vld.idx.msk [tilespmem:v18+s29+$0x0], $0xffff;
	_ =	sdelay $0x2  }
0x351: {  	v16 =	vadd.s32 $0xB, v14;
	_ =	sdelay $0x1  }
0x352: {  	v15 =	vmul.f32 v15, v17;
	_ =	sdelay $0x1  }
0x353: {  	[tilespmem:v18+s14+$0x0] =	vst.idx.msk $0xffff, v15  }
0x354: {  	v15 =	vld.idx.msk [tilespmem:v16+s29+$0x0], $0xffff;
	_ =	sdelay $0x2  }
0x355: {  	v18 =	vadd.s32 $0xC, v14;
	_ =	sdelay $0x1  }
0x356: {  	v15 =	vmul.f32 v15, v17;
	_ =	sdelay $0x1  }
0x357: {  	[tilespmem:v16+s14+$0x0] =	vst.idx.msk $0xffff, v15  }
0x358: {  	v15 =	vld.idx.msk [tilespmem:v18+s29+$0x0], $0xffff;
	_ =	sdelay $0x2  }
0x359: {  	v16 =	vadd.s32 $0xD, v14;
	_ =	sdelay $0x1  }
0x35a: {  	v15 =	vmul.f32 v15, v17;
	_ =	sdelay $0x1  }
0x35b: {  	[tilespmem:v18+s14+$0x0] =	vst.idx.msk $0xffff, v15  }
0x35c: {  	v15 =	vld.idx.msk [tilespmem:v16+s29+$0x0], $0xffff;
	_ =	sdelay $0x2  }
0x35d: {  	v18 =	vadd.s32 $0xE, v14;
	_ =	sdelay $0x1  }
0x35e: {  	v15 =	vmul.f32 v15, v17;
	_ =	sdelay $0x1  }
0x35f: {  	[tilespmem:v16+s14+$0x0] =	vst.idx.msk $0xffff, v15  }
0x360: {  	v15 =	vld.idx.msk [tilespmem:v18+s29+$0x0], $0xffff;
	_ =	sdelay $0x2  }
0x361: {  	v14 =	vadd.s32 $0xF, v14;
	_ =	sdelay $0x1  }
0x362: {  	v15 =	vmul.f32 v15, v17;
	_ =	sdelay $0x1  }
0x363: {  	[tilespmem:v18+s14+$0x0] =	vst.idx.msk $0xffff, v15  }
0x364: {  	v15 =	vld.idx.msk [tilespmem:v14+s29+$0x0], $0xffff;
	_ =	sdelay $0x3  }
0x365: {  	v12 =	vand.u32 v11, v12  }
0x366: {  	v15 =	vmul.f32 v15, v17;
	_ =	sdelay $0x1  }
0x367: {  	[tilespmem:v14+s14+$0x0] =	vst.idx.msk $0xffff, v15  }
0x368: {  	[tilespmem:v13+s14+$0x0] =	vst.idx.msk $0xffff, v17  }
0x369: {  	v12 =	vld.idx.msk [tilespmem:v12+s31+$0x0], $0xffff  }
0x36a: {  	s0 =	simm.s32 $0x80  }
0x36b: {  	v13 =	vor.u32 s0, v0  }
0x36c: {  	v14 =	vmul.u32 $0x18, v13;
	v15 =	vshll.u32 v13, $0x3  }
0x36d: {  	v15 =	vor.u32 $0x1, v15  }
0x36e: {  	v16 =	vadd.s32 $0x10, v14;
	v12 =	vsub.s32 v12, v1  }
0x36f: {  	s7 =	sadd.s32 $0x10, s21;
	v12 =	vmin.u32 v12, $0xC400  }
0x370: {  	s23 =	simm.s32 $0x500;
	[tilespmem:s7+$0x0] =	vst v12  }
0x371: {  	[spmem:s2] =	stream.indirect.scatter.add.f32 [tilespmem:s14], [sflag:$0x6], $0x18, s23, s0, $0xb8;
	[tilespmem:$0x1AE00] =	vst v63  }
0x372: {  	v12 =	vld.idx.msk [tilespmem:v15+s30+$0x0], $0xffff  }
0x373: {  	v15 =	vld.idx.msk [tilespmem:v16+s29+$0x0], $0xffff;
	_ =	sdelay $0x4  }
0x374: {  	v12 =	vadd.f32 v12, v15;
	_ =	sdelay $0x1  }
0x375: {  	v15 =	vmul.f32 $2.000000030e-01, v12  }
0x376: {  	vm15 =	vge.f32 v12, $0.0e+00  }
0x377: {  	v12 =	vsel vm15, v12, v15  }
0x378: {  	v12 =	vmul.f32 $1.442695020e+00, v12;
	_ =	sdelay $0x1  }
0x379: {  	(erf) = vpow2.f32 v12;
	_ =	sdelay $0x4  }
0x37a: {  	v12 =	vld.idx.msk [tilespmem:v14+s29+$0x0], $0xffff;
	_ =	sdelay $0x2  }
0x37b: {  	v15 =	vor.u32 $0x1, v14  }
0x37c: {  	v17 =	vpop (erf)  }
0x37d: {  	v12 =	vmul.f32 v17, v12;
	_ =	sdelay $0x1  }
0x37e: {  	[tilespmem:v14+s14+$0x0] =	vst.idx.msk $0xffff, v12  }
0x37f: {  	v12 =	vld.idx.msk [tilespmem:v15+s29+$0x0], $0xffff;
	_ =	sdelay $0x2  }
0x380: {  	v18 =	vor.u32 $0x2, v14;
	_ =	sdelay $0x1  }
0x381: {  	v12 =	vmul.f32 v17, v12;
	_ =	sdelay $0x1  }
0x382: {  	[tilespmem:v15+s14+$0x0] =	vst.idx.msk $0xffff, v12  }
0x383: {  	v12 =	vld.idx.msk [tilespmem:v18+s29+$0x0], $0xffff;
	_ =	sdelay $0x2  }
0x384: {  	v15 =	vor.u32 $0x3, v14;
	_ =	sdelay $0x1  }
0x385: {  	v12 =	vmul.f32 v17, v12;
	_ =	sdelay $0x1  }
0x386: {  	[tilespmem:v18+s14+$0x0] =	vst.idx.msk $0xffff, v12  }
0x387: {  	v12 =	vld.idx.msk [tilespmem:v15+s29+$0x0], $0xffff;
	_ =	sdelay $0x2  }
0x388: {  	v18 =	vor.u32 $0x4, v14;
	_ =	sdelay $0x1  }
0x389: {  	v12 =	vmul.f32 v12, v17;
	_ =	sdelay $0x1  }
0x38a: {  	[tilespmem:v15+s14+$0x0] =	vst.idx.msk $0xffff, v12  }
0x38b: {  	v12 =	vld.idx.msk [tilespmem:v18+s29+$0x0], $0xffff;
	_ =	sdelay $0x2  }
0x38c: {  	v15 =	vor.u32 $0x5, v14;
	_ =	sdelay $0x1  }
0x38d: {  	v12 =	vmul.f32 v12, v17;
	_ =	sdelay $0x1  }
0x38e: {  	[tilespmem:v18+s14+$0x0] =	vst.idx.msk $0xffff, v12  }
0x38f: {  	v12 =	vld.idx.msk [tilespmem:v15+s29+$0x0], $0xffff;
	_ =	sdelay $0x2  }
0x390: {  	v18 =	vor.u32 $0x6, v14;
	_ =	sdelay $0x1  }
0x391: {  	v12 =	vmul.f32 v12, v17;
	_ =	sdelay $0x1  }
0x392: {  	[tilespmem:v15+s14+$0x0] =	vst.idx.msk $0xffff, v12  }
0x393: {  	v12 =	vld.idx.msk [tilespmem:v18+s29+$0x0], $0xffff;
	_ =	sdelay $0x2  }
0x394: {  	v15 =	vor.u32 $0x7, v14;
	_ =	sdelay $0x1  }
0x395: {  	v12 =	vmul.f32 v12, v17;
	_ =	sdelay $0x1  }
0x396: {  	[tilespmem:v18+s14+$0x0] =	vst.idx.msk $0xffff, v12  }
0x397: {  	v12 =	vld.idx.msk [tilespmem:v15+s29+$0x0], $0xffff;
	_ =	sdelay $0x2  }
0x398: {  	v18 =	vadd.s32 $0x8, v14;
	_ =	sdelay $0x1  }
0x399: {  	v12 =	vmul.f32 v12, v17;
	_ =	sdelay $0x1  }
0x39a: {  	[tilespmem:v15+s14+$0x0] =	vst.idx.msk $0xffff, v12  }
0x39b: {  	v12 =	vld.idx.msk [tilespmem:v18+s29+$0x0], $0xffff;
	_ =	sdelay $0x2  }
0x39c: {  	v15 =	vadd.s32 $0x9, v14;
	_ =	sdelay $0x1  }
0x39d: {  	v12 =	vmul.f32 v12, v17;
	_ =	sdelay $0x1  }
0x39e: {  	[tilespmem:v18+s14+$0x0] =	vst.idx.msk $0xffff, v12  }
0x39f: {  	v12 =	vld.idx.msk [tilespmem:v15+s29+$0x0], $0xffff;
	_ =	sdelay $0x2  }
0x3a0: {  	v18 =	vadd.s32 $0xA, v14;
	_ =	sdelay $0x1  }
0x3a1: {  	v12 =	vmul.f32 v12, v17;
	_ =	sdelay $0x1  }
0x3a2: {  	[tilespmem:v15+s14+$0x0] =	vst.idx.msk $0xffff, v12  }
0x3a3: {  	v12 =	vld.idx.msk [tilespmem:v18+s29+$0x0], $0xffff;
	_ =	sdelay $0x2  }
0x3a4: {  	v15 =	vadd.s32 $0xB, v14;
	_ =	sdelay $0x1  }
0x3a5: {  	v12 =	vmul.f32 v12, v17;
	_ =	sdelay $0x1  }
0x3a6: {  	[tilespmem:v18+s14+$0x0] =	vst.idx.msk $0xffff, v12  }
0x3a7: {  	v12 =	vld.idx.msk [tilespmem:v15+s29+$0x0], $0xffff;
	_ =	sdelay $0x2  }
0x3a8: {  	v18 =	vadd.s32 $0xC, v14;
	_ =	sdelay $0x1  }
0x3a9: {  	v12 =	vmul.f32 v12, v17;
	_ =	sdelay $0x1  }
0x3aa: {  	[tilespmem:v15+s14+$0x0] =	vst.idx.msk $0xffff, v12  }
0x3ab: {  	v12 =	vld.idx.msk [tilespmem:v18+s29+$0x0], $0xffff;
	_ =	sdelay $0x2  }
0x3ac: {  	v15 =	vadd.s32 $0xD, v14;
	_ =	sdelay $0x1  }
0x3ad: {  	v12 =	vmul.f32 v12, v17;
	_ =	sdelay $0x1  }
0x3ae: {  	[tilespmem:v18+s14+$0x0] =	vst.idx.msk $0xffff, v12  }
0x3af: {  	v12 =	vld.idx.msk [tilespmem:v15+s29+$0x0], $0xffff;
	_ =	sdelay $0x2  }
0x3b0: {  	v18 =	vadd.s32 $0xE, v14;
	_ =	sdelay $0x1  }
0x3b1: {  	v12 =	vmul.f32 v12, v17;
	_ =	sdelay $0x1  }
0x3b2: {  	[tilespmem:v15+s14+$0x0] =	vst.idx.msk $0xffff, v12  }
0x3b3: {  	v12 =	vld.idx.msk [tilespmem:v18+s29+$0x0], $0xffff;
	_ =	sdelay $0x2  }
0x3b4: {  	v14 =	vadd.s32 $0xF, v14;
	_ =	sdelay $0x1  }
0x3b5: {  	v12 =	vmul.f32 v12, v17;
	_ =	sdelay $0x1  }
0x3b6: {  	[tilespmem:v18+s14+$0x0] =	vst.idx.msk $0xffff, v12  }
0x3b7: {  	v12 =	vld.idx.msk [tilespmem:v14+s29+$0x0], $0xffff;
	_ =	sdelay $0x3  }
0x3b8: {  	v13 =	vand.u32 v11, v13  }
0x3b9: {  	v12 =	vmul.f32 v12, v17;
	_ =	sdelay $0x1  }
0x3ba: {  	[tilespmem:v14+s14+$0x0] =	vst.idx.msk $0xffff, v12  }
0x3bb: {  	[tilespmem:v16+s14+$0x0] =	vst.idx.msk $0xffff, v17  }
0x3bc: {  	v13 =	vld.idx.msk [tilespmem:v13+s31+$0x0], $0xffff  }
0x3bd: {  	s25 =	simm.s32 $0x90  }
0x3be: {  	v12 =	vor.u32 s25, v0  }
0x3bf: {  	v14 =	vmul.u32 $0x18, v12;
	v15 =	vshll.u32 v12, $0x3  }
0x3c0: {  	v15 =	vor.u32 $0x1, v15  }
0x3c1: {  	v16 =	vsub.s32 v13, v1;
	v13 =	vadd.s32 $0x10, v14  }
0x3c2: {  	s21 =	simm.s32 $0x580;
	s23 =	simm.s32 $0xA0;
	v16 =	vmin.u32 v16, $0xC400  }
.LBB2_18:
0x3c3: {  	p1 =	sne.s32 s23, $0xF0  }
0x3c4: {  	[tilespmem:s21+$0x0] =	vst v16;
	s21 =	sadd.s32 $0x10, s21;
	s0 =	smov.u32 s23;
	s23 =	sadd.s32 $0x10, s23  }
0x3c5: {  	v15 =	vld.idx.msk [tilespmem:v15+s30+$0x0], $0xffff  }
0x3c6: {  	v16 =	vld.idx.msk [tilespmem:v13+s29+$0x0], $0xffff;
	_ =	sdelay $0x5  }
0x3c7: {  	v15 =	vadd.f32 v15, v16;
	_ =	sdelay $0x1  }
0x3c8: {  	v16 =	vmul.f32 $2.000000030e-01, v15  }
0x3c9: {  	vm0 =	vge.f32 v15, $0.0e+00  }
0x3ca: {  	v15 =	vsel vm0, v15, v16  }
0x3cb: {  	v15 =	vmul.f32 $1.442695020e+00, v15;
	_ =	sdelay $0x1  }
0x3cc: {  	(erf) = vpow2.f32 v15;
	_ =	sdelay $0x3  }
0x3cd: {  	v16 =	vld.idx.msk [tilespmem:v14+s29+$0x0], $0xffff;
	_ =	sdelay $0x3  }
0x3ce: {  	v17 =	vor.u32 $0x1, v14  }
0x3cf: {  	v15 =	vpop (erf)  }
0x3d0: {  	v16 =	vmul.f32 v15, v16;
	_ =	sdelay $0x1  }
0x3d1: {  	[tilespmem:v14+s14+$0x0] =	vst.idx.msk $0xffff, v16  }
0x3d2: {  	v16 =	vld.idx.msk [tilespmem:v17+s29+$0x0], $0xffff;
	_ =	sdelay $0x3  }
0x3d3: {  	v18 =	vor.u32 $0x2, v14;
	_ =	sdelay $0x1  }
0x3d4: {  	v16 =	vmul.f32 v15, v16;
	_ =	sdelay $0x1  }
0x3d5: {  	[tilespmem:v17+s14+$0x0] =	vst.idx.msk $0xffff, v16  }
0x3d6: {  	v16 =	vld.idx.msk [tilespmem:v18+s29+$0x0], $0xffff;
	_ =	sdelay $0x3  }
0x3d7: {  	v17 =	vor.u32 $0x3, v14;
	_ =	sdelay $0x1  }
0x3d8: {  	v16 =	vmul.f32 v15, v16;
	_ =	sdelay $0x1  }
0x3d9: {  	[tilespmem:v18+s14+$0x0] =	vst.idx.msk $0xffff, v16  }
0x3da: {  	v16 =	vld.idx.msk [tilespmem:v17+s29+$0x0], $0xffff;
	_ =	sdelay $0x3  }
0x3db: {  	v18 =	vor.u32 $0x4, v14;
	_ =	sdelay $0x1  }
0x3dc: {  	v16 =	vmul.f32 v16, v15;
	_ =	sdelay $0x1  }
0x3dd: {  	[tilespmem:v17+s14+$0x0] =	vst.idx.msk $0xffff, v16  }
0x3de: {  	v16 =	vld.idx.msk [tilespmem:v18+s29+$0x0], $0xffff;
	_ =	sdelay $0x3  }
0x3df: {  	v17 =	vor.u32 $0x5, v14;
	_ =	sdelay $0x1  }
0x3e0: {  	v16 =	vmul.f32 v16, v15;
	_ =	sdelay $0x1  }
0x3e1: {  	[tilespmem:v18+s14+$0x0] =	vst.idx.msk $0xffff, v16  }
0x3e2: {  	v16 =	vld.idx.msk [tilespmem:v17+s29+$0x0], $0xffff;
	_ =	sdelay $0x3  }
0x3e3: {  	v18 =	vor.u32 $0x6, v14;
	_ =	sdelay $0x1  }
0x3e4: {  	v16 =	vmul.f32 v16, v15;
	_ =	sdelay $0x1  }
0x3e5: {  	[tilespmem:v17+s14+$0x0] =	vst.idx.msk $0xffff, v16  }
0x3e6: {  	v16 =	vld.idx.msk [tilespmem:v18+s29+$0x0], $0xffff;
	_ =	sdelay $0x3  }
0x3e7: {  	v17 =	vor.u32 $0x7, v14;
	_ =	sdelay $0x1  }
0x3e8: {  	v16 =	vmul.f32 v16, v15;
	_ =	sdelay $0x1  }
0x3e9: {  	[tilespmem:v18+s14+$0x0] =	vst.idx.msk $0xffff, v16  }
0x3ea: {  	v16 =	vld.idx.msk [tilespmem:v17+s29+$0x0], $0xffff;
	_ =	sdelay $0x3  }
0x3eb: {  	v18 =	vadd.s32 $0x8, v14;
	_ =	sdelay $0x1  }
0x3ec: {  	v16 =	vmul.f32 v16, v15;
	_ =	sdelay $0x1  }
0x3ed: {  	[tilespmem:v17+s14+$0x0] =	vst.idx.msk $0xffff, v16  }
0x3ee: {  	v16 =	vld.idx.msk [tilespmem:v18+s29+$0x0], $0xffff;
	_ =	sdelay $0x3  }
0x3ef: {  	v17 =	vadd.s32 $0x9, v14;
	_ =	sdelay $0x1  }
0x3f0: {  	v16 =	vmul.f32 v16, v15;
	_ =	sdelay $0x1  }
0x3f1: {  	[tilespmem:v18+s14+$0x0] =	vst.idx.msk $0xffff, v16  }
0x3f2: {  	v16 =	vld.idx.msk [tilespmem:v17+s29+$0x0], $0xffff;
	_ =	sdelay $0x3  }
0x3f3: {  	v18 =	vadd.s32 $0xA, v14;
	_ =	sdelay $0x1  }
0x3f4: {  	v16 =	vmul.f32 v16, v15;
	_ =	sdelay $0x1  }
0x3f5: {  	[tilespmem:v17+s14+$0x0] =	vst.idx.msk $0xffff, v16  }
0x3f6: {  	v16 =	vld.idx.msk [tilespmem:v18+s29+$0x0], $0xffff;
	_ =	sdelay $0x3  }
0x3f7: {  	v17 =	vadd.s32 $0xB, v14;
	_ =	sdelay $0x1  }
0x3f8: {  	v16 =	vmul.f32 v16, v15;
	_ =	sdelay $0x1  }
0x3f9: {  	[tilespmem:v18+s14+$0x0] =	vst.idx.msk $0xffff, v16  }
0x3fa: {  	v16 =	vld.idx.msk [tilespmem:v17+s29+$0x0], $0xffff;
	_ =	sdelay $0x3  }
0x3fb: {  	v18 =	vadd.s32 $0xC, v14;
	_ =	sdelay $0x1  }
0x3fc: {  	v16 =	vmul.f32 v16, v15;
	_ =	sdelay $0x1  }
0x3fd: {  	[tilespmem:v17+s14+$0x0] =	vst.idx.msk $0xffff, v16  }
0x3fe: {  	v16 =	vld.idx.msk [tilespmem:v18+s29+$0x0], $0xffff;
	_ =	sdelay $0x3  }
0x3ff: {  	v17 =	vadd.s32 $0xD, v14;
	_ =	sdelay $0x1  }
0x400: {  	v16 =	vmul.f32 v16, v15;
	_ =	sdelay $0x1  }
0x401: {  	[tilespmem:v18+s14+$0x0] =	vst.idx.msk $0xffff, v16  }
0x402: {  	v16 =	vld.idx.msk [tilespmem:v17+s29+$0x0], $0xffff;
	_ =	sdelay $0x3  }
0x403: {  	v18 =	vadd.s32 $0xE, v14;
	_ =	sdelay $0x1  }
0x404: {  	v16 =	vmul.f32 v16, v15;
	_ =	sdelay $0x1  }
0x405: {  	[tilespmem:v17+s14+$0x0] =	vst.idx.msk $0xffff, v16  }
0x406: {  	v16 =	vld.idx.msk [tilespmem:v18+s29+$0x0], $0xffff;
	_ =	sdelay $0x3  }
0x407: {  	v14 =	vadd.s32 $0xF, v14;
	_ =	sdelay $0x1  }
0x408: {  	v16 =	vmul.f32 v16, v15;
	_ =	sdelay $0x1  }
0x409: {  	[tilespmem:v18+s14+$0x0] =	vst.idx.msk $0xffff, v16  }
0x40a: {  	v16 =	vld.idx.msk [tilespmem:v14+s29+$0x0], $0xffff;
	_ =	sdelay $0x4  }
0x40b: {  	v12 =	vand.u32 v11, v12  }
0x40c: {  	v16 =	vmul.f32 v16, v15;
	_ =	sdelay $0x1  }
0x40d: {  	[tilespmem:v14+s14+$0x0] =	vst.idx.msk $0xffff, v16  }
0x40e: {  	[tilespmem:v13+s14+$0x0] =	vst.idx.msk $0xffff, v15  }
0x40f: {  	v16 =	vld.idx.msk [tilespmem:v12+s31+$0x0], $0xffff;
	_ =	sdelay $0x1  }
0x410: {  	v12 =	vor.u32 s0, v0  }
.Ltmp10:
0x411: {  	v14 =	vmul.u32 $0x18, v12;
	v13 =	vshll.u32 v12, $0x3;
	(pc) =	sbr.rel @p1 .LBB2_18-.Ltmp10, $4  }
0x412: {  	v15 =	vor.u32 $0x1, v13  }
0x413: {  	v13 =	vadd.s32 $0x10, v14  }
0x414: {  	v16 =	vsub.s32 v16, v1  }
0x415: {  	v16 =	vmin.u32 v16, $0xC400  }
0x416: {  	_ =	sdelay $0x2  }
0x417: {  	[tilespmem:s21+$0x0] =	vst v16  }
0x418: {  	v15 =	vld.idx.msk [tilespmem:v15+s30+$0x0], $0xffff  }
0x419: {  	v16 =	vld.idx.msk [tilespmem:v13+s29+$0x0], $0xffff;
	_ =	sdelay $0x4  }
0x41a: {  	v15 =	vadd.f32 v15, v16;
	_ =	sdelay $0x1  }
0x41b: {  	v16 =	vmul.f32 $2.000000030e-01, v15  }
0x41c: {  	vm0 =	vge.f32 v15, $0.0e+00  }
0x41d: {  	v15 =	vsel vm0, v15, v16  }
0x41e: {  	v15 =	vmul.f32 $1.442695020e+00, v15;
	_ =	sdelay $0x1  }
0x41f: {  	(erf) = vpow2.f32 v15;
	_ =	sdelay $0x4  }
0x420: {  	v49 =	vld.idx.msk [tilespmem:v14+s29+$0x0], $0xffff;
	_ =	sdelay $0x2  }
0x421: {  	v50 =	vor.u32 $0x1, v14  }
0x422: {  	v17 =	vpop (erf)  }
0x423: {  	v15 =	vmul.f32 v17, v49;
	_ =	sdelay $0x1  }
0x424: {  	[tilespmem:v14+s14+$0x0] =	vst.idx.msk $0xffff, v15  }
0x425: {  	v15 =	vld.idx.msk [tilespmem:v50+s29+$0x0], $0xffff;
	_ =	sdelay $0x2  }
0x426: {  	v18 =	vor.u32 $0x2, v14;
	_ =	sdelay $0x1  }
0x427: {  	v15 =	vmul.f32 v17, v15;
	_ =	sdelay $0x1  }
0x428: {  	[tilespmem:v50+s14+$0x0] =	vst.idx.msk $0xffff, v15  }
0x429: {  	v15 =	vld.idx.msk [tilespmem:v18+s29+$0x0], $0xffff;
	_ =	sdelay $0x2  }
0x42a: {  	v51 =	vor.u32 $0x3, v14;
	_ =	sdelay $0x1  }
0x42b: {  	v15 =	vmul.f32 v17, v15;
	_ =	sdelay $0x1  }
0x42c: {  	[tilespmem:v18+s14+$0x0] =	vst.idx.msk $0xffff, v15  }
0x42d: {  	v15 =	vld.idx.msk [tilespmem:v51+s29+$0x0], $0xffff;
	_ =	sdelay $0x2  }
0x42e: {  	v52 =	vor.u32 $0x4, v14;
	_ =	sdelay $0x1  }
0x42f: {  	v15 =	vmul.f32 v15, v17;
	_ =	sdelay $0x1  }
0x430: {  	[tilespmem:v51+s14+$0x0] =	vst.idx.msk $0xffff, v15  }
0x431: {  	v15 =	vld.idx.msk [tilespmem:v52+s29+$0x0], $0xffff;
	_ =	sdelay $0x2  }
0x432: {  	v53 =	vor.u32 $0x5, v14;
	_ =	sdelay $0x1  }
0x433: {  	v15 =	vmul.f32 v15, v17;
	_ =	sdelay $0x1  }
0x434: {  	[tilespmem:v52+s14+$0x0] =	vst.idx.msk $0xffff, v15  }
0x435: {  	v15 =	vld.idx.msk [tilespmem:v53+s29+$0x0], $0xffff;
	_ =	sdelay $0x2  }
0x436: {  	v54 =	vor.u32 $0x6, v14;
	_ =	sdelay $0x1  }
0x437: {  	v15 =	vmul.f32 v15, v17;
	_ =	sdelay $0x1  }
0x438: {  	[tilespmem:v53+s14+$0x0] =	vst.idx.msk $0xffff, v15  }
0x439: {  	v15 =	vld.idx.msk [tilespmem:v54+s29+$0x0], $0xffff;
	_ =	sdelay $0x2  }
0x43a: {  	v55 =	vor.u32 $0x7, v14;
	_ =	sdelay $0x1  }
0x43b: {  	v15 =	vmul.f32 v15, v17;
	_ =	sdelay $0x1  }
0x43c: {  	[tilespmem:v54+s14+$0x0] =	vst.idx.msk $0xffff, v15  }
0x43d: {  	v15 =	vld.idx.msk [tilespmem:v55+s29+$0x0], $0xffff;
	_ =	sdelay $0x2  }
0x43e: {  	v56 =	vadd.s32 $0x8, v14;
	_ =	sdelay $0x1  }
0x43f: {  	v15 =	vmul.f32 v15, v17;
	_ =	sdelay $0x1  }
0x440: {  	[tilespmem:v55+s14+$0x0] =	vst.idx.msk $0xffff, v15  }
0x441: {  	v15 =	vld.idx.msk [tilespmem:v56+s29+$0x0], $0xffff;
	_ =	sdelay $0x2  }
0x442: {  	v57 =	vadd.s32 $0x9, v14;
	_ =	sdelay $0x1  }
0x443: {  	v15 =	vmul.f32 v15, v17;
	_ =	sdelay $0x1  }
0x444: {  	[tilespmem:v56+s14+$0x0] =	vst.idx.msk $0xffff, v15  }
0x445: {  	v15 =	vld.idx.msk [tilespmem:v57+s29+$0x0], $0xffff;
	_ =	sdelay $0x2  }
0x446: {  	v58 =	vadd.s32 $0xA, v14;
	_ =	sdelay $0x1  }
0x447: {  	v15 =	vmul.f32 v15, v17;
	_ =	sdelay $0x1  }
0x448: {  	[tilespmem:v57+s14+$0x0] =	vst.idx.msk $0xffff, v15  }
0x449: {  	v15 =	vld.idx.msk [tilespmem:v58+s29+$0x0], $0xffff;
	_ =	sdelay $0x2  }
0x44a: {  	v59 =	vadd.s32 $0xB, v14;
	_ =	sdelay $0x1  }
0x44b: {  	v15 =	vmul.f32 v15, v17;
	_ =	sdelay $0x1  }
0x44c: {  	[tilespmem:v58+s14+$0x0] =	vst.idx.msk $0xffff, v15  }
0x44d: {  	v15 =	vld.idx.msk [tilespmem:v59+s29+$0x0], $0xffff;
	_ =	sdelay $0x2  }
0x44e: {  	v60 =	vadd.s32 $0xC, v14;
	_ =	sdelay $0x1  }
0x44f: {  	v15 =	vmul.f32 v15, v17;
	_ =	sdelay $0x1  }
0x450: {  	[tilespmem:v59+s14+$0x0] =	vst.idx.msk $0xffff, v15  }
0x451: {  	v15 =	vld.idx.msk [tilespmem:v60+s29+$0x0], $0xffff;
	_ =	sdelay $0x2  }
0x452: {  	v61 =	vadd.s32 $0xD, v14;
	_ =	sdelay $0x1  }
0x453: {  	v15 =	vmul.f32 v15, v17;
	_ =	sdelay $0x1  }
0x454: {  	[tilespmem:v60+s14+$0x0] =	vst.idx.msk $0xffff, v15  }
0x455: {  	v15 =	vld.idx.msk [tilespmem:v61+s29+$0x0], $0xffff;
	_ =	sdelay $0x2  }
0x456: {  	v62 =	vadd.s32 $0xE, v14;
	_ =	sdelay $0x1  }
0x457: {  	v15 =	vmul.f32 v15, v17;
	_ =	sdelay $0x1  }
0x458: {  	[tilespmem:v61+s14+$0x0] =	vst.idx.msk $0xffff, v15  }
0x459: {  	v15 =	vld.idx.msk [tilespmem:v62+s29+$0x0], $0xffff;
	_ =	sdelay $0x2  }
0x45a: {  	v63 =	vadd.s32 $0xF, v14;
	_ =	sdelay $0x1  }
0x45b: {  	v15 =	vmul.f32 v15, v17;
	_ =	sdelay $0x1  }
0x45c: {  	[tilespmem:v62+s14+$0x0] =	vst.idx.msk $0xffff, v15  }
0x45d: {  	v15 =	vld.idx.msk [tilespmem:v63+s29+$0x0], $0xffff;
	_ =	sdelay $0x3  }
0x45e: {  	v12 =	vand.u32 v11, v12  }
0x45f: {  	v15 =	vmul.f32 v15, v17;
	_ =	sdelay $0x1  }
0x460: {  	[tilespmem:v63+s14+$0x0] =	vst.idx.msk $0xffff, v15  }
0x461: {  	[tilespmem:v13+s14+$0x0] =	vst.idx.msk $0xffff, v17  }
0x462: {  	v12 =	vld.idx.msk [tilespmem:v12+s31+$0x0], $0xffff;
	_ =	sdelay $0x3  }
.Ltmp11:
0x463: {  	_ = 	snop;
	(pc) =	sbr.rel .LBB2_20-.Ltmp11, $4  }
0x464: {  	v12 =	vsub.s32 v12, v1  }
0x465: {  	s0 =	sadd.s32 $0x10, s21;
	v12 =	vmin.u32 v12, $0xC400  }
0x466: {  	s25 =	simm.s32 $0x580;
	s7 =	simm.s32 $0x6A00;
	[tilespmem:s0+$0x0] =	vst v12  }
0x467: {  	[spmem:s2] =	stream.indirect.scatter.add.f32 [tilespmem:s7], [sflag:$0x6], $0x18, s25, s22, $0xb8;
	[tilespmem:$0x1AE00] =	vst v63  }
.LBB2_21:
0x468: {  	s0 =	simm.s32 @!p0 $0x5  }
0x469: {  	_ =	swait.ge @!p0 [sflag:s0], $0xC00  }
0x46a: {  	[sflag:s0] =	ssyncset.done @!p0 $0x0  }
0x46b: {  	[sflag:s0] =	ssyncadd.s32 @!p0 $0xFFFFF400  }
0x46c: {  	_ =	swait.ge @!p0 [sflag:s0], $0xC00  }
0x46d: {  	[sflag:s0] =	ssyncset.done @!p0 $0x0  }
0x46e: {  	[sflag:s0] =	ssyncadd.s32 @!p0 $0xFFFFF400  }
0x46f: {  	[bflag:$0x0] =	sbarrier.arrive $0xFFFF  }
0x470: {  	[tilespmem:s11], [sflag:$0x7] =	stream.linear.gather [spmem:s10], $0xC00, $0x38;
	[tilespmem:$0x1AE00] =	vst v63  }
0x471: {  	_ =	swait.ge [sflag:s12], $0xC00  }
0x472: {  	[sflag:s12] =	ssyncset.done $0x0  }
0x473: {  	s25 =	sadd.s32 $0x0, s24;
	[sflag:s12] =	ssyncadd.s32 $0xFFFFF400  }
0x474: {  	[hbm4b:s25+s3] =	stream.linear.scatter [tilespmem:s11], [sflag:$0x7], $0xC00, $0x38;
	[tilespmem:$0x1AE00] =	vst v63  }
0x475: {  	_ =	swait.ge [sflag:s12], $0xC00  }
0x476: {  	s9 =	smov.u32 s10;
	s0 =	simm.s32 $0x180;
	[sflag:s12] =	ssyncset.done $0x0  }
.LBB2_22:
0x477: {  	p1 =	sne.s32 s0, $0x2400;
	[sflag:s12] =	ssyncadd.s32 $0xFFFFF400;
	s9 =	sadd.s32 $0xC00, s9  }
0x478: {  	[tilespmem:s11], [sflag:$0x7] =	stream.linear.gather [spmem:s9], $0xC00, $0x38;
	[tilespmem:$0x1AE00] =	vst v63  }
0x479: {  	s7 =	smov.u32 s0;
	s0 =	sadd.s32 $0x180, s0;
	_ =	swait.ge [sflag:s12], $0xC00  }
.Ltmp12:
0x47a: {  	[sflag:s12] =	ssyncset.done $0x0;
	(pc) =	sbr.rel @p1 .LBB2_22-.Ltmp12, $4  }
0x47b: {  	s7 =	sadd.s32 s7, s24;
	[sflag:s12] =	ssyncadd.s32 $0xFFFFF400  }
0x47c: {  	[hbm4b:s7+s3] =	stream.linear.scatter [tilespmem:s11], [sflag:$0x7], $0xC00, $0x38;
	[tilespmem:$0x1AE00] =	vst v63  }
0x47d: {  	_ =	swait.ge [sflag:s12], $0xC00  }
0x47e: {  	[sflag:s12] =	ssyncset.done $0x0  }
0x47f: {  	s7 =	rddreg [dreg:$0x6]  }
0x480: {  	s0 =	rddreg [dreg:$0x5];
	s7 =	sadd.s32 $0x1, s7  }
0x481: {  	p1 =	sne.s32 s7, s0  }
.Ltmp13:
0x482: {  	_ = 	snop;
	(pc) =	sbr.rel @p1 .LBB2_1-.Ltmp13, $2  }
0x483: {  	_ =	sdelay $0x2  }
0x484: {  	[sflag:s12] =	ssyncadd.s32 $0xFFFFF400  }
0x485: {  	_ =	sfence.sel $0x180000  }
0x486: {  	[bflag:$0x0] =	sbarrier.arrive $0xFFFF  }
0x487: {  	_ =	strace $0x9000004A  }
0x488: {  	[bflag:$0x2] =	sbarrier.arrive $0xFFFF  }
0x489: {  	p0 =	sne.s32 s4, $0x0;
	s0 =	rddreg [dreg:$0x3]  }
0x48a: {  	s0 =	sadd.s32 @!p0 $0x100000, s0  }
0x48b: {  	[sflag:s0] =	ssyncadd.tile.s32 @!p0 $0x1;
	_ =	shalt  }
.Lfunc_end2:
_tile_overlayer_lowered:
.L_overlay_start_2:
0x48c: {  	(tag) =	ssettag $0x2  }
0x48d: {  	s0 =	rddreg [dreg:$0x0];
	s2 =	stileid.u32  }
0x48e: {  	s1 =	rddreg [dreg:$0x1];
	p0 =	sne.s32 s2, $0x0  }
0x48f: {  	s3 =	rddreg [dreg:$0x2];
	[bflag:$0x3] =	sbarrier.arrive $0xFFFF;
	s2 =	simm.s32 @!p0 $0x1C07  }
0x490: {  	[timem:s3], [sflag:s2] =	dma.local @!p0 [hbm:s0], s1  }
0x491: {  	s0 =	simm.s32 @!p0 $0x7  }
0x492: {  	_ =	swait.ge @!p0 [sflag:s0], s1  }
0x493: {  	s1 =	ssub.s32 @!p0 $0x0, s1;
	[sflag:s0] =	ssyncset.done @!p0 $0x0  }
0x494: {  	[sflag:s0] =	ssyncadd.s32 @!p0 s1  }
0x495: {  	[bflag:$0x3] =	sbarrier.arrive $0xFFFF  }
0x496: {  	_ =	shalt  }

// kernel: kernel.7.cloned.1.call-start
scs
__scs_entry_jumppad:
0x0: {  	(pc) =	sbr.rel $0x88, $3  }
0x1: {  	(tag) =	ssettag $0x0;
	lr =	simm.s32 $0x1  }
0x2: {  	[smem:$0x3F97] =	sst lr;
	_ =	strace $0xD0000000  }
0x3: {  	_ = 	snop  }
0x4: {  	_ = 	snop  }
0x5: {  	_ = 	snop  }
0x6: {  	_ = 	snop  }
0x7: {  	_ = 	snop  }
__scs_overlays_trampoline_lowered:
0x8: {  	[smem:$0x3FA6] =	sst s0  }
0x9: {  	[smem:$0x3FA7] =	sst s1  }
0xa: {  	[smem:$0x3FA8] =	sst s2  }
0xb: {  	[smem:$0x3FA9] =	sst s3  }
0xc: {  	[smem:$0x3FAA] =	sst s4  }
0xd: {  	[smem:$0x3FAB] =	sst s5  }
0xe: {  	[smem:$0x3FAC] =	sst s6  }
0xf: {  	[smem:$0x3FAD] =	sst s7  }
0x10: {  	[smem:$0x3FAE] =	sst s8  }
0x11: {  	[smem:$0x3FAF] =	sst s9;
	s0 =	simm.s32 @!p0 $0x0  }
0x12: {  	s1 =	sld [smem:$0x3F95];
	s0 =	simm.s32 @p0 $0x1  }
0x13: {  	[smem:$0x3FB0] =	sst s0;
	s0 =	simm.s32 @!p1 $0x0  }
0x14: {  	s2 =	sld [smem:$0x3F94];
	s0 =	simm.s32 @p1 $0x1  }
0x15: {  	[smem:$0x3FB1] =	sst s0;
	s0 =	simm.s32 @!p2 $0x0  }
0x16: {  	s3 =	sld [smem:$0x3FDB];
	s0 =	simm.s32 @p2 $0x1  }
0x17: {  	s4 =	simm.s32 $0x1BF5;
	[smem:$0x3FB3] =	sst s0  }
0x18: {  	s0 =	sld [smem:$0x3F96];
	_ =	swait.ge [sflag:s4], $0x0  }
0x19: {  	s7 =	sld [smem:$0x3F97]  }
0x1a: {  	s8 =	sadd.s32 $0xFFFFE003, lr  }
0x1b: {  	s9 =	sadd.s32 $0xFFFFFEF7, lr;
	s5 =	simm.s32 $0xFFFFFFFF;
	p2 =	slt.u32 s8, $0xFFFFF086  }
0x1c: {  	p1 =	slt.u32 s9, $0xF7A;
	s5 =	simm.s32 @!p2 $0x0  }
0x1d: {  	s5 =	simm.s32 @p1 $0x1;
	p0 =	seq.s32 s7, s2  }
0x1e: {  	s7 =	smul.u32 @!p0 $0xF7A, s2;
	p2 =	seq.s32 @!p0 s5, $0x0  }
0x1f: {  	s9 =	smul.u32 $0xF7A, s1;
	s8 =	simm.s32 @!p0 $0x1BF5;
	p2 =	por !p2, p0  }
0x20: {  	[sflag:s8] =	ssyncset.s32 @!p0 $0xFFFFF086;
	s6 =	sadd.s32 @!p0 s3, s7;
	s7 =	simm.s32 @!p0 $0x108  }
0x21: {  	s3 =	sadd.s32 s3, s9;
	s6 =	sadd.s32 @!p0 $0x88, s6;
	s7 =	simm.s32 @p2 $0x1082  }
0x22: {  	[simem:s7], [sflag:s8] =	dma.local @!p0 [hbm:s6], $0xF7A  }
0x23: {  	s9 =	sor.u32 $0xD0000000, s2;
	s6 =	simm.s32 $0x108;
	_ =	swait.ge @!p0 [sflag:s8], $0x0  }
0x24: {  	s3 =	sadd.s32 $0x88, s3;
	s6 =	simm.s32 @!p1 $0x1082;
	[sflag:s4] =	ssyncset.s32 $0xFFFFF086  }
0x25: {  	[simem:s6], [sflag:s4] =	dma.local [hbm:s3], $0xF7A  }
0x26: {  	[smem:$0x3F97] =	sst s1;
	(tag) =	ssettag s2;
	_ =	strace s9  }
0x27: {  	s1 =	sld [smem:$0x3FA7]  }
0x28: {  	s2 =	sld [smem:$0x3FA8]  }
0x29: {  	s4 =	sld [smem:$0x3FAA]  }
0x2a: {  	p0 =	seq.s32 s5, $0x0;
	s5 =	sld [smem:$0x3FAB]  }
0x2b: {  	s6 =	sld [smem:$0x3FAC]  }
0x2c: {  	s7 =	sld [smem:$0x3FAD]  }
0x2d: {  	s3 =	simm.s32 $0x108;
	s8 =	sld [smem:$0x3FAE]  }
0x2e: {  	s3 =	simm.s32 @!p0 $0x1082;
	s9 =	sld [smem:$0x3FAF]  }
0x2f: {  	lr =	sadd.s32 s0, s3;
	s0 =	sld [smem:$0x3FA6]  }
0x30: {  	s3 =	sld [smem:$0x3FA9]  }
0x31: {  	[smem:$0x3FB2] =	sst s10  }
0x32: {  	s10 =	sld [smem:$0x3FB0];
	_ =	sdelay $0x3  }
0x33: {  	p0 =	seq.s32 s10, $0x1;
	s10 =	sld [smem:$0x3FB2];
	_ =	sdelay $0x3  }
0x34: {  	[smem:$0x3FB2] =	sst s10  }
0x35: {  	s10 =	sld [smem:$0x3FB1];
	_ =	sdelay $0x3  }
0x36: {  	p1 =	seq.s32 s10, $0x1;
	s10 =	sld [smem:$0x3FB2];
	_ =	sdelay $0x3  }
0x37: {  	[smem:$0x3FB2] =	sst s10  }
0x38: {  	s10 =	sld [smem:$0x3FB3]  }
0x39: {  	_ = 	snop;
	(pc) =	sbr.ind lr, $3  }
0x3a: {  	_ = 	snop  }
0x3b: {  	_ = 	snop  }
0x3c: {  	p2 =	seq.s32 s10, $0x1;
	s10 =	sld [smem:$0x3FB2]  }
0x3d: {  	_ =	shalt  }
0x3e: {  	_ =	shalt  }
0x3f: {  	_ =	shalt  }
0x40: {  	_ =	shalt  }
0x41: {  	_ =	shalt  }
0x42: {  	_ =	shalt  }
0x43: {  	_ =	shalt  }
0x44: {  	_ =	shalt  }
0x45: {  	_ =	shalt  }
0x46: {  	_ =	shalt  }
0x47: {  	_ =	shalt  }
0x48: {  	_ =	shalt  }
0x49: {  	_ =	shalt  }
0x4a: {  	_ =	shalt  }
0x4b: {  	_ =	shalt  }
0x4c: {  	_ =	shalt  }
0x4d: {  	_ =	shalt  }
0x4e: {  	_ =	shalt  }
0x4f: {  	_ =	shalt  }
0x50: {  	_ =	shalt  }
0x51: {  	_ =	shalt  }
0x52: {  	_ =	shalt  }
0x53: {  	_ =	shalt  }
0x54: {  	_ =	shalt  }
0x55: {  	_ =	shalt  }
0x56: {  	_ =	shalt  }
0x57: {  	_ =	shalt  }
0x58: {  	_ =	shalt  }
0x59: {  	_ =	shalt  }
0x5a: {  	_ =	shalt  }
0x5b: {  	_ =	shalt  }
0x5c: {  	_ =	shalt  }
0x5d: {  	_ =	shalt  }
0x5e: {  	_ =	shalt  }
0x5f: {  	_ =	shalt  }
0x60: {  	_ =	shalt  }
0x61: {  	_ =	shalt  }
0x62: {  	_ =	shalt  }
0x63: {  	_ =	shalt  }
0x64: {  	_ =	shalt  }
0x65: {  	_ =	shalt  }
0x66: {  	_ =	shalt  }
0x67: {  	_ =	shalt  }
0x68: {  	_ =	shalt  }
0x69: {  	_ =	shalt  }
0x6a: {  	_ =	shalt  }
0x6b: {  	_ =	shalt  }
0x6c: {  	_ =	shalt  }
0x6d: {  	_ =	shalt  }
0x6e: {  	_ =	shalt  }
0x6f: {  	_ =	shalt  }
0x70: {  	_ =	shalt  }
0x71: {  	_ =	shalt  }
0x72: {  	_ =	shalt  }
0x73: {  	_ =	shalt  }
0x74: {  	_ =	shalt  }
0x75: {  	_ =	shalt  }
0x76: {  	_ =	shalt  }
0x77: {  	_ =	shalt  }
0x78: {  	_ =	shalt  }
0x79: {  	_ =	shalt  }
0x7a: {  	_ =	shalt  }
0x7b: {  	_ =	shalt  }
0x7c: {  	_ =	shalt  }
0x7d: {  	_ =	shalt  }
0x7e: {  	_ =	shalt  }
0x7f: {  	_ =	shalt  }
0x80: {  	_ =	shalt  }
0x81: {  	_ =	shalt  }
0x82: {  	_ =	shalt  }
0x83: {  	_ =	shalt  }
0x84: {  	_ =	shalt  }
0x85: {  	_ =	shalt  }
0x86: {  	_ =	shalt  }
0x87: {  	_ =	shalt  }
.Lfunc_end0:
.L_simem_size_0:
called_computation_lowered:
.L_overlay_start_0:
0x88: {  	s2 =	sld [smem:$0x3FD9]  }
0x89: {  	s3 =	sld [smem:$0x3FFE];
	_ =	sdelay $0x1  }
0x8a: {  	s1 =	srdreg.scid  }
0x8b: {  	s0 =	sand.u32 $0x1, s1  }
0x8c: {  	s17 =	sshll.u32 s0, $0xA;
	s2 =	sadd.s32 s3, s2  }
0x8d: {  	s2 =	sadd.s32 s2, s17  }
0x8e: {  	[smem:$0x3FBE] =	sst s2  }
0x8f: {  	_ = 	snop  }
0x90: {  	s2 =	sld [smem:$0x3FD0];
	(tm) =	ssettm $0x1  }
0x91: {  	s18 =	sld [smem:$0x3FFB];
	_ =	sdelay $0x3  }
0x92: {  	_ =	strace s18  }
0x93: {  	s3 =	sld [smem:$0x3FFC];
	_ =	sdelay $0x3  }
0x94: {  	_ =	strace s3  }
0x95: {  	s3 =	sld [smem:$0x3FFD];
	_ =	sdelay $0x3  }
0x96: {  	_ =	strace s3  }
0x97: {  	_ =	strace $0x8FFFFFFF  }
0x98: {  	s19 =	sld [smem:$0x3FDB];
	_ =	sdelay $0x1  }
0x99: {  	s4 =	simm.s32 $_scs_section_size  }
0x9a: {  	s5 =	simm.s32 $_size__tile_overlayer_lowered;
	s6 =	simm.s32 $_tile_overlayer_lowered  }
0x9b: {  	s22 =	simm.s32 $0x1BFF;
	s21 =	sshll.u32 s6, $0x1;
	s3 =	sadd.s32 s4, s19  }
0x9c: {  	s7 =	simm.s32 $0x0;
	s20 =	sshll.u32 s5, $0x1;
	s5 =	sadd.s32 s21, s3  }
0x9d: {  	[timem:s7], [sflag:s22] =	dma.local [hbm:s5], s20  }
0x9e: {  	_ =	swait.ge [sflag:s22], s20  }
0x9f: {  	s4 =	ssub.s32 $0x0, s20;
	[sflag:s22] =	ssyncset.done $0x0  }
0xa0: {  	[sflag:s22] =	ssyncadd.s32 s4;
	_ =	sdelay $0x1  }
0xa1: {  	s23 =	simm.s32 $0x1B8B  }
0xa2: {  	_ =	swait.ge [sflag:s23], $0x1  }
0xa3: {  	[sflag:s23] =	ssyncset.done $0x0  }
0xa4: {  	s25 =	simm.s32 $0x1B8E;
	s24 =	sld [smem:$0x3FFE];
	[sflag:s23] =	ssyncadd.s32 $0xFFFFFFFF  }
0xa5: {  	s26 =	simm.s32 $execute0_lowered;
	[smem:$0x3FD2] =	sst s25  }
0xa6: {  	s5 =	sshll.u32 s26, $0x1;
	_ =	strace $0x80000046;
	[dreg:$0x1] =	wrdreg $0xFFFFFFFF  }
0xa7: {  	s28 =	simm.s32 $_size_execute0_lowered;
	s3 =	sadd.s32 s3, s5;
	[dreg:$0x0] =	wrdreg $0x0  }
0xa8: {  	s5 =	sshll.u32 s28, $0x1;
	[dreg:$0x2] =	wrdreg s3  }
0xa9: {  	[dreg:$0x3] =	wrdreg s5  }
0xaa: {  	[dreg:$0x4] =	wrdreg $0xC0  }
0xab: {  	_ =	task [dreg:s7], $0x5FFFF  }
0xac: {  	[dreg:$0x1] =	wrdreg $0xFFFFFFFF  }
0xad: {  	[dreg:$0x0] =	wrdreg $0x60  }
0xae: {  	[dreg:$0x2] =	wrdreg s24  }
0xaf: {  	[dreg:$0x3] =	wrdreg s2  }
0xb0: {  	[dreg:$0x4] =	wrdreg $0x4E000  }
0xb1: {  	[dreg:$0x5] =	wrdreg $0x9  }
0xb2: {  	_ =	task.clear_ibuf [dreg:s7], $0x6FFFF;
	_ =	strace $0x90000046  }
0xb3: {  	s29 =	simm.s32 $0x9;
	_ =	strace $0x80000048  }
0xb4: {  	_ =	swait.ge [sflag:s29], $0x1  }
0xb5: {  	[sflag:s29] =	ssyncadd.s32 $0xFFFFFFFF  }
0xb6: {  	_ =	strace $0x90000048  }
0xb7: {  	_ =	sfence  }
0xb8: {  	s30 =	sld [smem:$0x0];
	_ =	sdelay $0x2  }
0xb9: {  	s31 =	sshll.u32 s1, $0xD;
	s1 =	sshrl.u32 s1, $0x2  }
0xba: {  	s3 =	sand.u32 $0x4000, s31;
	s1 =	sadd.s32 s1, s30  }
0xbb: {  	s0 =	sor.u32 s3, s0;
	s1 =	sshll.u32 s1, $0x11  }
0xbc: {  	s0 =	sor.u32 s1, s0  }
0xbd: {  	s0 =	sadd.s32 $0x8F2B, s0  }
0xbe: {  	[sflag:s0] =	ssyncadd.remote.s32 $0x1  }
0xbf: {  	_ =	sfence.sel $0xFFFF  }
0xc0: {  	[dreg:$0x0] =	wrdreg $0xFFFFFFFF;
	(pc) =	sbr.abs _section_cstart, $3  }
0xc1: {  	[dreg:$0x1] =	wrdreg $0xFFFFFFFF  }
0xc2: {  	_ =	task.clear_ibuf [dreg:s7], $0x2FFFF;
	_ =	strace $0x9FFFFFFF  }
0xc3: {  	(tm) =	ssettm $0x7FFFFFFF  }
tec
execute0_lowered:
.L_overlay_start_1:
0x0: {  	(tag) =	ssettag $0x1  }
0x1: {  	s0 =	rddreg [dreg:$0x0]  }
0x2: {  	s1 =	rddreg [dreg:$0x1]  }
0x3: {  	s2 =	rddreg [dreg:$0x2]  }
0x4: {  	s3 =	simm.s32 $0x0;
	s4 =	srdreg.scid;
	s10 =	stileid.u32  }
0x5: {  	s12 =	simm.s32 $0x4600;
	s13 =	simm.s32 $0x7;
	s14 =	simm.s32 $0x2600  }
0x6: {  	s15 =	simm.s32 $0x3600;
	s16 =	simm.s32 $0x100;
	s18 =	simm.s32 $0x600  }
0x7: {  	s19 =	simm.s32 $0x1600;
	s20 =	simm.s32 $0x1;
	s21 =	simm.s32 $0x3  }
0x8: {  	s28 =	simm.s32 $0x2;
	s29 =	simm.s32 $0x4;
	s30 =	simm.s32 $0xE00  }
0x9: {  	s31 =	simm.s32 $0x1E00;
	[smem:$0x7FF] =	sst s3;
	s9 =	smul.u32 $0x62000, s10  }
0xa: {  	s5 =	sadd.s32 $0x1400, s0;
	s4 =	sand.u32 $0x1, s4;
	s26 =	smul.u32 $0x3100, s10  }
0xb: {  	s6 =	sadd.s32 $0x63000, s0;
	s7 =	smul.u32 $0x31000, s4;
	s8 =	ssub.s32 $0x2, s4  }
0xc: {  	_ =	strace $0x80000047;
	s4 =	sshll.u32 s4, $0x4;
	s23 =	sshrl.u32 s8, $0x1  }
0xd: {  	s4 =	sor.u32 s10, s4;
	s24 =	sshrl.u32 s9, $0x2;
	s0 =	sadd.s32 s7, s0  }
0xe: {  	s8 =	ssub.s32 s8, s23;
	s25 =	sshll.u32 s4, $0x5;
	s7 =	sadd.s32 s24, s2  }
0xf: {  	s11 =	sor.u32 $0x20, s4;
	p0 =	sgt.u32 s4, $0x9;
	s9 =	sadd.s32 s5, s25  }
0x10: {  	s23 =	simm.s32 $0x80;
	s8 =	smax.u32 s8, $0x1;
	[dreg:$0x4] =	wrdreg s9  }
0x11: {  	v0 =	vlaneseq.u32;
	s0 =	sadd.s32 $0x7B800, s0;
	s9 =	sor.u32 $0x40, s4;
	[dreg:$0x5] =	wrdreg s8  }
0x12: {  	v1 =	vimm.f32 $0.0e+00;
	v2 =	vmul.u32 $0x10, v0;
	v3 =	vor.u32 $0xFFFFFFF8, v0;
	s24 =	sadd.s32 s0, s26;
	s0 =	simm.s32 $0x300;
	s8 =	simm.s32 $0x0  }
.LBB2_1:
0x13: {  	[dreg:$0x6] =	wrdreg s8;
	s4 =	simm.s32 $0x40;
	s8 =	simm.s32 $0x0  }
.LBB2_2:
0x14: {  	p1 =	sne.s32 s4, $0x1FC0;
	[tilespmem:s8+$0x4600] =	vst v1;
	s8 =	smov.u32 s4;
	s4 =	sadd.s32 $0x40, s4  }
.Ltmp0:
0x15: {  	(pc) =	sbr.rel @p1 .LBB2_2-.Ltmp0, $2  }
0x16: {  	_ =	sdelay $0x2  }
0x17: {  	s8 =	sshra.s32 s8, $0x2  }
0x18: {  	[tilespmem:s8+$0x4600] =	vst v1;
	s4 =	sadd.s32 $0x0, s7  }
0x19: {  	[spmem:s4] =	stream.linear.scatter [tilespmem:s12], [sflag:$0x7], $0x800, $0x38;
	[tilespmem:$0x1D600] =	vst v63  }
0x1a: {  	s8 =	simm.s32 $0x2000;
	s4 =	simm.s32 $0x0;
	_ =	swait.ge [sflag:s13], $0x800  }
.LBB2_4:
0x1b: {  	s10 =	sshra.s32 s8, $0x2;
	[sflag:s13] =	ssyncset.done $0x0;
	p1 =	sne.s32 s8, $0x60000  }
.Ltmp1:
0x1c: {  	s10 =	sadd.s32 s10, s7;
	[sflag:s13] =	ssyncadd.s32 $0xFFFFF800;
	(pc) =	sbr.rel @p1 .LBB2_4-.Ltmp1, $3  }
0x1d: {  	[spmem:s10] =	stream.linear.scatter [tilespmem:s12], [sflag:$0x7], $0x800, $0x38;
	[tilespmem:$0x1D600] =	vst v63  }
0x1e: {  	s8 =	sadd.s32 $0x2000, s8;
	_ =	sdelay $0x1  }
0x1f: {  	_ =	swait.ge [sflag:s13], $0x800  }
0x20: {  	v4 =	vmov s4  }
0x21: {  	v4 =	vshll.u32 v4, $0x4  }
0x22: {  	v4 =	vor.u32 v2, v4  }
0x23: {  	v5 =	vor.u32 $0xC, v4;
	_ =	sdelay $0x1  }
0x24: {  	v7 =	vor.u32 $0xD, v4  }
0x25: {  	[sflag:s13] =	ssyncset.done $0x0  }
0x26: {  	[sflag:s13] =	ssyncadd.s32 $0xFFFFF800;
	v8 =	vor.u32 $0xE, v4  }
0x27: {  	[tilespmem:v5+s14+$0x0] =	vst.idx.msk $0xffff, v1  }
0x28: {  	s26 =	simm.s32 $0x10;
	[tilespmem:v5+s15+$0x0] =	vst.idx.msk $0xffff, v1  }
0x29: {  	v6 =	vor.u32 $0xF, v4;
	v4 =	vmov s26;
	[tilespmem:v7+s14+$0x0] =	vst.idx.msk $0xffff, v1  }
0x2a: {  	v4 =	vshll.u32 v4, $0x4;
	[tilespmem:v7+s15+$0x0] =	vst.idx.msk $0xffff, v1  }
0x2b: {  	v5 =	vor.u32 v2, v4;
	[tilespmem:v8+s14+$0x0] =	vst.idx.msk $0xffff, v1  }
0x2c: {  	[tilespmem:v8+s15+$0x0] =	vst.idx.msk $0xffff, v1;
	v8 =	vor.u32 $0xC, v5;
	_ =	sdelay $0x1  }
0x2d: {  	v7 =	vor.u32 $0xD, v5  }
0x2e: {  	s4 =	simm.s32 $0x20;
	v4 =	vor.u32 $0xE, v5;
	[tilespmem:v6+s14+$0x0] =	vst.idx.msk $0xffff, v1  }
.LBB2_6:
0x2f: {  	p1 =	sne.s32 s4, $0xF0;
	[tilespmem:v6+s15+$0x0] =	vst.idx.msk $0xffff, v1;
	s8 =	smov.u32 s4;
	s4 =	sadd.s32 $0x10, s4  }
0x30: {  	v6 =	vmov s8;
	[tilespmem:v8+s14+$0x0] =	vst.idx.msk $0xffff, v1  }
0x31: {  	v9 =	vshll.u32 v6, $0x4;
	[tilespmem:v8+s15+$0x0] =	vst.idx.msk $0xffff, v1;
	v6 =	vor.u32 $0xF, v5  }
.Ltmp2:
0x32: {  	v5 =	vor.u32 v2, v9;
	[tilespmem:v7+s14+$0x0] =	vst.idx.msk $0xffff, v1;
	(pc) =	sbr.rel @p1 .LBB2_6-.Ltmp2, $4  }
0x33: {  	v8 =	vor.u32 $0xC, v5;
	v9 =	vor.u32 $0xE, v5;
	[tilespmem:v7+s15+$0x0] =	vst.idx.msk $0xffff, v1  }
0x34: {  	[tilespmem:v4+s14+$0x0] =	vst.idx.msk $0xffff, v1  }
0x35: {  	v7 =	vor.u32 $0xD, v5;
	[tilespmem:v4+s15+$0x0] =	vst.idx.msk $0xffff, v1;
	v4 =	vmov v9  }
0x36: {  	[tilespmem:v6+s14+$0x0] =	vst.idx.msk $0xffff, v1  }
0x37: {  	_ =	sdelay $0x3  }
0x38: {  	[tilespmem:v6+s15+$0x0] =	vst.idx.msk $0xffff, v1  }
0x39: {  	[tilespmem:v8+s14+$0x0] =	vst.idx.msk $0xffff, v1  }
0x3a: {  	v5 =	vor.u32 $0xF, v5;
	[tilespmem:v8+s15+$0x0] =	vst.idx.msk $0xffff, v1  }
0x3b: {  	[tilespmem:v7+s14+$0x0] =	vst.idx.msk $0xffff, v1  }
0x3c: {  	[tilespmem:v7+s15+$0x0] =	vst.idx.msk $0xffff, v1  }
0x3d: {  	[tilespmem:v4+s14+$0x0] =	vst.idx.msk $0xffff, v1  }
0x3e: {  	[tilespmem:v4+s15+$0x0] =	vst.idx.msk $0xffff, v1  }
0x3f: {  	[tilespmem:v5+s14+$0x0] =	vst.idx.msk $0xffff, v1  }
0x40: {  	[tilespmem:v5+s15+$0x0] =	vst.idx.msk $0xffff, v1  }
0x41: {  	[bflag:$0x0] =	sbarrier.arrive $0xFFFF  }
0x42: {  	s10 =	simm.s32 $0x0;
	s8 =	simm.s32 $0x186A00;
	s4 =	rddreg [dreg:$0x4]  }
0x43: {  	[tilespmem:s10], [sflag:$0x7] =	stream.strided.gather [hbm4b:s4+s16], $0x200, s8, s16, $0x38;
	[tilespmem:$0x1D600] =	vst v63  }
0x44: {  	_ =	swait.ge [sflag:s13], $0x200  }
.Ltmp3:
0x45: {  	[sflag:s13] =	ssyncset.done $0x0;
	(pc) =	sbr.rel .LBB2_8-.Ltmp3, $4  }
0x46: {  	[sflag:s13] =	ssyncadd.s32 $0xFFFFFE00  }
0x47: {  	[tilespmem:s18], [sflag:$0x1] =	stream.indirect.gather [hbm4b:s1+s16], $0x8, s10, s16, $0xb8;
	[tilespmem:$0x1D600] =	vst v63  }
0x48: {  	s4 =	simm.s32 $0x0  }
0x49: {  	[tilespmem:s19], [sflag:$0x3] =	stream.indirect.gather [hbm4b:s6+s16], $0x8, s16, s16, $0xb8;
	[tilespmem:$0x1D600] =	vst v63  }
.LBB2_18:
0x4a: {  	s4 =	sadd.s32 $0x1, s4  }
0x4b: {  	p1 =	sne.s32 s4, $0x62  }
.Ltmp4:
0x4c: {  	_ = 	snop;
	(pc) =	sbr.rel @!p1 .LBB2_19-.Ltmp4, $1  }
0x4d: {  	_ =	sdelay $0x3  }
.LBB2_8:
0x4e: {  	s17 =	sshll.u32 s4, $0x6  }
0x4f: {  	s8 =	sor.u32 s11, s17  }
0x50: {  	p1 =	sgt.u32 s8, $0x1869  }
0x51: {  	s8 =	sshll.u32 @!p1 s8, $0x5;
	s22 =	simm.s32 @!p1 $0x100  }
0x52: {  	s25 =	simm.s32 @!p1 $0x186A00;
	s26 =	simm.s32 @!p1 $0x200;
	s8 =	sadd.s32 @!p1 s5, s8  }
0x53: {  	[tilespmem:s26], [sflag:$0x7] =	stream.strided.gather @!p1 [hbm4b:s8+s22], $0x200, s25, s22, $0x38;
	[tilespmem:$0x1D600] =	vst v63  }
0x54: {  	s8 =	simm.s32 @!p1 $0x7  }
0x55: {  	_ =	swait.ge @!p1 [sflag:s8], $0x200  }
0x56: {  	[sflag:s8] =	ssyncset.done @!p1 $0x0  }
0x57: {  	[sflag:s8] =	ssyncadd.s32 @!p1 $0xFFFFFE00;
	s8 =	simm.s32 @!p1 $0xE00  }
0x58: {  	[tilespmem:s8], [sflag:$0x2] =	stream.indirect.gather @!p1 [hbm4b:s1+s22], $0x8, s26, s22, $0xb8;
	[tilespmem:$0x1D600] =	vst v63  }
0x59: {  	p2 =	seq.s32 s4, $0x0;
	s25 =	simm.s32 @!p1 $0x1E00;
	s8 =	simm.s32 @!p1 $0x300  }
0x5a: {  	[tilespmem:s25], [sflag:$0x4] =	stream.indirect.gather @!p1 [hbm4b:s6+s22], $0x8, s8, s22, $0xb8;
	[tilespmem:$0x1D600] =	vst v63  }
0x5b: {  	s8 =	simm.s32 @!p2 $0x5  }
0x5c: {  	_ =	swait.ge @!p2 [sflag:s8], $0x800  }
0x5d: {  	[sflag:s8] =	ssyncset.done @!p2 $0x0  }
0x5e: {  	[sflag:s8] =	ssyncadd.s32 @!p2 $0xFFFFF800  }
0x5f: {  	_ =	swait.ge @!p2 [sflag:s8], $0x800  }
0x60: {  	[sflag:s8] =	ssyncset.done @!p2 $0x0  }
0x61: {  	[sflag:s8] =	ssyncadd.s32 @!p2 $0xFFFFF800  }
0x62: {  	v4 =	vor.u32 s10, v0;
	_ =	swait.ge [sflag:s20], $0x800  }
0x63: {  	v5 =	vshll.u32 v4, $0x3;
	[sflag:s20] =	ssyncset.done $0x0  }
0x64: {  	v6 =	vor.u32 $0x5, v5;
	[sflag:s20] =	ssyncadd.s32 $0xFFFFF800  }
0x65: {  	v7 =	vor.u32 $0x1, v5;
	_ =	swait.ge [sflag:s21], $0x800  }
0x66: {  	v8 =	vor.u32 $0x6, v5;
	[sflag:s21] =	ssyncset.done $0x0  }
0x67: {  	[sflag:s21] =	ssyncadd.s32 $0xFFFFF800  }
0x68: {  	v9 =	vld.idx.msk [tilespmem:v5+s19+$0x0], $0xffff  }
0x69: {  	v6 =	vld.idx.msk [tilespmem:v6+s18+$0x0], $0xffff  }
0x6a: {  	v10 =	vld.idx.msk [tilespmem:v7+s19+$0x0], $0xffff  }
0x6b: {  	v8 =	vld.idx.msk [tilespmem:v8+s18+$0x0], $0xffff;
	_ =	sdelay $0x3  }
0x6c: {  	v6 =	vadd.f32 v9, v6  }
0x6d: {  	v8 =	vadd.f32 v10, v8  }
0x6e: {  	v9 =	vmul.f32 $2.000000030e-01, v6  }
0x6f: {  	vm0 =	vge.f32 v6, $0.0e+00;
	v10 =	vmul.f32 $2.000000030e-01, v8  }
0x70: {  	vm15 =	vge.f32 v8, $0.0e+00;
	v6 =	vsel vm0, v6, v9  }
0x71: {  	v8 =	vsel vm15, v8, v10;
	v6 =	vmul.f32 $1.442695020e+00, v6  }
0x72: {  	v8 =	vmul.f32 $1.442695020e+00, v8  }
0x73: {  	(erf) = vpow2.f32 v6  }
0x74: {  	(erf) = vpow2.f32 v8;
	_ =	sdelay $0x3  }
0x75: {  	v6 =	vld.idx.msk [tilespmem:v5+s18+$0x0], $0xffff;
	_ =	sdelay $0x1  }
0x76: {  	v8 =	vshll.u32 v4, $0x4  }
0x77: {  	v9 =	vor.u32 $0x5, v8  }
0x78: {  	v10 =	vpop (erf)  }
0x79: {  	v11 =	vmul.f32 v10, v6;
	v12 =	vpop (erf)  }
0x7a: {  	v6 =	vmul.f32 v12, v6  }
0x7b: {  	[tilespmem:v8+s14+$0x0] =	vst.idx.msk $0xffff, v11  }
0x7c: {  	[tilespmem:v9+s14+$0x0] =	vst.idx.msk $0xffff, v6  }
0x7d: {  	v6 =	vld.idx.msk [tilespmem:v7+s18+$0x0], $0xffff;
	_ =	sdelay $0x1  }
0x7e: {  	v7 =	vor.u32 $0x1, v8  }
0x7f: {  	v9 =	vor.u32 $0x6, v8  }
0x80: {  	v11 =	vor.u32 $0x2, v5  }
0x81: {  	v13 =	vmul.f32 v10, v6  }
0x82: {  	v6 =	vmul.f32 v12, v6  }
0x83: {  	[tilespmem:v7+s14+$0x0] =	vst.idx.msk $0xffff, v13  }
0x84: {  	[tilespmem:v9+s14+$0x0] =	vst.idx.msk $0xffff, v6  }
0x85: {  	v6 =	vld.idx.msk [tilespmem:v11+s18+$0x0], $0xffff;
	_ =	sdelay $0x1  }
0x86: {  	v7 =	vor.u32 $0x2, v8  }
0x87: {  	v9 =	vor.u32 $0x7, v8  }
0x88: {  	v11 =	vor.u32 $0x3, v5  }
0x89: {  	v62 =	vmul.f32 v6, v10  }
0x8a: {  	v6 =	vmul.f32 v6, v12  }
0x8b: {  	[tilespmem:v7+s14+$0x0] =	vst.idx.msk $0xffff, v62  }
0x8c: {  	[tilespmem:v9+s14+$0x0] =	vst.idx.msk $0xffff, v6  }
0x8d: {  	v6 =	vld.idx.msk [tilespmem:v11+s18+$0x0], $0xffff;
	_ =	sdelay $0x1  }
0x8e: {  	v7 =	vor.u32 $0x3, v8  }
0x8f: {  	v9 =	vor.u32 $0x8, v8  }
0x90: {  	v5 =	vor.u32 $0x4, v5  }
0x91: {  	v11 =	vmul.f32 v6, v10  }
0x92: {  	v6 =	vmul.f32 v6, v12  }
0x93: {  	[tilespmem:v7+s14+$0x0] =	vst.idx.msk $0xffff, v11  }
0x94: {  	[tilespmem:v9+s14+$0x0] =	vst.idx.msk $0xffff, v6  }
0x95: {  	v5 =	vld.idx.msk [tilespmem:v5+s18+$0x0], $0xffff;
	_ =	sdelay $0x1  }
0x96: {  	v6 =	vor.u32 $0x4, v8  }
0x97: {  	v7 =	vor.u32 $0x9, v8  }
0x98: {  	v9 =	vor.u32 $0xA, v8  }
0x99: {  	v8 =	vor.u32 $0xB, v8;
	v11 =	vmul.f32 v5, v10  }
0x9a: {  	v63 =	vand.u32 v3, v4;
	v5 =	vmul.f32 v5, v12  }
0x9b: {  	[tilespmem:v6+s14+$0x0] =	vst.idx.msk $0xffff, v11  }
0x9c: {  	[tilespmem:v7+s14+$0x0] =	vst.idx.msk $0xffff, v5  }
0x9d: {  	[tilespmem:v9+s14+$0x0] =	vst.idx.msk $0xffff, v10  }
0x9e: {  	s26 =	simm.s32 $0x10;
	[tilespmem:v8+s14+$0x0] =	vst.idx.msk $0xffff, v12  }
0x9f: {  	v4 =	vor.u32 s26, v0;
	v8 =	vld.idx.msk [tilespmem:v63+s16+$0x0], $0xffff  }
0xa0: {  	v5 =	vshll.u32 v4, $0x3  }
0xa1: {  	s22 =	simm.s32 $0x20;
	s25 =	simm.s32 $0x400;
	s8 =	simm.s32 $0x400;
	v9 =	vor.u32 $0x5, v5;
	v7 =	vor.u32 $0x6, v5;
	v6 =	vor.u32 $0x1, v5  }
.LBB2_9:
0xa2: {  	p3 =	sne.s32 s22, $0x70  }
0xa3: {  	s8 =	sadd.s32 $0x10, s8;
	s26 =	smov.u32 s22;
	s22 =	sadd.s32 $0x10, s22  }
0xa4: {  	[tilespmem:s25+$0x0] =	vst v8;
	s25 =	smov.u32 s8  }
0xa5: {  	v8 =	vld.idx.msk [tilespmem:v5+s19+$0x0], $0xffff  }
0xa6: {  	v9 =	vld.idx.msk [tilespmem:v9+s18+$0x0], $0xffff  }
0xa7: {  	v10 =	vld.idx.msk [tilespmem:v6+s19+$0x0], $0xffff  }
0xa8: {  	v7 =	vld.idx.msk [tilespmem:v7+s18+$0x0], $0xffff;
	_ =	sdelay $0x3  }
0xa9: {  	v8 =	vadd.f32 v8, v9;
	_ =	sdelay $0x1  }
0xaa: {  	v9 =	vmul.f32 $2.000000030e-01, v8;
	v7 =	vadd.f32 v10, v7  }
0xab: {  	vm0 =	vge.f32 v8, $0.0e+00  }
0xac: {  	v8 =	vsel vm0, v8, v9;
	vm0 =	vge.f32 v7, $0.0e+00;
	v9 =	vmul.f32 $2.000000030e-01, v7  }
0xad: {  	v8 =	vmul.f32 $1.442695020e+00, v8  }
0xae: {  	v7 =	vsel vm0, v7, v9  }
0xaf: {  	v7 =	vmul.f32 $1.442695020e+00, v7;
	(erf) = vpow2.f32 v8;
	_ =	sdelay $0x1  }
0xb0: {  	(erf) = vpow2.f32 v7;
	_ =	sdelay $0x1  }
0xb1: {  	v7 =	vld.idx.msk [tilespmem:v5+s18+$0x0], $0xffff;
	_ =	sdelay $0x2  }
0xb2: {  	v8 =	vshll.u32 v4, $0x4  }
0xb3: {  	v9 =	vor.u32 $0x5, v8  }
0xb4: {  	v10 =	vpop (erf)  }
0xb5: {  	v11 =	vmul.f32 v10, v7  }
0xb6: {  	v12 =	vpop (erf)  }
0xb7: {  	[tilespmem:v8+s14+$0x0] =	vst.idx.msk $0xffff, v11;
	v7 =	vmul.f32 v12, v7;
	_ =	sdelay $0x1  }
0xb8: {  	[tilespmem:v9+s14+$0x0] =	vst.idx.msk $0xffff, v7  }
0xb9: {  	v6 =	vld.idx.msk [tilespmem:v6+s18+$0x0], $0xffff;
	_ =	sdelay $0x1  }
0xba: {  	v7 =	vor.u32 $0x1, v8  }
0xbb: {  	v9 =	vor.u32 $0x6, v8  }
0xbc: {  	v11 =	vor.u32 $0x2, v5;
	_ =	sdelay $0x1  }
0xbd: {  	v13 =	vmul.f32 v10, v6;
	v6 =	vmul.f32 v12, v6;
	_ =	sdelay $0x1  }
0xbe: {  	[tilespmem:v7+s14+$0x0] =	vst.idx.msk $0xffff, v13  }
0xbf: {  	[tilespmem:v9+s14+$0x0] =	vst.idx.msk $0xffff, v6  }
0xc0: {  	v6 =	vld.idx.msk [tilespmem:v11+s18+$0x0], $0xffff;
	_ =	sdelay $0x1  }
0xc1: {  	v7 =	vor.u32 $0x2, v8  }
0xc2: {  	v9 =	vor.u32 $0x7, v8  }
0xc3: {  	v11 =	vor.u32 $0x3, v5;
	_ =	sdelay $0x1  }
0xc4: {  	v13 =	vmul.f32 v6, v10;
	v6 =	vmul.f32 v6, v12;
	_ =	sdelay $0x1  }
0xc5: {  	[tilespmem:v7+s14+$0x0] =	vst.idx.msk $0xffff, v13  }
0xc6: {  	[tilespmem:v9+s14+$0x0] =	vst.idx.msk $0xffff, v6  }
0xc7: {  	v6 =	vld.idx.msk [tilespmem:v11+s18+$0x0], $0xffff;
	_ =	sdelay $0x1  }
0xc8: {  	v7 =	vor.u32 $0x3, v8  }
0xc9: {  	v9 =	vor.u32 $0x8, v8  }
0xca: {  	v5 =	vor.u32 $0x4, v5;
	_ =	sdelay $0x1  }
0xcb: {  	v11 =	vmul.f32 v6, v10;
	v6 =	vmul.f32 v6, v12;
	_ =	sdelay $0x1  }
0xcc: {  	[tilespmem:v7+s14+$0x0] =	vst.idx.msk $0xffff, v11  }
0xcd: {  	[tilespmem:v9+s14+$0x0] =	vst.idx.msk $0xffff, v6  }
0xce: {  	v5 =	vld.idx.msk [tilespmem:v5+s18+$0x0], $0xffff;
	_ =	sdelay $0x1  }
0xcf: {  	v6 =	vor.u32 $0x4, v8  }
0xd0: {  	v7 =	vor.u32 $0x9, v8  }
0xd1: {  	v9 =	vor.u32 $0xA, v8  }
0xd2: {  	v8 =	vor.u32 $0xB, v8  }
0xd3: {  	v4 =	vand.u32 v3, v4;
	v11 =	vmul.f32 v5, v10;
	v5 =	vmul.f32 v5, v12;
	_ =	sdelay $0x1  }
0xd4: {  	[tilespmem:v6+s14+$0x0] =	vst.idx.msk $0xffff, v11  }
0xd5: {  	[tilespmem:v7+s14+$0x0] =	vst.idx.msk $0xffff, v5  }
0xd6: {  	[tilespmem:v9+s14+$0x0] =	vst.idx.msk $0xffff, v10  }
0xd7: {  	[tilespmem:v8+s14+$0x0] =	vst.idx.msk $0xffff, v12  }
.Ltmp5:
0xd8: {  	v8 =	vld.idx.msk [tilespmem:v4+s16+$0x0], $0xffff;
	(pc) =	sbr.rel @p3 .LBB2_9-.Ltmp5, $4  }
0xd9: {  	v4 =	vor.u32 s26, v0  }
0xda: {  	v5 =	vshll.u32 v4, $0x3  }
0xdb: {  	v9 =	vor.u32 $0x5, v5;
	v7 =	vor.u32 $0x6, v5  }
0xdc: {  	v6 =	vor.u32 $0x1, v5  }
0xdd: {  	_ =	sdelay $0x2  }
0xde: {  	[tilespmem:s25+$0x0] =	vst v8  }
0xdf: {  	v8 =	vld.idx.msk [tilespmem:v5+s19+$0x0], $0xffff  }
0xe0: {  	v9 =	vld.idx.msk [tilespmem:v9+s18+$0x0], $0xffff  }
0xe1: {  	v10 =	vld.idx.msk [tilespmem:v6+s19+$0x0], $0xffff  }
0xe2: {  	v7 =	vld.idx.msk [tilespmem:v7+s18+$0x0], $0xffff;
	_ =	sdelay $0x3  }
0xe3: {  	v8 =	vadd.f32 v8, v9  }
0xe4: {  	v7 =	vadd.f32 v10, v7  }
0xe5: {  	v9 =	vmul.f32 $2.000000030e-01, v8  }
0xe6: {  	vm0 =	vge.f32 v8, $0.0e+00;
	v10 =	vmul.f32 $2.000000030e-01, v7  }
0xe7: {  	vm13 =	vge.f32 v7, $0.0e+00;
	v8 =	vsel vm0, v8, v9  }
0xe8: {  	v7 =	vsel vm13, v7, v10;
	v8 =	vmul.f32 $1.442695020e+00, v8  }
0xe9: {  	v7 =	vmul.f32 $1.442695020e+00, v7  }
0xea: {  	(erf) = vpow2.f32 v8  }
0xeb: {  	(erf) = vpow2.f32 v7;
	_ =	sdelay $0x3  }
0xec: {  	v7 =	vld.idx.msk [tilespmem:v5+s18+$0x0], $0xffff;
	_ =	sdelay $0x1  }
0xed: {  	v8 =	vshll.u32 v4, $0x4  }
0xee: {  	v9 =	vor.u32 $0x5, v8  }
0xef: {  	v10 =	vpop (erf)  }
0xf0: {  	v11 =	vmul.f32 v10, v7;
	v12 =	vpop (erf)  }
0xf1: {  	v7 =	vmul.f32 v12, v7  }
0xf2: {  	[tilespmem:v8+s14+$0x0] =	vst.idx.msk $0xffff, v11  }
0xf3: {  	[tilespmem:v9+s14+$0x0] =	vst.idx.msk $0xffff, v7  }
0xf4: {  	v6 =	vld.idx.msk [tilespmem:v6+s18+$0x0], $0xffff;
	_ =	sdelay $0x1  }
0xf5: {  	v7 =	vor.u32 $0x1, v8  }
0xf6: {  	v9 =	vor.u32 $0x6, v8  }
0xf7: {  	v11 =	vor.u32 $0x2, v5  }
0xf8: {  	v13 =	vmul.f32 v10, v6  }
0xf9: {  	v6 =	vmul.f32 v12, v6  }
0xfa: {  	[tilespmem:v7+s14+$0x0] =	vst.idx.msk $0xffff, v13  }
0xfb: {  	[tilespmem:v9+s14+$0x0] =	vst.idx.msk $0xffff, v6  }
0xfc: {  	v6 =	vld.idx.msk [tilespmem:v11+s18+$0x0], $0xffff;
	_ =	sdelay $0x1  }
0xfd: {  	v7 =	vor.u32 $0x2, v8  }
0xfe: {  	v9 =	vor.u32 $0x7, v8  }
0xff: {  	v11 =	vor.u32 $0x3, v5  }
0x100: {  	v59 =	vmul.f32 v6, v10  }
0x101: {  	v6 =	vmul.f32 v6, v12  }
0x102: {  	[tilespmem:v7+s14+$0x0] =	vst.idx.msk $0xffff, v59  }
0x103: {  	[tilespmem:v9+s14+$0x0] =	vst.idx.msk $0xffff, v6  }
0x104: {  	v6 =	vld.idx.msk [tilespmem:v11+s18+$0x0], $0xffff;
	_ =	sdelay $0x1  }
0x105: {  	v7 =	vor.u32 $0x3, v8  }
0x106: {  	v9 =	vor.u32 $0x8, v8  }
0x107: {  	v5 =	vor.u32 $0x4, v5  }
0x108: {  	v11 =	vmul.f32 v6, v10  }
0x109: {  	v6 =	vmul.f32 v6, v12  }
0x10a: {  	[tilespmem:v7+s14+$0x0] =	vst.idx.msk $0xffff, v11  }
0x10b: {  	[tilespmem:v9+s14+$0x0] =	vst.idx.msk $0xffff, v6  }
0x10c: {  	v5 =	vld.idx.msk [tilespmem:v5+s18+$0x0], $0xffff;
	_ =	sdelay $0x1  }
0x10d: {  	v6 =	vor.u32 $0x4, v8  }
0x10e: {  	v7 =	vor.u32 $0x9, v8  }
0x10f: {  	v9 =	vor.u32 $0xA, v8  }
0x110: {  	v8 =	vor.u32 $0xB, v8;
	v11 =	vmul.f32 v5, v10  }
0x111: {  	v4 =	vand.u32 v3, v4;
	v5 =	vmul.f32 v5, v12  }
0x112: {  	[tilespmem:v6+s14+$0x0] =	vst.idx.msk $0xffff, v11  }
0x113: {  	[tilespmem:v7+s14+$0x0] =	vst.idx.msk $0xffff, v5  }
0x114: {  	[tilespmem:v9+s14+$0x0] =	vst.idx.msk $0xffff, v10  }
0x115: {  	[tilespmem:v8+s14+$0x0] =	vst.idx.msk $0xffff, v12  }
0x116: {  	s22 =	simm.s32 $0x80;
	v4 =	vld.idx.msk [tilespmem:v4+s16+$0x0], $0xffff  }
0x117: {  	v5 =	vor.u32 s22, v0  }
0x118: {  	v6 =	vshll.u32 v5, $0x3  }
0x119: {  	v7 =	vor.u32 $0x5, v6  }
0x11a: {  	s8 =	sadd.s32 $0x10, s8;
	v8 =	vor.u32 $0x1, v6  }
0x11b: {  	s25 =	simm.s32 $0x400;
	[tilespmem:s8+$0x0] =	vst v4;
	v4 =	vor.u32 $0x6, v6  }
0x11c: {  	[spmem:s2] =	stream.indirect.scatter.add.f32 [tilespmem:s14], [sflag:$0x5], $0x10, s25, s22, $0xb8;
	[tilespmem:$0x1D600] =	vst v63  }
0x11d: {  	v9 =	vld.idx.msk [tilespmem:v6+s19+$0x0], $0xffff  }
0x11e: {  	v7 =	vld.idx.msk [tilespmem:v7+s18+$0x0], $0xffff  }
0x11f: {  	v10 =	vld.idx.msk [tilespmem:v8+s19+$0x0], $0xffff  }
0x120: {  	v4 =	vld.idx.msk [tilespmem:v4+s18+$0x0], $0xffff;
	_ =	sdelay $0x3  }
0x121: {  	v7 =	vadd.f32 v9, v7  }
0x122: {  	v4 =	vadd.f32 v10, v4  }
0x123: {  	v9 =	vmul.f32 $2.000000030e-01, v7  }
0x124: {  	vm14 =	vge.f32 v7, $0.0e+00;
	v10 =	vmul.f32 $2.000000030e-01, v4  }
0x125: {  	v7 =	vsel vm14, v7, v9;
	vm15 =	vge.f32 v4, $0.0e+00  }
0x126: {  	v7 =	vmul.f32 $1.442695020e+00, v7;
	v4 =	vsel vm15, v4, v10  }
0x127: {  	v4 =	vmul.f32 $1.442695020e+00, v4  }
0x128: {  	(erf) = vpow2.f32 v7  }
0x129: {  	(erf) = vpow2.f32 v4;
	_ =	sdelay $0x3  }
0x12a: {  	v4 =	vld.idx.msk [tilespmem:v6+s18+$0x0], $0xffff;
	_ =	sdelay $0x1  }
0x12b: {  	v7 =	vshll.u32 v5, $0x4  }
0x12c: {  	v9 =	vor.u32 $0x5, v7  }
0x12d: {  	v10 =	vpop (erf)  }
0x12e: {  	v11 =	vmul.f32 v10, v4;
	v60 =	vpop (erf)  }
0x12f: {  	v4 =	vmul.f32 v60, v4  }
0x130: {  	[tilespmem:v7+s14+$0x0] =	vst.idx.msk $0xffff, v11  }
0x131: {  	[tilespmem:v9+s14+$0x0] =	vst.idx.msk $0xffff, v4  }
0x132: {  	v4 =	vld.idx.msk [tilespmem:v8+s18+$0x0], $0xffff;
	_ =	sdelay $0x1  }
0x133: {  	v8 =	vor.u32 $0x1, v7  }
0x134: {  	v9 =	vor.u32 $0x6, v7  }
0x135: {  	v11 =	vor.u32 $0x2, v6  }
0x136: {  	v61 =	vmul.f32 v10, v4  }
0x137: {  	v4 =	vmul.f32 v60, v4  }
0x138: {  	[tilespmem:v8+s14+$0x0] =	vst.idx.msk $0xffff, v61  }
0x139: {  	[tilespmem:v9+s14+$0x0] =	vst.idx.msk $0xffff, v4  }
0x13a: {  	v4 =	vld.idx.msk [tilespmem:v11+s18+$0x0], $0xffff;
	_ =	sdelay $0x1  }
0x13b: {  	v8 =	vor.u32 $0x2, v7  }
0x13c: {  	v9 =	vor.u32 $0x7, v7  }
0x13d: {  	v11 =	vor.u32 $0x3, v6  }
0x13e: {  	v62 =	vmul.f32 v4, v10  }
0x13f: {  	v4 =	vmul.f32 v4, v60  }
0x140: {  	[tilespmem:v8+s14+$0x0] =	vst.idx.msk $0xffff, v62  }
0x141: {  	[tilespmem:v9+s14+$0x0] =	vst.idx.msk $0xffff, v4  }
0x142: {  	v4 =	vld.idx.msk [tilespmem:v11+s18+$0x0], $0xffff;
	_ =	sdelay $0x1  }
0x143: {  	v8 =	vor.u32 $0x3, v7  }
0x144: {  	v9 =	vor.u32 $0x8, v7  }
0x145: {  	v6 =	vor.u32 $0x4, v6  }
0x146: {  	v11 =	vmul.f32 v4, v10  }
0x147: {  	v4 =	vmul.f32 v4, v60  }
0x148: {  	[tilespmem:v8+s14+$0x0] =	vst.idx.msk $0xffff, v11  }
0x149: {  	[tilespmem:v9+s14+$0x0] =	vst.idx.msk $0xffff, v4  }
0x14a: {  	v4 =	vld.idx.msk [tilespmem:v6+s18+$0x0], $0xffff;
	_ =	sdelay $0x1  }
0x14b: {  	v6 =	vor.u32 $0x4, v7  }
0x14c: {  	v8 =	vor.u32 $0x9, v7  }
0x14d: {  	v9 =	vor.u32 $0xA, v7  }
0x14e: {  	v7 =	vor.u32 $0xB, v7;
	v11 =	vmul.f32 v4, v10  }
0x14f: {  	v63 =	vand.u32 v3, v5;
	v4 =	vmul.f32 v4, v60  }
0x150: {  	[tilespmem:v6+s14+$0x0] =	vst.idx.msk $0xffff, v11  }
0x151: {  	[tilespmem:v8+s14+$0x0] =	vst.idx.msk $0xffff, v4  }
0x152: {  	[tilespmem:v9+s14+$0x0] =	vst.idx.msk $0xffff, v10  }
0x153: {  	s26 =	simm.s32 $0x90;
	[tilespmem:v7+s14+$0x0] =	vst.idx.msk $0xffff, v60  }
0x154: {  	v4 =	vor.u32 s26, v0;
	v8 =	vld.idx.msk [tilespmem:v63+s16+$0x0], $0xffff  }
0x155: {  	v5 =	vshll.u32 v4, $0x3  }
0x156: {  	s8 =	simm.s32 $0x480;
	s22 =	simm.s32 $0xA0;
	s25 =	simm.s32 $0x480;
	v9 =	vor.u32 $0x5, v5;
	v7 =	vor.u32 $0x6, v5;
	v6 =	vor.u32 $0x1, v5  }
.LBB2_11:
0x157: {  	p3 =	sne.s32 s22, $0xF0  }
0x158: {  	s8 =	sadd.s32 $0x10, s8;
	s26 =	smov.u32 s22;
	s22 =	sadd.s32 $0x10, s22  }
0x159: {  	[tilespmem:s25+$0x0] =	vst v8;
	s25 =	smov.u32 s8  }
0x15a: {  	v8 =	vld.idx.msk [tilespmem:v5+s19+$0x0], $0xffff  }
0x15b: {  	v9 =	vld.idx.msk [tilespmem:v9+s18+$0x0], $0xffff  }
0x15c: {  	v10 =	vld.idx.msk [tilespmem:v6+s19+$0x0], $0xffff  }
0x15d: {  	v7 =	vld.idx.msk [tilespmem:v7+s18+$0x0], $0xffff;
	_ =	sdelay $0x3  }
0x15e: {  	v8 =	vadd.f32 v8, v9;
	_ =	sdelay $0x1  }
0x15f: {  	v9 =	vmul.f32 $2.000000030e-01, v8;
	v7 =	vadd.f32 v10, v7  }
0x160: {  	vm0 =	vge.f32 v8, $0.0e+00  }
0x161: {  	v8 =	vsel vm0, v8, v9;
	vm0 =	vge.f32 v7, $0.0e+00;
	v9 =	vmul.f32 $2.000000030e-01, v7  }
0x162: {  	v8 =	vmul.f32 $1.442695020e+00, v8  }
0x163: {  	v7 =	vsel vm0, v7, v9  }
0x164: {  	v7 =	vmul.f32 $1.442695020e+00, v7;
	(erf) = vpow2.f32 v8;
	_ =	sdelay $0x1  }
0x165: {  	(erf) = vpow2.f32 v7;
	_ =	sdelay $0x1  }
0x166: {  	v7 =	vld.idx.msk [tilespmem:v5+s18+$0x0], $0xffff;
	_ =	sdelay $0x2  }
0x167: {  	v8 =	vshll.u32 v4, $0x4  }
0x168: {  	v9 =	vor.u32 $0x5, v8  }
0x169: {  	v10 =	vpop (erf)  }
0x16a: {  	v11 =	vmul.f32 v10, v7  }
0x16b: {  	v12 =	vpop (erf)  }
0x16c: {  	[tilespmem:v8+s14+$0x0] =	vst.idx.msk $0xffff, v11;
	v7 =	vmul.f32 v12, v7;
	_ =	sdelay $0x1  }
0x16d: {  	[tilespmem:v9+s14+$0x0] =	vst.idx.msk $0xffff, v7  }
0x16e: {  	v6 =	vld.idx.msk [tilespmem:v6+s18+$0x0], $0xffff;
	_ =	sdelay $0x1  }
0x16f: {  	v7 =	vor.u32 $0x1, v8  }
0x170: {  	v9 =	vor.u32 $0x6, v8  }
0x171: {  	v11 =	vor.u32 $0x2, v5;
	_ =	sdelay $0x1  }
0x172: {  	v13 =	vmul.f32 v10, v6;
	v6 =	vmul.f32 v12, v6;
	_ =	sdelay $0x1  }
0x173: {  	[tilespmem:v7+s14+$0x0] =	vst.idx.msk $0xffff, v13  }
0x174: {  	[tilespmem:v9+s14+$0x0] =	vst.idx.msk $0xffff, v6  }
0x175: {  	v6 =	vld.idx.msk [tilespmem:v11+s18+$0x0], $0xffff;
	_ =	sdelay $0x1  }
0x176: {  	v7 =	vor.u32 $0x2, v8  }
0x177: {  	v9 =	vor.u32 $0x7, v8  }
0x178: {  	v11 =	vor.u32 $0x3, v5;
	_ =	sdelay $0x1  }
0x179: {  	v13 =	vmul.f32 v6, v10;
	v6 =	vmul.f32 v6, v12;
	_ =	sdelay $0x1  }
0x17a: {  	[tilespmem:v7+s14+$0x0] =	vst.idx.msk $0xffff, v13  }
0x17b: {  	[tilespmem:v9+s14+$0x0] =	vst.idx.msk $0xffff, v6  }
0x17c: {  	v6 =	vld.idx.msk [tilespmem:v11+s18+$0x0], $0xffff;
	_ =	sdelay $0x1  }
0x17d: {  	v7 =	vor.u32 $0x3, v8  }
0x17e: {  	v9 =	vor.u32 $0x8, v8  }
0x17f: {  	v5 =	vor.u32 $0x4, v5;
	_ =	sdelay $0x1  }
0x180: {  	v11 =	vmul.f32 v6, v10;
	v6 =	vmul.f32 v6, v12;
	_ =	sdelay $0x1  }
0x181: {  	[tilespmem:v7+s14+$0x0] =	vst.idx.msk $0xffff, v11  }
0x182: {  	[tilespmem:v9+s14+$0x0] =	vst.idx.msk $0xffff, v6  }
0x183: {  	v5 =	vld.idx.msk [tilespmem:v5+s18+$0x0], $0xffff;
	_ =	sdelay $0x1  }
0x184: {  	v6 =	vor.u32 $0x4, v8  }
0x185: {  	v7 =	vor.u32 $0x9, v8  }
0x186: {  	v9 =	vor.u32 $0xA, v8  }
0x187: {  	v8 =	vor.u32 $0xB, v8  }
0x188: {  	v4 =	vand.u32 v3, v4;
	v11 =	vmul.f32 v5, v10;
	v5 =	vmul.f32 v5, v12;
	_ =	sdelay $0x1  }
0x189: {  	[tilespmem:v6+s14+$0x0] =	vst.idx.msk $0xffff, v11  }
0x18a: {  	[tilespmem:v7+s14+$0x0] =	vst.idx.msk $0xffff, v5  }
0x18b: {  	[tilespmem:v9+s14+$0x0] =	vst.idx.msk $0xffff, v10  }
0x18c: {  	[tilespmem:v8+s14+$0x0] =	vst.idx.msk $0xffff, v12  }
.Ltmp6:
0x18d: {  	v8 =	vld.idx.msk [tilespmem:v4+s16+$0x0], $0xffff;
	(pc) =	sbr.rel @p3 .LBB2_11-.Ltmp6, $4  }
0x18e: {  	v4 =	vor.u32 s26, v0  }
0x18f: {  	v5 =	vshll.u32 v4, $0x3  }
0x190: {  	v9 =	vor.u32 $0x5, v5;
	v7 =	vor.u32 $0x6, v5  }
0x191: {  	v6 =	vor.u32 $0x1, v5  }
0x192: {  	_ =	sdelay $0x2  }
0x193: {  	[tilespmem:s25+$0x0] =	vst v8  }
0x194: {  	v8 =	vld.idx.msk [tilespmem:v5+s19+$0x0], $0xffff  }
0x195: {  	v9 =	vld.idx.msk [tilespmem:v9+s18+$0x0], $0xffff  }
0x196: {  	v10 =	vld.idx.msk [tilespmem:v6+s19+$0x0], $0xffff  }
0x197: {  	v7 =	vld.idx.msk [tilespmem:v7+s18+$0x0], $0xffff;
	_ =	sdelay $0x3  }
0x198: {  	v8 =	vadd.f32 v8, v9  }
0x199: {  	v7 =	vadd.f32 v10, v7  }
0x19a: {  	v9 =	vmul.f32 $2.000000030e-01, v8  }
0x19b: {  	vm0 =	vge.f32 v8, $0.0e+00;
	v10 =	vmul.f32 $2.000000030e-01, v7  }
0x19c: {  	vm15 =	vge.f32 v7, $0.0e+00;
	v8 =	vsel vm0, v8, v9  }
0x19d: {  	v7 =	vsel vm15, v7, v10;
	v8 =	vmul.f32 $1.442695020e+00, v8  }
0x19e: {  	v7 =	vmul.f32 $1.442695020e+00, v7  }
0x19f: {  	(erf) = vpow2.f32 v8  }
0x1a0: {  	(erf) = vpow2.f32 v7;
	_ =	sdelay $0x3  }
0x1a1: {  	v46 =	vld.idx.msk [tilespmem:v5+s18+$0x0], $0xffff;
	_ =	sdelay $0x1  }
0x1a2: {  	v47 =	vshll.u32 v4, $0x4  }
0x1a3: {  	v48 =	vor.u32 $0x5, v47  }
0x1a4: {  	v49 =	vpop (erf)  }
0x1a5: {  	v11 =	vmul.f32 v49, v46;
	v12 =	vpop (erf)  }
0x1a6: {  	v7 =	vmul.f32 v12, v46  }
0x1a7: {  	[tilespmem:v47+s14+$0x0] =	vst.idx.msk $0xffff, v11  }
0x1a8: {  	[tilespmem:v48+s14+$0x0] =	vst.idx.msk $0xffff, v7  }
0x1a9: {  	v50 =	vld.idx.msk [tilespmem:v6+s18+$0x0], $0xffff;
	_ =	sdelay $0x1  }
0x1aa: {  	v51 =	vor.u32 $0x1, v47  }
0x1ab: {  	v52 =	vor.u32 $0x6, v47  }
0x1ac: {  	v53 =	vor.u32 $0x2, v5  }
0x1ad: {  	v13 =	vmul.f32 v49, v50  }
0x1ae: {  	v6 =	vmul.f32 v12, v50  }
0x1af: {  	[tilespmem:v51+s14+$0x0] =	vst.idx.msk $0xffff, v13  }
0x1b0: {  	[tilespmem:v52+s14+$0x0] =	vst.idx.msk $0xffff, v6  }
0x1b1: {  	v6 =	vld.idx.msk [tilespmem:v53+s18+$0x0], $0xffff;
	_ =	sdelay $0x1  }
0x1b2: {  	v54 =	vor.u32 $0x2, v47  }
0x1b3: {  	v55 =	vor.u32 $0x7, v47  }
0x1b4: {  	v56 =	vor.u32 $0x3, v5  }
0x1b5: {  	v57 =	vmul.f32 v6, v49  }
0x1b6: {  	v6 =	vmul.f32 v6, v12  }
0x1b7: {  	[tilespmem:v54+s14+$0x0] =	vst.idx.msk $0xffff, v57  }
0x1b8: {  	[tilespmem:v55+s14+$0x0] =	vst.idx.msk $0xffff, v6  }
0x1b9: {  	v6 =	vld.idx.msk [tilespmem:v56+s18+$0x0], $0xffff;
	_ =	sdelay $0x1  }
0x1ba: {  	v58 =	vor.u32 $0x3, v47  }
0x1bb: {  	v59 =	vor.u32 $0x8, v47  }
0x1bc: {  	v5 =	vor.u32 $0x4, v5  }
0x1bd: {  	v11 =	vmul.f32 v6, v49  }
0x1be: {  	v6 =	vmul.f32 v6, v12  }
0x1bf: {  	[tilespmem:v58+s14+$0x0] =	vst.idx.msk $0xffff, v11  }
0x1c0: {  	[tilespmem:v59+s14+$0x0] =	vst.idx.msk $0xffff, v6  }
0x1c1: {  	v5 =	vld.idx.msk [tilespmem:v5+s18+$0x0], $0xffff;
	_ =	sdelay $0x1  }
0x1c2: {  	v60 =	vor.u32 $0x4, v47  }
0x1c3: {  	v61 =	vor.u32 $0x9, v47  }
0x1c4: {  	v62 =	vor.u32 $0xA, v47  }
0x1c5: {  	v8 =	vor.u32 $0xB, v47;
	v63 =	vmul.f32 v5, v49  }
0x1c6: {  	v4 =	vand.u32 v3, v4;
	v5 =	vmul.f32 v5, v12  }
0x1c7: {  	[tilespmem:v60+s14+$0x0] =	vst.idx.msk $0xffff, v63  }
0x1c8: {  	[tilespmem:v61+s14+$0x0] =	vst.idx.msk $0xffff, v5  }
0x1c9: {  	[tilespmem:v62+s14+$0x0] =	vst.idx.msk $0xffff, v49  }
0x1ca: {  	[tilespmem:v8+s14+$0x0] =	vst.idx.msk $0xffff, v12  }
0x1cb: {  	v4 =	vld.idx.msk [tilespmem:v4+s16+$0x0], $0xffff;
	_ =	sdelay $0x3  }
0x1cc: {  	s8 =	sadd.s32 $0x10, s8  }
0x1cd: {  	s26 =	simm.s32 $0x480;
	s22 =	simm.s32 $0x2E00;
	[tilespmem:s8+$0x0] =	vst v4;
	s8 =	sadd.s32 s9, s17  }
0x1ce: {  	[spmem:s2] =	stream.indirect.scatter.add.f32 [tilespmem:s22], [sflag:$0x5], $0x10, s26, s23, $0xb8;
	[tilespmem:$0x1D600] =	vst v63  }
0x1cf: {  	p3 =	sgt.u32 s8, $0x1869  }
0x1d0: {  	s8 =	sshll.u32 @!p3 s8, $0x5;
	s17 =	simm.s32 @!p3 $0x100  }
0x1d1: {  	s22 =	simm.s32 @!p3 $0x186A00;
	s25 =	simm.s32 @!p3 $0x0;
	s8 =	sadd.s32 @!p3 s5, s8  }
0x1d2: {  	[tilespmem:s25], [sflag:$0x7] =	stream.strided.gather @!p3 [hbm4b:s8+s17], $0x200, s22, s17, $0x38;
	[tilespmem:$0x1D600] =	vst v63  }
0x1d3: {  	s8 =	simm.s32 @!p3 $0x7  }
0x1d4: {  	_ =	swait.ge @!p3 [sflag:s8], $0x200  }
.Ltmp7:
0x1d5: {  	[sflag:s8] =	ssyncset.done @!p3 $0x0;
	(pc) =	sbr.rel @p1 .LBB2_18-.Ltmp7, $4  }
0x1d6: {  	[sflag:s8] =	ssyncadd.s32 @!p3 $0xFFFFFE00;
	s8 =	simm.s32 @!p3 $0x600  }
0x1d7: {  	[tilespmem:s8], [sflag:$0x1] =	stream.indirect.gather @!p3 [hbm4b:s1+s17], $0x8, s25, s17, $0xb8;
	[tilespmem:$0x1D600] =	vst v63  }
0x1d8: {  	s8 =	simm.s32 @!p3 $0x1600  }
0x1d9: {  	[tilespmem:s8], [sflag:$0x3] =	stream.indirect.gather @!p3 [hbm4b:s6+s17], $0x8, s17, s17, $0xb8;
	[tilespmem:$0x1D600] =	vst v63  }
0x1da: {  	s8 =	simm.s32 @!p2 $0x6  }
0x1db: {  	_ =	swait.ge @!p2 [sflag:s8], $0x800  }
0x1dc: {  	[sflag:s8] =	ssyncset.done @!p2 $0x0  }
0x1dd: {  	[sflag:s8] =	ssyncadd.s32 @!p2 $0xFFFFF800  }
0x1de: {  	_ =	swait.ge @!p2 [sflag:s8], $0x800  }
0x1df: {  	[sflag:s8] =	ssyncset.done @!p2 $0x0  }
0x1e0: {  	s25 =	simm.s32 $0x0;
	[sflag:s8] =	ssyncadd.s32 @!p2 $0xFFFFF800  }
0x1e1: {  	v4 =	vor.u32 s25, v0;
	_ =	swait.ge [sflag:s28], $0x800  }
0x1e2: {  	v5 =	vshll.u32 v4, $0x3;
	[sflag:s28] =	ssyncset.done $0x0  }
0x1e3: {  	v6 =	vor.u32 $0x5, v5;
	[sflag:s28] =	ssyncadd.s32 $0xFFFFF800  }
0x1e4: {  	v7 =	vor.u32 $0x1, v5;
	_ =	swait.ge [sflag:s29], $0x800  }
0x1e5: {  	v8 =	vor.u32 $0x6, v5;
	[sflag:s29] =	ssyncset.done $0x0  }
0x1e6: {  	[sflag:s29] =	ssyncadd.s32 $0xFFFFF800  }
0x1e7: {  	v9 =	vld.idx.msk [tilespmem:v5+s31+$0x0], $0xffff  }
0x1e8: {  	v6 =	vld.idx.msk [tilespmem:v6+s30+$0x0], $0xffff  }
0x1e9: {  	v10 =	vld.idx.msk [tilespmem:v7+s31+$0x0], $0xffff  }
0x1ea: {  	v8 =	vld.idx.msk [tilespmem:v8+s30+$0x0], $0xffff;
	_ =	sdelay $0x3  }
0x1eb: {  	v6 =	vadd.f32 v9, v6  }
0x1ec: {  	v8 =	vadd.f32 v10, v8  }
0x1ed: {  	v9 =	vmul.f32 $2.000000030e-01, v6  }
0x1ee: {  	vm0 =	vge.f32 v6, $0.0e+00;
	v10 =	vmul.f32 $2.000000030e-01, v8  }
0x1ef: {  	vm15 =	vge.f32 v8, $0.0e+00;
	v6 =	vsel vm0, v6, v9  }
0x1f0: {  	v8 =	vsel vm15, v8, v10;
	v6 =	vmul.f32 $1.442695020e+00, v6  }
0x1f1: {  	v8 =	vmul.f32 $1.442695020e+00, v8  }
0x1f2: {  	(erf) = vpow2.f32 v6  }
0x1f3: {  	(erf) = vpow2.f32 v8;
	_ =	sdelay $0x3  }
0x1f4: {  	v6 =	vld.idx.msk [tilespmem:v5+s30+$0x0], $0xffff;
	_ =	sdelay $0x1  }
0x1f5: {  	v8 =	vshll.u32 v4, $0x4  }
0x1f6: {  	v9 =	vor.u32 $0x5, v8  }
0x1f7: {  	v10 =	vpop (erf)  }
0x1f8: {  	v11 =	vmul.f32 v10, v6;
	v12 =	vpop (erf)  }
0x1f9: {  	v6 =	vmul.f32 v12, v6  }
0x1fa: {  	[tilespmem:v8+s15+$0x0] =	vst.idx.msk $0xffff, v11  }
0x1fb: {  	[tilespmem:v9+s15+$0x0] =	vst.idx.msk $0xffff, v6  }
0x1fc: {  	v6 =	vld.idx.msk [tilespmem:v7+s30+$0x0], $0xffff;
	_ =	sdelay $0x1  }
0x1fd: {  	v7 =	vor.u32 $0x1, v8  }
0x1fe: {  	v9 =	vor.u32 $0x6, v8  }
0x1ff: {  	v11 =	vor.u32 $0x2, v5  }
0x200: {  	v13 =	vmul.f32 v10, v6  }
0x201: {  	v6 =	vmul.f32 v12, v6  }
0x202: {  	[tilespmem:v7+s15+$0x0] =	vst.idx.msk $0xffff, v13  }
0x203: {  	[tilespmem:v9+s15+$0x0] =	vst.idx.msk $0xffff, v6  }
0x204: {  	v6 =	vld.idx.msk [tilespmem:v11+s30+$0x0], $0xffff;
	_ =	sdelay $0x1  }
0x205: {  	v7 =	vor.u32 $0x2, v8  }
0x206: {  	v9 =	vor.u32 $0x7, v8  }
0x207: {  	v11 =	vor.u32 $0x3, v5  }
0x208: {  	v62 =	vmul.f32 v6, v10  }
0x209: {  	v6 =	vmul.f32 v6, v12  }
0x20a: {  	[tilespmem:v7+s15+$0x0] =	vst.idx.msk $0xffff, v62  }
0x20b: {  	[tilespmem:v9+s15+$0x0] =	vst.idx.msk $0xffff, v6  }
0x20c: {  	v6 =	vld.idx.msk [tilespmem:v11+s30+$0x0], $0xffff;
	_ =	sdelay $0x1  }
0x20d: {  	v7 =	vor.u32 $0x3, v8  }
0x20e: {  	v9 =	vor.u32 $0x8, v8  }
0x20f: {  	v5 =	vor.u32 $0x4, v5  }
0x210: {  	v11 =	vmul.f32 v6, v10  }
0x211: {  	v6 =	vmul.f32 v6, v12  }
0x212: {  	[tilespmem:v7+s15+$0x0] =	vst.idx.msk $0xffff, v11  }
0x213: {  	[tilespmem:v9+s15+$0x0] =	vst.idx.msk $0xffff, v6  }
0x214: {  	v5 =	vld.idx.msk [tilespmem:v5+s30+$0x0], $0xffff;
	_ =	sdelay $0x1  }
0x215: {  	v6 =	vor.u32 $0x4, v8  }
0x216: {  	v7 =	vor.u32 $0x9, v8  }
0x217: {  	v9 =	vor.u32 $0xA, v8  }
0x218: {  	v8 =	vor.u32 $0xB, v8;
	v11 =	vmul.f32 v5, v10  }
0x219: {  	v63 =	vand.u32 v3, v4;
	v5 =	vmul.f32 v5, v12  }
0x21a: {  	[tilespmem:v6+s15+$0x0] =	vst.idx.msk $0xffff, v11  }
0x21b: {  	[tilespmem:v7+s15+$0x0] =	vst.idx.msk $0xffff, v5  }
0x21c: {  	[tilespmem:v9+s15+$0x0] =	vst.idx.msk $0xffff, v10  }
0x21d: {  	s26 =	simm.s32 $0x10;
	[tilespmem:v8+s15+$0x0] =	vst.idx.msk $0xffff, v12  }
0x21e: {  	v4 =	vor.u32 s26, v0;
	v8 =	vld.idx.msk [tilespmem:v63+s0+$0x0], $0xffff  }
0x21f: {  	v5 =	vshll.u32 v4, $0x3  }
0x220: {  	s17 =	simm.s32 $0x20;
	s22 =	simm.s32 $0x500;
	s8 =	simm.s32 $0x500;
	v9 =	vor.u32 $0x5, v5;
	v7 =	vor.u32 $0x6, v5;
	v6 =	vor.u32 $0x1, v5  }
.LBB2_14:
0x221: {  	p1 =	sne.s32 s17, $0x70  }
0x222: {  	s8 =	sadd.s32 $0x10, s8;
	s25 =	smov.u32 s17;
	s17 =	sadd.s32 $0x10, s17  }
0x223: {  	[tilespmem:s22+$0x0] =	vst v8;
	s22 =	smov.u32 s8  }
0x224: {  	v8 =	vld.idx.msk [tilespmem:v5+s31+$0x0], $0xffff  }
0x225: {  	v9 =	vld.idx.msk [tilespmem:v9+s30+$0x0], $0xffff  }
0x226: {  	v10 =	vld.idx.msk [tilespmem:v6+s31+$0x0], $0xffff  }
0x227: {  	v7 =	vld.idx.msk [tilespmem:v7+s30+$0x0], $0xffff;
	_ =	sdelay $0x3  }
0x228: {  	v8 =	vadd.f32 v8, v9;
	_ =	sdelay $0x1  }
0x229: {  	v9 =	vmul.f32 $2.000000030e-01, v8;
	v7 =	vadd.f32 v10, v7  }
0x22a: {  	vm0 =	vge.f32 v8, $0.0e+00  }
0x22b: {  	v8 =	vsel vm0, v8, v9;
	vm0 =	vge.f32 v7, $0.0e+00;
	v9 =	vmul.f32 $2.000000030e-01, v7  }
0x22c: {  	v8 =	vmul.f32 $1.442695020e+00, v8  }
0x22d: {  	v7 =	vsel vm0, v7, v9  }
0x22e: {  	v7 =	vmul.f32 $1.442695020e+00, v7;
	(erf) = vpow2.f32 v8;
	_ =	sdelay $0x1  }
0x22f: {  	(erf) = vpow2.f32 v7;
	_ =	sdelay $0x1  }
0x230: {  	v7 =	vld.idx.msk [tilespmem:v5+s30+$0x0], $0xffff;
	_ =	sdelay $0x2  }
0x231: {  	v8 =	vshll.u32 v4, $0x4  }
0x232: {  	v9 =	vor.u32 $0x5, v8  }
0x233: {  	v10 =	vpop (erf)  }
0x234: {  	v11 =	vmul.f32 v10, v7  }
0x235: {  	v12 =	vpop (erf)  }
0x236: {  	[tilespmem:v8+s15+$0x0] =	vst.idx.msk $0xffff, v11;
	v7 =	vmul.f32 v12, v7;
	_ =	sdelay $0x1  }
0x237: {  	[tilespmem:v9+s15+$0x0] =	vst.idx.msk $0xffff, v7  }
0x238: {  	v6 =	vld.idx.msk [tilespmem:v6+s30+$0x0], $0xffff;
	_ =	sdelay $0x1  }
0x239: {  	v7 =	vor.u32 $0x1, v8  }
0x23a: {  	v9 =	vor.u32 $0x6, v8  }
0x23b: {  	v11 =	vor.u32 $0x2, v5;
	_ =	sdelay $0x1  }
0x23c: {  	v13 =	vmul.f32 v10, v6;
	v6 =	vmul.f32 v12, v6;
	_ =	sdelay $0x1  }
0x23d: {  	[tilespmem:v7+s15+$0x0] =	vst.idx.msk $0xffff, v13  }
0x23e: {  	[tilespmem:v9+s15+$0x0] =	vst.idx.msk $0xffff, v6  }
0x23f: {  	v6 =	vld.idx.msk [tilespmem:v11+s30+$0x0], $0xffff;
	_ =	sdelay $0x1  }
0x240: {  	v7 =	vor.u32 $0x2, v8  }
0x241: {  	v9 =	vor.u32 $0x7, v8  }
0x242: {  	v11 =	vor.u32 $0x3, v5;
	_ =	sdelay $0x1  }
0x243: {  	v13 =	vmul.f32 v6, v10;
	v6 =	vmul.f32 v6, v12;
	_ =	sdelay $0x1  }
0x244: {  	[tilespmem:v7+s15+$0x0] =	vst.idx.msk $0xffff, v13  }
0x245: {  	[tilespmem:v9+s15+$0x0] =	vst.idx.msk $0xffff, v6  }
0x246: {  	v6 =	vld.idx.msk [tilespmem:v11+s30+$0x0], $0xffff;
	_ =	sdelay $0x1  }
0x247: {  	v7 =	vor.u32 $0x3, v8  }
0x248: {  	v9 =	vor.u32 $0x8, v8  }
0x249: {  	v5 =	vor.u32 $0x4, v5;
	_ =	sdelay $0x1  }
0x24a: {  	v11 =	vmul.f32 v6, v10;
	v6 =	vmul.f32 v6, v12;
	_ =	sdelay $0x1  }
0x24b: {  	[tilespmem:v7+s15+$0x0] =	vst.idx.msk $0xffff, v11  }
0x24c: {  	[tilespmem:v9+s15+$0x0] =	vst.idx.msk $0xffff, v6  }
0x24d: {  	v5 =	vld.idx.msk [tilespmem:v5+s30+$0x0], $0xffff;
	_ =	sdelay $0x1  }
0x24e: {  	v6 =	vor.u32 $0x4, v8  }
0x24f: {  	v7 =	vor.u32 $0x9, v8  }
0x250: {  	v9 =	vor.u32 $0xA, v8  }
0x251: {  	v8 =	vor.u32 $0xB, v8  }
0x252: {  	v4 =	vand.u32 v3, v4;
	v11 =	vmul.f32 v5, v10;
	v5 =	vmul.f32 v5, v12;
	_ =	sdelay $0x1  }
0x253: {  	[tilespmem:v6+s15+$0x0] =	vst.idx.msk $0xffff, v11  }
0x254: {  	[tilespmem:v7+s15+$0x0] =	vst.idx.msk $0xffff, v5  }
0x255: {  	[tilespmem:v9+s15+$0x0] =	vst.idx.msk $0xffff, v10  }
0x256: {  	[tilespmem:v8+s15+$0x0] =	vst.idx.msk $0xffff, v12  }
.Ltmp8:
0x257: {  	v8 =	vld.idx.msk [tilespmem:v4+s0+$0x0], $0xffff;
	(pc) =	sbr.rel @p1 .LBB2_14-.Ltmp8, $4  }
0x258: {  	v4 =	vor.u32 s25, v0  }
0x259: {  	v5 =	vshll.u32 v4, $0x3  }
0x25a: {  	v9 =	vor.u32 $0x5, v5;
	v7 =	vor.u32 $0x6, v5  }
0x25b: {  	v6 =	vor.u32 $0x1, v5  }
0x25c: {  	_ =	sdelay $0x2  }
0x25d: {  	[tilespmem:s22+$0x0] =	vst v8  }
0x25e: {  	v8 =	vld.idx.msk [tilespmem:v5+s31+$0x0], $0xffff  }
0x25f: {  	v9 =	vld.idx.msk [tilespmem:v9+s30+$0x0], $0xffff  }
0x260: {  	v10 =	vld.idx.msk [tilespmem:v6+s31+$0x0], $0xffff  }
0x261: {  	v7 =	vld.idx.msk [tilespmem:v7+s30+$0x0], $0xffff;
	_ =	sdelay $0x3  }
0x262: {  	v8 =	vadd.f32 v8, v9  }
0x263: {  	v7 =	vadd.f32 v10, v7  }
0x264: {  	v9 =	vmul.f32 $2.000000030e-01, v8  }
0x265: {  	vm0 =	vge.f32 v8, $0.0e+00;
	v10 =	vmul.f32 $2.000000030e-01, v7  }
0x266: {  	vm13 =	vge.f32 v7, $0.0e+00;
	v8 =	vsel vm0, v8, v9  }
0x267: {  	v7 =	vsel vm13, v7, v10;
	v8 =	vmul.f32 $1.442695020e+00, v8  }
0x268: {  	v7 =	vmul.f32 $1.442695020e+00, v7  }
0x269: {  	(erf) = vpow2.f32 v8  }
0x26a: {  	(erf) = vpow2.f32 v7;
	_ =	sdelay $0x3  }
0x26b: {  	v7 =	vld.idx.msk [tilespmem:v5+s30+$0x0], $0xffff;
	_ =	sdelay $0x1  }
0x26c: {  	v8 =	vshll.u32 v4, $0x4  }
0x26d: {  	v9 =	vor.u32 $0x5, v8  }
0x26e: {  	v10 =	vpop (erf)  }
0x26f: {  	v11 =	vmul.f32 v10, v7;
	v12 =	vpop (erf)  }
0x270: {  	v7 =	vmul.f32 v12, v7  }
0x271: {  	[tilespmem:v8+s15+$0x0] =	vst.idx.msk $0xffff, v11  }
0x272: {  	[tilespmem:v9+s15+$0x0] =	vst.idx.msk $0xffff, v7  }
0x273: {  	v6 =	vld.idx.msk [tilespmem:v6+s30+$0x0], $0xffff;
	_ =	sdelay $0x1  }
0x274: {  	v7 =	vor.u32 $0x1, v8  }
0x275: {  	v9 =	vor.u32 $0x6, v8  }
0x276: {  	v11 =	vor.u32 $0x2, v5  }
0x277: {  	v13 =	vmul.f32 v10, v6  }
0x278: {  	v6 =	vmul.f32 v12, v6  }
0x279: {  	[tilespmem:v7+s15+$0x0] =	vst.idx.msk $0xffff, v13  }
0x27a: {  	[tilespmem:v9+s15+$0x0] =	vst.idx.msk $0xffff, v6  }
0x27b: {  	v6 =	vld.idx.msk [tilespmem:v11+s30+$0x0], $0xffff;
	_ =	sdelay $0x1  }
0x27c: {  	v7 =	vor.u32 $0x2, v8  }
0x27d: {  	v9 =	vor.u32 $0x7, v8  }
0x27e: {  	v11 =	vor.u32 $0x3, v5  }
0x27f: {  	v59 =	vmul.f32 v6, v10  }
0x280: {  	v6 =	vmul.f32 v6, v12  }
0x281: {  	[tilespmem:v7+s15+$0x0] =	vst.idx.msk $0xffff, v59  }
0x282: {  	[tilespmem:v9+s15+$0x0] =	vst.idx.msk $0xffff, v6  }
0x283: {  	v6 =	vld.idx.msk [tilespmem:v11+s30+$0x0], $0xffff;
	_ =	sdelay $0x1  }
0x284: {  	v7 =	vor.u32 $0x3, v8  }
0x285: {  	v9 =	vor.u32 $0x8, v8  }
0x286: {  	v5 =	vor.u32 $0x4, v5  }
0x287: {  	v11 =	vmul.f32 v6, v10  }
0x288: {  	v6 =	vmul.f32 v6, v12  }
0x289: {  	[tilespmem:v7+s15+$0x0] =	vst.idx.msk $0xffff, v11  }
0x28a: {  	[tilespmem:v9+s15+$0x0] =	vst.idx.msk $0xffff, v6  }
0x28b: {  	v5 =	vld.idx.msk [tilespmem:v5+s30+$0x0], $0xffff;
	_ =	sdelay $0x1  }
0x28c: {  	v6 =	vor.u32 $0x4, v8  }
0x28d: {  	v7 =	vor.u32 $0x9, v8  }
0x28e: {  	v9 =	vor.u32 $0xA, v8  }
0x28f: {  	v8 =	vor.u32 $0xB, v8;
	v11 =	vmul.f32 v5, v10  }
0x290: {  	v4 =	vand.u32 v3, v4;
	v5 =	vmul.f32 v5, v12  }
0x291: {  	[tilespmem:v6+s15+$0x0] =	vst.idx.msk $0xffff, v11  }
0x292: {  	[tilespmem:v7+s15+$0x0] =	vst.idx.msk $0xffff, v5  }
0x293: {  	[tilespmem:v9+s15+$0x0] =	vst.idx.msk $0xffff, v10  }
0x294: {  	[tilespmem:v8+s15+$0x0] =	vst.idx.msk $0xffff, v12  }
0x295: {  	s17 =	simm.s32 $0x80;
	v4 =	vld.idx.msk [tilespmem:v4+s0+$0x0], $0xffff  }
0x296: {  	v5 =	vor.u32 s17, v0  }
0x297: {  	v6 =	vshll.u32 v5, $0x3  }
0x298: {  	v7 =	vor.u32 $0x5, v6  }
0x299: {  	s8 =	sadd.s32 $0x10, s8;
	v8 =	vor.u32 $0x1, v6  }
0x29a: {  	s25 =	simm.s32 $0x500;
	[tilespmem:s8+$0x0] =	vst v4;
	v4 =	vor.u32 $0x6, v6  }
0x29b: {  	[spmem:s2] =	stream.indirect.scatter.add.f32 [tilespmem:s15], [sflag:$0x6], $0x10, s25, s17, $0xb8;
	[tilespmem:$0x1D600] =	vst v63  }
0x29c: {  	v9 =	vld.idx.msk [tilespmem:v6+s31+$0x0], $0xffff  }
0x29d: {  	v7 =	vld.idx.msk [tilespmem:v7+s30+$0x0], $0xffff  }
0x29e: {  	v10 =	vld.idx.msk [tilespmem:v8+s31+$0x0], $0xffff  }
0x29f: {  	v4 =	vld.idx.msk [tilespmem:v4+s30+$0x0], $0xffff;
	_ =	sdelay $0x3  }
0x2a0: {  	v7 =	vadd.f32 v9, v7  }
0x2a1: {  	v4 =	vadd.f32 v10, v4  }
0x2a2: {  	v9 =	vmul.f32 $2.000000030e-01, v7  }
0x2a3: {  	vm14 =	vge.f32 v7, $0.0e+00;
	v10 =	vmul.f32 $2.000000030e-01, v4  }
0x2a4: {  	v7 =	vsel vm14, v7, v9;
	vm15 =	vge.f32 v4, $0.0e+00  }
0x2a5: {  	v7 =	vmul.f32 $1.442695020e+00, v7;
	v4 =	vsel vm15, v4, v10  }
0x2a6: {  	v4 =	vmul.f32 $1.442695020e+00, v4  }
0x2a7: {  	(erf) = vpow2.f32 v7  }
0x2a8: {  	(erf) = vpow2.f32 v4;
	_ =	sdelay $0x3  }
0x2a9: {  	v4 =	vld.idx.msk [tilespmem:v6+s30+$0x0], $0xffff;
	_ =	sdelay $0x1  }
0x2aa: {  	v7 =	vshll.u32 v5, $0x4  }
0x2ab: {  	v9 =	vor.u32 $0x5, v7  }
0x2ac: {  	v10 =	vpop (erf)  }
0x2ad: {  	v11 =	vmul.f32 v10, v4;
	v60 =	vpop (erf)  }
0x2ae: {  	v4 =	vmul.f32 v60, v4  }
0x2af: {  	[tilespmem:v7+s15+$0x0] =	vst.idx.msk $0xffff, v11  }
0x2b0: {  	[tilespmem:v9+s15+$0x0] =	vst.idx.msk $0xffff, v4  }
0x2b1: {  	v4 =	vld.idx.msk [tilespmem:v8+s30+$0x0], $0xffff;
	_ =	sdelay $0x1  }
0x2b2: {  	v8 =	vor.u32 $0x1, v7  }
0x2b3: {  	v9 =	vor.u32 $0x6, v7  }
0x2b4: {  	v11 =	vor.u32 $0x2, v6  }
0x2b5: {  	v61 =	vmul.f32 v10, v4  }
0x2b6: {  	v4 =	vmul.f32 v60, v4  }
0x2b7: {  	[tilespmem:v8+s15+$0x0] =	vst.idx.msk $0xffff, v61  }
0x2b8: {  	[tilespmem:v9+s15+$0x0] =	vst.idx.msk $0xffff, v4  }
0x2b9: {  	v4 =	vld.idx.msk [tilespmem:v11+s30+$0x0], $0xffff;
	_ =	sdelay $0x1  }
0x2ba: {  	v8 =	vor.u32 $0x2, v7  }
0x2bb: {  	v9 =	vor.u32 $0x7, v7  }
0x2bc: {  	v11 =	vor.u32 $0x3, v6  }
0x2bd: {  	v62 =	vmul.f32 v4, v10  }
0x2be: {  	v4 =	vmul.f32 v4, v60  }
0x2bf: {  	[tilespmem:v8+s15+$0x0] =	vst.idx.msk $0xffff, v62  }
0x2c0: {  	[tilespmem:v9+s15+$0x0] =	vst.idx.msk $0xffff, v4  }
0x2c1: {  	v4 =	vld.idx.msk [tilespmem:v11+s30+$0x0], $0xffff;
	_ =	sdelay $0x1  }
0x2c2: {  	v8 =	vor.u32 $0x3, v7  }
0x2c3: {  	v9 =	vor.u32 $0x8, v7  }
0x2c4: {  	v6 =	vor.u32 $0x4, v6  }
0x2c5: {  	v11 =	vmul.f32 v4, v10  }
0x2c6: {  	v4 =	vmul.f32 v4, v60  }
0x2c7: {  	[tilespmem:v8+s15+$0x0] =	vst.idx.msk $0xffff, v11  }
0x2c8: {  	[tilespmem:v9+s15+$0x0] =	vst.idx.msk $0xffff, v4  }
0x2c9: {  	v4 =	vld.idx.msk [tilespmem:v6+s30+$0x0], $0xffff;
	_ =	sdelay $0x1  }
0x2ca: {  	v6 =	vor.u32 $0x4, v7  }
0x2cb: {  	v8 =	vor.u32 $0x9, v7  }
0x2cc: {  	v9 =	vor.u32 $0xA, v7  }
0x2cd: {  	v7 =	vor.u32 $0xB, v7;
	v11 =	vmul.f32 v4, v10  }
0x2ce: {  	v63 =	vand.u32 v3, v5;
	v4 =	vmul.f32 v4, v60  }
0x2cf: {  	[tilespmem:v6+s15+$0x0] =	vst.idx.msk $0xffff, v11  }
0x2d0: {  	[tilespmem:v8+s15+$0x0] =	vst.idx.msk $0xffff, v4  }
0x2d1: {  	[tilespmem:v9+s15+$0x0] =	vst.idx.msk $0xffff, v10  }
0x2d2: {  	s26 =	simm.s32 $0x90;
	[tilespmem:v7+s15+$0x0] =	vst.idx.msk $0xffff, v60  }
0x2d3: {  	v4 =	vor.u32 s26, v0;
	v8 =	vld.idx.msk [tilespmem:v63+s0+$0x0], $0xffff  }
0x2d4: {  	v5 =	vshll.u32 v4, $0x3  }
0x2d5: {  	s22 =	simm.s32 $0x580;
	s8 =	simm.s32 $0x580;
	s17 =	simm.s32 $0xA0;
	v9 =	vor.u32 $0x5, v5;
	v7 =	vor.u32 $0x6, v5;
	v6 =	vor.u32 $0x1, v5  }
.LBB2_16:
0x2d6: {  	p1 =	sne.s32 s17, $0xF0  }
0x2d7: {  	s8 =	sadd.s32 $0x10, s8;
	s25 =	smov.u32 s17;
	s17 =	sadd.s32 $0x10, s17  }
0x2d8: {  	[tilespmem:s22+$0x0] =	vst v8;
	s22 =	smov.u32 s8  }
0x2d9: {  	v8 =	vld.idx.msk [tilespmem:v5+s31+$0x0], $0xffff  }
0x2da: {  	v9 =	vld.idx.msk [tilespmem:v9+s30+$0x0], $0xffff  }
0x2db: {  	v10 =	vld.idx.msk [tilespmem:v6+s31+$0x0], $0xffff  }
0x2dc: {  	v7 =	vld.idx.msk [tilespmem:v7+s30+$0x0], $0xffff;
	_ =	sdelay $0x3  }
0x2dd: {  	v8 =	vadd.f32 v8, v9;
	_ =	sdelay $0x1  }
0x2de: {  	v9 =	vmul.f32 $2.000000030e-01, v8;
	v7 =	vadd.f32 v10, v7  }
0x2df: {  	vm0 =	vge.f32 v8, $0.0e+00  }
0x2e0: {  	v8 =	vsel vm0, v8, v9;
	vm0 =	vge.f32 v7, $0.0e+00;
	v9 =	vmul.f32 $2.000000030e-01, v7  }
0x2e1: {  	v8 =	vmul.f32 $1.442695020e+00, v8  }
0x2e2: {  	v7 =	vsel vm0, v7, v9  }
0x2e3: {  	v7 =	vmul.f32 $1.442695020e+00, v7;
	(erf) = vpow2.f32 v8;
	_ =	sdelay $0x1  }
0x2e4: {  	(erf) = vpow2.f32 v7;
	_ =	sdelay $0x1  }
0x2e5: {  	v7 =	vld.idx.msk [tilespmem:v5+s30+$0x0], $0xffff;
	_ =	sdelay $0x2  }
0x2e6: {  	v8 =	vshll.u32 v4, $0x4  }
0x2e7: {  	v9 =	vor.u32 $0x5, v8  }
0x2e8: {  	v10 =	vpop (erf)  }
0x2e9: {  	v11 =	vmul.f32 v10, v7  }
0x2ea: {  	v12 =	vpop (erf)  }
0x2eb: {  	[tilespmem:v8+s15+$0x0] =	vst.idx.msk $0xffff, v11;
	v7 =	vmul.f32 v12, v7;
	_ =	sdelay $0x1  }
0x2ec: {  	[tilespmem:v9+s15+$0x0] =	vst.idx.msk $0xffff, v7  }
0x2ed: {  	v6 =	vld.idx.msk [tilespmem:v6+s30+$0x0], $0xffff;
	_ =	sdelay $0x1  }
0x2ee: {  	v7 =	vor.u32 $0x1, v8  }
0x2ef: {  	v9 =	vor.u32 $0x6, v8  }
0x2f0: {  	v11 =	vor.u32 $0x2, v5;
	_ =	sdelay $0x1  }
0x2f1: {  	v13 =	vmul.f32 v10, v6;
	v6 =	vmul.f32 v12, v6;
	_ =	sdelay $0x1  }
0x2f2: {  	[tilespmem:v7+s15+$0x0] =	vst.idx.msk $0xffff, v13  }
0x2f3: {  	[tilespmem:v9+s15+$0x0] =	vst.idx.msk $0xffff, v6  }
0x2f4: {  	v6 =	vld.idx.msk [tilespmem:v11+s30+$0x0], $0xffff;
	_ =	sdelay $0x1  }
0x2f5: {  	v7 =	vor.u32 $0x2, v8  }
0x2f6: {  	v9 =	vor.u32 $0x7, v8  }
0x2f7: {  	v11 =	vor.u32 $0x3, v5;
	_ =	sdelay $0x1  }
0x2f8: {  	v13 =	vmul.f32 v6, v10;
	v6 =	vmul.f32 v6, v12;
	_ =	sdelay $0x1  }
0x2f9: {  	[tilespmem:v7+s15+$0x0] =	vst.idx.msk $0xffff, v13  }
0x2fa: {  	[tilespmem:v9+s15+$0x0] =	vst.idx.msk $0xffff, v6  }
0x2fb: {  	v6 =	vld.idx.msk [tilespmem:v11+s30+$0x0], $0xffff;
	_ =	sdelay $0x1  }
0x2fc: {  	v7 =	vor.u32 $0x3, v8  }
0x2fd: {  	v9 =	vor.u32 $0x8, v8  }
0x2fe: {  	v5 =	vor.u32 $0x4, v5;
	_ =	sdelay $0x1  }
0x2ff: {  	v11 =	vmul.f32 v6, v10;
	v6 =	vmul.f32 v6, v12;
	_ =	sdelay $0x1  }
0x300: {  	[tilespmem:v7+s15+$0x0] =	vst.idx.msk $0xffff, v11  }
0x301: {  	[tilespmem:v9+s15+$0x0] =	vst.idx.msk $0xffff, v6  }
0x302: {  	v5 =	vld.idx.msk [tilespmem:v5+s30+$0x0], $0xffff;
	_ =	sdelay $0x1  }
0x303: {  	v6 =	vor.u32 $0x4, v8  }
0x304: {  	v7 =	vor.u32 $0x9, v8  }
0x305: {  	v9 =	vor.u32 $0xA, v8  }
0x306: {  	v8 =	vor.u32 $0xB, v8  }
0x307: {  	v4 =	vand.u32 v3, v4;
	v11 =	vmul.f32 v5, v10;
	v5 =	vmul.f32 v5, v12;
	_ =	sdelay $0x1  }
0x308: {  	[tilespmem:v6+s15+$0x0] =	vst.idx.msk $0xffff, v11  }
0x309: {  	[tilespmem:v7+s15+$0x0] =	vst.idx.msk $0xffff, v5  }
0x30a: {  	[tilespmem:v9+s15+$0x0] =	vst.idx.msk $0xffff, v10  }
0x30b: {  	[tilespmem:v8+s15+$0x0] =	vst.idx.msk $0xffff, v12  }
.Ltmp9:
0x30c: {  	v8 =	vld.idx.msk [tilespmem:v4+s0+$0x0], $0xffff;
	(pc) =	sbr.rel @p1 .LBB2_16-.Ltmp9, $4  }
0x30d: {  	v4 =	vor.u32 s25, v0  }
0x30e: {  	v5 =	vshll.u32 v4, $0x3  }
0x30f: {  	v9 =	vor.u32 $0x5, v5;
	v7 =	vor.u32 $0x6, v5  }
0x310: {  	v6 =	vor.u32 $0x1, v5  }
0x311: {  	_ =	sdelay $0x2  }
0x312: {  	[tilespmem:s22+$0x0] =	vst v8  }
0x313: {  	v8 =	vld.idx.msk [tilespmem:v5+s31+$0x0], $0xffff  }
0x314: {  	v9 =	vld.idx.msk [tilespmem:v9+s30+$0x0], $0xffff  }
0x315: {  	v10 =	vld.idx.msk [tilespmem:v6+s31+$0x0], $0xffff  }
0x316: {  	v7 =	vld.idx.msk [tilespmem:v7+s30+$0x0], $0xffff;
	_ =	sdelay $0x3  }
0x317: {  	v8 =	vadd.f32 v8, v9  }
0x318: {  	v7 =	vadd.f32 v10, v7  }
0x319: {  	v9 =	vmul.f32 $2.000000030e-01, v8  }
0x31a: {  	vm0 =	vge.f32 v8, $0.0e+00;
	v10 =	vmul.f32 $2.000000030e-01, v7  }
0x31b: {  	vm15 =	vge.f32 v7, $0.0e+00;
	v8 =	vsel vm0, v8, v9  }
0x31c: {  	v7 =	vsel vm15, v7, v10;
	v8 =	vmul.f32 $1.442695020e+00, v8  }
0x31d: {  	v7 =	vmul.f32 $1.442695020e+00, v7  }
0x31e: {  	(erf) = vpow2.f32 v8  }
0x31f: {  	(erf) = vpow2.f32 v7;
	_ =	sdelay $0x3  }
0x320: {  	v46 =	vld.idx.msk [tilespmem:v5+s30+$0x0], $0xffff;
	_ =	sdelay $0x1  }
0x321: {  	v47 =	vshll.u32 v4, $0x4  }
0x322: {  	v48 =	vor.u32 $0x5, v47  }
0x323: {  	v49 =	vpop (erf)  }
0x324: {  	v11 =	vmul.f32 v49, v46;
	v12 =	vpop (erf)  }
0x325: {  	v7 =	vmul.f32 v12, v46  }
0x326: {  	[tilespmem:v47+s15+$0x0] =	vst.idx.msk $0xffff, v11  }
0x327: {  	[tilespmem:v48+s15+$0x0] =	vst.idx.msk $0xffff, v7  }
0x328: {  	v50 =	vld.idx.msk [tilespmem:v6+s30+$0x0], $0xffff;
	_ =	sdelay $0x1  }
0x329: {  	v51 =	vor.u32 $0x1, v47  }
0x32a: {  	v52 =	vor.u32 $0x6, v47  }
0x32b: {  	v53 =	vor.u32 $0x2, v5  }
0x32c: {  	v13 =	vmul.f32 v49, v50  }
0x32d: {  	v6 =	vmul.f32 v12, v50  }
0x32e: {  	[tilespmem:v51+s15+$0x0] =	vst.idx.msk $0xffff, v13  }
0x32f: {  	[tilespmem:v52+s15+$0x0] =	vst.idx.msk $0xffff, v6  }
0x330: {  	v6 =	vld.idx.msk [tilespmem:v53+s30+$0x0], $0xffff;
	_ =	sdelay $0x1  }
0x331: {  	v54 =	vor.u32 $0x2, v47  }
0x332: {  	v55 =	vor.u32 $0x7, v47  }
0x333: {  	v56 =	vor.u32 $0x3, v5  }
0x334: {  	v57 =	vmul.f32 v6, v49  }
0x335: {  	v6 =	vmul.f32 v6, v12  }
0x336: {  	[tilespmem:v54+s15+$0x0] =	vst.idx.msk $0xffff, v57  }
0x337: {  	[tilespmem:v55+s15+$0x0] =	vst.idx.msk $0xffff, v6  }
0x338: {  	v6 =	vld.idx.msk [tilespmem:v56+s30+$0x0], $0xffff;
	_ =	sdelay $0x1  }
0x339: {  	v58 =	vor.u32 $0x3, v47  }
0x33a: {  	v59 =	vor.u32 $0x8, v47  }
0x33b: {  	v5 =	vor.u32 $0x4, v5  }
0x33c: {  	v11 =	vmul.f32 v6, v49  }
0x33d: {  	v6 =	vmul.f32 v6, v12  }
0x33e: {  	[tilespmem:v58+s15+$0x0] =	vst.idx.msk $0xffff, v11  }
0x33f: {  	[tilespmem:v59+s15+$0x0] =	vst.idx.msk $0xffff, v6  }
0x340: {  	v5 =	vld.idx.msk [tilespmem:v5+s30+$0x0], $0xffff;
	_ =	sdelay $0x1  }
0x341: {  	v60 =	vor.u32 $0x4, v47  }
0x342: {  	v61 =	vor.u32 $0x9, v47  }
0x343: {  	v62 =	vor.u32 $0xA, v47  }
0x344: {  	v8 =	vor.u32 $0xB, v47;
	v63 =	vmul.f32 v5, v49  }
0x345: {  	v4 =	vand.u32 v3, v4;
	v5 =	vmul.f32 v5, v12  }
0x346: {  	[tilespmem:v60+s15+$0x0] =	vst.idx.msk $0xffff, v63  }
0x347: {  	[tilespmem:v61+s15+$0x0] =	vst.idx.msk $0xffff, v5  }
0x348: {  	[tilespmem:v62+s15+$0x0] =	vst.idx.msk $0xffff, v49  }
0x349: {  	[tilespmem:v8+s15+$0x0] =	vst.idx.msk $0xffff, v12  }
0x34a: {  	v4 =	vld.idx.msk [tilespmem:v4+s0+$0x0], $0xffff;
	_ =	sdelay $0x1  }
.Ltmp10:
0x34b: {  	_ = 	snop;
	(pc) =	sbr.rel .LBB2_18-.Ltmp10, $4  }
0x34c: {  	_ = 	snop  }
0x34d: {  	s8 =	sadd.s32 $0x10, s8  }
0x34e: {  	s26 =	simm.s32 $0x580;
	s17 =	simm.s32 $0x3E00;
	[tilespmem:s8+$0x0] =	vst v4  }
0x34f: {  	[spmem:s2] =	stream.indirect.scatter.add.f32 [tilespmem:s17], [sflag:$0x6], $0x10, s26, s23, $0xb8;
	[tilespmem:$0x1D600] =	vst v63  }
.LBB2_19:
0x350: {  	s4 =	simm.s32 $0x5  }
0x351: {  	_ =	swait.ge [sflag:s4], $0x800  }
0x352: {  	[sflag:s4] =	ssyncset.done $0x0  }
0x353: {  	[sflag:s4] =	ssyncadd.s32 $0xFFFFF800  }
0x354: {  	_ =	swait.ge [sflag:s4], $0x800  }
0x355: {  	[sflag:s4] =	ssyncset.done $0x0  }
0x356: {  	[sflag:s4] =	ssyncadd.s32 $0xFFFFF800;
	s4 =	simm.s32 @!p0 $0x6  }
0x357: {  	_ =	swait.ge @!p0 [sflag:s4], $0x800  }
0x358: {  	[sflag:s4] =	ssyncset.done @!p0 $0x0  }
0x359: {  	[sflag:s4] =	ssyncadd.s32 @!p0 $0xFFFFF800  }
0x35a: {  	_ =	swait.ge @!p0 [sflag:s4], $0x800  }
0x35b: {  	[sflag:s4] =	ssyncset.done @!p0 $0x0  }
0x35c: {  	[sflag:s4] =	ssyncadd.s32 @!p0 $0xFFFFF800  }
0x35d: {  	[bflag:$0x0] =	sbarrier.arrive $0xFFFF  }
0x35e: {  	[tilespmem:s12], [sflag:$0x7] =	stream.linear.gather [spmem:s7], $0x800, $0x38;
	[tilespmem:$0x1D600] =	vst v63  }
0x35f: {  	_ =	swait.ge [sflag:s13], $0x800  }
0x360: {  	[sflag:s13] =	ssyncset.done $0x0  }
0x361: {  	s26 =	sadd.s32 $0x0, s24;
	[sflag:s13] =	ssyncadd.s32 $0xFFFFF800  }
0x362: {  	[hbm4b:s26+s3] =	stream.linear.scatter [tilespmem:s12], [sflag:$0x7], $0x800, $0x38;
	[tilespmem:$0x1D600] =	vst v63  }
0x363: {  	_ =	swait.ge [sflag:s13], $0x800  }
0x364: {  	s8 =	smov.u32 s7;
	s4 =	simm.s32 $0x100;
	[sflag:s13] =	ssyncset.done $0x0  }
.LBB2_20:
0x365: {  	p1 =	sne.s32 s4, $0x3000;
	[sflag:s13] =	ssyncadd.s32 $0xFFFFF800;
	s8 =	sadd.s32 $0x800, s8  }
0x366: {  	[tilespmem:s12], [sflag:$0x7] =	stream.linear.gather [spmem:s8], $0x800, $0x38;
	[tilespmem:$0x1D600] =	vst v63  }
0x367: {  	s10 =	smov.u32 s4;
	s4 =	sadd.s32 $0x100, s4;
	_ =	swait.ge [sflag:s13], $0x800  }
.Ltmp11:
0x368: {  	[sflag:s13] =	ssyncset.done $0x0;
	(pc) =	sbr.rel @p1 .LBB2_20-.Ltmp11, $4  }
0x369: {  	s10 =	sadd.s32 s10, s24;
	[sflag:s13] =	ssyncadd.s32 $0xFFFFF800  }
0x36a: {  	[hbm4b:s10+s3] =	stream.linear.scatter [tilespmem:s12], [sflag:$0x7], $0x800, $0x38;
	[tilespmem:$0x1D600] =	vst v63  }
0x36b: {  	_ =	swait.ge [sflag:s13], $0x800  }
0x36c: {  	[sflag:s13] =	ssyncset.done $0x0  }
0x36d: {  	s8 =	rddreg [dreg:$0x6]  }
0x36e: {  	s4 =	rddreg [dreg:$0x5];
	s8 =	sadd.s32 $0x1, s8  }
0x36f: {  	p1 =	sne.s32 s8, s4  }
.Ltmp12:
0x370: {  	_ = 	snop;
	(pc) =	sbr.rel @p1 .LBB2_1-.Ltmp12, $2  }
0x371: {  	_ =	sdelay $0x2  }
0x372: {  	[sflag:s13] =	ssyncadd.s32 $0xFFFFF800  }
0x373: {  	_ =	sfence.sel $0x180000  }
0x374: {  	[bflag:$0x0] =	sbarrier.arrive $0xFFFF  }
0x375: {  	_ =	strace $0x90000047  }
0x376: {  	s0 =	stileid.u32;
	[bflag:$0x2] =	sbarrier.arrive $0xFFFF  }
0x377: {  	p0 =	sne.s32 s0, $0x0;
	s0 =	rddreg [dreg:$0x3]  }
0x378: {  	s0 =	sadd.s32 @!p0 $0x100000, s0  }
0x379: {  	[sflag:s0] =	ssyncadd.tile.s32 @!p0 $0x1;
	_ =	shalt  }
.Lfunc_end2:
_tile_overlayer_lowered:
.L_overlay_start_2:
0x37a: {  	(tag) =	ssettag $0x2  }
0x37b: {  	s0 =	rddreg [dreg:$0x0];
	s2 =	stileid.u32  }
0x37c: {  	s1 =	rddreg [dreg:$0x1];
	p0 =	sne.s32 s2, $0x0  }
0x37d: {  	s3 =	rddreg [dreg:$0x2];
	[bflag:$0x3] =	sbarrier.arrive $0xFFFF;
	s2 =	simm.s32 @!p0 $0x1C07  }
0x37e: {  	[timem:s3], [sflag:s2] =	dma.local @!p0 [hbm:s0], s1  }
0x37f: {  	s0 =	simm.s32 @!p0 $0x7  }
0x380: {  	_ =	swait.ge @!p0 [sflag:s0], s1  }
0x381: {  	s1 =	ssub.s32 @!p0 $0x0, s1;
	[sflag:s0] =	ssyncset.done @!p0 $0x0  }
0x382: {  	[sflag:s0] =	ssyncadd.s32 @!p0 s1  }
0x383: {  	[bflag:$0x3] =	sbarrier.arrive $0xFFFF  }
0x384: {  	_ =	shalt  }

</sc_bundles>
